<compile_context>
chip_gen: v7x
topology: tpu7x:2x2x1
jax: 0.10.2.dev20260603
libtpu: 0.0.44.dev20260713+nightly
codegen_flags: <defaults>
</compile_context>

<pallas_src>
import functools

import jax
import jax.numpy as jnp
from jax import lax
from jax.experimental import pallas as pl
from jax.experimental.pallas import tpu as pltpu
from jax.experimental.pallas import tpu_sc as plsc

K = 8
B, S, C = 4, 8192, 768
L = 16
NC, NS = 2, 16
NW = NC * NS
CG = C // L
TASKS = B * CG
TPW = TASKS // NW
CHUNK = 2048
NCHUNK = S // CHUNK
G = 16
NGROUP = CHUNK // G


def _insert(state, v):
    out = []
    for s in state:
        hi = jnp.maximum(s, v)
        v = jnp.minimum(s, v)
        out.append(hi)
    return tuple(out)


def _merge(sa, sb):
    for r in sb:
        sa = _insert(sa, r)
    return sa


def _tree_max(rows):
    m = list(rows)
    while len(m) > 1:
        m = [jnp.maximum(m[2 * i], m[2 * i + 1]) for i in range(len(m) // 2)]
    return m[0]


@functools.partial(
    pl.kernel,
    mesh=plsc.VectorSubcoreMesh(core_axis_name="c", subcore_axis_name="s"),
    out_type=jax.ShapeDtypeStruct((B, C * K), jnp.float32),
    scratch_types=[
        pltpu.VMEM((CHUNK, L), jnp.float32),
        pltpu.VMEM((CHUNK, L), jnp.float32),
        pltpu.VMEM((NGROUP, L), jnp.float32),
        pltpu.VMEM((K, L), jnp.int32),
        pltpu.VMEM((L * K,), jnp.float32),
        pltpu.SemaphoreType.DMA,
        pltpu.SemaphoreType.DMA,
    ],
    compiler_params=pltpu.CompilerParams(
        use_tc_tiling_on_sc=False, needs_layout_passes=False),
)
def _kmax_kernel(x_hbm, out_hbm, buf0, buf1, gbuf, idxbuf, obuf, sem0, sem1):
    wid = lax.axis_index("s") * NC + lax.axis_index("c")
    lanes = lax.broadcasted_iota(jnp.int32, (L,), 0)
    neg = jnp.full((L,), -jnp.inf, dtype=jnp.float32)

    def src(t, ci):
        b = t // CG
        cg = t % CG
        return x_hbm.at[b, pl.ds(ci * CHUNK, CHUNK), pl.ds(cg * L, L)]

    def process_chunk(buf, sa, sb):
        def p1(g, thr):
            ta, tb = thr[:K], thr[K:]
            base = g * (2 * G)
            g0 = _tree_max([buf[base + r] for r in range(G)])
            g1 = _tree_max([buf[base + G + r] for r in range(G)])
            gbuf[2 * g] = g0
            gbuf[2 * g + 1] = g1
            return _insert(ta, g0) + _insert(tb, g1)

        thr = lax.fori_loop(0, NGROUP // 2, p1, ((neg,) * K) * 2)
        t8 = _merge(thr[:K], thr[K:])[K - 1]

        def p2_strict(g, cnt):
            m = (gbuf[g] > t8) & (cnt < K)
            plsc.store_scatter(idxbuf, [cnt, lanes],
                               jnp.full((L,), g, dtype=jnp.int32), mask=m)
            return cnt + m.astype(jnp.int32)

        cnt = lax.fori_loop(0, NGROUP, p2_strict, jnp.zeros((L,), jnp.int32))

        def p2_ties(g, cnt):
            m = (gbuf[g] == t8) & (cnt < K)
            plsc.store_scatter(idxbuf, [cnt, lanes],
                               jnp.full((L,), g, dtype=jnp.int32), mask=m)
            return cnt + m.astype(jnp.int32)

        lax.fori_loop(0, NGROUP, p2_ties, cnt)

        def p3(j, st):
            a, b2 = st[:K], st[K:]
            rb = idxbuf[j] * G
            for r in range(G // 2):
                a = _insert(a, plsc.load_gather(buf, [rb + r, lanes]))
            for r in range(G // 2, G):
                b2 = _insert(b2, plsc.load_gather(buf, [rb + r, lanes]))
            return a + b2

        st = lax.fori_loop(0, K, p3, tuple(sa) + tuple(sb))
        return st[:K], st[K:]

    bufs = ((buf0, sem0), (buf1, sem1))
    pltpu.async_copy(src(wid * TPW, 0), buf0, sem0)

    def task_body(it, _carry):
        t = wid * TPW + it
        b = t // CG
        cg = t % CG
        sa = (neg,) * K
        sb = (neg,) * K

        for ci in range(NCHUNK):
            buf, sem = bufs[ci % 2]
            nbuf, nsem = bufs[(ci + 1) % 2]
            pltpu.make_async_copy(src(t, ci), buf, sem).wait()
            if ci < NCHUNK - 1:
                pltpu.async_copy(src(t, ci + 1), nbuf, nsem)
            else:
                @pl.when(it < TPW - 1)
                def _():
                    pltpu.async_copy(src(t + 1, 0), nbuf, nsem)
            sa, sb = process_chunk(buf, sa, sb)

        state = _merge(sa, sb)
        for j in range(K):
            plsc.store_scatter(obuf, [lanes * K + j], state[j])
        pltpu.sync_copy(obuf, out_hbm.at[b, pl.ds(cg * (L * K), L * K)])
        return _carry

    lax.fori_loop(0, TPW, task_body, 0)


def kernel(inputs):
    return _kmax_kernel(inputs)

# --- scband reference (transcript-rebuilt; emitter-appended) ---
"""Pipeline reference for scband-kmax-pooling-3564822855737 (READ-ONLY COPY).

The authoritative reference and input builder live on the scoring server;
editing this copy changes nothing except your own understanding.
"""

import jax, jax.numpy as jnp
import numpy as np

K_TOP = 8

def setup_inputs(seed: int = 0) -> dict:
    key = jax.random.key(seed)
    inputs = jax.random.normal(key, (4, 8192, 768), dtype=jnp.float32)
    return {"inputs": inputs}

def reference(inputs):
    # KMaxPooling: transpose to [B, C, S], take top-k along last dim (sorted), flatten.
    shifted = jnp.transpose(inputs, (0, 2, 1))  # [B, C, S]
    top_k_vals, _ = jax.lax.top_k(shifted, K_TOP)  # [B, C, k], sorted descending
    out = top_k_vals.reshape(top_k_vals.shape[0], -1)  # [B, C*k]
    return out

if __name__ == "__main__":
    import jax
    _d = setup_inputs()
    print(jax.jit(kernel)(*tuple(_d.values())))

</pallas_src>

<mosaic_0001>
#map = affine_map<(d0, d1) -> (0, 0, 0)>
#map1 = affine_map<(d0, d1) -> (0, 0)>
module attributes {stable_mosaic.version = 14 : i64} {
  func.func @_kmax_kernel(%arg0: i32, %arg1: i32, %arg2: memref<4x8192x768xf32, #tpu.memory_space<hbm>>, %arg3: memref<4x6144xf32, #tpu.memory_space<hbm>>, %arg4: memref<2048x16xf32, #tpu.memory_space<vmem>>, %arg5: memref<2048x16xf32, #tpu.memory_space<vmem>>, %arg6: memref<128x16xf32, #tpu.memory_space<vmem>>, %arg7: memref<8x16xi32, #tpu.memory_space<vmem>>, %arg8: memref<128xf32, #tpu.memory_space<vmem>>, %arg9: memref<!tpu.dma_semaphore, #tpu.memory_space<semaphore_mem>>, %arg10: memref<!tpu.dma_semaphore, #tpu.memory_space<semaphore_mem>>) attributes {dimension_semantics = [#tpu.dimension_semantics<core_parallel>, #tpu.dimension_semantics<subcore_parallel>], iteration_bounds = array<i64: 2, 16>, scalar_prefetch = 0 : i64, scratch_operands = 7 : i64, tpu.core_type = #tpu.core_type<sc_vector_subcore>, window_params = [{transform_indices = #map}, {transform_indices = #map1}]} {
    %mul3A = arith.constant 2 : i32
    %mul3A_0 = arith.muli %arg1, %mul3A : i32
    %add3A = arith.addi %mul3A_0, %arg0 : i32
    %iota3A = tpu.iota {dimensions = array<i32: 0>} : vector<16xi32>
    %broadcast_in_dim3A = arith.constant 0xFF800000 : f32
    %broadcast_in_dim3A_1 = vector.broadcast %broadcast_in_dim3A : f32 to vector<16xf32>
    %mul3A_2 = arith.constant 6 : i32
    %mul3A_3 = arith.muli %add3A, %mul3A_2 : i32
    %jit3A = arith.constant 48 : i32
    %div3A = arith.divsi %mul3A_3, %jit3A : i32
    %sign3A = arith.constant 0 : i32
    %sign3A_4 = arith.cmpi sgt, %mul3A_3, %sign3A : i32
    %sign3A_5 = arith.extui %sign3A_4 : i1 to i32
    %sign3A_6 = arith.constant 0 : i32
    %sign3A_7 = arith.cmpi slt, %mul3A_3, %sign3A_6 : i32
    %sign3A_8 = arith.extui %sign3A_7 : i1 to i32
    %sign3A_9 = arith.subi %sign3A_5, %sign3A_8 : i32
    %sign3A_10 = arith.constant 0 : i32
    %sign3A_11 = arith.cmpi sgt, %jit3A, %sign3A_10 : i32
    %sign3A_12 = arith.extui %sign3A_11 : i1 to i32
    %sign3A_13 = arith.constant 0 : i32
    %sign3A_14 = arith.cmpi slt, %jit3A, %sign3A_13 : i32
    %sign3A_15 = arith.extui %sign3A_14 : i1 to i32
    %sign3A_16 = arith.subi %sign3A_12, %sign3A_15 : i32
    %ne3A = arith.cmpi ne, %sign3A_9, %sign3A_16 : i32
    %rem3A = arith.remsi %mul3A_3, %jit3A : i32
    %ne3A_17 = arith.constant 0 : i32
    %ne3A_18 = arith.cmpi ne, %rem3A, %ne3A_17 : i32
    %and3A = arith.andi %ne3A, %ne3A_18 : i1
    %sub3A = arith.constant 1 : i32
    %sub3A_19 = arith.subi %div3A, %sub3A : i32
    %select_n3A = arith.select %and3A, %sub3A_19, %div3A : i32
    %jit3A_20 = arith.constant 48 : i32
    %eq3A = arith.constant 0 : i32
    %eq3A_21 = arith.cmpi eq, %jit3A_20, %eq3A : i32
    %jit3A_22 = arith.constant 1 : i32
    %select_n3A_23 = arith.select %eq3A_21, %jit3A_22, %jit3A_20 : i32
    %rem3A_24 = arith.remsi %mul3A_3, %select_n3A_23 : i32
    %ne3A_25 = arith.constant 0 : i32
    %ne3A_26 = arith.cmpi ne, %rem3A_24, %ne3A_25 : i32
    %lt3A = arith.constant 0 : i32
    %lt3A_27 = arith.cmpi slt, %rem3A_24, %lt3A : i32
    %lt3A_28 = arith.constant 0 : i32
    %lt3A_29 = arith.cmpi slt, %select_n3A_23, %lt3A_28 : i32
    %ne3A_30 = arith.xori %lt3A_27, %lt3A_29 : i1
    %and3A_31 = arith.andi %ne3A_30, %ne3A_26 : i1
    %add3A_32 = arith.addi %rem3A_24, %select_n3A_23 : i32
    %select_n3A_33 = arith.select %and3A_31, %add3A_32, %rem3A_24 : i32
    %mul3A_34 = arith.constant 16 : i32
    %mul3A_35 = arith.muli %select_n3A_33, %mul3A_34 : i32
    %dma_start3A = arith.constant 0 : i32
    %dma_start3A_36 = tpu.memref_slice %arg2[%select_n3A, %dma_start3A, %mul3A_35] : memref<4x8192x768xf32, #tpu.memory_space<hbm>> -> memref<1x2048x16xf32, #tpu.memory_space<hbm>>
    %dma_start3A_37 = tpu.memref_squeeze %dma_start3A_36 : memref<1x2048x16xf32, #tpu.memory_space<hbm>> -> memref<2048x16xf32, #tpu.memory_space<hbm>>
    %dma_start3A_38 = arith.constant 0 : i32
    %dma_start3A_39 = tpu.memref_slice %arg2[%select_n3A, %dma_start3A_38, %mul3A_35] : memref<4x8192x768xf32, #tpu.memory_space<hbm>> -> memref<1x2048x16xf32, #tpu.memory_space<hbm>>
    %dma_start3A_40 = tpu.memref_squeeze %dma_start3A_39 : memref<1x2048x16xf32, #tpu.memory_space<hbm>> -> memref<2048x16xf32, #tpu.memory_space<hbm>>
    tpu.enqueue_dma source(%dma_start3A_40 : memref<2048x16xf32, #tpu.memory_space<hbm>>) target(%arg4 : memref<2048x16xf32, #tpu.memory_space<vmem>>) target_semaphore(%arg9 : memref<!tpu.dma_semaphore, #tpu.memory_space<semaphore_mem>>)
    %scan3A = arith.constant 0 : i32
    %scan3A_41 = arith.constant 0 : i32
    %scan3A_42 = arith.constant 6 : i32
    %scan3A_43 = arith.addi %scan3A_41, %scan3A_42 : i32
    %scan3A_44 = arith.constant 1 : i32
    scf.for %scan3A_46 = %scan3A_41 to %scan3A_43 step %scan3A_44  : i32 {
      %mul3A_47 = arith.constant 6 : i32
      %mul3A_48 = arith.muli %add3A, %mul3A_47 : i32
      %add3A_49 = arith.addi %mul3A_48, %scan3A_46 : i32
      %jit3A_50 = arith.constant 48 : i32
      %div3A_51 = arith.divsi %add3A_49, %jit3A_50 : i32
      %sign3A_52 = arith.constant 0 : i32
      %sign3A_53 = arith.cmpi sgt, %add3A_49, %sign3A_52 : i32
      %sign3A_54 = arith.extui %sign3A_53 : i1 to i32
      %sign3A_55 = arith.constant 0 : i32
      %sign3A_56 = arith.cmpi slt, %add3A_49, %sign3A_55 : i32
      %sign3A_57 = arith.extui %sign3A_56 : i1 to i32
      %sign3A_58 = arith.subi %sign3A_54, %sign3A_57 : i32
      %sign3A_59 = arith.constant 0 : i32
      %sign3A_60 = arith.cmpi sgt, %jit3A_50, %sign3A_59 : i32
      %sign3A_61 = arith.extui %sign3A_60 : i1 to i32
      %sign3A_62 = arith.constant 0 : i32
      %sign3A_63 = arith.cmpi slt, %jit3A_50, %sign3A_62 : i32
      %sign3A_64 = arith.extui %sign3A_63 : i1 to i32
      %sign3A_65 = arith.subi %sign3A_61, %sign3A_64 : i32
      %ne3A_66 = arith.cmpi ne, %sign3A_58, %sign3A_65 : i32
      %rem3A_67 = arith.remsi %add3A_49, %jit3A_50 : i32
      %ne3A_68 = arith.constant 0 : i32
      %ne3A_69 = arith.cmpi ne, %rem3A_67, %ne3A_68 : i32
      %and3A_70 = arith.andi %ne3A_66, %ne3A_69 : i1
      %sub3A_71 = arith.constant 1 : i32
      %sub3A_72 = arith.subi %div3A_51, %sub3A_71 : i32
      %select_n3A_73 = arith.select %and3A_70, %sub3A_72, %div3A_51 : i32
      %jit3A_74 = arith.constant 48 : i32
      %eq3A_75 = arith.constant 0 : i32
      %eq3A_76 = arith.cmpi eq, %jit3A_74, %eq3A_75 : i32
      %jit3A_77 = arith.constant 1 : i32
      %select_n3A_78 = arith.select %eq3A_76, %jit3A_77, %jit3A_74 : i32
      %rem3A_79 = arith.remsi %add3A_49, %select_n3A_78 : i32
      %ne3A_80 = arith.constant 0 : i32
      %ne3A_81 = arith.cmpi ne, %rem3A_79, %ne3A_80 : i32
      %lt3A_82 = arith.constant 0 : i32
      %lt3A_83 = arith.cmpi slt, %rem3A_79, %lt3A_82 : i32
      %lt3A_84 = arith.constant 0 : i32
      %lt3A_85 = arith.cmpi slt, %select_n3A_78, %lt3A_84 : i32
      %ne3A_86 = arith.xori %lt3A_83, %lt3A_85 : i1
      %and3A_87 = arith.andi %ne3A_86, %ne3A_81 : i1
      %add3A_88 = arith.addi %rem3A_79, %select_n3A_78 : i32
      %select_n3A_89 = arith.select %and3A_87, %add3A_88, %rem3A_79 : i32
      %jit3A_90 = arith.constant 48 : i32
      %div3A_91 = arith.divsi %add3A_49, %jit3A_90 : i32
      %sign3A_92 = arith.constant 0 : i32
      %sign3A_93 = arith.cmpi sgt, %add3A_49, %sign3A_92 : i32
      %sign3A_94 = arith.extui %sign3A_93 : i1 to i32
      %sign3A_95 = arith.constant 0 : i32
      %sign3A_96 = arith.cmpi slt, %add3A_49, %sign3A_95 : i32
      %sign3A_97 = arith.extui %sign3A_96 : i1 to i32
      %sign3A_98 = arith.subi %sign3A_94, %sign3A_97 : i32
      %sign3A_99 = arith.constant 0 : i32
      %sign3A_100 = arith.cmpi sgt, %jit3A_90, %sign3A_99 : i32
      %sign3A_101 = arith.extui %sign3A_100 : i1 to i32
      %sign3A_102 = arith.constant 0 : i32
      %sign3A_103 = arith.cmpi slt, %jit3A_90, %sign3A_102 : i32
      %sign3A_104 = arith.extui %sign3A_103 : i1 to i32
      %sign3A_105 = arith.subi %sign3A_101, %sign3A_104 : i32
      %ne3A_106 = arith.cmpi ne, %sign3A_98, %sign3A_105 : i32
      %rem3A_107 = arith.remsi %add3A_49, %jit3A_90 : i32
      %ne3A_108 = arith.constant 0 : i32
      %ne3A_109 = arith.cmpi ne, %rem3A_107, %ne3A_108 : i32
      %and3A_110 = arith.andi %ne3A_106, %ne3A_109 : i1
      %sub3A_111 = arith.constant 1 : i32
      %sub3A_112 = arith.subi %div3A_91, %sub3A_111 : i32
      %select_n3A_113 = arith.select %and3A_110, %sub3A_112, %div3A_91 : i32
      %jit3A_114 = arith.constant 48 : i32
      %eq3A_115 = arith.constant 0 : i32
      %eq3A_116 = arith.cmpi eq, %jit3A_114, %eq3A_115 : i32
      %jit3A_117 = arith.constant 1 : i32
      %select_n3A_118 = arith.select %eq3A_116, %jit3A_117, %jit3A_114 : i32
      %rem3A_119 = arith.remsi %add3A_49, %select_n3A_118 : i32
      %ne3A_120 = arith.constant 0 : i32
      %ne3A_121 = arith.cmpi ne, %rem3A_119, %ne3A_120 : i32
      %lt3A_122 = arith.constant 0 : i32
      %lt3A_123 = arith.cmpi slt, %rem3A_119, %lt3A_122 : i32
      %lt3A_124 = arith.constant 0 : i32
      %lt3A_125 = arith.cmpi slt, %select_n3A_118, %lt3A_124 : i32
      %ne3A_126 = arith.xori %lt3A_123, %lt3A_125 : i1
      %and3A_127 = arith.andi %ne3A_126, %ne3A_121 : i1
      %add3A_128 = arith.addi %rem3A_119, %select_n3A_118 : i32
      %select_n3A_129 = arith.select %and3A_127, %add3A_128, %rem3A_119 : i32
      %mul3A_130 = arith.constant 16 : i32
      %mul3A_131 = arith.muli %select_n3A_129, %mul3A_130 : i32
      %dma_wait3A = arith.constant 0 : i32
      %dma_wait3A_132 = tpu.memref_slice %arg2[%select_n3A_113, %dma_wait3A, %mul3A_131] : memref<4x8192x768xf32, #tpu.memory_space<hbm>> -> memref<1x2048x16xf32, #tpu.memory_space<hbm>>
      %dma_wait3A_133 = tpu.memref_squeeze %dma_wait3A_132 : memref<1x2048x16xf32, #tpu.memory_space<hbm>> -> memref<2048x16xf32, #tpu.memory_space<hbm>>
      %dma_wait3A_134 = arith.constant 0 : i32
      %dma_wait3A_135 = tpu.memref_slice %arg2[%select_n3A_113, %dma_wait3A_134, %mul3A_131] : memref<4x8192x768xf32, #tpu.memory_space<hbm>> -> memref<1x2048x16xf32, #tpu.memory_space<hbm>>
      %dma_wait3A_136 = tpu.memref_squeeze %dma_wait3A_135 : memref<1x2048x16xf32, #tpu.memory_space<hbm>> -> memref<2048x16xf32, #tpu.memory_space<hbm>>
      tpu.wait_dma2 semaphore(%arg9 : memref<!tpu.dma_semaphore, #tpu.memory_space<semaphore_mem>>) src(%dma_wait3A_136 : memref<2048x16xf32, #tpu.memory_space<hbm>>) dst(%arg4 : memref<2048x16xf32, #tpu.memory_space<vmem>>)
      %jit3A_137 = arith.constant 48 : i32
      %div3A_138 = arith.divsi %add3A_49, %jit3A_137 : i32
      %sign3A_139 = arith.constant 0 : i32
      %sign3A_140 = arith.cmpi sgt, %add3A_49, %sign3A_139 : i32
      %sign3A_141 = arith.extui %sign3A_140 : i1 to i32
      %sign3A_142 = arith.constant 0 : i32
      %sign3A_143 = arith.cmpi slt, %add3A_49, %sign3A_142 : i32
      %sign3A_144 = arith.extui %sign3A_143 : i1 to i32
      %sign3A_145 = arith.subi %sign3A_141, %sign3A_144 : i32
      %sign3A_146 = arith.constant 0 : i32
      %sign3A_147 = arith.cmpi sgt, %jit3A_137, %sign3A_146 : i32
      %sign3A_148 = arith.extui %sign3A_147 : i1 to i32
      %sign3A_149 = arith.constant 0 : i32
      %sign3A_150 = arith.cmpi slt, %jit3A_137, %sign3A_149 : i32
      %sign3A_151 = arith.extui %sign3A_150 : i1 to i32
      %sign3A_152 = arith.subi %sign3A_148, %sign3A_151 : i32
      %ne3A_153 = arith.cmpi ne, %sign3A_145, %sign3A_152 : i32
      %rem3A_154 = arith.remsi %add3A_49, %jit3A_137 : i32
      %ne3A_155 = arith.constant 0 : i32
      %ne3A_156 = arith.cmpi ne, %rem3A_154, %ne3A_155 : i32
      %and3A_157 = arith.andi %ne3A_153, %ne3A_156 : i1
      %sub3A_158 = arith.constant 1 : i32
      %sub3A_159 = arith.subi %div3A_138, %sub3A_158 : i32
      %select_n3A_160 = arith.select %and3A_157, %sub3A_159, %div3A_138 : i32
      %jit3A_161 = arith.constant 48 : i32
      %eq3A_162 = arith.constant 0 : i32
      %eq3A_163 = arith.cmpi eq, %jit3A_161, %eq3A_162 : i32
      %jit3A_164 = arith.constant 1 : i32
      %select_n3A_165 = arith.select %eq3A_163, %jit3A_164, %jit3A_161 : i32
      %rem3A_166 = arith.remsi %add3A_49, %select_n3A_165 : i32
      %ne3A_167 = arith.constant 0 : i32
      %ne3A_168 = arith.cmpi ne, %rem3A_166, %ne3A_167 : i32
      %lt3A_169 = arith.constant 0 : i32
      %lt3A_170 = arith.cmpi slt, %rem3A_166, %lt3A_169 : i32
      %lt3A_171 = arith.constant 0 : i32
      %lt3A_172 = arith.cmpi slt, %select_n3A_165, %lt3A_171 : i32
      %ne3A_173 = arith.xori %lt3A_170, %lt3A_172 : i1
      %and3A_174 = arith.andi %ne3A_173, %ne3A_168 : i1
      %add3A_175 = arith.addi %rem3A_166, %select_n3A_165 : i32
      %select_n3A_176 = arith.select %and3A_174, %add3A_175, %rem3A_166 : i32
      %mul3A_177 = arith.constant 16 : i32
      %mul3A_178 = arith.muli %select_n3A_176, %mul3A_177 : i32
      %dma_start3A_179 = arith.constant 2048 : i32
      %dma_start3A_180 = tpu.memref_slice %arg2[%select_n3A_160, %dma_start3A_179, %mul3A_178] : memref<4x8192x768xf32, #tpu.memory_space<hbm>> -> memref<1x2048x16xf32, #tpu.memory_space<hbm>>
      %dma_start3A_181 = tpu.memref_squeeze %dma_start3A_180 : memref<1x2048x16xf32, #tpu.memory_space<hbm>> -> memref<2048x16xf32, #tpu.memory_space<hbm>>
      %dma_start3A_182 = arith.constant 2048 : i32
      %dma_start3A_183 = tpu.memref_slice %arg2[%select_n3A_160, %dma_start3A_182, %mul3A_178] : memref<4x8192x768xf32, #tpu.memory_space<hbm>> -> memref<1x2048x16xf32, #tpu.memory_space<hbm>>
      %dma_start3A_184 = tpu.memref_squeeze %dma_start3A_183 : memref<1x2048x16xf32, #tpu.memory_space<hbm>> -> memref<2048x16xf32, #tpu.memory_space<hbm>>
      tpu.enqueue_dma source(%dma_start3A_184 : memref<2048x16xf32, #tpu.memory_space<hbm>>) target(%arg5 : memref<2048x16xf32, #tpu.memory_space<vmem>>) target_semaphore(%arg10 : memref<!tpu.dma_semaphore, #tpu.memory_space<semaphore_mem>>)
      %scan3A_185 = arith.constant 0 : i32
      %scan3A_186 = arith.constant 64 : i32
      %scan3A_187 = arith.addi %scan3A_185, %scan3A_186 : i32
      %scan3A_188 = arith.constant 1 : i32
      %scan3A_189:16 = scf.for %scan3A_1220 = %scan3A_185 to %scan3A_187 step %scan3A_188 iter_args(%scan3A_1221 = %broadcast_in_dim3A_1, %scan3A_1222 = %broadcast_in_dim3A_1, %scan3A_1223 = %broadcast_in_dim3A_1, %scan3A_1224 = %broadcast_in_dim3A_1, %scan3A_1225 = %broadcast_in_dim3A_1, %scan3A_1226 = %broadcast_in_dim3A_1, %scan3A_1227 = %broadcast_in_dim3A_1, %scan3A_1228 = %broadcast_in_dim3A_1, %scan3A_1229 = %broadcast_in_dim3A_1, %scan3A_1230 = %broadcast_in_dim3A_1, %scan3A_1231 = %broadcast_in_dim3A_1, %scan3A_1232 = %broadcast_in_dim3A_1, %scan3A_1233 = %broadcast_in_dim3A_1, %scan3A_1234 = %broadcast_in_dim3A_1, %scan3A_1235 = %broadcast_in_dim3A_1, %scan3A_1236 = %broadcast_in_dim3A_1) -> (vector<16xf32>, vector<16xf32>, vector<16xf32>, vector<16xf32>, vector<16xf32>, vector<16xf32>, vector<16xf32>, vector<16xf32>, vector<16xf32>, vector<16xf32>, vector<16xf32>, vector<16xf32>, vector<16xf32>, vector<16xf32>, vector<16xf32>, vector<16xf32>)  : i32 {
        %mul3A_1237 = arith.constant 32 : i32
        %mul3A_1238 = arith.muli %scan3A_1220, %mul3A_1237 : i32
        %add3A_1239 = arith.constant 0 : i32
        %add3A_1240 = arith.addi %mul3A_1238, %add3A_1239 : i32
        %get3A = arith.index_cast %add3A_1240 : i32 to index
        %get3A_1241 = arith.constant 0 : index
        %get3A_1242 = tpu.vector_load %arg4[%get3A, %get3A_1241] {strides = array<i32>} : memref<2048x16xf32, #tpu.memory_space<vmem>>, vector<16xf32>,
        %add3A_1243 = arith.constant 1 : i32
        %add3A_1244 = arith.addi %mul3A_1238, %add3A_1243 : i32
        %get3A_1245 = arith.index_cast %add3A_1244 : i32 to index
        %get3A_1246 = arith.constant 0 : index
        %get3A_1247 = tpu.vector_load %arg4[%get3A_1245, %get3A_1246] {strides = array<i32>} : memref<2048x16xf32, #tpu.memory_space<vmem>>, vector<16xf32>,
        %add3A_1248 = arith.constant 2 : i32
        %add3A_1249 = arith.addi %mul3A_1238, %add3A_1248 : i32
        %get3A_1250 = arith.index_cast %add3A_1249 : i32 to index
        %get3A_1251 = arith.constant 0 : index
        %get3A_1252 = tpu.vector_load %arg4[%get3A_1250, %get3A_1251] {strides = array<i32>} : memref<2048x16xf32, #tpu.memory_space<vmem>>, vector<16xf32>,
        %add3A_1253 = arith.constant 3 : i32
        %add3A_1254 = arith.addi %mul3A_1238, %add3A_1253 : i32
        %get3A_1255 = arith.index_cast %add3A_1254 : i32 to index
        %get3A_1256 = arith.constant 0 : index
        %get3A_1257 = tpu.vector_load %arg4[%get3A_1255, %get3A_1256] {strides = array<i32>} : memref<2048x16xf32, #tpu.memory_space<vmem>>, vector<16xf32>,
        %add3A_1258 = arith.constant 4 : i32
        %add3A_1259 = arith.addi %mul3A_1238, %add3A_1258 : i32
        %get3A_1260 = arith.index_cast %add3A_1259 : i32 to index
        %get3A_1261 = arith.constant 0 : index
        %get3A_1262 = tpu.vector_load %arg4[%get3A_1260, %get3A_1261] {strides = array<i32>} : memref<2048x16xf32, #tpu.memory_space<vmem>>, vector<16xf32>,
        %add3A_1263 = arith.constant 5 : i32
        %add3A_1264 = arith.addi %mul3A_1238, %add3A_1263 : i32
        %get3A_1265 = arith.index_cast %add3A_1264 : i32 to index
        %get3A_1266 = arith.constant 0 : index
        %get3A_1267 = tpu.vector_load %arg4[%get3A_1265, %get3A_1266] {strides = array<i32>} : memref<2048x16xf32, #tpu.memory_space<vmem>>, vector<16xf32>,
        %add3A_1268 = arith.constant 6 : i32
        %add3A_1269 = arith.addi %mul3A_1238, %add3A_1268 : i32
        %get3A_1270 = arith.index_cast %add3A_1269 : i32 to index
        %get3A_1271 = arith.constant 0 : index
        %get3A_1272 = tpu.vector_load %arg4[%get3A_1270, %get3A_1271] {strides = array<i32>} : memref<2048x16xf32, #tpu.memory_space<vmem>>, vector<16xf32>,
        %add3A_1273 = arith.constant 7 : i32
        %add3A_1274 = arith.addi %mul3A_1238, %add3A_1273 : i32
        %get3A_1275 = arith.index_cast %add3A_1274 : i32 to index
        %get3A_1276 = arith.constant 0 : index
        %get3A_1277 = tpu.vector_load %arg4[%get3A_1275, %get3A_1276] {strides = array<i32>} : memref<2048x16xf32, #tpu.memory_space<vmem>>, vector<16xf32>,
        %add3A_1278 = arith.constant 8 : i32
        %add3A_1279 = arith.addi %mul3A_1238, %add3A_1278 : i32
        %get3A_1280 = arith.index_cast %add3A_1279 : i32 to index
        %get3A_1281 = arith.constant 0 : index
        %get3A_1282 = tpu.vector_load %arg4[%get3A_1280, %get3A_1281] {strides = array<i32>} : memref<2048x16xf32, #tpu.memory_space<vmem>>, vector<16xf32>,
        %add3A_1283 = arith.constant 9 : i32
        %add3A_1284 = arith.addi %mul3A_1238, %add3A_1283 : i32
        %get3A_1285 = arith.index_cast %add3A_1284 : i32 to index
        %get3A_1286 = arith.constant 0 : index
        %get3A_1287 = tpu.vector_load %arg4[%get3A_1285, %get3A_1286] {strides = array<i32>} : memref<2048x16xf32, #tpu.memory_space<vmem>>, vector<16xf32>,
        %add3A_1288 = arith.constant 10 : i32
        %add3A_1289 = arith.addi %mul3A_1238, %add3A_1288 : i32
        %get3A_1290 = arith.index_cast %add3A_1289 : i32 to index
        %get3A_1291 = arith.constant 0 : index
        %get3A_1292 = tpu.vector_load %arg4[%get3A_1290, %get3A_1291] {strides = array<i32>} : memref<2048x16xf32, #tpu.memory_space<vmem>>, vector<16xf32>,
        %add3A_1293 = arith.constant 11 : i32
        %add3A_1294 = arith.addi %mul3A_1238, %add3A_1293 : i32
        %get3A_1295 = arith.index_cast %add3A_1294 : i32 to index
        %get3A_1296 = arith.constant 0 : index
        %get3A_1297 = tpu.vector_load %arg4[%get3A_1295, %get3A_1296] {strides = array<i32>} : memref<2048x16xf32, #tpu.memory_space<vmem>>, vector<16xf32>,
        %add3A_1298 = arith.constant 12 : i32
        %add3A_1299 = arith.addi %mul3A_1238, %add3A_1298 : i32
        %get3A_1300 = arith.index_cast %add3A_1299 : i32 to index
        %get3A_1301 = arith.constant 0 : index
        %get3A_1302 = tpu.vector_load %arg4[%get3A_1300, %get3A_1301] {strides = array<i32>} : memref<2048x16xf32, #tpu.memory_space<vmem>>, vector<16xf32>,
        %add3A_1303 = arith.constant 13 : i32
        %add3A_1304 = arith.addi %mul3A_1238, %add3A_1303 : i32
        %get3A_1305 = arith.index_cast %add3A_1304 : i32 to index
        %get3A_1306 = arith.constant 0 : index
        %get3A_1307 = tpu.vector_load %arg4[%get3A_1305, %get3A_1306] {strides = array<i32>} : memref<2048x16xf32, #tpu.memory_space<vmem>>, vector<16xf32>,
        %add3A_1308 = arith.constant 14 : i32
        %add3A_1309 = arith.addi %mul3A_1238, %add3A_1308 : i32
        %get3A_1310 = arith.index_cast %add3A_1309 : i32 to index
        %get3A_1311 = arith.constant 0 : index
        %get3A_1312 = tpu.vector_load %arg4[%get3A_1310, %get3A_1311] {strides = array<i32>} : memref<2048x16xf32, #tpu.memory_space<vmem>>, vector<16xf32>,
        %add3A_1313 = arith.constant 15 : i32
        %add3A_1314 = arith.addi %mul3A_1238, %add3A_1313 : i32
        %get3A_1315 = arith.index_cast %add3A_1314 : i32 to index
        %get3A_1316 = arith.constant 0 : index
        %get3A_1317 = tpu.vector_load %arg4[%get3A_1315, %get3A_1316] {strides = array<i32>} : memref<2048x16xf32, #tpu.memory_space<vmem>>, vector<16xf32>,
        %max3A_1318 = arith.maximumf %get3A_1242, %get3A_1247 : vector<16xf32>
        %max3A_1319 = arith.maximumf %get3A_1252, %get3A_1257 : vector<16xf32>
        %max3A_1320 = arith.maximumf %get3A_1262, %get3A_1267 : vector<16xf32>
        %max3A_1321 = arith.maximumf %get3A_1272, %get3A_1277 : vector<16xf32>
        %max3A_1322 = arith.maximumf %get3A_1282, %get3A_1287 : vector<16xf32>
        %max3A_1323 = arith.maximumf %get3A_1292, %get3A_1297 : vector<16xf32>
        %max3A_1324 = arith.maximumf %get3A_1302, %get3A_1307 : vector<16xf32>
        %max3A_1325 = arith.maximumf %get3A_1312, %get3A_1317 : vector<16xf32>
        %max3A_1326 = arith.maximumf %max3A_1318, %max3A_1319 : vector<16xf32>
        %max3A_1327 = arith.maximumf %max3A_1320, %max3A_1321 : vector<16xf32>
        %max3A_1328 = arith.maximumf %max3A_1322, %max3A_1323 : vector<16xf32>
        %max3A_1329 = arith.maximumf %max3A_1324, %max3A_1325 : vector<16xf32>
        %max3A_1330 = arith.maximumf %max3A_1326, %max3A_1327 : vector<16xf32>
        %max3A_1331 = arith.maximumf %max3A_1328, %max3A_1329 : vector<16xf32>
        %max3A_1332 = arith.maximumf %max3A_1330, %max3A_1331 : vector<16xf32>
        %add3A_1333 = arith.constant 16 : i32
        %add3A_1334 = arith.addi %mul3A_1238, %add3A_1333 : i32
        %add3A_1335 = arith.constant 0 : i32
        %add3A_1336 = arith.addi %add3A_1334, %add3A_1335 : i32
        %get3A_1337 = arith.index_cast %add3A_1336 : i32 to index
        %get3A_1338 = arith.constant 0 : index
        %get3A_1339 = tpu.vector_load %arg4[%get3A_1337, %get3A_1338] {strides = array<i32>} : memref<2048x16xf32, #tpu.memory_space<vmem>>, vector<16xf32>,
        %add3A_1340 = arith.constant 16 : i32
        %add3A_1341 = arith.addi %mul3A_1238, %add3A_1340 : i32
        %add3A_1342 = arith.constant 1 : i32
        %add3A_1343 = arith.addi %add3A_1341, %add3A_1342 : i32
        %get3A_1344 = arith.index_cast %add3A_1343 : i32 to index
        %get3A_1345 = arith.constant 0 : index
        %get3A_1346 = tpu.vector_load %arg4[%get3A_1344, %get3A_1345] {strides = array<i32>} : memref<2048x16xf32, #tpu.memory_space<vmem>>, vector<16xf32>,
        %add3A_1347 = arith.constant 16 : i32
        %add3A_1348 = arith.addi %mul3A_1238, %add3A_1347 : i32
        %add3A_1349 = arith.constant 2 : i32
        %add3A_1350 = arith.addi %add3A_1348, %add3A_1349 : i32
        %get3A_1351 = arith.index_cast %add3A_1350 : i32 to index
        %get3A_1352 = arith.constant 0 : index
        %get3A_1353 = tpu.vector_load %arg4[%get3A_1351, %get3A_1352] {strides = array<i32>} : memref<2048x16xf32, #tpu.memory_space<vmem>>, vector<16xf32>,
        %add3A_1354 = arith.constant 16 : i32
        %add3A_1355 = arith.addi %mul3A_1238, %add3A_1354 : i32
        %add3A_1356 = arith.constant 3 : i32
        %add3A_1357 = arith.addi %add3A_1355, %add3A_1356 : i32
        %get3A_1358 = arith.index_cast %add3A_1357 : i32 to index
        %get3A_1359 = arith.constant 0 : index
        %get3A_1360 = tpu.vector_load %arg4[%get3A_1358, %get3A_1359] {strides = array<i32>} : memref<2048x16xf32, #tpu.memory_space<vmem>>, vector<16xf32>,
        %add3A_1361 = arith.constant 16 : i32
        %add3A_1362 = arith.addi %mul3A_1238, %add3A_1361 : i32
        %add3A_1363 = arith.constant 4 : i32
        %add3A_1364 = arith.addi %add3A_1362, %add3A_1363 : i32
        %get3A_1365 = arith.index_cast %add3A_1364 : i32 to index
        %get3A_1366 = arith.constant 0 : index
        %get3A_1367 = tpu.vector_load %arg4[%get3A_1365, %get3A_1366] {strides = array<i32>} : memref<2048x16xf32, #tpu.memory_space<vmem>>, vector<16xf32>,
        %add3A_1368 = arith.constant 16 : i32
        %add3A_1369 = arith.addi %mul3A_1238, %add3A_1368 : i32
        %add3A_1370 = arith.constant 5 : i32
        %add3A_1371 = arith.addi %add3A_1369, %add3A_1370 : i32
        %get3A_1372 = arith.index_cast %add3A_1371 : i32 to index
        %get3A_1373 = arith.constant 0 : index
        %get3A_1374 = tpu.vector_load %arg4[%get3A_1372, %get3A_1373] {strides = array<i32>} : memref<2048x16xf32, #tpu.memory_space<vmem>>, vector<16xf32>,
        %add3A_1375 = arith.constant 16 : i32
        %add3A_1376 = arith.addi %mul3A_1238, %add3A_1375 : i32
        %add3A_1377 = arith.constant 6 : i32
        %add3A_1378 = arith.addi %add3A_1376, %add3A_1377 : i32
        %get3A_1379 = arith.index_cast %add3A_1378 : i32 to index
        %get3A_1380 = arith.constant 0 : index
        %get3A_1381 = tpu.vector_load %arg4[%get3A_1379, %get3A_1380] {strides = array<i32>} : memref<2048x16xf32, #tpu.memory_space<vmem>>, vector<16xf32>,
        %add3A_1382 = arith.constant 16 : i32
        %add3A_1383 = arith.addi %mul3A_1238, %add3A_1382 : i32
        %add3A_1384 = arith.constant 7 : i32
        %add3A_1385 = arith.addi %add3A_1383, %add3A_1384 : i32
        %get3A_1386 = arith.index_cast %add3A_1385 : i32 to index
        %get3A_1387 = arith.constant 0 : index
        %get3A_1388 = tpu.vector_load %arg4[%get3A_1386, %get3A_1387] {strides = array<i32>} : memref<2048x16xf32, #tpu.memory_space<vmem>>, vector<16xf32>,
        %add3A_1389 = arith.constant 16 : i32
        %add3A_1390 = arith.addi %mul3A_1238, %add3A_1389 : i32
        %add3A_1391 = arith.constant 8 : i32
        %add3A_1392 = arith.addi %add3A_1390, %add3A_1391 : i32
        %get3A_1393 = arith.index_cast %add3A_1392 : i32 to index
        %get3A_1394 = arith.constant 0 : index
        %get3A_1395 = tpu.vector_load %arg4[%get3A_1393, %get3A_1394] {strides = array<i32>} : memref<2048x16xf32, #tpu.memory_space<vmem>>, vector<16xf32>,
        %add3A_1396 = arith.constant 16 : i32
        %add3A_1397 = arith.addi %mul3A_1238, %add3A_1396 : i32
        %add3A_1398 = arith.constant 9 : i32
        %add3A_1399 = arith.addi %add3A_1397, %add3A_1398 : i32
        %get3A_1400 = arith.index_cast %add3A_1399 : i32 to index
        %get3A_1401 = arith.constant 0 : index
        %get3A_1402 = tpu.vector_load %arg4[%get3A_1400, %get3A_1401] {strides = array<i32>} : memref<2048x16xf32, #tpu.memory_space<vmem>>, vector<16xf32>,
        %add3A_1403 = arith.constant 16 : i32
        %add3A_1404 = arith.addi %mul3A_1238, %add3A_1403 : i32
        %add3A_1405 = arith.constant 10 : i32
        %add3A_1406 = arith.addi %add3A_1404, %add3A_1405 : i32
        %get3A_1407 = arith.index_cast %add3A_1406 : i32 to index
        %get3A_1408 = arith.constant 0 : index
        %get3A_1409 = tpu.vector_load %arg4[%get3A_1407, %get3A_1408] {strides = array<i32>} : memref<2048x16xf32, #tpu.memory_space<vmem>>, vector<16xf32>,
        %add3A_1410 = arith.constant 16 : i32
        %add3A_1411 = arith.addi %mul3A_1238, %add3A_1410 : i32
        %add3A_1412 = arith.constant 11 : i32
        %add3A_1413 = arith.addi %add3A_1411, %add3A_1412 : i32
        %get3A_1414 = arith.index_cast %add3A_1413 : i32 to index
        %get3A_1415 = arith.constant 0 : index
        %get3A_1416 = tpu.vector_load %arg4[%get3A_1414, %get3A_1415] {strides = array<i32>} : memref<2048x16xf32, #tpu.memory_space<vmem>>, vector<16xf32>,
        %add3A_1417 = arith.constant 16 : i32
        %add3A_1418 = arith.addi %mul3A_1238, %add3A_1417 : i32
        %add3A_1419 = arith.constant 12 : i32
        %add3A_1420 = arith.addi %add3A_1418, %add3A_1419 : i32
        %get3A_1421 = arith.index_cast %add3A_1420 : i32 to index
        %get3A_1422 = arith.constant 0 : index
        %get3A_1423 = tpu.vector_load %arg4[%get3A_1421, %get3A_1422] {strides = array<i32>} : memref<2048x16xf32, #tpu.memory_space<vmem>>, vector<16xf32>,
        %add3A_1424 = arith.constant 16 : i32
        %add3A_1425 = arith.addi %mul3A_1238, %add3A_1424 : i32
        %add3A_1426 = arith.constant 13 : i32
        %add3A_1427 = arith.addi %add3A_1425, %add3A_1426 : i32
        %get3A_1428 = arith.index_cast %add3A_1427 : i32 to index
        %get3A_1429 = arith.constant 0 : index
        %get3A_1430 = tpu.vector_load %arg4[%get3A_1428, %get3A_1429] {strides = array<i32>} : memref<2048x16xf32, #tpu.memory_space<vmem>>, vector<16xf32>,
        %add3A_1431 = arith.constant 16 : i32
        %add3A_1432 = arith.addi %mul3A_1238, %add3A_1431 : i32
        %add3A_1433 = arith.constant 14 : i32
        %add3A_1434 = arith.addi %add3A_1432, %add3A_1433 : i32
        %get3A_1435 = arith.index_cast %add3A_1434 : i32 to index
        %get3A_1436 = arith.constant 0 : index
        %get3A_1437 = tpu.vector_load %arg4[%get3A_1435, %get3A_1436] {strides = array<i32>} : memref<2048x16xf32, #tpu.memory_space<vmem>>, vector<16xf32>,
        %add3A_1438 = arith.constant 16 : i32
        %add3A_1439 = arith.addi %mul3A_1238, %add3A_1438 : i32
        %add3A_1440 = arith.constant 15 : i32
        %add3A_1441 = arith.addi %add3A_1439, %add3A_1440 : i32
        %get3A_1442 = arith.index_cast %add3A_1441 : i32 to index
        %get3A_1443 = arith.constant 0 : index
        %get3A_1444 = tpu.vector_load %arg4[%get3A_1442, %get3A_1443] {strides = array<i32>} : memref<2048x16xf32, #tpu.memory_space<vmem>>, vector<16xf32>,
        %max3A_1445 = arith.maximumf %get3A_1339, %get3A_1346 : vector<16xf32>
        %max3A_1446 = arith.maximumf %get3A_1353, %get3A_1360 : vector<16xf32>
        %max3A_1447 = arith.maximumf %get3A_1367, %get3A_1374 : vector<16xf32>
        %max3A_1448 = arith.maximumf %get3A_1381, %get3A_1388 : vector<16xf32>
        %max3A_1449 = arith.maximumf %get3A_1395, %get3A_1402 : vector<16xf32>
        %max3A_1450 = arith.maximumf %get3A_1409, %get3A_1416 : vector<16xf32>
        %max3A_1451 = arith.maximumf %get3A_1423, %get3A_1430 : vector<16xf32>
        %max3A_1452 = arith.maximumf %get3A_1437, %get3A_1444 : vector<16xf32>
        %max3A_1453 = arith.maximumf %max3A_1445, %max3A_1446 : vector<16xf32>
        %max3A_1454 = arith.maximumf %max3A_1447, %max3A_1448 : vector<16xf32>
        %max3A_1455 = arith.maximumf %max3A_1449, %max3A_1450 : vector<16xf32>
        %max3A_1456 = arith.maximumf %max3A_1451, %max3A_1452 : vector<16xf32>
        %max3A_1457 = arith.maximumf %max3A_1453, %max3A_1454 : vector<16xf32>
        %max3A_1458 = arith.maximumf %max3A_1455, %max3A_1456 : vector<16xf32>
        %max3A_1459 = arith.maximumf %max3A_1457, %max3A_1458 : vector<16xf32>
        %mul3A_1460 = arith.constant 2 : i32
        %mul3A_1461 = arith.muli %mul3A_1460, %scan3A_1220 : i32
        %swap3A = arith.index_cast %mul3A_1461 : i32 to index
        %swap3A_1462 = arith.constant 0 : index
        %swap3A_1463 = tpu.vector_load %arg6[%swap3A, %swap3A_1462] {strides = array<i32>} : memref<128x16xf32, #tpu.memory_space<vmem>>, vector<16xf32>,
        tpu.vector_store %arg6[%swap3A, %swap3A_1462], %max3A_1332 {strides = array<i32>} : memref<128x16xf32, #tpu.memory_space<vmem>>, vector<16xf32>,
        %mul3A_1464 = arith.constant 2 : i32
        %mul3A_1465 = arith.muli %mul3A_1464, %scan3A_1220 : i32
        %add3A_1466 = arith.constant 1 : i32
        %add3A_1467 = arith.addi %mul3A_1465, %add3A_1466 : i32
        %swap3A_1468 = arith.index_cast %add3A_1467 : i32 to index
        %swap3A_1469 = arith.constant 0 : index
        %swap3A_1470 = tpu.vector_load %arg6[%swap3A_1468, %swap3A_1469] {strides = array<i32>} : memref<128x16xf32, #tpu.memory_space<vmem>>, vector<16xf32>,
        tpu.vector_store %arg6[%swap3A_1468, %swap3A_1469], %max3A_1459 {strides = array<i32>} : memref<128x16xf32, #tpu.memory_space<vmem>>, vector<16xf32>,
        %max3A_1471 = arith.maximumf %scan3A_1221, %max3A_1332 : vector<16xf32>
        %min3A_1472 = arith.minimumf %scan3A_1221, %max3A_1332 : vector<16xf32>
        %max3A_1473 = arith.maximumf %scan3A_1222, %min3A_1472 : vector<16xf32>
        %min3A_1474 = arith.minimumf %scan3A_1222, %min3A_1472 : vector<16xf32>
        %max3A_1475 = arith.maximumf %scan3A_1223, %min3A_1474 : vector<16xf32>
        %min3A_1476 = arith.minimumf %scan3A_1223, %min3A_1474 : vector<16xf32>
        %max3A_1477 = arith.maximumf %scan3A_1224, %min3A_1476 : vector<16xf32>
        %min3A_1478 = arith.minimumf %scan3A_1224, %min3A_1476 : vector<16xf32>
        %max3A_1479 = arith.maximumf %scan3A_1225, %min3A_1478 : vector<16xf32>
        %min3A_1480 = arith.minimumf %scan3A_1225, %min3A_1478 : vector<16xf32>
        %max3A_1481 = arith.maximumf %scan3A_1226, %min3A_1480 : vector<16xf32>
        %min3A_1482 = arith.minimumf %scan3A_1226, %min3A_1480 : vector<16xf32>
        %max3A_1483 = arith.maximumf %scan3A_1227, %min3A_1482 : vector<16xf32>
        %min3A_1484 = arith.minimumf %scan3A_1227, %min3A_1482 : vector<16xf32>
        %max3A_1485 = arith.maximumf %scan3A_1228, %min3A_1484 : vector<16xf32>
        %min3A_1486 = arith.minimumf %scan3A_1228, %min3A_1484 : vector<16xf32>
        %max3A_1487 = arith.maximumf %scan3A_1229, %max3A_1459 : vector<16xf32>
        %min3A_1488 = arith.minimumf %scan3A_1229, %max3A_1459 : vector<16xf32>
        %max3A_1489 = arith.maximumf %scan3A_1230, %min3A_1488 : vector<16xf32>
        %min3A_1490 = arith.minimumf %scan3A_1230, %min3A_1488 : vector<16xf32>
        %max3A_1491 = arith.maximumf %scan3A_1231, %min3A_1490 : vector<16xf32>
        %min3A_1492 = arith.minimumf %scan3A_1231, %min3A_1490 : vector<16xf32>
        %max3A_1493 = arith.maximumf %scan3A_1232, %min3A_1492 : vector<16xf32>
        %min3A_1494 = arith.minimumf %scan3A_1232, %min3A_1492 : vector<16xf32>
        %max3A_1495 = arith.maximumf %scan3A_1233, %min3A_1494 : vector<16xf32>
        %min3A_1496 = arith.minimumf %scan3A_1233, %min3A_1494 : vector<16xf32>
        %max3A_1497 = arith.maximumf %scan3A_1234, %min3A_1496 : vector<16xf32>
        %min3A_1498 = arith.minimumf %scan3A_1234, %min3A_1496 : vector<16xf32>
        %max3A_1499 = arith.maximumf %scan3A_1235, %min3A_1498 : vector<16xf32>
        %min3A_1500 = arith.minimumf %scan3A_1235, %min3A_1498 : vector<16xf32>
        %max3A_1501 = arith.maximumf %scan3A_1236, %min3A_1500 : vector<16xf32>
        %min3A_1502 = arith.minimumf %scan3A_1236, %min3A_1500 : vector<16xf32>
        scf.yield %max3A_1471, %max3A_1473, %max3A_1475, %max3A_1477, %max3A_1479, %max3A_1481, %max3A_1483, %max3A_1485, %max3A_1487, %max3A_1489, %max3A_1491, %max3A_1493, %max3A_1495, %max3A_1497, %max3A_1499, %max3A_1501 : vector<16xf32>, vector<16xf32>, vector<16xf32>, vector<16xf32>, vector<16xf32>, vector<16xf32>, vector<16xf32>, vector<16xf32>, vector<16xf32>, vector<16xf32>, vector<16xf32>, vector<16xf32>, vector<16xf32>, vector<16xf32>, vector<16xf32>, vector<16xf32>
      }
      %scan3A_190 = arith.constant 64 : i32
      %max3A = arith.maximumf %scan3A_189#0, %scan3A_189#8 : vector<16xf32>
      %min3A = arith.minimumf %scan3A_189#0, %scan3A_189#8 : vector<16xf32>
      %max3A_191 = arith.maximumf %scan3A_189#1, %min3A : vector<16xf32>
      %min3A_192 = arith.minimumf %scan3A_189#1, %min3A : vector<16xf32>
      %max3A_193 = arith.maximumf %scan3A_189#2, %min3A_192 : vector<16xf32>
      %min3A_194 = arith.minimumf %scan3A_189#2, %min3A_192 : vector<16xf32>
      %max3A_195 = arith.maximumf %scan3A_189#3, %min3A_194 : vector<16xf32>
      %min3A_196 = arith.minimumf %scan3A_189#3, %min3A_194 : vector<16xf32>
      %max3A_197 = arith.maximumf %scan3A_189#4, %min3A_196 : vector<16xf32>
      %min3A_198 = arith.minimumf %scan3A_189#4, %min3A_196 : vector<16xf32>
      %max3A_199 = arith.maximumf %scan3A_189#5, %min3A_198 : vector<16xf32>
      %min3A_200 = arith.minimumf %scan3A_189#5, %min3A_198 : vector<16xf32>
      %max3A_201 = arith.maximumf %scan3A_189#6, %min3A_200 : vector<16xf32>
      %min3A_202 = arith.minimumf %scan3A_189#6, %min3A_200 : vector<16xf32>
      %max3A_203 = arith.maximumf %scan3A_189#7, %min3A_202 : vector<16xf32>
      %min3A_204 = arith.minimumf %scan3A_189#7, %min3A_202 : vector<16xf32>
      %max3A_205 = arith.maximumf %max3A, %scan3A_189#9 : vector<16xf32>
      %min3A_206 = arith.minimumf %max3A, %scan3A_189#9 : vector<16xf32>
      %max3A_207 = arith.maximumf %max3A_191, %min3A_206 : vector<16xf32>
      %min3A_208 = arith.minimumf %max3A_191, %min3A_206 : vector<16xf32>
      %max3A_209 = arith.maximumf %max3A_193, %min3A_208 : vector<16xf32>
      %min3A_210 = arith.minimumf %max3A_193, %min3A_208 : vector<16xf32>
      %max3A_211 = arith.maximumf %max3A_195, %min3A_210 : vector<16xf32>
      %min3A_212 = arith.minimumf %max3A_195, %min3A_210 : vector<16xf32>
      %max3A_213 = arith.maximumf %max3A_197, %min3A_212 : vector<16xf32>
      %min3A_214 = arith.minimumf %max3A_197, %min3A_212 : vector<16xf32>
      %max3A_215 = arith.maximumf %max3A_199, %min3A_214 : vector<16xf32>
      %min3A_216 = arith.minimumf %max3A_199, %min3A_214 : vector<16xf32>
      %max3A_217 = arith.maximumf %max3A_201, %min3A_216 : vector<16xf32>
      %min3A_218 = arith.minimumf %max3A_201, %min3A_216 : vector<16xf32>
      %max3A_219 = arith.maximumf %max3A_203, %min3A_218 : vector<16xf32>
      %min3A_220 = arith.minimumf %max3A_203, %min3A_218 : vector<16xf32>
      %max3A_221 = arith.maximumf %max3A_205, %scan3A_189#10 : vector<16xf32>
      %min3A_222 = arith.minimumf %max3A_205, %scan3A_189#10 : vector<16xf32>
      %max3A_223 = arith.maximumf %max3A_207, %min3A_222 : vector<16xf32>
      %min3A_224 = arith.minimumf %max3A_207, %min3A_222 : vector<16xf32>
      %max3A_225 = arith.maximumf %max3A_209, %min3A_224 : vector<16xf32>
      %min3A_226 = arith.minimumf %max3A_209, %min3A_224 : vector<16xf32>
      %max3A_227 = arith.maximumf %max3A_211, %min3A_226 : vector<16xf32>
      %min3A_228 = arith.minimumf %max3A_211, %min3A_226 : vector<16xf32>
      %max3A_229 = arith.maximumf %max3A_213, %min3A_228 : vector<16xf32>
      %min3A_230 = arith.minimumf %max3A_213, %min3A_228 : vector<16xf32>
      %max3A_231 = arith.maximumf %max3A_215, %min3A_230 : vector<16xf32>
      %min3A_232 = arith.minimumf %max3A_215, %min3A_230 : vector<16xf32>
      %max3A_233 = arith.maximumf %max3A_217, %min3A_232 : vector<16xf32>
      %min3A_234 = arith.minimumf %max3A_217, %min3A_232 : vector<16xf32>
      %max3A_235 = arith.maximumf %max3A_219, %min3A_234 : vector<16xf32>
      %min3A_236 = arith.minimumf %max3A_219, %min3A_234 : vector<16xf32>
      %max3A_237 = arith.maximumf %max3A_221, %scan3A_189#11 : vector<16xf32>
      %min3A_238 = arith.minimumf %max3A_221, %scan3A_189#11 : vector<16xf32>
      %max3A_239 = arith.maximumf %max3A_223, %min3A_238 : vector<16xf32>
      %min3A_240 = arith.minimumf %max3A_223, %min3A_238 : vector<16xf32>
      %max3A_241 = arith.maximumf %max3A_225, %min3A_240 : vector<16xf32>
      %min3A_242 = arith.minimumf %max3A_225, %min3A_240 : vector<16xf32>
      %max3A_243 = arith.maximumf %max3A_227, %min3A_242 : vector<16xf32>
      %min3A_244 = arith.minimumf %max3A_227, %min3A_242 : vector<16xf32>
      %max3A_245 = arith.maximumf %max3A_229, %min3A_244 : vector<16xf32>
      %min3A_246 = arith.minimumf %max3A_229, %min3A_244 : vector<16xf32>
      %max3A_247 = arith.maximumf %max3A_231, %min3A_246 : vector<16xf32>
      %min3A_248 = arith.minimumf %max3A_231, %min3A_246 : vector<16xf32>
      %max3A_249 = arith.maximumf %max3A_233, %min3A_248 : vector<16xf32>
      %min3A_250 = arith.minimumf %max3A_233, %min3A_248 : vector<16xf32>
      %max3A_251 = arith.maximumf %max3A_235, %min3A_250 : vector<16xf32>
      %min3A_252 = arith.minimumf %max3A_235, %min3A_250 : vector<16xf32>
      %max3A_253 = arith.maximumf %max3A_237, %scan3A_189#12 : vector<16xf32>
      %min3A_254 = arith.minimumf %max3A_237, %scan3A_189#12 : vector<16xf32>
      %max3A_255 = arith.maximumf %max3A_239, %min3A_254 : vector<16xf32>
      %min3A_256 = arith.minimumf %max3A_239, %min3A_254 : vector<16xf32>
      %max3A_257 = arith.maximumf %max3A_241, %min3A_256 : vector<16xf32>
      %min3A_258 = arith.minimumf %max3A_241, %min3A_256 : vector<16xf32>
      %max3A_259 = arith.maximumf %max3A_243, %min3A_258 : vector<16xf32>
      %min3A_260 = arith.minimumf %max3A_243, %min3A_258 : vector<16xf32>
      %max3A_261 = arith.maximumf %max3A_245, %min3A_260 : vector<16xf32>
      %min3A_262 = arith.minimumf %max3A_245, %min3A_260 : vector<16xf32>
      %max3A_263 = arith.maximumf %max3A_247, %min3A_262 : vector<16xf32>
      %min3A_264 = arith.minimumf %max3A_247, %min3A_262 : vector<16xf32>
      %max3A_265 = arith.maximumf %max3A_249, %min3A_264 : vector<16xf32>
      %min3A_266 = arith.minimumf %max3A_249, %min3A_264 : vector<16xf32>
      %max3A_267 = arith.maximumf %max3A_251, %min3A_266 : vector<16xf32>
      %min3A_268 = arith.minimumf %max3A_251, %min3A_266 : vector<16xf32>
      %max3A_269 = arith.maximumf %max3A_253, %scan3A_189#13 : vector<16xf32>
      %min3A_270 = arith.minimumf %max3A_253, %scan3A_189#13 : vector<16xf32>
      %max3A_271 = arith.maximumf %max3A_255, %min3A_270 : vector<16xf32>
      %min3A_272 = arith.minimumf %max3A_255, %min3A_270 : vector<16xf32>
      %max3A_273 = arith.maximumf %max3A_257, %min3A_272 : vector<16xf32>
      %min3A_274 = arith.minimumf %max3A_257, %min3A_272 : vector<16xf32>
      %max3A_275 = arith.maximumf %max3A_259, %min3A_274 : vector<16xf32>
      %min3A_276 = arith.minimumf %max3A_259, %min3A_274 : vector<16xf32>
      %max3A_277 = arith.maximumf %max3A_261, %min3A_276 : vector<16xf32>
      %min3A_278 = arith.minimumf %max3A_261, %min3A_276 : vector<16xf32>
      %max3A_279 = arith.maximumf %max3A_263, %min3A_278 : vector<16xf32>
      %min3A_280 = arith.minimumf %max3A_263, %min3A_278 : vector<16xf32>
      %max3A_281 = arith.maximumf %max3A_265, %min3A_280 : vector<16xf32>
      %min3A_282 = arith.minimumf %max3A_265, %min3A_280 : vector<16xf32>
      %max3A_283 = arith.maximumf %max3A_267, %min3A_282 : vector<16xf32>
      %min3A_284 = arith.minimumf %max3A_267, %min3A_282 : vector<16xf32>
      %max3A_285 = arith.maximumf %max3A_269, %scan3A_189#14 : vector<16xf32>
      %min3A_286 = arith.minimumf %max3A_269, %scan3A_189#14 : vector<16xf32>
      %max3A_287 = arith.maximumf %max3A_271, %min3A_286 : vector<16xf32>
      %min3A_288 = arith.minimumf %max3A_271, %min3A_286 : vector<16xf32>
      %max3A_289 = arith.maximumf %max3A_273, %min3A_288 : vector<16xf32>
      %min3A_290 = arith.minimumf %max3A_273, %min3A_288 : vector<16xf32>
      %max3A_291 = arith.maximumf %max3A_275, %min3A_290 : vector<16xf32>
      %min3A_292 = arith.minimumf %max3A_275, %min3A_290 : vector<16xf32>
      %max3A_293 = arith.maximumf %max3A_277, %min3A_292 : vector<16xf32>
      %min3A_294 = arith.minimumf %max3A_277, %min3A_292 : vector<16xf32>
      %max3A_295 = arith.maximumf %max3A_279, %min3A_294 : vector<16xf32>
      %min3A_296 = arith.minimumf %max3A_279, %min3A_294 : vector<16xf32>
      %max3A_297 = arith.maximumf %max3A_281, %min3A_296 : vector<16xf32>
      %min3A_298 = arith.minimumf %max3A_281, %min3A_296 : vector<16xf32>
      %max3A_299 = arith.maximumf %max3A_283, %min3A_298 : vector<16xf32>
      %min3A_300 = arith.minimumf %max3A_283, %min3A_298 : vector<16xf32>
      %max3A_301 = arith.maximumf %max3A_285, %scan3A_189#15 : vector<16xf32>
      %min3A_302 = arith.minimumf %max3A_285, %scan3A_189#15 : vector<16xf32>
      %max3A_303 = arith.maximumf %max3A_287, %min3A_302 : vector<16xf32>
      %min3A_304 = arith.minimumf %max3A_287, %min3A_302 : vector<16xf32>
      %max3A_305 = arith.maximumf %max3A_289, %min3A_304 : vector<16xf32>
      %min3A_306 = arith.minimumf %max3A_289, %min3A_304 : vector<16xf32>
      %max3A_307 = arith.maximumf %max3A_291, %min3A_306 : vector<16xf32>
      %min3A_308 = arith.minimumf %max3A_291, %min3A_306 : vector<16xf32>
      %max3A_309 = arith.maximumf %max3A_293, %min3A_308 : vector<16xf32>
      %min3A_310 = arith.minimumf %max3A_293, %min3A_308 : vector<16xf32>
      %max3A_311 = arith.maximumf %max3A_295, %min3A_310 : vector<16xf32>
      %min3A_312 = arith.minimumf %max3A_295, %min3A_310 : vector<16xf32>
      %max3A_313 = arith.maximumf %max3A_297, %min3A_312 : vector<16xf32>
      %min3A_314 = arith.minimumf %max3A_297, %min3A_312 : vector<16xf32>
      %max3A_315 = arith.maximumf %max3A_299, %min3A_314 : vector<16xf32>
      %min3A_316 = arith.minimumf %max3A_299, %min3A_314 : vector<16xf32>
      %broadcast_in_dim3A_317 = arith.constant 0 : i32
      %broadcast_in_dim3A_318 = vector.broadcast %broadcast_in_dim3A_317 : i32 to vector<16xi32>
      %scan3A_319 = arith.constant 0 : i32
      %scan3A_320 = arith.constant 128 : i32
      %scan3A_321 = arith.addi %scan3A_319, %scan3A_320 : i32
      %scan3A_322 = arith.constant 1 : i32
      %scan3A_323 = scf.for %scan3A_1220 = %scan3A_319 to %scan3A_321 step %scan3A_322 iter_args(%scan3A_1221 = %broadcast_in_dim3A_318) -> (vector<16xi32>)  : i32 {
        %get3A = arith.index_cast %scan3A_1220 : i32 to index
        %get3A_1222 = arith.constant 0 : index
        %get3A_1223 = tpu.vector_load %arg6[%get3A, %get3A_1222] {strides = array<i32>} : memref<128x16xf32, #tpu.memory_space<vmem>>, vector<16xf32>,
        %gt3A = arith.cmpf ogt, %get3A_1223, %max3A_315 : vector<16xf32>
        %lt3A_1224 = arith.constant 8 : i32
        %lt3A_1225 = vector.broadcast %lt3A_1224 : i32 to vector<16xi32>
        %lt3A_1226 = arith.cmpi slt, %scan3A_1221, %lt3A_1225 : vector<16xi32>
        %and3A_1227 = arith.andi %gt3A, %lt3A_1226 : vector<16xi1>
        %broadcast_in_dim3A_1228 = vector.broadcast %scan3A_1220 : i32 to vector<16xi32>
        tpu.vector_store_idx %arg7[%scan3A_1221, %iota3A], %broadcast_in_dim3A_1228 masked %and3A_1227 : memref<8x16xi32, #tpu.memory_space<vmem>>[vector<16xi32>, vector<16xi32>], vector<16xi32>, vector<16xi1>
        %convert_element_type3A_1229 = arith.extui %and3A_1227 : vector<16xi1> to vector<16xi32>
        %add3A_1230 = arith.addi %scan3A_1221, %convert_element_type3A_1229 : vector<16xi32>
        scf.yield %add3A_1230 : vector<16xi32>
      }
      %scan3A_324 = arith.constant 128 : i32
      %scan3A_325 = arith.constant 0 : i32
      %scan3A_326 = arith.constant 128 : i32
      %scan3A_327 = arith.addi %scan3A_325, %scan3A_326 : i32
      %scan3A_328 = arith.constant 1 : i32
      %scan3A_329 = scf.for %scan3A_1220 = %scan3A_325 to %scan3A_327 step %scan3A_328 iter_args(%scan3A_1221 = %scan3A_323) -> (vector<16xi32>)  : i32 {
        %get3A = arith.index_cast %scan3A_1220 : i32 to index
        %get3A_1222 = arith.constant 0 : index
        %get3A_1223 = tpu.vector_load %arg6[%get3A, %get3A_1222] {strides = array<i32>} : memref<128x16xf32, #tpu.memory_space<vmem>>, vector<16xf32>,
        %eq3A_1224 = arith.cmpf oeq, %get3A_1223, %max3A_315 : vector<16xf32>
        %lt3A_1225 = arith.constant 8 : i32
        %lt3A_1226 = vector.broadcast %lt3A_1225 : i32 to vector<16xi32>
        %lt3A_1227 = arith.cmpi slt, %scan3A_1221, %lt3A_1226 : vector<16xi32>
        %and3A_1228 = arith.andi %eq3A_1224, %lt3A_1227 : vector<16xi1>
        %broadcast_in_dim3A_1229 = vector.broadcast %scan3A_1220 : i32 to vector<16xi32>
        tpu.vector_store_idx %arg7[%scan3A_1221, %iota3A], %broadcast_in_dim3A_1229 masked %and3A_1228 : memref<8x16xi32, #tpu.memory_space<vmem>>[vector<16xi32>, vector<16xi32>], vector<16xi32>, vector<16xi1>
        %convert_element_type3A_1230 = arith.extui %and3A_1228 : vector<16xi1> to vector<16xi32>
        %add3A_1231 = arith.addi %scan3A_1221, %convert_element_type3A_1230 : vector<16xi32>
        scf.yield %add3A_1231 : vector<16xi32>
      }
      %scan3A_330 = arith.constant 128 : i32
      %scan3A_331 = arith.constant 0 : i32
      %scan3A_332 = arith.constant 8 : i32
      %scan3A_333 = arith.addi %scan3A_331, %scan3A_332 : i32
      %scan3A_334 = arith.constant 1 : i32
      %scan3A_335:16 = scf.for %scan3A_1220 = %scan3A_331 to %scan3A_333 step %scan3A_334 iter_args(%scan3A_1221 = %broadcast_in_dim3A_1, %scan3A_1222 = %broadcast_in_dim3A_1, %scan3A_1223 = %broadcast_in_dim3A_1, %scan3A_1224 = %broadcast_in_dim3A_1, %scan3A_1225 = %broadcast_in_dim3A_1, %scan3A_1226 = %broadcast_in_dim3A_1, %scan3A_1227 = %broadcast_in_dim3A_1, %scan3A_1228 = %broadcast_in_dim3A_1, %scan3A_1229 = %broadcast_in_dim3A_1, %scan3A_1230 = %broadcast_in_dim3A_1, %scan3A_1231 = %broadcast_in_dim3A_1, %scan3A_1232 = %broadcast_in_dim3A_1, %scan3A_1233 = %broadcast_in_dim3A_1, %scan3A_1234 = %broadcast_in_dim3A_1, %scan3A_1235 = %broadcast_in_dim3A_1, %scan3A_1236 = %broadcast_in_dim3A_1) -> (vector<16xf32>, vector<16xf32>, vector<16xf32>, vector<16xf32>, vector<16xf32>, vector<16xf32>, vector<16xf32>, vector<16xf32>, vector<16xf32>, vector<16xf32>, vector<16xf32>, vector<16xf32>, vector<16xf32>, vector<16xf32>, vector<16xf32>, vector<16xf32>)  : i32 {
        %get3A = arith.index_cast %scan3A_1220 : i32 to index
        %get3A_1237 = arith.constant 0 : index
        %get3A_1238 = tpu.vector_load %arg7[%get3A, %get3A_1237] {strides = array<i32>} : memref<8x16xi32, #tpu.memory_space<vmem>>, vector<16xi32>,
        %mul3A_1239 = arith.constant 16 : i32
        %mul3A_1240 = vector.broadcast %mul3A_1239 : i32 to vector<16xi32>
        %mul3A_1241 = arith.muli %get3A_1238, %mul3A_1240 : vector<16xi32>
        %add3A_1242 = arith.constant 0 : i32
        %add3A_1243 = vector.broadcast %add3A_1242 : i32 to vector<16xi32>
        %add3A_1244 = arith.addi %mul3A_1241, %add3A_1243 : vector<16xi32>
        %gather3A = tpu.vector_load_idx %arg4[%add3A_1244, %iota3A] : memref<2048x16xf32, #tpu.memory_space<vmem>>[vector<16xi32>, vector<16xi32>], vector<16xf32>,
        %max3A_1245 = arith.maximumf %scan3A_1221, %gather3A : vector<16xf32>
        %min3A_1246 = arith.minimumf %scan3A_1221, %gather3A : vector<16xf32>
        %max3A_1247 = arith.maximumf %scan3A_1222, %min3A_1246 : vector<16xf32>
        %min3A_1248 = arith.minimumf %scan3A_1222, %min3A_1246 : vector<16xf32>
        %max3A_1249 = arith.maximumf %scan3A_1223, %min3A_1248 : vector<16xf32>
        %min3A_1250 = arith.minimumf %scan3A_1223, %min3A_1248 : vector<16xf32>
        %max3A_1251 = arith.maximumf %scan3A_1224, %min3A_1250 : vector<16xf32>
        %min3A_1252 = arith.minimumf %scan3A_1224, %min3A_1250 : vector<16xf32>
        %max3A_1253 = arith.maximumf %scan3A_1225, %min3A_1252 : vector<16xf32>
        %min3A_1254 = arith.minimumf %scan3A_1225, %min3A_1252 : vector<16xf32>
        %max3A_1255 = arith.maximumf %scan3A_1226, %min3A_1254 : vector<16xf32>
        %min3A_1256 = arith.minimumf %scan3A_1226, %min3A_1254 : vector<16xf32>
        %max3A_1257 = arith.maximumf %scan3A_1227, %min3A_1256 : vector<16xf32>
        %min3A_1258 = arith.minimumf %scan3A_1227, %min3A_1256 : vector<16xf32>
        %max3A_1259 = arith.maximumf %scan3A_1228, %min3A_1258 : vector<16xf32>
        %min3A_1260 = arith.minimumf %scan3A_1228, %min3A_1258 : vector<16xf32>
        %add3A_1261 = arith.constant 1 : i32
        %add3A_1262 = vector.broadcast %add3A_1261 : i32 to vector<16xi32>
        %add3A_1263 = arith.addi %mul3A_1241, %add3A_1262 : vector<16xi32>
        %gather3A_1264 = tpu.vector_load_idx %arg4[%add3A_1263, %iota3A] : memref<2048x16xf32, #tpu.memory_space<vmem>>[vector<16xi32>, vector<16xi32>], vector<16xf32>,
        %max3A_1265 = arith.maximumf %max3A_1245, %gather3A_1264 : vector<16xf32>
        %min3A_1266 = arith.minimumf %max3A_1245, %gather3A_1264 : vector<16xf32>
        %max3A_1267 = arith.maximumf %max3A_1247, %min3A_1266 : vector<16xf32>
        %min3A_1268 = arith.minimumf %max3A_1247, %min3A_1266 : vector<16xf32>
        %max3A_1269 = arith.maximumf %max3A_1249, %min3A_1268 : vector<16xf32>
        %min3A_1270 = arith.minimumf %max3A_1249, %min3A_1268 : vector<16xf32>
        %max3A_1271 = arith.maximumf %max3A_1251, %min3A_1270 : vector<16xf32>
        %min3A_1272 = arith.minimumf %max3A_1251, %min3A_1270 : vector<16xf32>
        %max3A_1273 = arith.maximumf %max3A_1253, %min3A_1272 : vector<16xf32>
        %min3A_1274 = arith.minimumf %max3A_1253, %min3A_1272 : vector<16xf32>
        %max3A_1275 = arith.maximumf %max3A_1255, %min3A_1274 : vector<16xf32>
        %min3A_1276 = arith.minimumf %max3A_1255, %min3A_1274 : vector<16xf32>
        %max3A_1277 = arith.maximumf %max3A_1257, %min3A_1276 : vector<16xf32>
        %min3A_1278 = arith.minimumf %max3A_1257, %min3A_1276 : vector<16xf32>
        %max3A_1279 = arith.maximumf %max3A_1259, %min3A_1278 : vector<16xf32>
        %min3A_1280 = arith.minimumf %max3A_1259, %min3A_1278 : vector<16xf32>
        %add3A_1281 = arith.constant 2 : i32
        %add3A_1282 = vector.broadcast %add3A_1281 : i32 to vector<16xi32>
        %add3A_1283 = arith.addi %mul3A_1241, %add3A_1282 : vector<16xi32>
        %gather3A_1284 = tpu.vector_load_idx %arg4[%add3A_1283, %iota3A] : memref<2048x16xf32, #tpu.memory_space<vmem>>[vector<16xi32>, vector<16xi32>], vector<16xf32>,
        %max3A_1285 = arith.maximumf %max3A_1265, %gather3A_1284 : vector<16xf32>
        %min3A_1286 = arith.minimumf %max3A_1265, %gather3A_1284 : vector<16xf32>
        %max3A_1287 = arith.maximumf %max3A_1267, %min3A_1286 : vector<16xf32>
        %min3A_1288 = arith.minimumf %max3A_1267, %min3A_1286 : vector<16xf32>
        %max3A_1289 = arith.maximumf %max3A_1269, %min3A_1288 : vector<16xf32>
        %min3A_1290 = arith.minimumf %max3A_1269, %min3A_1288 : vector<16xf32>
        %max3A_1291 = arith.maximumf %max3A_1271, %min3A_1290 : vector<16xf32>
        %min3A_1292 = arith.minimumf %max3A_1271, %min3A_1290 : vector<16xf32>
        %max3A_1293 = arith.maximumf %max3A_1273, %min3A_1292 : vector<16xf32>
        %min3A_1294 = arith.minimumf %max3A_1273, %min3A_1292 : vector<16xf32>
        %max3A_1295 = arith.maximumf %max3A_1275, %min3A_1294 : vector<16xf32>
        %min3A_1296 = arith.minimumf %max3A_1275, %min3A_1294 : vector<16xf32>
        %max3A_1297 = arith.maximumf %max3A_1277, %min3A_1296 : vector<16xf32>
        %min3A_1298 = arith.minimumf %max3A_1277, %min3A_1296 : vector<16xf32>
        %max3A_1299 = arith.maximumf %max3A_1279, %min3A_1298 : vector<16xf32>
        %min3A_1300 = arith.minimumf %max3A_1279, %min3A_1298 : vector<16xf32>
        %add3A_1301 = arith.constant 3 : i32
        %add3A_1302 = vector.broadcast %add3A_1301 : i32 to vector<16xi32>
        %add3A_1303 = arith.addi %mul3A_1241, %add3A_1302 : vector<16xi32>
        %gather3A_1304 = tpu.vector_load_idx %arg4[%add3A_1303, %iota3A] : memref<2048x16xf32, #tpu.memory_space<vmem>>[vector<16xi32>, vector<16xi32>], vector<16xf32>,
        %max3A_1305 = arith.maximumf %max3A_1285, %gather3A_1304 : vector<16xf32>
        %min3A_1306 = arith.minimumf %max3A_1285, %gather3A_1304 : vector<16xf32>
        %max3A_1307 = arith.maximumf %max3A_1287, %min3A_1306 : vector<16xf32>
        %min3A_1308 = arith.minimumf %max3A_1287, %min3A_1306 : vector<16xf32>
        %max3A_1309 = arith.maximumf %max3A_1289, %min3A_1308 : vector<16xf32>
        %min3A_1310 = arith.minimumf %max3A_1289, %min3A_1308 : vector<16xf32>
        %max3A_1311 = arith.maximumf %max3A_1291, %min3A_1310 : vector<16xf32>
        %min3A_1312 = arith.minimumf %max3A_1291, %min3A_1310 : vector<16xf32>
        %max3A_1313 = arith.maximumf %max3A_1293, %min3A_1312 : vector<16xf32>
        %min3A_1314 = arith.minimumf %max3A_1293, %min3A_1312 : vector<16xf32>
        %max3A_1315 = arith.maximumf %max3A_1295, %min3A_1314 : vector<16xf32>
        %min3A_1316 = arith.minimumf %max3A_1295, %min3A_1314 : vector<16xf32>
        %max3A_1317 = arith.maximumf %max3A_1297, %min3A_1316 : vector<16xf32>
        %min3A_1318 = arith.minimumf %max3A_1297, %min3A_1316 : vector<16xf32>
        %max3A_1319 = arith.maximumf %max3A_1299, %min3A_1318 : vector<16xf32>
        %min3A_1320 = arith.minimumf %max3A_1299, %min3A_1318 : vector<16xf32>
        %add3A_1321 = arith.constant 4 : i32
        %add3A_1322 = vector.broadcast %add3A_1321 : i32 to vector<16xi32>
        %add3A_1323 = arith.addi %mul3A_1241, %add3A_1322 : vector<16xi32>
        %gather3A_1324 = tpu.vector_load_idx %arg4[%add3A_1323, %iota3A] : memref<2048x16xf32, #tpu.memory_space<vmem>>[vector<16xi32>, vector<16xi32>], vector<16xf32>,
        %max3A_1325 = arith.maximumf %max3A_1305, %gather3A_1324 : vector<16xf32>
        %min3A_1326 = arith.minimumf %max3A_1305, %gather3A_1324 : vector<16xf32>
        %max3A_1327 = arith.maximumf %max3A_1307, %min3A_1326 : vector<16xf32>
        %min3A_1328 = arith.minimumf %max3A_1307, %min3A_1326 : vector<16xf32>
        %max3A_1329 = arith.maximumf %max3A_1309, %min3A_1328 : vector<16xf32>
        %min3A_1330 = arith.minimumf %max3A_1309, %min3A_1328 : vector<16xf32>
        %max3A_1331 = arith.maximumf %max3A_1311, %min3A_1330 : vector<16xf32>
        %min3A_1332 = arith.minimumf %max3A_1311, %min3A_1330 : vector<16xf32>
        %max3A_1333 = arith.maximumf %max3A_1313, %min3A_1332 : vector<16xf32>
        %min3A_1334 = arith.minimumf %max3A_1313, %min3A_1332 : vector<16xf32>
        %max3A_1335 = arith.maximumf %max3A_1315, %min3A_1334 : vector<16xf32>
        %min3A_1336 = arith.minimumf %max3A_1315, %min3A_1334 : vector<16xf32>
        %max3A_1337 = arith.maximumf %max3A_1317, %min3A_1336 : vector<16xf32>
        %min3A_1338 = arith.minimumf %max3A_1317, %min3A_1336 : vector<16xf32>
        %max3A_1339 = arith.maximumf %max3A_1319, %min3A_1338 : vector<16xf32>
        %min3A_1340 = arith.minimumf %max3A_1319, %min3A_1338 : vector<16xf32>
        %add3A_1341 = arith.constant 5 : i32
        %add3A_1342 = vector.broadcast %add3A_1341 : i32 to vector<16xi32>
        %add3A_1343 = arith.addi %mul3A_1241, %add3A_1342 : vector<16xi32>
        %gather3A_1344 = tpu.vector_load_idx %arg4[%add3A_1343, %iota3A] : memref<2048x16xf32, #tpu.memory_space<vmem>>[vector<16xi32>, vector<16xi32>], vector<16xf32>,
        %max3A_1345 = arith.maximumf %max3A_1325, %gather3A_1344 : vector<16xf32>
        %min3A_1346 = arith.minimumf %max3A_1325, %gather3A_1344 : vector<16xf32>
        %max3A_1347 = arith.maximumf %max3A_1327, %min3A_1346 : vector<16xf32>
        %min3A_1348 = arith.minimumf %max3A_1327, %min3A_1346 : vector<16xf32>
        %max3A_1349 = arith.maximumf %max3A_1329, %min3A_1348 : vector<16xf32>
        %min3A_1350 = arith.minimumf %max3A_1329, %min3A_1348 : vector<16xf32>
        %max3A_1351 = arith.maximumf %max3A_1331, %min3A_1350 : vector<16xf32>
        %min3A_1352 = arith.minimumf %max3A_1331, %min3A_1350 : vector<16xf32>
        %max3A_1353 = arith.maximumf %max3A_1333, %min3A_1352 : vector<16xf32>
        %min3A_1354 = arith.minimumf %max3A_1333, %min3A_1352 : vector<16xf32>
        %max3A_1355 = arith.maximumf %max3A_1335, %min3A_1354 : vector<16xf32>
        %min3A_1356 = arith.minimumf %max3A_1335, %min3A_1354 : vector<16xf32>
        %max3A_1357 = arith.maximumf %max3A_1337, %min3A_1356 : vector<16xf32>
        %min3A_1358 = arith.minimumf %max3A_1337, %min3A_1356 : vector<16xf32>
        %max3A_1359 = arith.maximumf %max3A_1339, %min3A_1358 : vector<16xf32>
        %min3A_1360 = arith.minimumf %max3A_1339, %min3A_1358 : vector<16xf32>
        %add3A_1361 = arith.constant 6 : i32
        %add3A_1362 = vector.broadcast %add3A_1361 : i32 to vector<16xi32>
        %add3A_1363 = arith.addi %mul3A_1241, %add3A_1362 : vector<16xi32>
        %gather3A_1364 = tpu.vector_load_idx %arg4[%add3A_1363, %iota3A] : memref<2048x16xf32, #tpu.memory_space<vmem>>[vector<16xi32>, vector<16xi32>], vector<16xf32>,
        %max3A_1365 = arith.maximumf %max3A_1345, %gather3A_1364 : vector<16xf32>
        %min3A_1366 = arith.minimumf %max3A_1345, %gather3A_1364 : vector<16xf32>
        %max3A_1367 = arith.maximumf %max3A_1347, %min3A_1366 : vector<16xf32>
        %min3A_1368 = arith.minimumf %max3A_1347, %min3A_1366 : vector<16xf32>
        %max3A_1369 = arith.maximumf %max3A_1349, %min3A_1368 : vector<16xf32>
        %min3A_1370 = arith.minimumf %max3A_1349, %min3A_1368 : vector<16xf32>
        %max3A_1371 = arith.maximumf %max3A_1351, %min3A_1370 : vector<16xf32>
        %min3A_1372 = arith.minimumf %max3A_1351, %min3A_1370 : vector<16xf32>
        %max3A_1373 = arith.maximumf %max3A_1353, %min3A_1372 : vector<16xf32>
        %min3A_1374 = arith.minimumf %max3A_1353, %min3A_1372 : vector<16xf32>
        %max3A_1375 = arith.maximumf %max3A_1355, %min3A_1374 : vector<16xf32>
        %min3A_1376 = arith.minimumf %max3A_1355, %min3A_1374 : vector<16xf32>
        %max3A_1377 = arith.maximumf %max3A_1357, %min3A_1376 : vector<16xf32>
        %min3A_1378 = arith.minimumf %max3A_1357, %min3A_1376 : vector<16xf32>
        %max3A_1379 = arith.maximumf %max3A_1359, %min3A_1378 : vector<16xf32>
        %min3A_1380 = arith.minimumf %max3A_1359, %min3A_1378 : vector<16xf32>
        %add3A_1381 = arith.constant 7 : i32
        %add3A_1382 = vector.broadcast %add3A_1381 : i32 to vector<16xi32>
        %add3A_1383 = arith.addi %mul3A_1241, %add3A_1382 : vector<16xi32>
        %gather3A_1384 = tpu.vector_load_idx %arg4[%add3A_1383, %iota3A] : memref<2048x16xf32, #tpu.memory_space<vmem>>[vector<16xi32>, vector<16xi32>], vector<16xf32>,
        %max3A_1385 = arith.maximumf %max3A_1365, %gather3A_1384 : vector<16xf32>
        %min3A_1386 = arith.minimumf %max3A_1365, %gather3A_1384 : vector<16xf32>
        %max3A_1387 = arith.maximumf %max3A_1367, %min3A_1386 : vector<16xf32>
        %min3A_1388 = arith.minimumf %max3A_1367, %min3A_1386 : vector<16xf32>
        %max3A_1389 = arith.maximumf %max3A_1369, %min3A_1388 : vector<16xf32>
        %min3A_1390 = arith.minimumf %max3A_1369, %min3A_1388 : vector<16xf32>
        %max3A_1391 = arith.maximumf %max3A_1371, %min3A_1390 : vector<16xf32>
        %min3A_1392 = arith.minimumf %max3A_1371, %min3A_1390 : vector<16xf32>
        %max3A_1393 = arith.maximumf %max3A_1373, %min3A_1392 : vector<16xf32>
        %min3A_1394 = arith.minimumf %max3A_1373, %min3A_1392 : vector<16xf32>
        %max3A_1395 = arith.maximumf %max3A_1375, %min3A_1394 : vector<16xf32>
        %min3A_1396 = arith.minimumf %max3A_1375, %min3A_1394 : vector<16xf32>
        %max3A_1397 = arith.maximumf %max3A_1377, %min3A_1396 : vector<16xf32>
        %min3A_1398 = arith.minimumf %max3A_1377, %min3A_1396 : vector<16xf32>
        %max3A_1399 = arith.maximumf %max3A_1379, %min3A_1398 : vector<16xf32>
        %min3A_1400 = arith.minimumf %max3A_1379, %min3A_1398 : vector<16xf32>
        %add3A_1401 = arith.constant 8 : i32
        %add3A_1402 = vector.broadcast %add3A_1401 : i32 to vector<16xi32>
        %add3A_1403 = arith.addi %mul3A_1241, %add3A_1402 : vector<16xi32>
        %gather3A_1404 = tpu.vector_load_idx %arg4[%add3A_1403, %iota3A] : memref<2048x16xf32, #tpu.memory_space<vmem>>[vector<16xi32>, vector<16xi32>], vector<16xf32>,
        %max3A_1405 = arith.maximumf %scan3A_1229, %gather3A_1404 : vector<16xf32>
        %min3A_1406 = arith.minimumf %scan3A_1229, %gather3A_1404 : vector<16xf32>
        %max3A_1407 = arith.maximumf %scan3A_1230, %min3A_1406 : vector<16xf32>
        %min3A_1408 = arith.minimumf %scan3A_1230, %min3A_1406 : vector<16xf32>
        %max3A_1409 = arith.maximumf %scan3A_1231, %min3A_1408 : vector<16xf32>
        %min3A_1410 = arith.minimumf %scan3A_1231, %min3A_1408 : vector<16xf32>
        %max3A_1411 = arith.maximumf %scan3A_1232, %min3A_1410 : vector<16xf32>
        %min3A_1412 = arith.minimumf %scan3A_1232, %min3A_1410 : vector<16xf32>
        %max3A_1413 = arith.maximumf %scan3A_1233, %min3A_1412 : vector<16xf32>
        %min3A_1414 = arith.minimumf %scan3A_1233, %min3A_1412 : vector<16xf32>
        %max3A_1415 = arith.maximumf %scan3A_1234, %min3A_1414 : vector<16xf32>
        %min3A_1416 = arith.minimumf %scan3A_1234, %min3A_1414 : vector<16xf32>
        %max3A_1417 = arith.maximumf %scan3A_1235, %min3A_1416 : vector<16xf32>
        %min3A_1418 = arith.minimumf %scan3A_1235, %min3A_1416 : vector<16xf32>
        %max3A_1419 = arith.maximumf %scan3A_1236, %min3A_1418 : vector<16xf32>
        %min3A_1420 = arith.minimumf %scan3A_1236, %min3A_1418 : vector<16xf32>
        %add3A_1421 = arith.constant 9 : i32
        %add3A_1422 = vector.broadcast %add3A_1421 : i32 to vector<16xi32>
        %add3A_1423 = arith.addi %mul3A_1241, %add3A_1422 : vector<16xi32>
        %gather3A_1424 = tpu.vector_load_idx %arg4[%add3A_1423, %iota3A] : memref<2048x16xf32, #tpu.memory_space<vmem>>[vector<16xi32>, vector<16xi32>], vector<16xf32>,
        %max3A_1425 = arith.maximumf %max3A_1405, %gather3A_1424 : vector<16xf32>
        %min3A_1426 = arith.minimumf %max3A_1405, %gather3A_1424 : vector<16xf32>
        %max3A_1427 = arith.maximumf %max3A_1407, %min3A_1426 : vector<16xf32>
        %min3A_1428 = arith.minimumf %max3A_1407, %min3A_1426 : vector<16xf32>
        %max3A_1429 = arith.maximumf %max3A_1409, %min3A_1428 : vector<16xf32>
        %min3A_1430 = arith.minimumf %max3A_1409, %min3A_1428 : vector<16xf32>
        %max3A_1431 = arith.maximumf %max3A_1411, %min3A_1430 : vector<16xf32>
        %min3A_1432 = arith.minimumf %max3A_1411, %min3A_1430 : vector<16xf32>
        %max3A_1433 = arith.maximumf %max3A_1413, %min3A_1432 : vector<16xf32>
        %min3A_1434 = arith.minimumf %max3A_1413, %min3A_1432 : vector<16xf32>
        %max3A_1435 = arith.maximumf %max3A_1415, %min3A_1434 : vector<16xf32>
        %min3A_1436 = arith.minimumf %max3A_1415, %min3A_1434 : vector<16xf32>
        %max3A_1437 = arith.maximumf %max3A_1417, %min3A_1436 : vector<16xf32>
        %min3A_1438 = arith.minimumf %max3A_1417, %min3A_1436 : vector<16xf32>
        %max3A_1439 = arith.maximumf %max3A_1419, %min3A_1438 : vector<16xf32>
        %min3A_1440 = arith.minimumf %max3A_1419, %min3A_1438 : vector<16xf32>
        %add3A_1441 = arith.constant 10 : i32
        %add3A_1442 = vector.broadcast %add3A_1441 : i32 to vector<16xi32>
        %add3A_1443 = arith.addi %mul3A_1241, %add3A_1442 : vector<16xi32>
        %gather3A_1444 = tpu.vector_load_idx %arg4[%add3A_1443, %iota3A] : memref<2048x16xf32, #tpu.memory_space<vmem>>[vector<16xi32>, vector<16xi32>], vector<16xf32>,
        %max3A_1445 = arith.maximumf %max3A_1425, %gather3A_1444 : vector<16xf32>
        %min3A_1446 = arith.minimumf %max3A_1425, %gather3A_1444 : vector<16xf32>
        %max3A_1447 = arith.maximumf %max3A_1427, %min3A_1446 : vector<16xf32>
        %min3A_1448 = arith.minimumf %max3A_1427, %min3A_1446 : vector<16xf32>
        %max3A_1449 = arith.maximumf %max3A_1429, %min3A_1448 : vector<16xf32>
        %min3A_1450 = arith.minimumf %max3A_1429, %min3A_1448 : vector<16xf32>
        %max3A_1451 = arith.maximumf %max3A_1431, %min3A_1450 : vector<16xf32>
        %min3A_1452 = arith.minimumf %max3A_1431, %min3A_1450 : vector<16xf32>
        %max3A_1453 = arith.maximumf %max3A_1433, %min3A_1452 : vector<16xf32>
        %min3A_1454 = arith.minimumf %max3A_1433, %min3A_1452 : vector<16xf32>
        %max3A_1455 = arith.maximumf %max3A_1435, %min3A_1454 : vector<16xf32>
        %min3A_1456 = arith.minimumf %max3A_1435, %min3A_1454 : vector<16xf32>
        %max3A_1457 = arith.maximumf %max3A_1437, %min3A_1456 : vector<16xf32>
        %min3A_1458 = arith.minimumf %max3A_1437, %min3A_1456 : vector<16xf32>
        %max3A_1459 = arith.maximumf %max3A_1439, %min3A_1458 : vector<16xf32>
        %min3A_1460 = arith.minimumf %max3A_1439, %min3A_1458 : vector<16xf32>
        %add3A_1461 = arith.constant 11 : i32
        %add3A_1462 = vector.broadcast %add3A_1461 : i32 to vector<16xi32>
        %add3A_1463 = arith.addi %mul3A_1241, %add3A_1462 : vector<16xi32>
        %gather3A_1464 = tpu.vector_load_idx %arg4[%add3A_1463, %iota3A] : memref<2048x16xf32, #tpu.memory_space<vmem>>[vector<16xi32>, vector<16xi32>], vector<16xf32>,
        %max3A_1465 = arith.maximumf %max3A_1445, %gather3A_1464 : vector<16xf32>
        %min3A_1466 = arith.minimumf %max3A_1445, %gather3A_1464 : vector<16xf32>
        %max3A_1467 = arith.maximumf %max3A_1447, %min3A_1466 : vector<16xf32>
        %min3A_1468 = arith.minimumf %max3A_1447, %min3A_1466 : vector<16xf32>
        %max3A_1469 = arith.maximumf %max3A_1449, %min3A_1468 : vector<16xf32>
        %min3A_1470 = arith.minimumf %max3A_1449, %min3A_1468 : vector<16xf32>
        %max3A_1471 = arith.maximumf %max3A_1451, %min3A_1470 : vector<16xf32>
        %min3A_1472 = arith.minimumf %max3A_1451, %min3A_1470 : vector<16xf32>
        %max3A_1473 = arith.maximumf %max3A_1453, %min3A_1472 : vector<16xf32>
        %min3A_1474 = arith.minimumf %max3A_1453, %min3A_1472 : vector<16xf32>
        %max3A_1475 = arith.maximumf %max3A_1455, %min3A_1474 : vector<16xf32>
        %min3A_1476 = arith.minimumf %max3A_1455, %min3A_1474 : vector<16xf32>
        %max3A_1477 = arith.maximumf %max3A_1457, %min3A_1476 : vector<16xf32>
        %min3A_1478 = arith.minimumf %max3A_1457, %min3A_1476 : vector<16xf32>
        %max3A_1479 = arith.maximumf %max3A_1459, %min3A_1478 : vector<16xf32>
        %min3A_1480 = arith.minimumf %max3A_1459, %min3A_1478 : vector<16xf32>
        %add3A_1481 = arith.constant 12 : i32
        %add3A_1482 = vector.broadcast %add3A_1481 : i32 to vector<16xi32>
        %add3A_1483 = arith.addi %mul3A_1241, %add3A_1482 : vector<16xi32>
        %gather3A_1484 = tpu.vector_load_idx %arg4[%add3A_1483, %iota3A] : memref<2048x16xf32, #tpu.memory_space<vmem>>[vector<16xi32>, vector<16xi32>], vector<16xf32>,
        %max3A_1485 = arith.maximumf %max3A_1465, %gather3A_1484 : vector<16xf32>
        %min3A_1486 = arith.minimumf %max3A_1465, %gather3A_1484 : vector<16xf32>
        %max3A_1487 = arith.maximumf %max3A_1467, %min3A_1486 : vector<16xf32>
        %min3A_1488 = arith.minimumf %max3A_1467, %min3A_1486 : vector<16xf32>
        %max3A_1489 = arith.maximumf %max3A_1469, %min3A_1488 : vector<16xf32>
        %min3A_1490 = arith.minimumf %max3A_1469, %min3A_1488 : vector<16xf32>
        %max3A_1491 = arith.maximumf %max3A_1471, %min3A_1490 : vector<16xf32>
        %min3A_1492 = arith.minimumf %max3A_1471, %min3A_1490 : vector<16xf32>
        %max3A_1493 = arith.maximumf %max3A_1473, %min3A_1492 : vector<16xf32>
        %min3A_1494 = arith.minimumf %max3A_1473, %min3A_1492 : vector<16xf32>
        %max3A_1495 = arith.maximumf %max3A_1475, %min3A_1494 : vector<16xf32>
        %min3A_1496 = arith.minimumf %max3A_1475, %min3A_1494 : vector<16xf32>
        %max3A_1497 = arith.maximumf %max3A_1477, %min3A_1496 : vector<16xf32>
        %min3A_1498 = arith.minimumf %max3A_1477, %min3A_1496 : vector<16xf32>
        %max3A_1499 = arith.maximumf %max3A_1479, %min3A_1498 : vector<16xf32>
        %min3A_1500 = arith.minimumf %max3A_1479, %min3A_1498 : vector<16xf32>
        %add3A_1501 = arith.constant 13 : i32
        %add3A_1502 = vector.broadcast %add3A_1501 : i32 to vector<16xi32>
        %add3A_1503 = arith.addi %mul3A_1241, %add3A_1502 : vector<16xi32>
        %gather3A_1504 = tpu.vector_load_idx %arg4[%add3A_1503, %iota3A] : memref<2048x16xf32, #tpu.memory_space<vmem>>[vector<16xi32>, vector<16xi32>], vector<16xf32>,
        %max3A_1505 = arith.maximumf %max3A_1485, %gather3A_1504 : vector<16xf32>
        %min3A_1506 = arith.minimumf %max3A_1485, %gather3A_1504 : vector<16xf32>
        %max3A_1507 = arith.maximumf %max3A_1487, %min3A_1506 : vector<16xf32>
        %min3A_1508 = arith.minimumf %max3A_1487, %min3A_1506 : vector<16xf32>
        %max3A_1509 = arith.maximumf %max3A_1489, %min3A_1508 : vector<16xf32>
        %min3A_1510 = arith.minimumf %max3A_1489, %min3A_1508 : vector<16xf32>
        %max3A_1511 = arith.maximumf %max3A_1491, %min3A_1510 : vector<16xf32>
        %min3A_1512 = arith.minimumf %max3A_1491, %min3A_1510 : vector<16xf32>
        %max3A_1513 = arith.maximumf %max3A_1493, %min3A_1512 : vector<16xf32>
        %min3A_1514 = arith.minimumf %max3A_1493, %min3A_1512 : vector<16xf32>
        %max3A_1515 = arith.maximumf %max3A_1495, %min3A_1514 : vector<16xf32>
        %min3A_1516 = arith.minimumf %max3A_1495, %min3A_1514 : vector<16xf32>
        %max3A_1517 = arith.maximumf %max3A_1497, %min3A_1516 : vector<16xf32>
        %min3A_1518 = arith.minimumf %max3A_1497, %min3A_1516 : vector<16xf32>
        %max3A_1519 = arith.maximumf %max3A_1499, %min3A_1518 : vector<16xf32>
        %min3A_1520 = arith.minimumf %max3A_1499, %min3A_1518 : vector<16xf32>
        %add3A_1521 = arith.constant 14 : i32
        %add3A_1522 = vector.broadcast %add3A_1521 : i32 to vector<16xi32>
        %add3A_1523 = arith.addi %mul3A_1241, %add3A_1522 : vector<16xi32>
        %gather3A_1524 = tpu.vector_load_idx %arg4[%add3A_1523, %iota3A] : memref<2048x16xf32, #tpu.memory_space<vmem>>[vector<16xi32>, vector<16xi32>], vector<16xf32>,
        %max3A_1525 = arith.maximumf %max3A_1505, %gather3A_1524 : vector<16xf32>
        %min3A_1526 = arith.minimumf %max3A_1505, %gather3A_1524 : vector<16xf32>
        %max3A_1527 = arith.maximumf %max3A_1507, %min3A_1526 : vector<16xf32>
        %min3A_1528 = arith.minimumf %max3A_1507, %min3A_1526 : vector<16xf32>
        %max3A_1529 = arith.maximumf %max3A_1509, %min3A_1528 : vector<16xf32>
        %min3A_1530 = arith.minimumf %max3A_1509, %min3A_1528 : vector<16xf32>
        %max3A_1531 = arith.maximumf %max3A_1511, %min3A_1530 : vector<16xf32>
        %min3A_1532 = arith.minimumf %max3A_1511, %min3A_1530 : vector<16xf32>
        %max3A_1533 = arith.maximumf %max3A_1513, %min3A_1532 : vector<16xf32>
        %min3A_1534 = arith.minimumf %max3A_1513, %min3A_1532 : vector<16xf32>
        %max3A_1535 = arith.maximumf %max3A_1515, %min3A_1534 : vector<16xf32>
        %min3A_1536 = arith.minimumf %max3A_1515, %min3A_1534 : vector<16xf32>
        %max3A_1537 = arith.maximumf %max3A_1517, %min3A_1536 : vector<16xf32>
        %min3A_1538 = arith.minimumf %max3A_1517, %min3A_1536 : vector<16xf32>
        %max3A_1539 = arith.maximumf %max3A_1519, %min3A_1538 : vector<16xf32>
        %min3A_1540 = arith.minimumf %max3A_1519, %min3A_1538 : vector<16xf32>
        %add3A_1541 = arith.constant 15 : i32
        %add3A_1542 = vector.broadcast %add3A_1541 : i32 to vector<16xi32>
        %add3A_1543 = arith.addi %mul3A_1241, %add3A_1542 : vector<16xi32>
        %gather3A_1544 = tpu.vector_load_idx %arg4[%add3A_1543, %iota3A] : memref<2048x16xf32, #tpu.memory_space<vmem>>[vector<16xi32>, vector<16xi32>], vector<16xf32>,
        %max3A_1545 = arith.maximumf %max3A_1525, %gather3A_1544 : vector<16xf32>
        %min3A_1546 = arith.minimumf %max3A_1525, %gather3A_1544 : vector<16xf32>
        %max3A_1547 = arith.maximumf %max3A_1527, %min3A_1546 : vector<16xf32>
        %min3A_1548 = arith.minimumf %max3A_1527, %min3A_1546 : vector<16xf32>
        %max3A_1549 = arith.maximumf %max3A_1529, %min3A_1548 : vector<16xf32>
        %min3A_1550 = arith.minimumf %max3A_1529, %min3A_1548 : vector<16xf32>
        %max3A_1551 = arith.maximumf %max3A_1531, %min3A_1550 : vector<16xf32>
        %min3A_1552 = arith.minimumf %max3A_1531, %min3A_1550 : vector<16xf32>
        %max3A_1553 = arith.maximumf %max3A_1533, %min3A_1552 : vector<16xf32>
        %min3A_1554 = arith.minimumf %max3A_1533, %min3A_1552 : vector<16xf32>
        %max3A_1555 = arith.maximumf %max3A_1535, %min3A_1554 : vector<16xf32>
        %min3A_1556 = arith.minimumf %max3A_1535, %min3A_1554 : vector<16xf32>
        %max3A_1557 = arith.maximumf %max3A_1537, %min3A_1556 : vector<16xf32>
        %min3A_1558 = arith.minimumf %max3A_1537, %min3A_1556 : vector<16xf32>
        %max3A_1559 = arith.maximumf %max3A_1539, %min3A_1558 : vector<16xf32>
        %min3A_1560 = arith.minimumf %max3A_1539, %min3A_1558 : vector<16xf32>
        scf.yield %max3A_1385, %max3A_1387, %max3A_1389, %max3A_1391, %max3A_1393, %max3A_1395, %max3A_1397, %max3A_1399, %max3A_1545, %max3A_1547, %max3A_1549, %max3A_1551, %max3A_1553, %max3A_1555, %max3A_1557, %max3A_1559 : vector<16xf32>, vector<16xf32>, vector<16xf32>, vector<16xf32>, vector<16xf32>, vector<16xf32>, vector<16xf32>, vector<16xf32>, vector<16xf32>, vector<16xf32>, vector<16xf32>, vector<16xf32>, vector<16xf32>, vector<16xf32>, vector<16xf32>, vector<16xf32>
      }
      %scan3A_336 = arith.constant 8 : i32
      %jit3A_337 = arith.constant 48 : i32
      %div3A_338 = arith.divsi %add3A_49, %jit3A_337 : i32
      %sign3A_339 = arith.constant 0 : i32
      %sign3A_340 = arith.cmpi sgt, %add3A_49, %sign3A_339 : i32
      %sign3A_341 = arith.extui %sign3A_340 : i1 to i32
      %sign3A_342 = arith.constant 0 : i32
      %sign3A_343 = arith.cmpi slt, %add3A_49, %sign3A_342 : i32
      %sign3A_344 = arith.extui %sign3A_343 : i1 to i32
      %sign3A_345 = arith.subi %sign3A_341, %sign3A_344 : i32
      %sign3A_346 = arith.constant 0 : i32
      %sign3A_347 = arith.cmpi sgt, %jit3A_337, %sign3A_346 : i32
      %sign3A_348 = arith.extui %sign3A_347 : i1 to i32
      %sign3A_349 = arith.constant 0 : i32
      %sign3A_350 = arith.cmpi slt, %jit3A_337, %sign3A_349 : i32
      %sign3A_351 = arith.extui %sign3A_350 : i1 to i32
      %sign3A_352 = arith.subi %sign3A_348, %sign3A_351 : i32
      %ne3A_353 = arith.cmpi ne, %sign3A_345, %sign3A_352 : i32
      %rem3A_354 = arith.remsi %add3A_49, %jit3A_337 : i32
      %ne3A_355 = arith.constant 0 : i32
      %ne3A_356 = arith.cmpi ne, %rem3A_354, %ne3A_355 : i32
      %and3A_357 = arith.andi %ne3A_353, %ne3A_356 : i1
      %sub3A_358 = arith.constant 1 : i32
      %sub3A_359 = arith.subi %div3A_338, %sub3A_358 : i32
      %select_n3A_360 = arith.select %and3A_357, %sub3A_359, %div3A_338 : i32
      %jit3A_361 = arith.constant 48 : i32
      %eq3A_362 = arith.constant 0 : i32
      %eq3A_363 = arith.cmpi eq, %jit3A_361, %eq3A_362 : i32
      %jit3A_364 = arith.constant 1 : i32
      %select_n3A_365 = arith.select %eq3A_363, %jit3A_364, %jit3A_361 : i32
      %rem3A_366 = arith.remsi %add3A_49, %select_n3A_365 : i32
      %ne3A_367 = arith.constant 0 : i32
      %ne3A_368 = arith.cmpi ne, %rem3A_366, %ne3A_367 : i32
      %lt3A_369 = arith.constant 0 : i32
      %lt3A_370 = arith.cmpi slt, %rem3A_366, %lt3A_369 : i32
      %lt3A_371 = arith.constant 0 : i32
      %lt3A_372 = arith.cmpi slt, %select_n3A_365, %lt3A_371 : i32
      %ne3A_373 = arith.xori %lt3A_370, %lt3A_372 : i1
      %and3A_374 = arith.andi %ne3A_373, %ne3A_368 : i1
      %add3A_375 = arith.addi %rem3A_366, %select_n3A_365 : i32
      %select_n3A_376 = arith.select %and3A_374, %add3A_375, %rem3A_366 : i32
      %mul3A_377 = arith.constant 16 : i32
      %mul3A_378 = arith.muli %select_n3A_376, %mul3A_377 : i32
      %dma_wait3A_379 = arith.constant 2048 : i32
      %dma_wait3A_380 = tpu.memref_slice %arg2[%select_n3A_360, %dma_wait3A_379, %mul3A_378] : memref<4x8192x768xf32, #tpu.memory_space<hbm>> -> memref<1x2048x16xf32, #tpu.memory_space<hbm>>
      %dma_wait3A_381 = tpu.memref_squeeze %dma_wait3A_380 : memref<1x2048x16xf32, #tpu.memory_space<hbm>> -> memref<2048x16xf32, #tpu.memory_space<hbm>>
      %dma_wait3A_382 = arith.constant 2048 : i32
      %dma_wait3A_383 = tpu.memref_slice %arg2[%select_n3A_360, %dma_wait3A_382, %mul3A_378] : memref<4x8192x768xf32, #tpu.memory_space<hbm>> -> memref<1x2048x16xf32, #tpu.memory_space<hbm>>
      %dma_wait3A_384 = tpu.memref_squeeze %dma_wait3A_383 : memref<1x2048x16xf32, #tpu.memory_space<hbm>> -> memref<2048x16xf32, #tpu.memory_space<hbm>>
      tpu.wait_dma2 semaphore(%arg10 : memref<!tpu.dma_semaphore, #tpu.memory_space<semaphore_mem>>) src(%dma_wait3A_384 : memref<2048x16xf32, #tpu.memory_space<hbm>>) dst(%arg5 : memref<2048x16xf32, #tpu.memory_space<vmem>>)
      %jit3A_385 = arith.constant 48 : i32
      %div3A_386 = arith.divsi %add3A_49, %jit3A_385 : i32
      %sign3A_387 = arith.constant 0 : i32
      %sign3A_388 = arith.cmpi sgt, %add3A_49, %sign3A_387 : i32
      %sign3A_389 = arith.extui %sign3A_388 : i1 to i32
      %sign3A_390 = arith.constant 0 : i32
      %sign3A_391 = arith.cmpi slt, %add3A_49, %sign3A_390 : i32
      %sign3A_392 = arith.extui %sign3A_391 : i1 to i32
      %sign3A_393 = arith.subi %sign3A_389, %sign3A_392 : i32
      %sign3A_394 = arith.constant 0 : i32
      %sign3A_395 = arith.cmpi sgt, %jit3A_385, %sign3A_394 : i32
      %sign3A_396 = arith.extui %sign3A_395 : i1 to i32
      %sign3A_397 = arith.constant 0 : i32
      %sign3A_398 = arith.cmpi slt, %jit3A_385, %sign3A_397 : i32
      %sign3A_399 = arith.extui %sign3A_398 : i1 to i32
      %sign3A_400 = arith.subi %sign3A_396, %sign3A_399 : i32
      %ne3A_401 = arith.cmpi ne, %sign3A_393, %sign3A_400 : i32
      %rem3A_402 = arith.remsi %add3A_49, %jit3A_385 : i32
      %ne3A_403 = arith.constant 0 : i32
      %ne3A_404 = arith.cmpi ne, %rem3A_402, %ne3A_403 : i32
      %and3A_405 = arith.andi %ne3A_401, %ne3A_404 : i1
      %sub3A_406 = arith.constant 1 : i32
      %sub3A_407 = arith.subi %div3A_386, %sub3A_406 : i32
      %select_n3A_408 = arith.select %and3A_405, %sub3A_407, %div3A_386 : i32
      %jit3A_409 = arith.constant 48 : i32
      %eq3A_410 = arith.constant 0 : i32
      %eq3A_411 = arith.cmpi eq, %jit3A_409, %eq3A_410 : i32
      %jit3A_412 = arith.constant 1 : i32
      %select_n3A_413 = arith.select %eq3A_411, %jit3A_412, %jit3A_409 : i32
      %rem3A_414 = arith.remsi %add3A_49, %select_n3A_413 : i32
      %ne3A_415 = arith.constant 0 : i32
      %ne3A_416 = arith.cmpi ne, %rem3A_414, %ne3A_415 : i32
      %lt3A_417 = arith.constant 0 : i32
      %lt3A_418 = arith.cmpi slt, %rem3A_414, %lt3A_417 : i32
      %lt3A_419 = arith.constant 0 : i32
      %lt3A_420 = arith.cmpi slt, %select_n3A_413, %lt3A_419 : i32
      %ne3A_421 = arith.xori %lt3A_418, %lt3A_420 : i1
      %and3A_422 = arith.andi %ne3A_421, %ne3A_416 : i1
      %add3A_423 = arith.addi %rem3A_414, %select_n3A_413 : i32
      %select_n3A_424 = arith.select %and3A_422, %add3A_423, %rem3A_414 : i32
      %mul3A_425 = arith.constant 16 : i32
      %mul3A_426 = arith.muli %select_n3A_424, %mul3A_425 : i32
      %dma_start3A_427 = arith.constant 4096 : i32
      %dma_start3A_428 = tpu.memref_slice %arg2[%select_n3A_408, %dma_start3A_427, %mul3A_426] : memref<4x8192x768xf32, #tpu.memory_space<hbm>> -> memref<1x2048x16xf32, #tpu.memory_space<hbm>>
      %dma_start3A_429 = tpu.memref_squeeze %dma_start3A_428 : memref<1x2048x16xf32, #tpu.memory_space<hbm>> -> memref<2048x16xf32, #tpu.memory_space<hbm>>
      %dma_start3A_430 = arith.constant 4096 : i32
      %dma_start3A_431 = tpu.memref_slice %arg2[%select_n3A_408, %dma_start3A_430, %mul3A_426] : memref<4x8192x768xf32, #tpu.memory_space<hbm>> -> memref<1x2048x16xf32, #tpu.memory_space<hbm>>
      %dma_start3A_432 = tpu.memref_squeeze %dma_start3A_431 : memref<1x2048x16xf32, #tpu.memory_space<hbm>> -> memref<2048x16xf32, #tpu.memory_space<hbm>>
      tpu.enqueue_dma source(%dma_start3A_432 : memref<2048x16xf32, #tpu.memory_space<hbm>>) target(%arg4 : memref<2048x16xf32, #tpu.memory_space<vmem>>) target_semaphore(%arg9 : memref<!tpu.dma_semaphore, #tpu.memory_space<semaphore_mem>>)
      %scan3A_433 = arith.constant 0 : i32
      %scan3A_434 = arith.constant 64 : i32
      %scan3A_435 = arith.addi %scan3A_433, %scan3A_434 : i32
      %scan3A_436 = arith.constant 1 : i32
      %scan3A_437:16 = scf.for %scan3A_1220 = %scan3A_433 to %scan3A_435 step %scan3A_436 iter_args(%scan3A_1221 = %broadcast_in_dim3A_1, %scan3A_1222 = %broadcast_in_dim3A_1, %scan3A_1223 = %broadcast_in_dim3A_1, %scan3A_1224 = %broadcast_in_dim3A_1, %scan3A_1225 = %broadcast_in_dim3A_1, %scan3A_1226 = %broadcast_in_dim3A_1, %scan3A_1227 = %broadcast_in_dim3A_1, %scan3A_1228 = %broadcast_in_dim3A_1, %scan3A_1229 = %broadcast_in_dim3A_1, %scan3A_1230 = %broadcast_in_dim3A_1, %scan3A_1231 = %broadcast_in_dim3A_1, %scan3A_1232 = %broadcast_in_dim3A_1, %scan3A_1233 = %broadcast_in_dim3A_1, %scan3A_1234 = %broadcast_in_dim3A_1, %scan3A_1235 = %broadcast_in_dim3A_1, %scan3A_1236 = %broadcast_in_dim3A_1) -> (vector<16xf32>, vector<16xf32>, vector<16xf32>, vector<16xf32>, vector<16xf32>, vector<16xf32>, vector<16xf32>, vector<16xf32>, vector<16xf32>, vector<16xf32>, vector<16xf32>, vector<16xf32>, vector<16xf32>, vector<16xf32>, vector<16xf32>, vector<16xf32>)  : i32 {
        %mul3A_1237 = arith.constant 32 : i32
        %mul3A_1238 = arith.muli %scan3A_1220, %mul3A_1237 : i32
        %add3A_1239 = arith.constant 0 : i32
        %add3A_1240 = arith.addi %mul3A_1238, %add3A_1239 : i32
        %get3A = arith.index_cast %add3A_1240 : i32 to index
        %get3A_1241 = arith.constant 0 : index
        %get3A_1242 = tpu.vector_load %arg5[%get3A, %get3A_1241] {strides = array<i32>} : memref<2048x16xf32, #tpu.memory_space<vmem>>, vector<16xf32>,
        %add3A_1243 = arith.constant 1 : i32
        %add3A_1244 = arith.addi %mul3A_1238, %add3A_1243 : i32
        %get3A_1245 = arith.index_cast %add3A_1244 : i32 to index
        %get3A_1246 = arith.constant 0 : index
        %get3A_1247 = tpu.vector_load %arg5[%get3A_1245, %get3A_1246] {strides = array<i32>} : memref<2048x16xf32, #tpu.memory_space<vmem>>, vector<16xf32>,
        %add3A_1248 = arith.constant 2 : i32
        %add3A_1249 = arith.addi %mul3A_1238, %add3A_1248 : i32
        %get3A_1250 = arith.index_cast %add3A_1249 : i32 to index
        %get3A_1251 = arith.constant 0 : index
        %get3A_1252 = tpu.vector_load %arg5[%get3A_1250, %get3A_1251] {strides = array<i32>} : memref<2048x16xf32, #tpu.memory_space<vmem>>, vector<16xf32>,
        %add3A_1253 = arith.constant 3 : i32
        %add3A_1254 = arith.addi %mul3A_1238, %add3A_1253 : i32
        %get3A_1255 = arith.index_cast %add3A_1254 : i32 to index
        %get3A_1256 = arith.constant 0 : index
        %get3A_1257 = tpu.vector_load %arg5[%get3A_1255, %get3A_1256] {strides = array<i32>} : memref<2048x16xf32, #tpu.memory_space<vmem>>, vector<16xf32>,
        %add3A_1258 = arith.constant 4 : i32
        %add3A_1259 = arith.addi %mul3A_1238, %add3A_1258 : i32
        %get3A_1260 = arith.index_cast %add3A_1259 : i32 to index
        %get3A_1261 = arith.constant 0 : index
        %get3A_1262 = tpu.vector_load %arg5[%get3A_1260, %get3A_1261] {strides = array<i32>} : memref<2048x16xf32, #tpu.memory_space<vmem>>, vector<16xf32>,
        %add3A_1263 = arith.constant 5 : i32
        %add3A_1264 = arith.addi %mul3A_1238, %add3A_1263 : i32
        %get3A_1265 = arith.index_cast %add3A_1264 : i32 to index
        %get3A_1266 = arith.constant 0 : index
        %get3A_1267 = tpu.vector_load %arg5[%get3A_1265, %get3A_1266] {strides = array<i32>} : memref<2048x16xf32, #tpu.memory_space<vmem>>, vector<16xf32>,
        %add3A_1268 = arith.constant 6 : i32
        %add3A_1269 = arith.addi %mul3A_1238, %add3A_1268 : i32
        %get3A_1270 = arith.index_cast %add3A_1269 : i32 to index
        %get3A_1271 = arith.constant 0 : index
        %get3A_1272 = tpu.vector_load %arg5[%get3A_1270, %get3A_1271] {strides = array<i32>} : memref<2048x16xf32, #tpu.memory_space<vmem>>, vector<16xf32>,
        %add3A_1273 = arith.constant 7 : i32
        %add3A_1274 = arith.addi %mul3A_1238, %add3A_1273 : i32
        %get3A_1275 = arith.index_cast %add3A_1274 : i32 to index
        %get3A_1276 = arith.constant 0 : index
        %get3A_1277 = tpu.vector_load %arg5[%get3A_1275, %get3A_1276] {strides = array<i32>} : memref<2048x16xf32, #tpu.memory_space<vmem>>, vector<16xf32>,
        %add3A_1278 = arith.constant 8 : i32
        %add3A_1279 = arith.addi %mul3A_1238, %add3A_1278 : i32
        %get3A_1280 = arith.index_cast %add3A_1279 : i32 to index
        %get3A_1281 = arith.constant 0 : index
        %get3A_1282 = tpu.vector_load %arg5[%get3A_1280, %get3A_1281] {strides = array<i32>} : memref<2048x16xf32, #tpu.memory_space<vmem>>, vector<16xf32>,
        %add3A_1283 = arith.constant 9 : i32
        %add3A_1284 = arith.addi %mul3A_1238, %add3A_1283 : i32
        %get3A_1285 = arith.index_cast %add3A_1284 : i32 to index
        %get3A_1286 = arith.constant 0 : index
        %get3A_1287 = tpu.vector_load %arg5[%get3A_1285, %get3A_1286] {strides = array<i32>} : memref<2048x16xf32, #tpu.memory_space<vmem>>, vector<16xf32>,
        %add3A_1288 = arith.constant 10 : i32
        %add3A_1289 = arith.addi %mul3A_1238, %add3A_1288 : i32
        %get3A_1290 = arith.index_cast %add3A_1289 : i32 to index
        %get3A_1291 = arith.constant 0 : index
        %get3A_1292 = tpu.vector_load %arg5[%get3A_1290, %get3A_1291] {strides = array<i32>} : memref<2048x16xf32, #tpu.memory_space<vmem>>, vector<16xf32>,
        %add3A_1293 = arith.constant 11 : i32
        %add3A_1294 = arith.addi %mul3A_1238, %add3A_1293 : i32
        %get3A_1295 = arith.index_cast %add3A_1294 : i32 to index
        %get3A_1296 = arith.constant 0 : index
        %get3A_1297 = tpu.vector_load %arg5[%get3A_1295, %get3A_1296] {strides = array<i32>} : memref<2048x16xf32, #tpu.memory_space<vmem>>, vector<16xf32>,
        %add3A_1298 = arith.constant 12 : i32
        %add3A_1299 = arith.addi %mul3A_1238, %add3A_1298 : i32
        %get3A_1300 = arith.index_cast %add3A_1299 : i32 to index
        %get3A_1301 = arith.constant 0 : index
        %get3A_1302 = tpu.vector_load %arg5[%get3A_1300, %get3A_1301] {strides = array<i32>} : memref<2048x16xf32, #tpu.memory_space<vmem>>, vector<16xf32>,
        %add3A_1303 = arith.constant 13 : i32
        %add3A_1304 = arith.addi %mul3A_1238, %add3A_1303 : i32
        %get3A_1305 = arith.index_cast %add3A_1304 : i32 to index
        %get3A_1306 = arith.constant 0 : index
        %get3A_1307 = tpu.vector_load %arg5[%get3A_1305, %get3A_1306] {strides = array<i32>} : memref<2048x16xf32, #tpu.memory_space<vmem>>, vector<16xf32>,
        %add3A_1308 = arith.constant 14 : i32
        %add3A_1309 = arith.addi %mul3A_1238, %add3A_1308 : i32
        %get3A_1310 = arith.index_cast %add3A_1309 : i32 to index
        %get3A_1311 = arith.constant 0 : index
        %get3A_1312 = tpu.vector_load %arg5[%get3A_1310, %get3A_1311] {strides = array<i32>} : memref<2048x16xf32, #tpu.memory_space<vmem>>, vector<16xf32>,
        %add3A_1313 = arith.constant 15 : i32
        %add3A_1314 = arith.addi %mul3A_1238, %add3A_1313 : i32
        %get3A_1315 = arith.index_cast %add3A_1314 : i32 to index
        %get3A_1316 = arith.constant 0 : index
        %get3A_1317 = tpu.vector_load %arg5[%get3A_1315, %get3A_1316] {strides = array<i32>} : memref<2048x16xf32, #tpu.memory_space<vmem>>, vector<16xf32>,
        %max3A_1318 = arith.maximumf %get3A_1242, %get3A_1247 : vector<16xf32>
        %max3A_1319 = arith.maximumf %get3A_1252, %get3A_1257 : vector<16xf32>
        %max3A_1320 = arith.maximumf %get3A_1262, %get3A_1267 : vector<16xf32>
        %max3A_1321 = arith.maximumf %get3A_1272, %get3A_1277 : vector<16xf32>
        %max3A_1322 = arith.maximumf %get3A_1282, %get3A_1287 : vector<16xf32>
        %max3A_1323 = arith.maximumf %get3A_1292, %get3A_1297 : vector<16xf32>
        %max3A_1324 = arith.maximumf %get3A_1302, %get3A_1307 : vector<16xf32>
        %max3A_1325 = arith.maximumf %get3A_1312, %get3A_1317 : vector<16xf32>
        %max3A_1326 = arith.maximumf %max3A_1318, %max3A_1319 : vector<16xf32>
        %max3A_1327 = arith.maximumf %max3A_1320, %max3A_1321 : vector<16xf32>
        %max3A_1328 = arith.maximumf %max3A_1322, %max3A_1323 : vector<16xf32>
        %max3A_1329 = arith.maximumf %max3A_1324, %max3A_1325 : vector<16xf32>
        %max3A_1330 = arith.maximumf %max3A_1326, %max3A_1327 : vector<16xf32>
        %max3A_1331 = arith.maximumf %max3A_1328, %max3A_1329 : vector<16xf32>
        %max3A_1332 = arith.maximumf %max3A_1330, %max3A_1331 : vector<16xf32>
        %add3A_1333 = arith.constant 16 : i32
        %add3A_1334 = arith.addi %mul3A_1238, %add3A_1333 : i32
        %add3A_1335 = arith.constant 0 : i32
        %add3A_1336 = arith.addi %add3A_1334, %add3A_1335 : i32
        %get3A_1337 = arith.index_cast %add3A_1336 : i32 to index
        %get3A_1338 = arith.constant 0 : index
        %get3A_1339 = tpu.vector_load %arg5[%get3A_1337, %get3A_1338] {strides = array<i32>} : memref<2048x16xf32, #tpu.memory_space<vmem>>, vector<16xf32>,
        %add3A_1340 = arith.constant 16 : i32
        %add3A_1341 = arith.addi %mul3A_1238, %add3A_1340 : i32
        %add3A_1342 = arith.constant 1 : i32
        %add3A_1343 = arith.addi %add3A_1341, %add3A_1342 : i32
        %get3A_1344 = arith.index_cast %add3A_1343 : i32 to index
        %get3A_1345 = arith.constant 0 : index
        %get3A_1346 = tpu.vector_load %arg5[%get3A_1344, %get3A_1345] {strides = array<i32>} : memref<2048x16xf32, #tpu.memory_space<vmem>>, vector<16xf32>,
        %add3A_1347 = arith.constant 16 : i32
        %add3A_1348 = arith.addi %mul3A_1238, %add3A_1347 : i32
        %add3A_1349 = arith.constant 2 : i32
        %add3A_1350 = arith.addi %add3A_1348, %add3A_1349 : i32
        %get3A_1351 = arith.index_cast %add3A_1350 : i32 to index
        %get3A_1352 = arith.constant 0 : index
        %get3A_1353 = tpu.vector_load %arg5[%get3A_1351, %get3A_1352] {strides = array<i32>} : memref<2048x16xf32, #tpu.memory_space<vmem>>, vector<16xf32>,
        %add3A_1354 = arith.constant 16 : i32
        %add3A_1355 = arith.addi %mul3A_1238, %add3A_1354 : i32
        %add3A_1356 = arith.constant 3 : i32
        %add3A_1357 = arith.addi %add3A_1355, %add3A_1356 : i32
        %get3A_1358 = arith.index_cast %add3A_1357 : i32 to index
        %get3A_1359 = arith.constant 0 : index
        %get3A_1360 = tpu.vector_load %arg5[%get3A_1358, %get3A_1359] {strides = array<i32>} : memref<2048x16xf32, #tpu.memory_space<vmem>>, vector<16xf32>,
        %add3A_1361 = arith.constant 16 : i32
        %add3A_1362 = arith.addi %mul3A_1238, %add3A_1361 : i32
        %add3A_1363 = arith.constant 4 : i32
        %add3A_1364 = arith.addi %add3A_1362, %add3A_1363 : i32
        %get3A_1365 = arith.index_cast %add3A_1364 : i32 to index
        %get3A_1366 = arith.constant 0 : index
        %get3A_1367 = tpu.vector_load %arg5[%get3A_1365, %get3A_1366] {strides = array<i32>} : memref<2048x16xf32, #tpu.memory_space<vmem>>, vector<16xf32>,
        %add3A_1368 = arith.constant 16 : i32
        %add3A_1369 = arith.addi %mul3A_1238, %add3A_1368 : i32
        %add3A_1370 = arith.constant 5 : i32
        %add3A_1371 = arith.addi %add3A_1369, %add3A_1370 : i32
        %get3A_1372 = arith.index_cast %add3A_1371 : i32 to index
        %get3A_1373 = arith.constant 0 : index
        %get3A_1374 = tpu.vector_load %arg5[%get3A_1372, %get3A_1373] {strides = array<i32>} : memref<2048x16xf32, #tpu.memory_space<vmem>>, vector<16xf32>,
        %add3A_1375 = arith.constant 16 : i32
        %add3A_1376 = arith.addi %mul3A_1238, %add3A_1375 : i32
        %add3A_1377 = arith.constant 6 : i32
        %add3A_1378 = arith.addi %add3A_1376, %add3A_1377 : i32
        %get3A_1379 = arith.index_cast %add3A_1378 : i32 to index
        %get3A_1380 = arith.constant 0 : index
        %get3A_1381 = tpu.vector_load %arg5[%get3A_1379, %get3A_1380] {strides = array<i32>} : memref<2048x16xf32, #tpu.memory_space<vmem>>, vector<16xf32>,
        %add3A_1382 = arith.constant 16 : i32
        %add3A_1383 = arith.addi %mul3A_1238, %add3A_1382 : i32
        %add3A_1384 = arith.constant 7 : i32
        %add3A_1385 = arith.addi %add3A_1383, %add3A_1384 : i32
        %get3A_1386 = arith.index_cast %add3A_1385 : i32 to index
        %get3A_1387 = arith.constant 0 : index
        %get3A_1388 = tpu.vector_load %arg5[%get3A_1386, %get3A_1387] {strides = array<i32>} : memref<2048x16xf32, #tpu.memory_space<vmem>>, vector<16xf32>,
        %add3A_1389 = arith.constant 16 : i32
        %add3A_1390 = arith.addi %mul3A_1238, %add3A_1389 : i32
        %add3A_1391 = arith.constant 8 : i32
        %add3A_1392 = arith.addi %add3A_1390, %add3A_1391 : i32
        %get3A_1393 = arith.index_cast %add3A_1392 : i32 to index
        %get3A_1394 = arith.constant 0 : index
        %get3A_1395 = tpu.vector_load %arg5[%get3A_1393, %get3A_1394] {strides = array<i32>} : memref<2048x16xf32, #tpu.memory_space<vmem>>, vector<16xf32>,
        %add3A_1396 = arith.constant 16 : i32
        %add3A_1397 = arith.addi %mul3A_1238, %add3A_1396 : i32
        %add3A_1398 = arith.constant 9 : i32
        %add3A_1399 = arith.addi %add3A_1397, %add3A_1398 : i32
        %get3A_1400 = arith.index_cast %add3A_1399 : i32 to index
        %get3A_1401 = arith.constant 0 : index
        %get3A_1402 = tpu.vector_load %arg5[%get3A_1400, %get3A_1401] {strides = array<i32>} : memref<2048x16xf32, #tpu.memory_space<vmem>>, vector<16xf32>,
        %add3A_1403 = arith.constant 16 : i32
        %add3A_1404 = arith.addi %mul3A_1238, %add3A_1403 : i32
        %add3A_1405 = arith.constant 10 : i32
        %add3A_1406 = arith.addi %add3A_1404, %add3A_1405 : i32
        %get3A_1407 = arith.index_cast %add3A_1406 : i32 to index
        %get3A_1408 = arith.constant 0 : index
        %get3A_1409 = tpu.vector_load %arg5[%get3A_1407, %get3A_1408] {strides = array<i32>} : memref<2048x16xf32, #tpu.memory_space<vmem>>, vector<16xf32>,
        %add3A_1410 = arith.constant 16 : i32
        %add3A_1411 = arith.addi %mul3A_1238, %add3A_1410 : i32
        %add3A_1412 = arith.constant 11 : i32
        %add3A_1413 = arith.addi %add3A_1411, %add3A_1412 : i32
        %get3A_1414 = arith.index_cast %add3A_1413 : i32 to index
        %get3A_1415 = arith.constant 0 : index
        %get3A_1416 = tpu.vector_load %arg5[%get3A_1414, %get3A_1415] {strides = array<i32>} : memref<2048x16xf32, #tpu.memory_space<vmem>>, vector<16xf32>,
        %add3A_1417 = arith.constant 16 : i32
        %add3A_1418 = arith.addi %mul3A_1238, %add3A_1417 : i32
        %add3A_1419 = arith.constant 12 : i32
        %add3A_1420 = arith.addi %add3A_1418, %add3A_1419 : i32
        %get3A_1421 = arith.index_cast %add3A_1420 : i32 to index
        %get3A_1422 = arith.constant 0 : index
        %get3A_1423 = tpu.vector_load %arg5[%get3A_1421, %get3A_1422] {strides = array<i32>} : memref<2048x16xf32, #tpu.memory_space<vmem>>, vector<16xf32>,
        %add3A_1424 = arith.constant 16 : i32
        %add3A_1425 = arith.addi %mul3A_1238, %add3A_1424 : i32
        %add3A_1426 = arith.constant 13 : i32
        %add3A_1427 = arith.addi %add3A_1425, %add3A_1426 : i32
        %get3A_1428 = arith.index_cast %add3A_1427 : i32 to index
        %get3A_1429 = arith.constant 0 : index
        %get3A_1430 = tpu.vector_load %arg5[%get3A_1428, %get3A_1429] {strides = array<i32>} : memref<2048x16xf32, #tpu.memory_space<vmem>>, vector<16xf32>,
        %add3A_1431 = arith.constant 16 : i32
        %add3A_1432 = arith.addi %mul3A_1238, %add3A_1431 : i32
        %add3A_1433 = arith.constant 14 : i32
        %add3A_1434 = arith.addi %add3A_1432, %add3A_1433 : i32
        %get3A_1435 = arith.index_cast %add3A_1434 : i32 to index
        %get3A_1436 = arith.constant 0 : index
        %get3A_1437 = tpu.vector_load %arg5[%get3A_1435, %get3A_1436] {strides = array<i32>} : memref<2048x16xf32, #tpu.memory_space<vmem>>, vector<16xf32>,
        %add3A_1438 = arith.constant 16 : i32
        %add3A_1439 = arith.addi %mul3A_1238, %add3A_1438 : i32
        %add3A_1440 = arith.constant 15 : i32
        %add3A_1441 = arith.addi %add3A_1439, %add3A_1440 : i32
        %get3A_1442 = arith.index_cast %add3A_1441 : i32 to index
        %get3A_1443 = arith.constant 0 : index
        %get3A_1444 = tpu.vector_load %arg5[%get3A_1442, %get3A_1443] {strides = array<i32>} : memref<2048x16xf32, #tpu.memory_space<vmem>>, vector<16xf32>,
        %max3A_1445 = arith.maximumf %get3A_1339, %get3A_1346 : vector<16xf32>
        %max3A_1446 = arith.maximumf %get3A_1353, %get3A_1360 : vector<16xf32>
        %max3A_1447 = arith.maximumf %get3A_1367, %get3A_1374 : vector<16xf32>
        %max3A_1448 = arith.maximumf %get3A_1381, %get3A_1388 : vector<16xf32>
        %max3A_1449 = arith.maximumf %get3A_1395, %get3A_1402 : vector<16xf32>
        %max3A_1450 = arith.maximumf %get3A_1409, %get3A_1416 : vector<16xf32>
        %max3A_1451 = arith.maximumf %get3A_1423, %get3A_1430 : vector<16xf32>
        %max3A_1452 = arith.maximumf %get3A_1437, %get3A_1444 : vector<16xf32>
        %max3A_1453 = arith.maximumf %max3A_1445, %max3A_1446 : vector<16xf32>
        %max3A_1454 = arith.maximumf %max3A_1447, %max3A_1448 : vector<16xf32>
        %max3A_1455 = arith.maximumf %max3A_1449, %max3A_1450 : vector<16xf32>
        %max3A_1456 = arith.maximumf %max3A_1451, %max3A_1452 : vector<16xf32>
        %max3A_1457 = arith.maximumf %max3A_1453, %max3A_1454 : vector<16xf32>
        %max3A_1458 = arith.maximumf %max3A_1455, %max3A_1456 : vector<16xf32>
        %max3A_1459 = arith.maximumf %max3A_1457, %max3A_1458 : vector<16xf32>
        %mul3A_1460 = arith.constant 2 : i32
        %mul3A_1461 = arith.muli %mul3A_1460, %scan3A_1220 : i32
        %swap3A = arith.index_cast %mul3A_1461 : i32 to index
        %swap3A_1462 = arith.constant 0 : index
        %swap3A_1463 = tpu.vector_load %arg6[%swap3A, %swap3A_1462] {strides = array<i32>} : memref<128x16xf32, #tpu.memory_space<vmem>>, vector<16xf32>,
        tpu.vector_store %arg6[%swap3A, %swap3A_1462], %max3A_1332 {strides = array<i32>} : memref<128x16xf32, #tpu.memory_space<vmem>>, vector<16xf32>,
        %mul3A_1464 = arith.constant 2 : i32
        %mul3A_1465 = arith.muli %mul3A_1464, %scan3A_1220 : i32
        %add3A_1466 = arith.constant 1 : i32
        %add3A_1467 = arith.addi %mul3A_1465, %add3A_1466 : i32
        %swap3A_1468 = arith.index_cast %add3A_1467 : i32 to index
        %swap3A_1469 = arith.constant 0 : index
        %swap3A_1470 = tpu.vector_load %arg6[%swap3A_1468, %swap3A_1469] {strides = array<i32>} : memref<128x16xf32, #tpu.memory_space<vmem>>, vector<16xf32>,
        tpu.vector_store %arg6[%swap3A_1468, %swap3A_1469], %max3A_1459 {strides = array<i32>} : memref<128x16xf32, #tpu.memory_space<vmem>>, vector<16xf32>,
        %max3A_1471 = arith.maximumf %scan3A_1221, %max3A_1332 : vector<16xf32>
        %min3A_1472 = arith.minimumf %scan3A_1221, %max3A_1332 : vector<16xf32>
        %max3A_1473 = arith.maximumf %scan3A_1222, %min3A_1472 : vector<16xf32>
        %min3A_1474 = arith.minimumf %scan3A_1222, %min3A_1472 : vector<16xf32>
        %max3A_1475 = arith.maximumf %scan3A_1223, %min3A_1474 : vector<16xf32>
        %min3A_1476 = arith.minimumf %scan3A_1223, %min3A_1474 : vector<16xf32>
        %max3A_1477 = arith.maximumf %scan3A_1224, %min3A_1476 : vector<16xf32>
        %min3A_1478 = arith.minimumf %scan3A_1224, %min3A_1476 : vector<16xf32>
        %max3A_1479 = arith.maximumf %scan3A_1225, %min3A_1478 : vector<16xf32>
        %min3A_1480 = arith.minimumf %scan3A_1225, %min3A_1478 : vector<16xf32>
        %max3A_1481 = arith.maximumf %scan3A_1226, %min3A_1480 : vector<16xf32>
        %min3A_1482 = arith.minimumf %scan3A_1226, %min3A_1480 : vector<16xf32>
        %max3A_1483 = arith.maximumf %scan3A_1227, %min3A_1482 : vector<16xf32>
        %min3A_1484 = arith.minimumf %scan3A_1227, %min3A_1482 : vector<16xf32>
        %max3A_1485 = arith.maximumf %scan3A_1228, %min3A_1484 : vector<16xf32>
        %min3A_1486 = arith.minimumf %scan3A_1228, %min3A_1484 : vector<16xf32>
        %max3A_1487 = arith.maximumf %scan3A_1229, %max3A_1459 : vector<16xf32>
        %min3A_1488 = arith.minimumf %scan3A_1229, %max3A_1459 : vector<16xf32>
        %max3A_1489 = arith.maximumf %scan3A_1230, %min3A_1488 : vector<16xf32>
        %min3A_1490 = arith.minimumf %scan3A_1230, %min3A_1488 : vector<16xf32>
        %max3A_1491 = arith.maximumf %scan3A_1231, %min3A_1490 : vector<16xf32>
        %min3A_1492 = arith.minimumf %scan3A_1231, %min3A_1490 : vector<16xf32>
        %max3A_1493 = arith.maximumf %scan3A_1232, %min3A_1492 : vector<16xf32>
        %min3A_1494 = arith.minimumf %scan3A_1232, %min3A_1492 : vector<16xf32>
        %max3A_1495 = arith.maximumf %scan3A_1233, %min3A_1494 : vector<16xf32>
        %min3A_1496 = arith.minimumf %scan3A_1233, %min3A_1494 : vector<16xf32>
        %max3A_1497 = arith.maximumf %scan3A_1234, %min3A_1496 : vector<16xf32>
        %min3A_1498 = arith.minimumf %scan3A_1234, %min3A_1496 : vector<16xf32>
        %max3A_1499 = arith.maximumf %scan3A_1235, %min3A_1498 : vector<16xf32>
        %min3A_1500 = arith.minimumf %scan3A_1235, %min3A_1498 : vector<16xf32>
        %max3A_1501 = arith.maximumf %scan3A_1236, %min3A_1500 : vector<16xf32>
        %min3A_1502 = arith.minimumf %scan3A_1236, %min3A_1500 : vector<16xf32>
        scf.yield %max3A_1471, %max3A_1473, %max3A_1475, %max3A_1477, %max3A_1479, %max3A_1481, %max3A_1483, %max3A_1485, %max3A_1487, %max3A_1489, %max3A_1491, %max3A_1493, %max3A_1495, %max3A_1497, %max3A_1499, %max3A_1501 : vector<16xf32>, vector<16xf32>, vector<16xf32>, vector<16xf32>, vector<16xf32>, vector<16xf32>, vector<16xf32>, vector<16xf32>, vector<16xf32>, vector<16xf32>, vector<16xf32>, vector<16xf32>, vector<16xf32>, vector<16xf32>, vector<16xf32>, vector<16xf32>
      }
      %scan3A_438 = arith.constant 64 : i32
      %max3A_439 = arith.maximumf %scan3A_437#0, %scan3A_437#8 : vector<16xf32>
      %min3A_440 = arith.minimumf %scan3A_437#0, %scan3A_437#8 : vector<16xf32>
      %max3A_441 = arith.maximumf %scan3A_437#1, %min3A_440 : vector<16xf32>
      %min3A_442 = arith.minimumf %scan3A_437#1, %min3A_440 : vector<16xf32>
      %max3A_443 = arith.maximumf %scan3A_437#2, %min3A_442 : vector<16xf32>
      %min3A_444 = arith.minimumf %scan3A_437#2, %min3A_442 : vector<16xf32>
      %max3A_445 = arith.maximumf %scan3A_437#3, %min3A_444 : vector<16xf32>
      %min3A_446 = arith.minimumf %scan3A_437#3, %min3A_444 : vector<16xf32>
      %max3A_447 = arith.maximumf %scan3A_437#4, %min3A_446 : vector<16xf32>
      %min3A_448 = arith.minimumf %scan3A_437#4, %min3A_446 : vector<16xf32>
      %max3A_449 = arith.maximumf %scan3A_437#5, %min3A_448 : vector<16xf32>
      %min3A_450 = arith.minimumf %scan3A_437#5, %min3A_448 : vector<16xf32>
      %max3A_451 = arith.maximumf %scan3A_437#6, %min3A_450 : vector<16xf32>
      %min3A_452 = arith.minimumf %scan3A_437#6, %min3A_450 : vector<16xf32>
      %max3A_453 = arith.maximumf %scan3A_437#7, %min3A_452 : vector<16xf32>
      %min3A_454 = arith.minimumf %scan3A_437#7, %min3A_452 : vector<16xf32>
      %max3A_455 = arith.maximumf %max3A_439, %scan3A_437#9 : vector<16xf32>
      %min3A_456 = arith.minimumf %max3A_439, %scan3A_437#9 : vector<16xf32>
      %max3A_457 = arith.maximumf %max3A_441, %min3A_456 : vector<16xf32>
      %min3A_458 = arith.minimumf %max3A_441, %min3A_456 : vector<16xf32>
      %max3A_459 = arith.maximumf %max3A_443, %min3A_458 : vector<16xf32>
      %min3A_460 = arith.minimumf %max3A_443, %min3A_458 : vector<16xf32>
      %max3A_461 = arith.maximumf %max3A_445, %min3A_460 : vector<16xf32>
      %min3A_462 = arith.minimumf %max3A_445, %min3A_460 : vector<16xf32>
      %max3A_463 = arith.maximumf %max3A_447, %min3A_462 : vector<16xf32>
      %min3A_464 = arith.minimumf %max3A_447, %min3A_462 : vector<16xf32>
      %max3A_465 = arith.maximumf %max3A_449, %min3A_464 : vector<16xf32>
      %min3A_466 = arith.minimumf %max3A_449, %min3A_464 : vector<16xf32>
      %max3A_467 = arith.maximumf %max3A_451, %min3A_466 : vector<16xf32>
      %min3A_468 = arith.minimumf %max3A_451, %min3A_466 : vector<16xf32>
      %max3A_469 = arith.maximumf %max3A_453, %min3A_468 : vector<16xf32>
      %min3A_470 = arith.minimumf %max3A_453, %min3A_468 : vector<16xf32>
      %max3A_471 = arith.maximumf %max3A_455, %scan3A_437#10 : vector<16xf32>
      %min3A_472 = arith.minimumf %max3A_455, %scan3A_437#10 : vector<16xf32>
      %max3A_473 = arith.maximumf %max3A_457, %min3A_472 : vector<16xf32>
      %min3A_474 = arith.minimumf %max3A_457, %min3A_472 : vector<16xf32>
      %max3A_475 = arith.maximumf %max3A_459, %min3A_474 : vector<16xf32>
      %min3A_476 = arith.minimumf %max3A_459, %min3A_474 : vector<16xf32>
      %max3A_477 = arith.maximumf %max3A_461, %min3A_476 : vector<16xf32>
      %min3A_478 = arith.minimumf %max3A_461, %min3A_476 : vector<16xf32>
      %max3A_479 = arith.maximumf %max3A_463, %min3A_478 : vector<16xf32>
      %min3A_480 = arith.minimumf %max3A_463, %min3A_478 : vector<16xf32>
      %max3A_481 = arith.maximumf %max3A_465, %min3A_480 : vector<16xf32>
      %min3A_482 = arith.minimumf %max3A_465, %min3A_480 : vector<16xf32>
      %max3A_483 = arith.maximumf %max3A_467, %min3A_482 : vector<16xf32>
      %min3A_484 = arith.minimumf %max3A_467, %min3A_482 : vector<16xf32>
      %max3A_485 = arith.maximumf %max3A_469, %min3A_484 : vector<16xf32>
      %min3A_486 = arith.minimumf %max3A_469, %min3A_484 : vector<16xf32>
      %max3A_487 = arith.maximumf %max3A_471, %scan3A_437#11 : vector<16xf32>
      %min3A_488 = arith.minimumf %max3A_471, %scan3A_437#11 : vector<16xf32>
      %max3A_489 = arith.maximumf %max3A_473, %min3A_488 : vector<16xf32>
      %min3A_490 = arith.minimumf %max3A_473, %min3A_488 : vector<16xf32>
      %max3A_491 = arith.maximumf %max3A_475, %min3A_490 : vector<16xf32>
      %min3A_492 = arith.minimumf %max3A_475, %min3A_490 : vector<16xf32>
      %max3A_493 = arith.maximumf %max3A_477, %min3A_492 : vector<16xf32>
      %min3A_494 = arith.minimumf %max3A_477, %min3A_492 : vector<16xf32>
      %max3A_495 = arith.maximumf %max3A_479, %min3A_494 : vector<16xf32>
      %min3A_496 = arith.minimumf %max3A_479, %min3A_494 : vector<16xf32>
      %max3A_497 = arith.maximumf %max3A_481, %min3A_496 : vector<16xf32>
      %min3A_498 = arith.minimumf %max3A_481, %min3A_496 : vector<16xf32>
      %max3A_499 = arith.maximumf %max3A_483, %min3A_498 : vector<16xf32>
      %min3A_500 = arith.minimumf %max3A_483, %min3A_498 : vector<16xf32>
      %max3A_501 = arith.maximumf %max3A_485, %min3A_500 : vector<16xf32>
      %min3A_502 = arith.minimumf %max3A_485, %min3A_500 : vector<16xf32>
      %max3A_503 = arith.maximumf %max3A_487, %scan3A_437#12 : vector<16xf32>
      %min3A_504 = arith.minimumf %max3A_487, %scan3A_437#12 : vector<16xf32>
      %max3A_505 = arith.maximumf %max3A_489, %min3A_504 : vector<16xf32>
      %min3A_506 = arith.minimumf %max3A_489, %min3A_504 : vector<16xf32>
      %max3A_507 = arith.maximumf %max3A_491, %min3A_506 : vector<16xf32>
      %min3A_508 = arith.minimumf %max3A_491, %min3A_506 : vector<16xf32>
      %max3A_509 = arith.maximumf %max3A_493, %min3A_508 : vector<16xf32>
      %min3A_510 = arith.minimumf %max3A_493, %min3A_508 : vector<16xf32>
      %max3A_511 = arith.maximumf %max3A_495, %min3A_510 : vector<16xf32>
      %min3A_512 = arith.minimumf %max3A_495, %min3A_510 : vector<16xf32>
      %max3A_513 = arith.maximumf %max3A_497, %min3A_512 : vector<16xf32>
      %min3A_514 = arith.minimumf %max3A_497, %min3A_512 : vector<16xf32>
      %max3A_515 = arith.maximumf %max3A_499, %min3A_514 : vector<16xf32>
      %min3A_516 = arith.minimumf %max3A_499, %min3A_514 : vector<16xf32>
      %max3A_517 = arith.maximumf %max3A_501, %min3A_516 : vector<16xf32>
      %min3A_518 = arith.minimumf %max3A_501, %min3A_516 : vector<16xf32>
      %max3A_519 = arith.maximumf %max3A_503, %scan3A_437#13 : vector<16xf32>
      %min3A_520 = arith.minimumf %max3A_503, %scan3A_437#13 : vector<16xf32>
      %max3A_521 = arith.maximumf %max3A_505, %min3A_520 : vector<16xf32>
      %min3A_522 = arith.minimumf %max3A_505, %min3A_520 : vector<16xf32>
      %max3A_523 = arith.maximumf %max3A_507, %min3A_522 : vector<16xf32>
      %min3A_524 = arith.minimumf %max3A_507, %min3A_522 : vector<16xf32>
      %max3A_525 = arith.maximumf %max3A_509, %min3A_524 : vector<16xf32>
      %min3A_526 = arith.minimumf %max3A_509, %min3A_524 : vector<16xf32>
      %max3A_527 = arith.maximumf %max3A_511, %min3A_526 : vector<16xf32>
      %min3A_528 = arith.minimumf %max3A_511, %min3A_526 : vector<16xf32>
      %max3A_529 = arith.maximumf %max3A_513, %min3A_528 : vector<16xf32>
      %min3A_530 = arith.minimumf %max3A_513, %min3A_528 : vector<16xf32>
      %max3A_531 = arith.maximumf %max3A_515, %min3A_530 : vector<16xf32>
      %min3A_532 = arith.minimumf %max3A_515, %min3A_530 : vector<16xf32>
      %max3A_533 = arith.maximumf %max3A_517, %min3A_532 : vector<16xf32>
      %min3A_534 = arith.minimumf %max3A_517, %min3A_532 : vector<16xf32>
      %max3A_535 = arith.maximumf %max3A_519, %scan3A_437#14 : vector<16xf32>
      %min3A_536 = arith.minimumf %max3A_519, %scan3A_437#14 : vector<16xf32>
      %max3A_537 = arith.maximumf %max3A_521, %min3A_536 : vector<16xf32>
      %min3A_538 = arith.minimumf %max3A_521, %min3A_536 : vector<16xf32>
      %max3A_539 = arith.maximumf %max3A_523, %min3A_538 : vector<16xf32>
      %min3A_540 = arith.minimumf %max3A_523, %min3A_538 : vector<16xf32>
      %max3A_541 = arith.maximumf %max3A_525, %min3A_540 : vector<16xf32>
      %min3A_542 = arith.minimumf %max3A_525, %min3A_540 : vector<16xf32>
      %max3A_543 = arith.maximumf %max3A_527, %min3A_542 : vector<16xf32>
      %min3A_544 = arith.minimumf %max3A_527, %min3A_542 : vector<16xf32>
      %max3A_545 = arith.maximumf %max3A_529, %min3A_544 : vector<16xf32>
      %min3A_546 = arith.minimumf %max3A_529, %min3A_544 : vector<16xf32>
      %max3A_547 = arith.maximumf %max3A_531, %min3A_546 : vector<16xf32>
      %min3A_548 = arith.minimumf %max3A_531, %min3A_546 : vector<16xf32>
      %max3A_549 = arith.maximumf %max3A_533, %min3A_548 : vector<16xf32>
      %min3A_550 = arith.minimumf %max3A_533, %min3A_548 : vector<16xf32>
      %max3A_551 = arith.maximumf %max3A_535, %scan3A_437#15 : vector<16xf32>
      %min3A_552 = arith.minimumf %max3A_535, %scan3A_437#15 : vector<16xf32>
      %max3A_553 = arith.maximumf %max3A_537, %min3A_552 : vector<16xf32>
      %min3A_554 = arith.minimumf %max3A_537, %min3A_552 : vector<16xf32>
      %max3A_555 = arith.maximumf %max3A_539, %min3A_554 : vector<16xf32>
      %min3A_556 = arith.minimumf %max3A_539, %min3A_554 : vector<16xf32>
      %max3A_557 = arith.maximumf %max3A_541, %min3A_556 : vector<16xf32>
      %min3A_558 = arith.minimumf %max3A_541, %min3A_556 : vector<16xf32>
      %max3A_559 = arith.maximumf %max3A_543, %min3A_558 : vector<16xf32>
      %min3A_560 = arith.minimumf %max3A_543, %min3A_558 : vector<16xf32>
      %max3A_561 = arith.maximumf %max3A_545, %min3A_560 : vector<16xf32>
      %min3A_562 = arith.minimumf %max3A_545, %min3A_560 : vector<16xf32>
      %max3A_563 = arith.maximumf %max3A_547, %min3A_562 : vector<16xf32>
      %min3A_564 = arith.minimumf %max3A_547, %min3A_562 : vector<16xf32>
      %max3A_565 = arith.maximumf %max3A_549, %min3A_564 : vector<16xf32>
      %min3A_566 = arith.minimumf %max3A_549, %min3A_564 : vector<16xf32>
      %broadcast_in_dim3A_567 = arith.constant 0 : i32
      %broadcast_in_dim3A_568 = vector.broadcast %broadcast_in_dim3A_567 : i32 to vector<16xi32>
      %scan3A_569 = arith.constant 0 : i32
      %scan3A_570 = arith.constant 128 : i32
      %scan3A_571 = arith.addi %scan3A_569, %scan3A_570 : i32
      %scan3A_572 = arith.constant 1 : i32
      %scan3A_573 = scf.for %scan3A_1220 = %scan3A_569 to %scan3A_571 step %scan3A_572 iter_args(%scan3A_1221 = %broadcast_in_dim3A_568) -> (vector<16xi32>)  : i32 {
        %get3A = arith.index_cast %scan3A_1220 : i32 to index
        %get3A_1222 = arith.constant 0 : index
        %get3A_1223 = tpu.vector_load %arg6[%get3A, %get3A_1222] {strides = array<i32>} : memref<128x16xf32, #tpu.memory_space<vmem>>, vector<16xf32>,
        %gt3A = arith.cmpf ogt, %get3A_1223, %max3A_565 : vector<16xf32>
        %lt3A_1224 = arith.constant 8 : i32
        %lt3A_1225 = vector.broadcast %lt3A_1224 : i32 to vector<16xi32>
        %lt3A_1226 = arith.cmpi slt, %scan3A_1221, %lt3A_1225 : vector<16xi32>
        %and3A_1227 = arith.andi %gt3A, %lt3A_1226 : vector<16xi1>
        %broadcast_in_dim3A_1228 = vector.broadcast %scan3A_1220 : i32 to vector<16xi32>
        tpu.vector_store_idx %arg7[%scan3A_1221, %iota3A], %broadcast_in_dim3A_1228 masked %and3A_1227 : memref<8x16xi32, #tpu.memory_space<vmem>>[vector<16xi32>, vector<16xi32>], vector<16xi32>, vector<16xi1>
        %convert_element_type3A_1229 = arith.extui %and3A_1227 : vector<16xi1> to vector<16xi32>
        %add3A_1230 = arith.addi %scan3A_1221, %convert_element_type3A_1229 : vector<16xi32>
        scf.yield %add3A_1230 : vector<16xi32>
      }
      %scan3A_574 = arith.constant 128 : i32
      %scan3A_575 = arith.constant 0 : i32
      %scan3A_576 = arith.constant 128 : i32
      %scan3A_577 = arith.addi %scan3A_575, %scan3A_576 : i32
      %scan3A_578 = arith.constant 1 : i32
      %scan3A_579 = scf.for %scan3A_1220 = %scan3A_575 to %scan3A_577 step %scan3A_578 iter_args(%scan3A_1221 = %scan3A_573) -> (vector<16xi32>)  : i32 {
        %get3A = arith.index_cast %scan3A_1220 : i32 to index
        %get3A_1222 = arith.constant 0 : index
        %get3A_1223 = tpu.vector_load %arg6[%get3A, %get3A_1222] {strides = array<i32>} : memref<128x16xf32, #tpu.memory_space<vmem>>, vector<16xf32>,
        %eq3A_1224 = arith.cmpf oeq, %get3A_1223, %max3A_565 : vector<16xf32>
        %lt3A_1225 = arith.constant 8 : i32
        %lt3A_1226 = vector.broadcast %lt3A_1225 : i32 to vector<16xi32>
        %lt3A_1227 = arith.cmpi slt, %scan3A_1221, %lt3A_1226 : vector<16xi32>
        %and3A_1228 = arith.andi %eq3A_1224, %lt3A_1227 : vector<16xi1>
        %broadcast_in_dim3A_1229 = vector.broadcast %scan3A_1220 : i32 to vector<16xi32>
        tpu.vector_store_idx %arg7[%scan3A_1221, %iota3A], %broadcast_in_dim3A_1229 masked %and3A_1228 : memref<8x16xi32, #tpu.memory_space<vmem>>[vector<16xi32>, vector<16xi32>], vector<16xi32>, vector<16xi1>
        %convert_element_type3A_1230 = arith.extui %and3A_1228 : vector<16xi1> to vector<16xi32>
        %add3A_1231 = arith.addi %scan3A_1221, %convert_element_type3A_1230 : vector<16xi32>
        scf.yield %add3A_1231 : vector<16xi32>
      }
      %scan3A_580 = arith.constant 128 : i32
      %scan3A_581 = arith.constant 0 : i32
      %scan3A_582 = arith.constant 8 : i32
      %scan3A_583 = arith.addi %scan3A_581, %scan3A_582 : i32
      %scan3A_584 = arith.constant 1 : i32
      %scan3A_585:16 = scf.for %scan3A_1220 = %scan3A_581 to %scan3A_583 step %scan3A_584 iter_args(%scan3A_1221 = %scan3A_335#0, %scan3A_1222 = %scan3A_335#1, %scan3A_1223 = %scan3A_335#2, %scan3A_1224 = %scan3A_335#3, %scan3A_1225 = %scan3A_335#4, %scan3A_1226 = %scan3A_335#5, %scan3A_1227 = %scan3A_335#6, %scan3A_1228 = %scan3A_335#7, %scan3A_1229 = %scan3A_335#8, %scan3A_1230 = %scan3A_335#9, %scan3A_1231 = %scan3A_335#10, %scan3A_1232 = %scan3A_335#11, %scan3A_1233 = %scan3A_335#12, %scan3A_1234 = %scan3A_335#13, %scan3A_1235 = %scan3A_335#14, %scan3A_1236 = %scan3A_335#15) -> (vector<16xf32>, vector<16xf32>, vector<16xf32>, vector<16xf32>, vector<16xf32>, vector<16xf32>, vector<16xf32>, vector<16xf32>, vector<16xf32>, vector<16xf32>, vector<16xf32>, vector<16xf32>, vector<16xf32>, vector<16xf32>, vector<16xf32>, vector<16xf32>)  : i32 {
        %get3A = arith.index_cast %scan3A_1220 : i32 to index
        %get3A_1237 = arith.constant 0 : index
        %get3A_1238 = tpu.vector_load %arg7[%get3A, %get3A_1237] {strides = array<i32>} : memref<8x16xi32, #tpu.memory_space<vmem>>, vector<16xi32>,
        %mul3A_1239 = arith.constant 16 : i32
        %mul3A_1240 = vector.broadcast %mul3A_1239 : i32 to vector<16xi32>
        %mul3A_1241 = arith.muli %get3A_1238, %mul3A_1240 : vector<16xi32>
        %add3A_1242 = arith.constant 0 : i32
        %add3A_1243 = vector.broadcast %add3A_1242 : i32 to vector<16xi32>
        %add3A_1244 = arith.addi %mul3A_1241, %add3A_1243 : vector<16xi32>
        %gather3A = tpu.vector_load_idx %arg5[%add3A_1244, %iota3A] : memref<2048x16xf32, #tpu.memory_space<vmem>>[vector<16xi32>, vector<16xi32>], vector<16xf32>,
        %max3A_1245 = arith.maximumf %scan3A_1221, %gather3A : vector<16xf32>
        %min3A_1246 = arith.minimumf %scan3A_1221, %gather3A : vector<16xf32>
        %max3A_1247 = arith.maximumf %scan3A_1222, %min3A_1246 : vector<16xf32>
        %min3A_1248 = arith.minimumf %scan3A_1222, %min3A_1246 : vector<16xf32>
        %max3A_1249 = arith.maximumf %scan3A_1223, %min3A_1248 : vector<16xf32>
        %min3A_1250 = arith.minimumf %scan3A_1223, %min3A_1248 : vector<16xf32>
        %max3A_1251 = arith.maximumf %scan3A_1224, %min3A_1250 : vector<16xf32>
        %min3A_1252 = arith.minimumf %scan3A_1224, %min3A_1250 : vector<16xf32>
        %max3A_1253 = arith.maximumf %scan3A_1225, %min3A_1252 : vector<16xf32>
        %min3A_1254 = arith.minimumf %scan3A_1225, %min3A_1252 : vector<16xf32>
        %max3A_1255 = arith.maximumf %scan3A_1226, %min3A_1254 : vector<16xf32>
        %min3A_1256 = arith.minimumf %scan3A_1226, %min3A_1254 : vector<16xf32>
        %max3A_1257 = arith.maximumf %scan3A_1227, %min3A_1256 : vector<16xf32>
        %min3A_1258 = arith.minimumf %scan3A_1227, %min3A_1256 : vector<16xf32>
        %max3A_1259 = arith.maximumf %scan3A_1228, %min3A_1258 : vector<16xf32>
        %min3A_1260 = arith.minimumf %scan3A_1228, %min3A_1258 : vector<16xf32>
        %add3A_1261 = arith.constant 1 : i32
        %add3A_1262 = vector.broadcast %add3A_1261 : i32 to vector<16xi32>
        %add3A_1263 = arith.addi %mul3A_1241, %add3A_1262 : vector<16xi32>
        %gather3A_1264 = tpu.vector_load_idx %arg5[%add3A_1263, %iota3A] : memref<2048x16xf32, #tpu.memory_space<vmem>>[vector<16xi32>, vector<16xi32>], vector<16xf32>,
        %max3A_1265 = arith.maximumf %max3A_1245, %gather3A_1264 : vector<16xf32>
        %min3A_1266 = arith.minimumf %max3A_1245, %gather3A_1264 : vector<16xf32>
        %max3A_1267 = arith.maximumf %max3A_1247, %min3A_1266 : vector<16xf32>
        %min3A_1268 = arith.minimumf %max3A_1247, %min3A_1266 : vector<16xf32>
        %max3A_1269 = arith.maximumf %max3A_1249, %min3A_1268 : vector<16xf32>
        %min3A_1270 = arith.minimumf %max3A_1249, %min3A_1268 : vector<16xf32>
        %max3A_1271 = arith.maximumf %max3A_1251, %min3A_1270 : vector<16xf32>
        %min3A_1272 = arith.minimumf %max3A_1251, %min3A_1270 : vector<16xf32>
        %max3A_1273 = arith.maximumf %max3A_1253, %min3A_1272 : vector<16xf32>
        %min3A_1274 = arith.minimumf %max3A_1253, %min3A_1272 : vector<16xf32>
        %max3A_1275 = arith.maximumf %max3A_1255, %min3A_1274 : vector<16xf32>
        %min3A_1276 = arith.minimumf %max3A_1255, %min3A_1274 : vector<16xf32>
        %max3A_1277 = arith.maximumf %max3A_1257, %min3A_1276 : vector<16xf32>
        %min3A_1278 = arith.minimumf %max3A_1257, %min3A_1276 : vector<16xf32>
        %max3A_1279 = arith.maximumf %max3A_1259, %min3A_1278 : vector<16xf32>
        %min3A_1280 = arith.minimumf %max3A_1259, %min3A_1278 : vector<16xf32>
        %add3A_1281 = arith.constant 2 : i32
        %add3A_1282 = vector.broadcast %add3A_1281 : i32 to vector<16xi32>
        %add3A_1283 = arith.addi %mul3A_1241, %add3A_1282 : vector<16xi32>
        %gather3A_1284 = tpu.vector_load_idx %arg5[%add3A_1283, %iota3A] : memref<2048x16xf32, #tpu.memory_space<vmem>>[vector<16xi32>, vector<16xi32>], vector<16xf32>,
        %max3A_1285 = arith.maximumf %max3A_1265, %gather3A_1284 : vector<16xf32>
        %min3A_1286 = arith.minimumf %max3A_1265, %gather3A_1284 : vector<16xf32>
        %max3A_1287 = arith.maximumf %max3A_1267, %min3A_1286 : vector<16xf32>
        %min3A_1288 = arith.minimumf %max3A_1267, %min3A_1286 : vector<16xf32>
        %max3A_1289 = arith.maximumf %max3A_1269, %min3A_1288 : vector<16xf32>
        %min3A_1290 = arith.minimumf %max3A_1269, %min3A_1288 : vector<16xf32>
        %max3A_1291 = arith.maximumf %max3A_1271, %min3A_1290 : vector<16xf32>
        %min3A_1292 = arith.minimumf %max3A_1271, %min3A_1290 : vector<16xf32>
        %max3A_1293 = arith.maximumf %max3A_1273, %min3A_1292 : vector<16xf32>
        %min3A_1294 = arith.minimumf %max3A_1273, %min3A_1292 : vector<16xf32>
        %max3A_1295 = arith.maximumf %max3A_1275, %min3A_1294 : vector<16xf32>
        %min3A_1296 = arith.minimumf %max3A_1275, %min3A_1294 : vector<16xf32>
        %max3A_1297 = arith.maximumf %max3A_1277, %min3A_1296 : vector<16xf32>
        %min3A_1298 = arith.minimumf %max3A_1277, %min3A_1296 : vector<16xf32>
        %max3A_1299 = arith.maximumf %max3A_1279, %min3A_1298 : vector<16xf32>
        %min3A_1300 = arith.minimumf %max3A_1279, %min3A_1298 : vector<16xf32>
        %add3A_1301 = arith.constant 3 : i32
        %add3A_1302 = vector.broadcast %add3A_1301 : i32 to vector<16xi32>
        %add3A_1303 = arith.addi %mul3A_1241, %add3A_1302 : vector<16xi32>
        %gather3A_1304 = tpu.vector_load_idx %arg5[%add3A_1303, %iota3A] : memref<2048x16xf32, #tpu.memory_space<vmem>>[vector<16xi32>, vector<16xi32>], vector<16xf32>,
        %max3A_1305 = arith.maximumf %max3A_1285, %gather3A_1304 : vector<16xf32>
        %min3A_1306 = arith.minimumf %max3A_1285, %gather3A_1304 : vector<16xf32>
        %max3A_1307 = arith.maximumf %max3A_1287, %min3A_1306 : vector<16xf32>
        %min3A_1308 = arith.minimumf %max3A_1287, %min3A_1306 : vector<16xf32>
        %max3A_1309 = arith.maximumf %max3A_1289, %min3A_1308 : vector<16xf32>
        %min3A_1310 = arith.minimumf %max3A_1289, %min3A_1308 : vector<16xf32>
        %max3A_1311 = arith.maximumf %max3A_1291, %min3A_1310 : vector<16xf32>
        %min3A_1312 = arith.minimumf %max3A_1291, %min3A_1310 : vector<16xf32>
        %max3A_1313 = arith.maximumf %max3A_1293, %min3A_1312 : vector<16xf32>
        %min3A_1314 = arith.minimumf %max3A_1293, %min3A_1312 : vector<16xf32>
        %max3A_1315 = arith.maximumf %max3A_1295, %min3A_1314 : vector<16xf32>
        %min3A_1316 = arith.minimumf %max3A_1295, %min3A_1314 : vector<16xf32>
        %max3A_1317 = arith.maximumf %max3A_1297, %min3A_1316 : vector<16xf32>
        %min3A_1318 = arith.minimumf %max3A_1297, %min3A_1316 : vector<16xf32>
        %max3A_1319 = arith.maximumf %max3A_1299, %min3A_1318 : vector<16xf32>
        %min3A_1320 = arith.minimumf %max3A_1299, %min3A_1318 : vector<16xf32>
        %add3A_1321 = arith.constant 4 : i32
        %add3A_1322 = vector.broadcast %add3A_1321 : i32 to vector<16xi32>
        %add3A_1323 = arith.addi %mul3A_1241, %add3A_1322 : vector<16xi32>
        %gather3A_1324 = tpu.vector_load_idx %arg5[%add3A_1323, %iota3A] : memref<2048x16xf32, #tpu.memory_space<vmem>>[vector<16xi32>, vector<16xi32>], vector<16xf32>,
        %max3A_1325 = arith.maximumf %max3A_1305, %gather3A_1324 : vector<16xf32>
        %min3A_1326 = arith.minimumf %max3A_1305, %gather3A_1324 : vector<16xf32>
        %max3A_1327 = arith.maximumf %max3A_1307, %min3A_1326 : vector<16xf32>
        %min3A_1328 = arith.minimumf %max3A_1307, %min3A_1326 : vector<16xf32>
        %max3A_1329 = arith.maximumf %max3A_1309, %min3A_1328 : vector<16xf32>
        %min3A_1330 = arith.minimumf %max3A_1309, %min3A_1328 : vector<16xf32>
        %max3A_1331 = arith.maximumf %max3A_1311, %min3A_1330 : vector<16xf32>
        %min3A_1332 = arith.minimumf %max3A_1311, %min3A_1330 : vector<16xf32>
        %max3A_1333 = arith.maximumf %max3A_1313, %min3A_1332 : vector<16xf32>
        %min3A_1334 = arith.minimumf %max3A_1313, %min3A_1332 : vector<16xf32>
        %max3A_1335 = arith.maximumf %max3A_1315, %min3A_1334 : vector<16xf32>
        %min3A_1336 = arith.minimumf %max3A_1315, %min3A_1334 : vector<16xf32>
        %max3A_1337 = arith.maximumf %max3A_1317, %min3A_1336 : vector<16xf32>
        %min3A_1338 = arith.minimumf %max3A_1317, %min3A_1336 : vector<16xf32>
        %max3A_1339 = arith.maximumf %max3A_1319, %min3A_1338 : vector<16xf32>
        %min3A_1340 = arith.minimumf %max3A_1319, %min3A_1338 : vector<16xf32>
        %add3A_1341 = arith.constant 5 : i32
        %add3A_1342 = vector.broadcast %add3A_1341 : i32 to vector<16xi32>
        %add3A_1343 = arith.addi %mul3A_1241, %add3A_1342 : vector<16xi32>
        %gather3A_1344 = tpu.vector_load_idx %arg5[%add3A_1343, %iota3A] : memref<2048x16xf32, #tpu.memory_space<vmem>>[vector<16xi32>, vector<16xi32>], vector<16xf32>,
        %max3A_1345 = arith.maximumf %max3A_1325, %gather3A_1344 : vector<16xf32>
        %min3A_1346 = arith.minimumf %max3A_1325, %gather3A_1344 : vector<16xf32>
        %max3A_1347 = arith.maximumf %max3A_1327, %min3A_1346 : vector<16xf32>
        %min3A_1348 = arith.minimumf %max3A_1327, %min3A_1346 : vector<16xf32>
        %max3A_1349 = arith.maximumf %max3A_1329, %min3A_1348 : vector<16xf32>
        %min3A_1350 = arith.minimumf %max3A_1329, %min3A_1348 : vector<16xf32>
        %max3A_1351 = arith.maximumf %max3A_1331, %min3A_1350 : vector<16xf32>
        %min3A_1352 = arith.minimumf %max3A_1331, %min3A_1350 : vector<16xf32>
        %max3A_1353 = arith.maximumf %max3A_1333, %min3A_1352 : vector<16xf32>
        %min3A_1354 = arith.minimumf %max3A_1333, %min3A_1352 : vector<16xf32>
        %max3A_1355 = arith.maximumf %max3A_1335, %min3A_1354 : vector<16xf32>
        %min3A_1356 = arith.minimumf %max3A_1335, %min3A_1354 : vector<16xf32>
        %max3A_1357 = arith.maximumf %max3A_1337, %min3A_1356 : vector<16xf32>
        %min3A_1358 = arith.minimumf %max3A_1337, %min3A_1356 : vector<16xf32>
        %max3A_1359 = arith.maximumf %max3A_1339, %min3A_1358 : vector<16xf32>
        %min3A_1360 = arith.minimumf %max3A_1339, %min3A_1358 : vector<16xf32>
        %add3A_1361 = arith.constant 6 : i32
        %add3A_1362 = vector.broadcast %add3A_1361 : i32 to vector<16xi32>
        %add3A_1363 = arith.addi %mul3A_1241, %add3A_1362 : vector<16xi32>
        %gather3A_1364 = tpu.vector_load_idx %arg5[%add3A_1363, %iota3A] : memref<2048x16xf32, #tpu.memory_space<vmem>>[vector<16xi32>, vector<16xi32>], vector<16xf32>,
        %max3A_1365 = arith.maximumf %max3A_1345, %gather3A_1364 : vector<16xf32>
        %min3A_1366 = arith.minimumf %max3A_1345, %gather3A_1364 : vector<16xf32>
        %max3A_1367 = arith.maximumf %max3A_1347, %min3A_1366 : vector<16xf32>
        %min3A_1368 = arith.minimumf %max3A_1347, %min3A_1366 : vector<16xf32>
        %max3A_1369 = arith.maximumf %max3A_1349, %min3A_1368 : vector<16xf32>
        %min3A_1370 = arith.minimumf %max3A_1349, %min3A_1368 : vector<16xf32>
        %max3A_1371 = arith.maximumf %max3A_1351, %min3A_1370 : vector<16xf32>
        %min3A_1372 = arith.minimumf %max3A_1351, %min3A_1370 : vector<16xf32>
        %max3A_1373 = arith.maximumf %max3A_1353, %min3A_1372 : vector<16xf32>
        %min3A_1374 = arith.minimumf %max3A_1353, %min3A_1372 : vector<16xf32>
        %max3A_1375 = arith.maximumf %max3A_1355, %min3A_1374 : vector<16xf32>
        %min3A_1376 = arith.minimumf %max3A_1355, %min3A_1374 : vector<16xf32>
        %max3A_1377 = arith.maximumf %max3A_1357, %min3A_1376 : vector<16xf32>
        %min3A_1378 = arith.minimumf %max3A_1357, %min3A_1376 : vector<16xf32>
        %max3A_1379 = arith.maximumf %max3A_1359, %min3A_1378 : vector<16xf32>
        %min3A_1380 = arith.minimumf %max3A_1359, %min3A_1378 : vector<16xf32>
        %add3A_1381 = arith.constant 7 : i32
        %add3A_1382 = vector.broadcast %add3A_1381 : i32 to vector<16xi32>
        %add3A_1383 = arith.addi %mul3A_1241, %add3A_1382 : vector<16xi32>
        %gather3A_1384 = tpu.vector_load_idx %arg5[%add3A_1383, %iota3A] : memref<2048x16xf32, #tpu.memory_space<vmem>>[vector<16xi32>, vector<16xi32>], vector<16xf32>,
        %max3A_1385 = arith.maximumf %max3A_1365, %gather3A_1384 : vector<16xf32>
        %min3A_1386 = arith.minimumf %max3A_1365, %gather3A_1384 : vector<16xf32>
        %max3A_1387 = arith.maximumf %max3A_1367, %min3A_1386 : vector<16xf32>
        %min3A_1388 = arith.minimumf %max3A_1367, %min3A_1386 : vector<16xf32>
        %max3A_1389 = arith.maximumf %max3A_1369, %min3A_1388 : vector<16xf32>
        %min3A_1390 = arith.minimumf %max3A_1369, %min3A_1388 : vector<16xf32>
        %max3A_1391 = arith.maximumf %max3A_1371, %min3A_1390 : vector<16xf32>
        %min3A_1392 = arith.minimumf %max3A_1371, %min3A_1390 : vector<16xf32>
        %max3A_1393 = arith.maximumf %max3A_1373, %min3A_1392 : vector<16xf32>
        %min3A_1394 = arith.minimumf %max3A_1373, %min3A_1392 : vector<16xf32>
        %max3A_1395 = arith.maximumf %max3A_1375, %min3A_1394 : vector<16xf32>
        %min3A_1396 = arith.minimumf %max3A_1375, %min3A_1394 : vector<16xf32>
        %max3A_1397 = arith.maximumf %max3A_1377, %min3A_1396 : vector<16xf32>
        %min3A_1398 = arith.minimumf %max3A_1377, %min3A_1396 : vector<16xf32>
        %max3A_1399 = arith.maximumf %max3A_1379, %min3A_1398 : vector<16xf32>
        %min3A_1400 = arith.minimumf %max3A_1379, %min3A_1398 : vector<16xf32>
        %add3A_1401 = arith.constant 8 : i32
        %add3A_1402 = vector.broadcast %add3A_1401 : i32 to vector<16xi32>
        %add3A_1403 = arith.addi %mul3A_1241, %add3A_1402 : vector<16xi32>
        %gather3A_1404 = tpu.vector_load_idx %arg5[%add3A_1403, %iota3A] : memref<2048x16xf32, #tpu.memory_space<vmem>>[vector<16xi32>, vector<16xi32>], vector<16xf32>,
        %max3A_1405 = arith.maximumf %scan3A_1229, %gather3A_1404 : vector<16xf32>
        %min3A_1406 = arith.minimumf %scan3A_1229, %gather3A_1404 : vector<16xf32>
        %max3A_1407 = arith.maximumf %scan3A_1230, %min3A_1406 : vector<16xf32>
        %min3A_1408 = arith.minimumf %scan3A_1230, %min3A_1406 : vector<16xf32>
        %max3A_1409 = arith.maximumf %scan3A_1231, %min3A_1408 : vector<16xf32>
        %min3A_1410 = arith.minimumf %scan3A_1231, %min3A_1408 : vector<16xf32>
        %max3A_1411 = arith.maximumf %scan3A_1232, %min3A_1410 : vector<16xf32>
        %min3A_1412 = arith.minimumf %scan3A_1232, %min3A_1410 : vector<16xf32>
        %max3A_1413 = arith.maximumf %scan3A_1233, %min3A_1412 : vector<16xf32>
        %min3A_1414 = arith.minimumf %scan3A_1233, %min3A_1412 : vector<16xf32>
        %max3A_1415 = arith.maximumf %scan3A_1234, %min3A_1414 : vector<16xf32>
        %min3A_1416 = arith.minimumf %scan3A_1234, %min3A_1414 : vector<16xf32>
        %max3A_1417 = arith.maximumf %scan3A_1235, %min3A_1416 : vector<16xf32>
        %min3A_1418 = arith.minimumf %scan3A_1235, %min3A_1416 : vector<16xf32>
        %max3A_1419 = arith.maximumf %scan3A_1236, %min3A_1418 : vector<16xf32>
        %min3A_1420 = arith.minimumf %scan3A_1236, %min3A_1418 : vector<16xf32>
        %add3A_1421 = arith.constant 9 : i32
        %add3A_1422 = vector.broadcast %add3A_1421 : i32 to vector<16xi32>
        %add3A_1423 = arith.addi %mul3A_1241, %add3A_1422 : vector<16xi32>
        %gather3A_1424 = tpu.vector_load_idx %arg5[%add3A_1423, %iota3A] : memref<2048x16xf32, #tpu.memory_space<vmem>>[vector<16xi32>, vector<16xi32>], vector<16xf32>,
        %max3A_1425 = arith.maximumf %max3A_1405, %gather3A_1424 : vector<16xf32>
        %min3A_1426 = arith.minimumf %max3A_1405, %gather3A_1424 : vector<16xf32>
        %max3A_1427 = arith.maximumf %max3A_1407, %min3A_1426 : vector<16xf32>
        %min3A_1428 = arith.minimumf %max3A_1407, %min3A_1426 : vector<16xf32>
        %max3A_1429 = arith.maximumf %max3A_1409, %min3A_1428 : vector<16xf32>
        %min3A_1430 = arith.minimumf %max3A_1409, %min3A_1428 : vector<16xf32>
        %max3A_1431 = arith.maximumf %max3A_1411, %min3A_1430 : vector<16xf32>
        %min3A_1432 = arith.minimumf %max3A_1411, %min3A_1430 : vector<16xf32>
        %max3A_1433 = arith.maximumf %max3A_1413, %min3A_1432 : vector<16xf32>
        %min3A_1434 = arith.minimumf %max3A_1413, %min3A_1432 : vector<16xf32>
        %max3A_1435 = arith.maximumf %max3A_1415, %min3A_1434 : vector<16xf32>
        %min3A_1436 = arith.minimumf %max3A_1415, %min3A_1434 : vector<16xf32>
        %max3A_1437 = arith.maximumf %max3A_1417, %min3A_1436 : vector<16xf32>
        %min3A_1438 = arith.minimumf %max3A_1417, %min3A_1436 : vector<16xf32>
        %max3A_1439 = arith.maximumf %max3A_1419, %min3A_1438 : vector<16xf32>
        %min3A_1440 = arith.minimumf %max3A_1419, %min3A_1438 : vector<16xf32>
        %add3A_1441 = arith.constant 10 : i32
        %add3A_1442 = vector.broadcast %add3A_1441 : i32 to vector<16xi32>
        %add3A_1443 = arith.addi %mul3A_1241, %add3A_1442 : vector<16xi32>
        %gather3A_1444 = tpu.vector_load_idx %arg5[%add3A_1443, %iota3A] : memref<2048x16xf32, #tpu.memory_space<vmem>>[vector<16xi32>, vector<16xi32>], vector<16xf32>,
        %max3A_1445 = arith.maximumf %max3A_1425, %gather3A_1444 : vector<16xf32>
        %min3A_1446 = arith.minimumf %max3A_1425, %gather3A_1444 : vector<16xf32>
        %max3A_1447 = arith.maximumf %max3A_1427, %min3A_1446 : vector<16xf32>
        %min3A_1448 = arith.minimumf %max3A_1427, %min3A_1446 : vector<16xf32>
        %max3A_1449 = arith.maximumf %max3A_1429, %min3A_1448 : vector<16xf32>
        %min3A_1450 = arith.minimumf %max3A_1429, %min3A_1448 : vector<16xf32>
        %max3A_1451 = arith.maximumf %max3A_1431, %min3A_1450 : vector<16xf32>
        %min3A_1452 = arith.minimumf %max3A_1431, %min3A_1450 : vector<16xf32>
        %max3A_1453 = arith.maximumf %max3A_1433, %min3A_1452 : vector<16xf32>
        %min3A_1454 = arith.minimumf %max3A_1433, %min3A_1452 : vector<16xf32>
        %max3A_1455 = arith.maximumf %max3A_1435, %min3A_1454 : vector<16xf32>
        %min3A_1456 = arith.minimumf %max3A_1435, %min3A_1454 : vector<16xf32>
        %max3A_1457 = arith.maximumf %max3A_1437, %min3A_1456 : vector<16xf32>
        %min3A_1458 = arith.minimumf %max3A_1437, %min3A_1456 : vector<16xf32>
        %max3A_1459 = arith.maximumf %max3A_1439, %min3A_1458 : vector<16xf32>
        %min3A_1460 = arith.minimumf %max3A_1439, %min3A_1458 : vector<16xf32>
        %add3A_1461 = arith.constant 11 : i32
        %add3A_1462 = vector.broadcast %add3A_1461 : i32 to vector<16xi32>
        %add3A_1463 = arith.addi %mul3A_1241, %add3A_1462 : vector<16xi32>
        %gather3A_1464 = tpu.vector_load_idx %arg5[%add3A_1463, %iota3A] : memref<2048x16xf32, #tpu.memory_space<vmem>>[vector<16xi32>, vector<16xi32>], vector<16xf32>,
        %max3A_1465 = arith.maximumf %max3A_1445, %gather3A_1464 : vector<16xf32>
        %min3A_1466 = arith.minimumf %max3A_1445, %gather3A_1464 : vector<16xf32>
        %max3A_1467 = arith.maximumf %max3A_1447, %min3A_1466 : vector<16xf32>
        %min3A_1468 = arith.minimumf %max3A_1447, %min3A_1466 : vector<16xf32>
        %max3A_1469 = arith.maximumf %max3A_1449, %min3A_1468 : vector<16xf32>
        %min3A_1470 = arith.minimumf %max3A_1449, %min3A_1468 : vector<16xf32>
        %max3A_1471 = arith.maximumf %max3A_1451, %min3A_1470 : vector<16xf32>
        %min3A_1472 = arith.minimumf %max3A_1451, %min3A_1470 : vector<16xf32>
        %max3A_1473 = arith.maximumf %max3A_1453, %min3A_1472 : vector<16xf32>
        %min3A_1474 = arith.minimumf %max3A_1453, %min3A_1472 : vector<16xf32>
        %max3A_1475 = arith.maximumf %max3A_1455, %min3A_1474 : vector<16xf32>
        %min3A_1476 = arith.minimumf %max3A_1455, %min3A_1474 : vector<16xf32>
        %max3A_1477 = arith.maximumf %max3A_1457, %min3A_1476 : vector<16xf32>
        %min3A_1478 = arith.minimumf %max3A_1457, %min3A_1476 : vector<16xf32>
        %max3A_1479 = arith.maximumf %max3A_1459, %min3A_1478 : vector<16xf32>
        %min3A_1480 = arith.minimumf %max3A_1459, %min3A_1478 : vector<16xf32>
        %add3A_1481 = arith.constant 12 : i32
        %add3A_1482 = vector.broadcast %add3A_1481 : i32 to vector<16xi32>
        %add3A_1483 = arith.addi %mul3A_1241, %add3A_1482 : vector<16xi32>
        %gather3A_1484 = tpu.vector_load_idx %arg5[%add3A_1483, %iota3A] : memref<2048x16xf32, #tpu.memory_space<vmem>>[vector<16xi32>, vector<16xi32>], vector<16xf32>,
        %max3A_1485 = arith.maximumf %max3A_1465, %gather3A_1484 : vector<16xf32>
        %min3A_1486 = arith.minimumf %max3A_1465, %gather3A_1484 : vector<16xf32>
        %max3A_1487 = arith.maximumf %max3A_1467, %min3A_1486 : vector<16xf32>
        %min3A_1488 = arith.minimumf %max3A_1467, %min3A_1486 : vector<16xf32>
        %max3A_1489 = arith.maximumf %max3A_1469, %min3A_1488 : vector<16xf32>
        %min3A_1490 = arith.minimumf %max3A_1469, %min3A_1488 : vector<16xf32>
        %max3A_1491 = arith.maximumf %max3A_1471, %min3A_1490 : vector<16xf32>
        %min3A_1492 = arith.minimumf %max3A_1471, %min3A_1490 : vector<16xf32>
        %max3A_1493 = arith.maximumf %max3A_1473, %min3A_1492 : vector<16xf32>
        %min3A_1494 = arith.minimumf %max3A_1473, %min3A_1492 : vector<16xf32>
        %max3A_1495 = arith.maximumf %max3A_1475, %min3A_1494 : vector<16xf32>
        %min3A_1496 = arith.minimumf %max3A_1475, %min3A_1494 : vector<16xf32>
        %max3A_1497 = arith.maximumf %max3A_1477, %min3A_1496 : vector<16xf32>
        %min3A_1498 = arith.minimumf %max3A_1477, %min3A_1496 : vector<16xf32>
        %max3A_1499 = arith.maximumf %max3A_1479, %min3A_1498 : vector<16xf32>
        %min3A_1500 = arith.minimumf %max3A_1479, %min3A_1498 : vector<16xf32>
        %add3A_1501 = arith.constant 13 : i32
        %add3A_1502 = vector.broadcast %add3A_1501 : i32 to vector<16xi32>
        %add3A_1503 = arith.addi %mul3A_1241, %add3A_1502 : vector<16xi32>
        %gather3A_1504 = tpu.vector_load_idx %arg5[%add3A_1503, %iota3A] : memref<2048x16xf32, #tpu.memory_space<vmem>>[vector<16xi32>, vector<16xi32>], vector<16xf32>,
        %max3A_1505 = arith.maximumf %max3A_1485, %gather3A_1504 : vector<16xf32>
        %min3A_1506 = arith.minimumf %max3A_1485, %gather3A_1504 : vector<16xf32>
        %max3A_1507 = arith.maximumf %max3A_1487, %min3A_1506 : vector<16xf32>
        %min3A_1508 = arith.minimumf %max3A_1487, %min3A_1506 : vector<16xf32>
        %max3A_1509 = arith.maximumf %max3A_1489, %min3A_1508 : vector<16xf32>
        %min3A_1510 = arith.minimumf %max3A_1489, %min3A_1508 : vector<16xf32>
        %max3A_1511 = arith.maximumf %max3A_1491, %min3A_1510 : vector<16xf32>
        %min3A_1512 = arith.minimumf %max3A_1491, %min3A_1510 : vector<16xf32>
        %max3A_1513 = arith.maximumf %max3A_1493, %min3A_1512 : vector<16xf32>
        %min3A_1514 = arith.minimumf %max3A_1493, %min3A_1512 : vector<16xf32>
        %max3A_1515 = arith.maximumf %max3A_1495, %min3A_1514 : vector<16xf32>
        %min3A_1516 = arith.minimumf %max3A_1495, %min3A_1514 : vector<16xf32>
        %max3A_1517 = arith.maximumf %max3A_1497, %min3A_1516 : vector<16xf32>
        %min3A_1518 = arith.minimumf %max3A_1497, %min3A_1516 : vector<16xf32>
        %max3A_1519 = arith.maximumf %max3A_1499, %min3A_1518 : vector<16xf32>
        %min3A_1520 = arith.minimumf %max3A_1499, %min3A_1518 : vector<16xf32>
        %add3A_1521 = arith.constant 14 : i32
        %add3A_1522 = vector.broadcast %add3A_1521 : i32 to vector<16xi32>
        %add3A_1523 = arith.addi %mul3A_1241, %add3A_1522 : vector<16xi32>
        %gather3A_1524 = tpu.vector_load_idx %arg5[%add3A_1523, %iota3A] : memref<2048x16xf32, #tpu.memory_space<vmem>>[vector<16xi32>, vector<16xi32>], vector<16xf32>,
        %max3A_1525 = arith.maximumf %max3A_1505, %gather3A_1524 : vector<16xf32>
        %min3A_1526 = arith.minimumf %max3A_1505, %gather3A_1524 : vector<16xf32>
        %max3A_1527 = arith.maximumf %max3A_1507, %min3A_1526 : vector<16xf32>
        %min3A_1528 = arith.minimumf %max3A_1507, %min3A_1526 : vector<16xf32>
        %max3A_1529 = arith.maximumf %max3A_1509, %min3A_1528 : vector<16xf32>
        %min3A_1530 = arith.minimumf %max3A_1509, %min3A_1528 : vector<16xf32>
        %max3A_1531 = arith.maximumf %max3A_1511, %min3A_1530 : vector<16xf32>
        %min3A_1532 = arith.minimumf %max3A_1511, %min3A_1530 : vector<16xf32>
        %max3A_1533 = arith.maximumf %max3A_1513, %min3A_1532 : vector<16xf32>
        %min3A_1534 = arith.minimumf %max3A_1513, %min3A_1532 : vector<16xf32>
        %max3A_1535 = arith.maximumf %max3A_1515, %min3A_1534 : vector<16xf32>
        %min3A_1536 = arith.minimumf %max3A_1515, %min3A_1534 : vector<16xf32>
        %max3A_1537 = arith.maximumf %max3A_1517, %min3A_1536 : vector<16xf32>
        %min3A_1538 = arith.minimumf %max3A_1517, %min3A_1536 : vector<16xf32>
        %max3A_1539 = arith.maximumf %max3A_1519, %min3A_1538 : vector<16xf32>
        %min3A_1540 = arith.minimumf %max3A_1519, %min3A_1538 : vector<16xf32>
        %add3A_1541 = arith.constant 15 : i32
        %add3A_1542 = vector.broadcast %add3A_1541 : i32 to vector<16xi32>
        %add3A_1543 = arith.addi %mul3A_1241, %add3A_1542 : vector<16xi32>
        %gather3A_1544 = tpu.vector_load_idx %arg5[%add3A_1543, %iota3A] : memref<2048x16xf32, #tpu.memory_space<vmem>>[vector<16xi32>, vector<16xi32>], vector<16xf32>,
        %max3A_1545 = arith.maximumf %max3A_1525, %gather3A_1544 : vector<16xf32>
        %min3A_1546 = arith.minimumf %max3A_1525, %gather3A_1544 : vector<16xf32>
        %max3A_1547 = arith.maximumf %max3A_1527, %min3A_1546 : vector<16xf32>
        %min3A_1548 = arith.minimumf %max3A_1527, %min3A_1546 : vector<16xf32>
        %max3A_1549 = arith.maximumf %max3A_1529, %min3A_1548 : vector<16xf32>
        %min3A_1550 = arith.minimumf %max3A_1529, %min3A_1548 : vector<16xf32>
        %max3A_1551 = arith.maximumf %max3A_1531, %min3A_1550 : vector<16xf32>
        %min3A_1552 = arith.minimumf %max3A_1531, %min3A_1550 : vector<16xf32>
        %max3A_1553 = arith.maximumf %max3A_1533, %min3A_1552 : vector<16xf32>
        %min3A_1554 = arith.minimumf %max3A_1533, %min3A_1552 : vector<16xf32>
        %max3A_1555 = arith.maximumf %max3A_1535, %min3A_1554 : vector<16xf32>
        %min3A_1556 = arith.minimumf %max3A_1535, %min3A_1554 : vector<16xf32>
        %max3A_1557 = arith.maximumf %max3A_1537, %min3A_1556 : vector<16xf32>
        %min3A_1558 = arith.minimumf %max3A_1537, %min3A_1556 : vector<16xf32>
        %max3A_1559 = arith.maximumf %max3A_1539, %min3A_1558 : vector<16xf32>
        %min3A_1560 = arith.minimumf %max3A_1539, %min3A_1558 : vector<16xf32>
        scf.yield %max3A_1385, %max3A_1387, %max3A_1389, %max3A_1391, %max3A_1393, %max3A_1395, %max3A_1397, %max3A_1399, %max3A_1545, %max3A_1547, %max3A_1549, %max3A_1551, %max3A_1553, %max3A_1555, %max3A_1557, %max3A_1559 : vector<16xf32>, vector<16xf32>, vector<16xf32>, vector<16xf32>, vector<16xf32>, vector<16xf32>, vector<16xf32>, vector<16xf32>, vector<16xf32>, vector<16xf32>, vector<16xf32>, vector<16xf32>, vector<16xf32>, vector<16xf32>, vector<16xf32>, vector<16xf32>
      }
      %scan3A_586 = arith.constant 8 : i32
      %jit3A_587 = arith.constant 48 : i32
      %div3A_588 = arith.divsi %add3A_49, %jit3A_587 : i32
      %sign3A_589 = arith.constant 0 : i32
      %sign3A_590 = arith.cmpi sgt, %add3A_49, %sign3A_589 : i32
      %sign3A_591 = arith.extui %sign3A_590 : i1 to i32
      %sign3A_592 = arith.constant 0 : i32
      %sign3A_593 = arith.cmpi slt, %add3A_49, %sign3A_592 : i32
      %sign3A_594 = arith.extui %sign3A_593 : i1 to i32
      %sign3A_595 = arith.subi %sign3A_591, %sign3A_594 : i32
      %sign3A_596 = arith.constant 0 : i32
      %sign3A_597 = arith.cmpi sgt, %jit3A_587, %sign3A_596 : i32
      %sign3A_598 = arith.extui %sign3A_597 : i1 to i32
      %sign3A_599 = arith.constant 0 : i32
      %sign3A_600 = arith.cmpi slt, %jit3A_587, %sign3A_599 : i32
      %sign3A_601 = arith.extui %sign3A_600 : i1 to i32
      %sign3A_602 = arith.subi %sign3A_598, %sign3A_601 : i32
      %ne3A_603 = arith.cmpi ne, %sign3A_595, %sign3A_602 : i32
      %rem3A_604 = arith.remsi %add3A_49, %jit3A_587 : i32
      %ne3A_605 = arith.constant 0 : i32
      %ne3A_606 = arith.cmpi ne, %rem3A_604, %ne3A_605 : i32
      %and3A_607 = arith.andi %ne3A_603, %ne3A_606 : i1
      %sub3A_608 = arith.constant 1 : i32
      %sub3A_609 = arith.subi %div3A_588, %sub3A_608 : i32
      %select_n3A_610 = arith.select %and3A_607, %sub3A_609, %div3A_588 : i32
      %jit3A_611 = arith.constant 48 : i32
      %eq3A_612 = arith.constant 0 : i32
      %eq3A_613 = arith.cmpi eq, %jit3A_611, %eq3A_612 : i32
      %jit3A_614 = arith.constant 1 : i32
      %select_n3A_615 = arith.select %eq3A_613, %jit3A_614, %jit3A_611 : i32
      %rem3A_616 = arith.remsi %add3A_49, %select_n3A_615 : i32
      %ne3A_617 = arith.constant 0 : i32
      %ne3A_618 = arith.cmpi ne, %rem3A_616, %ne3A_617 : i32
      %lt3A_619 = arith.constant 0 : i32
      %lt3A_620 = arith.cmpi slt, %rem3A_616, %lt3A_619 : i32
      %lt3A_621 = arith.constant 0 : i32
      %lt3A_622 = arith.cmpi slt, %select_n3A_615, %lt3A_621 : i32
      %ne3A_623 = arith.xori %lt3A_620, %lt3A_622 : i1
      %and3A_624 = arith.andi %ne3A_623, %ne3A_618 : i1
      %add3A_625 = arith.addi %rem3A_616, %select_n3A_615 : i32
      %select_n3A_626 = arith.select %and3A_624, %add3A_625, %rem3A_616 : i32
      %mul3A_627 = arith.constant 16 : i32
      %mul3A_628 = arith.muli %select_n3A_626, %mul3A_627 : i32
      %dma_wait3A_629 = arith.constant 4096 : i32
      %dma_wait3A_630 = tpu.memref_slice %arg2[%select_n3A_610, %dma_wait3A_629, %mul3A_628] : memref<4x8192x768xf32, #tpu.memory_space<hbm>> -> memref<1x2048x16xf32, #tpu.memory_space<hbm>>
      %dma_wait3A_631 = tpu.memref_squeeze %dma_wait3A_630 : memref<1x2048x16xf32, #tpu.memory_space<hbm>> -> memref<2048x16xf32, #tpu.memory_space<hbm>>
      %dma_wait3A_632 = arith.constant 4096 : i32
      %dma_wait3A_633 = tpu.memref_slice %arg2[%select_n3A_610, %dma_wait3A_632, %mul3A_628] : memref<4x8192x768xf32, #tpu.memory_space<hbm>> -> memref<1x2048x16xf32, #tpu.memory_space<hbm>>
      %dma_wait3A_634 = tpu.memref_squeeze %dma_wait3A_633 : memref<1x2048x16xf32, #tpu.memory_space<hbm>> -> memref<2048x16xf32, #tpu.memory_space<hbm>>
      tpu.wait_dma2 semaphore(%arg9 : memref<!tpu.dma_semaphore, #tpu.memory_space<semaphore_mem>>) src(%dma_wait3A_634 : memref<2048x16xf32, #tpu.memory_space<hbm>>) dst(%arg4 : memref<2048x16xf32, #tpu.memory_space<vmem>>)
      %jit3A_635 = arith.constant 48 : i32
      %div3A_636 = arith.divsi %add3A_49, %jit3A_635 : i32
      %sign3A_637 = arith.constant 0 : i32
      %sign3A_638 = arith.cmpi sgt, %add3A_49, %sign3A_637 : i32
      %sign3A_639 = arith.extui %sign3A_638 : i1 to i32
      %sign3A_640 = arith.constant 0 : i32
      %sign3A_641 = arith.cmpi slt, %add3A_49, %sign3A_640 : i32
      %sign3A_642 = arith.extui %sign3A_641 : i1 to i32
      %sign3A_643 = arith.subi %sign3A_639, %sign3A_642 : i32
      %sign3A_644 = arith.constant 0 : i32
      %sign3A_645 = arith.cmpi sgt, %jit3A_635, %sign3A_644 : i32
      %sign3A_646 = arith.extui %sign3A_645 : i1 to i32
      %sign3A_647 = arith.constant 0 : i32
      %sign3A_648 = arith.cmpi slt, %jit3A_635, %sign3A_647 : i32
      %sign3A_649 = arith.extui %sign3A_648 : i1 to i32
      %sign3A_650 = arith.subi %sign3A_646, %sign3A_649 : i32
      %ne3A_651 = arith.cmpi ne, %sign3A_643, %sign3A_650 : i32
      %rem3A_652 = arith.remsi %add3A_49, %jit3A_635 : i32
      %ne3A_653 = arith.constant 0 : i32
      %ne3A_654 = arith.cmpi ne, %rem3A_652, %ne3A_653 : i32
      %and3A_655 = arith.andi %ne3A_651, %ne3A_654 : i1
      %sub3A_656 = arith.constant 1 : i32
      %sub3A_657 = arith.subi %div3A_636, %sub3A_656 : i32
      %select_n3A_658 = arith.select %and3A_655, %sub3A_657, %div3A_636 : i32
      %jit3A_659 = arith.constant 48 : i32
      %eq3A_660 = arith.constant 0 : i32
      %eq3A_661 = arith.cmpi eq, %jit3A_659, %eq3A_660 : i32
      %jit3A_662 = arith.constant 1 : i32
      %select_n3A_663 = arith.select %eq3A_661, %jit3A_662, %jit3A_659 : i32
      %rem3A_664 = arith.remsi %add3A_49, %select_n3A_663 : i32
      %ne3A_665 = arith.constant 0 : i32
      %ne3A_666 = arith.cmpi ne, %rem3A_664, %ne3A_665 : i32
      %lt3A_667 = arith.constant 0 : i32
      %lt3A_668 = arith.cmpi slt, %rem3A_664, %lt3A_667 : i32
      %lt3A_669 = arith.constant 0 : i32
      %lt3A_670 = arith.cmpi slt, %select_n3A_663, %lt3A_669 : i32
      %ne3A_671 = arith.xori %lt3A_668, %lt3A_670 : i1
      %and3A_672 = arith.andi %ne3A_671, %ne3A_666 : i1
      %add3A_673 = arith.addi %rem3A_664, %select_n3A_663 : i32
      %select_n3A_674 = arith.select %and3A_672, %add3A_673, %rem3A_664 : i32
      %mul3A_675 = arith.constant 16 : i32
      %mul3A_676 = arith.muli %select_n3A_674, %mul3A_675 : i32
      %dma_start3A_677 = arith.constant 6144 : i32
      %dma_start3A_678 = tpu.memref_slice %arg2[%select_n3A_658, %dma_start3A_677, %mul3A_676] : memref<4x8192x768xf32, #tpu.memory_space<hbm>> -> memref<1x2048x16xf32, #tpu.memory_space<hbm>>
      %dma_start3A_679 = tpu.memref_squeeze %dma_start3A_678 : memref<1x2048x16xf32, #tpu.memory_space<hbm>> -> memref<2048x16xf32, #tpu.memory_space<hbm>>
      %dma_start3A_680 = arith.constant 6144 : i32
      %dma_start3A_681 = tpu.memref_slice %arg2[%select_n3A_658, %dma_start3A_680, %mul3A_676] : memref<4x8192x768xf32, #tpu.memory_space<hbm>> -> memref<1x2048x16xf32, #tpu.memory_space<hbm>>
      %dma_start3A_682 = tpu.memref_squeeze %dma_start3A_681 : memref<1x2048x16xf32, #tpu.memory_space<hbm>> -> memref<2048x16xf32, #tpu.memory_space<hbm>>
      tpu.enqueue_dma source(%dma_start3A_682 : memref<2048x16xf32, #tpu.memory_space<hbm>>) target(%arg5 : memref<2048x16xf32, #tpu.memory_space<vmem>>) target_semaphore(%arg10 : memref<!tpu.dma_semaphore, #tpu.memory_space<semaphore_mem>>)
      %scan3A_683 = arith.constant 0 : i32
      %scan3A_684 = arith.constant 64 : i32
      %scan3A_685 = arith.addi %scan3A_683, %scan3A_684 : i32
      %scan3A_686 = arith.constant 1 : i32
      %scan3A_687:16 = scf.for %scan3A_1220 = %scan3A_683 to %scan3A_685 step %scan3A_686 iter_args(%scan3A_1221 = %broadcast_in_dim3A_1, %scan3A_1222 = %broadcast_in_dim3A_1, %scan3A_1223 = %broadcast_in_dim3A_1, %scan3A_1224 = %broadcast_in_dim3A_1, %scan3A_1225 = %broadcast_in_dim3A_1, %scan3A_1226 = %broadcast_in_dim3A_1, %scan3A_1227 = %broadcast_in_dim3A_1, %scan3A_1228 = %broadcast_in_dim3A_1, %scan3A_1229 = %broadcast_in_dim3A_1, %scan3A_1230 = %broadcast_in_dim3A_1, %scan3A_1231 = %broadcast_in_dim3A_1, %scan3A_1232 = %broadcast_in_dim3A_1, %scan3A_1233 = %broadcast_in_dim3A_1, %scan3A_1234 = %broadcast_in_dim3A_1, %scan3A_1235 = %broadcast_in_dim3A_1, %scan3A_1236 = %broadcast_in_dim3A_1) -> (vector<16xf32>, vector<16xf32>, vector<16xf32>, vector<16xf32>, vector<16xf32>, vector<16xf32>, vector<16xf32>, vector<16xf32>, vector<16xf32>, vector<16xf32>, vector<16xf32>, vector<16xf32>, vector<16xf32>, vector<16xf32>, vector<16xf32>, vector<16xf32>)  : i32 {
        %mul3A_1237 = arith.constant 32 : i32
        %mul3A_1238 = arith.muli %scan3A_1220, %mul3A_1237 : i32
        %add3A_1239 = arith.constant 0 : i32
        %add3A_1240 = arith.addi %mul3A_1238, %add3A_1239 : i32
        %get3A = arith.index_cast %add3A_1240 : i32 to index
        %get3A_1241 = arith.constant 0 : index
        %get3A_1242 = tpu.vector_load %arg4[%get3A, %get3A_1241] {strides = array<i32>} : memref<2048x16xf32, #tpu.memory_space<vmem>>, vector<16xf32>,
        %add3A_1243 = arith.constant 1 : i32
        %add3A_1244 = arith.addi %mul3A_1238, %add3A_1243 : i32
        %get3A_1245 = arith.index_cast %add3A_1244 : i32 to index
        %get3A_1246 = arith.constant 0 : index
        %get3A_1247 = tpu.vector_load %arg4[%get3A_1245, %get3A_1246] {strides = array<i32>} : memref<2048x16xf32, #tpu.memory_space<vmem>>, vector<16xf32>,
        %add3A_1248 = arith.constant 2 : i32
        %add3A_1249 = arith.addi %mul3A_1238, %add3A_1248 : i32
        %get3A_1250 = arith.index_cast %add3A_1249 : i32 to index
        %get3A_1251 = arith.constant 0 : index
        %get3A_1252 = tpu.vector_load %arg4[%get3A_1250, %get3A_1251] {strides = array<i32>} : memref<2048x16xf32, #tpu.memory_space<vmem>>, vector<16xf32>,
        %add3A_1253 = arith.constant 3 : i32
        %add3A_1254 = arith.addi %mul3A_1238, %add3A_1253 : i32
        %get3A_1255 = arith.index_cast %add3A_1254 : i32 to index
        %get3A_1256 = arith.constant 0 : index
        %get3A_1257 = tpu.vector_load %arg4[%get3A_1255, %get3A_1256] {strides = array<i32>} : memref<2048x16xf32, #tpu.memory_space<vmem>>, vector<16xf32>,
        %add3A_1258 = arith.constant 4 : i32
        %add3A_1259 = arith.addi %mul3A_1238, %add3A_1258 : i32
        %get3A_1260 = arith.index_cast %add3A_1259 : i32 to index
        %get3A_1261 = arith.constant 0 : index
        %get3A_1262 = tpu.vector_load %arg4[%get3A_1260, %get3A_1261] {strides = array<i32>} : memref<2048x16xf32, #tpu.memory_space<vmem>>, vector<16xf32>,
        %add3A_1263 = arith.constant 5 : i32
        %add3A_1264 = arith.addi %mul3A_1238, %add3A_1263 : i32
        %get3A_1265 = arith.index_cast %add3A_1264 : i32 to index
        %get3A_1266 = arith.constant 0 : index
        %get3A_1267 = tpu.vector_load %arg4[%get3A_1265, %get3A_1266] {strides = array<i32>} : memref<2048x16xf32, #tpu.memory_space<vmem>>, vector<16xf32>,
        %add3A_1268 = arith.constant 6 : i32
        %add3A_1269 = arith.addi %mul3A_1238, %add3A_1268 : i32
        %get3A_1270 = arith.index_cast %add3A_1269 : i32 to index
        %get3A_1271 = arith.constant 0 : index
        %get3A_1272 = tpu.vector_load %arg4[%get3A_1270, %get3A_1271] {strides = array<i32>} : memref<2048x16xf32, #tpu.memory_space<vmem>>, vector<16xf32>,
        %add3A_1273 = arith.constant 7 : i32
        %add3A_1274 = arith.addi %mul3A_1238, %add3A_1273 : i32
        %get3A_1275 = arith.index_cast %add3A_1274 : i32 to index
        %get3A_1276 = arith.constant 0 : index
        %get3A_1277 = tpu.vector_load %arg4[%get3A_1275, %get3A_1276] {strides = array<i32>} : memref<2048x16xf32, #tpu.memory_space<vmem>>, vector<16xf32>,
        %add3A_1278 = arith.constant 8 : i32
        %add3A_1279 = arith.addi %mul3A_1238, %add3A_1278 : i32
        %get3A_1280 = arith.index_cast %add3A_1279 : i32 to index
        %get3A_1281 = arith.constant 0 : index
        %get3A_1282 = tpu.vector_load %arg4[%get3A_1280, %get3A_1281] {strides = array<i32>} : memref<2048x16xf32, #tpu.memory_space<vmem>>, vector<16xf32>,
        %add3A_1283 = arith.constant 9 : i32
        %add3A_1284 = arith.addi %mul3A_1238, %add3A_1283 : i32
        %get3A_1285 = arith.index_cast %add3A_1284 : i32 to index
        %get3A_1286 = arith.constant 0 : index
        %get3A_1287 = tpu.vector_load %arg4[%get3A_1285, %get3A_1286] {strides = array<i32>} : memref<2048x16xf32, #tpu.memory_space<vmem>>, vector<16xf32>,
        %add3A_1288 = arith.constant 10 : i32
        %add3A_1289 = arith.addi %mul3A_1238, %add3A_1288 : i32
        %get3A_1290 = arith.index_cast %add3A_1289 : i32 to index
        %get3A_1291 = arith.constant 0 : index
        %get3A_1292 = tpu.vector_load %arg4[%get3A_1290, %get3A_1291] {strides = array<i32>} : memref<2048x16xf32, #tpu.memory_space<vmem>>, vector<16xf32>,
        %add3A_1293 = arith.constant 11 : i32
        %add3A_1294 = arith.addi %mul3A_1238, %add3A_1293 : i32
        %get3A_1295 = arith.index_cast %add3A_1294 : i32 to index
        %get3A_1296 = arith.constant 0 : index
        %get3A_1297 = tpu.vector_load %arg4[%get3A_1295, %get3A_1296] {strides = array<i32>} : memref<2048x16xf32, #tpu.memory_space<vmem>>, vector<16xf32>,
        %add3A_1298 = arith.constant 12 : i32
        %add3A_1299 = arith.addi %mul3A_1238, %add3A_1298 : i32
        %get3A_1300 = arith.index_cast %add3A_1299 : i32 to index
        %get3A_1301 = arith.constant 0 : index
        %get3A_1302 = tpu.vector_load %arg4[%get3A_1300, %get3A_1301] {strides = array<i32>} : memref<2048x16xf32, #tpu.memory_space<vmem>>, vector<16xf32>,
        %add3A_1303 = arith.constant 13 : i32
        %add3A_1304 = arith.addi %mul3A_1238, %add3A_1303 : i32
        %get3A_1305 = arith.index_cast %add3A_1304 : i32 to index
        %get3A_1306 = arith.constant 0 : index
        %get3A_1307 = tpu.vector_load %arg4[%get3A_1305, %get3A_1306] {strides = array<i32>} : memref<2048x16xf32, #tpu.memory_space<vmem>>, vector<16xf32>,
        %add3A_1308 = arith.constant 14 : i32
        %add3A_1309 = arith.addi %mul3A_1238, %add3A_1308 : i32
        %get3A_1310 = arith.index_cast %add3A_1309 : i32 to index
        %get3A_1311 = arith.constant 0 : index
        %get3A_1312 = tpu.vector_load %arg4[%get3A_1310, %get3A_1311] {strides = array<i32>} : memref<2048x16xf32, #tpu.memory_space<vmem>>, vector<16xf32>,
        %add3A_1313 = arith.constant 15 : i32
        %add3A_1314 = arith.addi %mul3A_1238, %add3A_1313 : i32
        %get3A_1315 = arith.index_cast %add3A_1314 : i32 to index
        %get3A_1316 = arith.constant 0 : index
        %get3A_1317 = tpu.vector_load %arg4[%get3A_1315, %get3A_1316] {strides = array<i32>} : memref<2048x16xf32, #tpu.memory_space<vmem>>, vector<16xf32>,
        %max3A_1318 = arith.maximumf %get3A_1242, %get3A_1247 : vector<16xf32>
        %max3A_1319 = arith.maximumf %get3A_1252, %get3A_1257 : vector<16xf32>
        %max3A_1320 = arith.maximumf %get3A_1262, %get3A_1267 : vector<16xf32>
        %max3A_1321 = arith.maximumf %get3A_1272, %get3A_1277 : vector<16xf32>
        %max3A_1322 = arith.maximumf %get3A_1282, %get3A_1287 : vector<16xf32>
        %max3A_1323 = arith.maximumf %get3A_1292, %get3A_1297 : vector<16xf32>
        %max3A_1324 = arith.maximumf %get3A_1302, %get3A_1307 : vector<16xf32>
        %max3A_1325 = arith.maximumf %get3A_1312, %get3A_1317 : vector<16xf32>
        %max3A_1326 = arith.maximumf %max3A_1318, %max3A_1319 : vector<16xf32>
        %max3A_1327 = arith.maximumf %max3A_1320, %max3A_1321 : vector<16xf32>
        %max3A_1328 = arith.maximumf %max3A_1322, %max3A_1323 : vector<16xf32>
        %max3A_1329 = arith.maximumf %max3A_1324, %max3A_1325 : vector<16xf32>
        %max3A_1330 = arith.maximumf %max3A_1326, %max3A_1327 : vector<16xf32>
        %max3A_1331 = arith.maximumf %max3A_1328, %max3A_1329 : vector<16xf32>
        %max3A_1332 = arith.maximumf %max3A_1330, %max3A_1331 : vector<16xf32>
        %add3A_1333 = arith.constant 16 : i32
        %add3A_1334 = arith.addi %mul3A_1238, %add3A_1333 : i32
        %add3A_1335 = arith.constant 0 : i32
        %add3A_1336 = arith.addi %add3A_1334, %add3A_1335 : i32
        %get3A_1337 = arith.index_cast %add3A_1336 : i32 to index
        %get3A_1338 = arith.constant 0 : index
        %get3A_1339 = tpu.vector_load %arg4[%get3A_1337, %get3A_1338] {strides = array<i32>} : memref<2048x16xf32, #tpu.memory_space<vmem>>, vector<16xf32>,
        %add3A_1340 = arith.constant 16 : i32
        %add3A_1341 = arith.addi %mul3A_1238, %add3A_1340 : i32
        %add3A_1342 = arith.constant 1 : i32
        %add3A_1343 = arith.addi %add3A_1341, %add3A_1342 : i32
        %get3A_1344 = arith.index_cast %add3A_1343 : i32 to index
        %get3A_1345 = arith.constant 0 : index
        %get3A_1346 = tpu.vector_load %arg4[%get3A_1344, %get3A_1345] {strides = array<i32>} : memref<2048x16xf32, #tpu.memory_space<vmem>>, vector<16xf32>,
        %add3A_1347 = arith.constant 16 : i32
        %add3A_1348 = arith.addi %mul3A_1238, %add3A_1347 : i32
        %add3A_1349 = arith.constant 2 : i32
        %add3A_1350 = arith.addi %add3A_1348, %add3A_1349 : i32
        %get3A_1351 = arith.index_cast %add3A_1350 : i32 to index
        %get3A_1352 = arith.constant 0 : index
        %get3A_1353 = tpu.vector_load %arg4[%get3A_1351, %get3A_1352] {strides = array<i32>} : memref<2048x16xf32, #tpu.memory_space<vmem>>, vector<16xf32>,
        %add3A_1354 = arith.constant 16 : i32
        %add3A_1355 = arith.addi %mul3A_1238, %add3A_1354 : i32
        %add3A_1356 = arith.constant 3 : i32
        %add3A_1357 = arith.addi %add3A_1355, %add3A_1356 : i32
        %get3A_1358 = arith.index_cast %add3A_1357 : i32 to index
        %get3A_1359 = arith.constant 0 : index
        %get3A_1360 = tpu.vector_load %arg4[%get3A_1358, %get3A_1359] {strides = array<i32>} : memref<2048x16xf32, #tpu.memory_space<vmem>>, vector<16xf32>,
        %add3A_1361 = arith.constant 16 : i32
        %add3A_1362 = arith.addi %mul3A_1238, %add3A_1361 : i32
        %add3A_1363 = arith.constant 4 : i32
        %add3A_1364 = arith.addi %add3A_1362, %add3A_1363 : i32
        %get3A_1365 = arith.index_cast %add3A_1364 : i32 to index
        %get3A_1366 = arith.constant 0 : index
        %get3A_1367 = tpu.vector_load %arg4[%get3A_1365, %get3A_1366] {strides = array<i32>} : memref<2048x16xf32, #tpu.memory_space<vmem>>, vector<16xf32>,
        %add3A_1368 = arith.constant 16 : i32
        %add3A_1369 = arith.addi %mul3A_1238, %add3A_1368 : i32
        %add3A_1370 = arith.constant 5 : i32
        %add3A_1371 = arith.addi %add3A_1369, %add3A_1370 : i32
        %get3A_1372 = arith.index_cast %add3A_1371 : i32 to index
        %get3A_1373 = arith.constant 0 : index
        %get3A_1374 = tpu.vector_load %arg4[%get3A_1372, %get3A_1373] {strides = array<i32>} : memref<2048x16xf32, #tpu.memory_space<vmem>>, vector<16xf32>,
        %add3A_1375 = arith.constant 16 : i32
        %add3A_1376 = arith.addi %mul3A_1238, %add3A_1375 : i32
        %add3A_1377 = arith.constant 6 : i32
        %add3A_1378 = arith.addi %add3A_1376, %add3A_1377 : i32
        %get3A_1379 = arith.index_cast %add3A_1378 : i32 to index
        %get3A_1380 = arith.constant 0 : index
        %get3A_1381 = tpu.vector_load %arg4[%get3A_1379, %get3A_1380] {strides = array<i32>} : memref<2048x16xf32, #tpu.memory_space<vmem>>, vector<16xf32>,
        %add3A_1382 = arith.constant 16 : i32
        %add3A_1383 = arith.addi %mul3A_1238, %add3A_1382 : i32
        %add3A_1384 = arith.constant 7 : i32
        %add3A_1385 = arith.addi %add3A_1383, %add3A_1384 : i32
        %get3A_1386 = arith.index_cast %add3A_1385 : i32 to index
        %get3A_1387 = arith.constant 0 : index
        %get3A_1388 = tpu.vector_load %arg4[%get3A_1386, %get3A_1387] {strides = array<i32>} : memref<2048x16xf32, #tpu.memory_space<vmem>>, vector<16xf32>,
        %add3A_1389 = arith.constant 16 : i32
        %add3A_1390 = arith.addi %mul3A_1238, %add3A_1389 : i32
        %add3A_1391 = arith.constant 8 : i32
        %add3A_1392 = arith.addi %add3A_1390, %add3A_1391 : i32
        %get3A_1393 = arith.index_cast %add3A_1392 : i32 to index
        %get3A_1394 = arith.constant 0 : index
        %get3A_1395 = tpu.vector_load %arg4[%get3A_1393, %get3A_1394] {strides = array<i32>} : memref<2048x16xf32, #tpu.memory_space<vmem>>, vector<16xf32>,
        %add3A_1396 = arith.constant 16 : i32
        %add3A_1397 = arith.addi %mul3A_1238, %add3A_1396 : i32
        %add3A_1398 = arith.constant 9 : i32
        %add3A_1399 = arith.addi %add3A_1397, %add3A_1398 : i32
        %get3A_1400 = arith.index_cast %add3A_1399 : i32 to index
        %get3A_1401 = arith.constant 0 : index
        %get3A_1402 = tpu.vector_load %arg4[%get3A_1400, %get3A_1401] {strides = array<i32>} : memref<2048x16xf32, #tpu.memory_space<vmem>>, vector<16xf32>,
        %add3A_1403 = arith.constant 16 : i32
        %add3A_1404 = arith.addi %mul3A_1238, %add3A_1403 : i32
        %add3A_1405 = arith.constant 10 : i32
        %add3A_1406 = arith.addi %add3A_1404, %add3A_1405 : i32
        %get3A_1407 = arith.index_cast %add3A_1406 : i32 to index
        %get3A_1408 = arith.constant 0 : index
        %get3A_1409 = tpu.vector_load %arg4[%get3A_1407, %get3A_1408] {strides = array<i32>} : memref<2048x16xf32, #tpu.memory_space<vmem>>, vector<16xf32>,
        %add3A_1410 = arith.constant 16 : i32
        %add3A_1411 = arith.addi %mul3A_1238, %add3A_1410 : i32
        %add3A_1412 = arith.constant 11 : i32
        %add3A_1413 = arith.addi %add3A_1411, %add3A_1412 : i32
        %get3A_1414 = arith.index_cast %add3A_1413 : i32 to index
        %get3A_1415 = arith.constant 0 : index
        %get3A_1416 = tpu.vector_load %arg4[%get3A_1414, %get3A_1415] {strides = array<i32>} : memref<2048x16xf32, #tpu.memory_space<vmem>>, vector<16xf32>,
        %add3A_1417 = arith.constant 16 : i32
        %add3A_1418 = arith.addi %mul3A_1238, %add3A_1417 : i32
        %add3A_1419 = arith.constant 12 : i32
        %add3A_1420 = arith.addi %add3A_1418, %add3A_1419 : i32
        %get3A_1421 = arith.index_cast %add3A_1420 : i32 to index
        %get3A_1422 = arith.constant 0 : index
        %get3A_1423 = tpu.vector_load %arg4[%get3A_1421, %get3A_1422] {strides = array<i32>} : memref<2048x16xf32, #tpu.memory_space<vmem>>, vector<16xf32>,
        %add3A_1424 = arith.constant 16 : i32
        %add3A_1425 = arith.addi %mul3A_1238, %add3A_1424 : i32
        %add3A_1426 = arith.constant 13 : i32
        %add3A_1427 = arith.addi %add3A_1425, %add3A_1426 : i32
        %get3A_1428 = arith.index_cast %add3A_1427 : i32 to index
        %get3A_1429 = arith.constant 0 : index
        %get3A_1430 = tpu.vector_load %arg4[%get3A_1428, %get3A_1429] {strides = array<i32>} : memref<2048x16xf32, #tpu.memory_space<vmem>>, vector<16xf32>,
        %add3A_1431 = arith.constant 16 : i32
        %add3A_1432 = arith.addi %mul3A_1238, %add3A_1431 : i32
        %add3A_1433 = arith.constant 14 : i32
        %add3A_1434 = arith.addi %add3A_1432, %add3A_1433 : i32
        %get3A_1435 = arith.index_cast %add3A_1434 : i32 to index
        %get3A_1436 = arith.constant 0 : index
        %get3A_1437 = tpu.vector_load %arg4[%get3A_1435, %get3A_1436] {strides = array<i32>} : memref<2048x16xf32, #tpu.memory_space<vmem>>, vector<16xf32>,
        %add3A_1438 = arith.constant 16 : i32
        %add3A_1439 = arith.addi %mul3A_1238, %add3A_1438 : i32
        %add3A_1440 = arith.constant 15 : i32
        %add3A_1441 = arith.addi %add3A_1439, %add3A_1440 : i32
        %get3A_1442 = arith.index_cast %add3A_1441 : i32 to index
        %get3A_1443 = arith.constant 0 : index
        %get3A_1444 = tpu.vector_load %arg4[%get3A_1442, %get3A_1443] {strides = array<i32>} : memref<2048x16xf32, #tpu.memory_space<vmem>>, vector<16xf32>,
        %max3A_1445 = arith.maximumf %get3A_1339, %get3A_1346 : vector<16xf32>
        %max3A_1446 = arith.maximumf %get3A_1353, %get3A_1360 : vector<16xf32>
        %max3A_1447 = arith.maximumf %get3A_1367, %get3A_1374 : vector<16xf32>
        %max3A_1448 = arith.maximumf %get3A_1381, %get3A_1388 : vector<16xf32>
        %max3A_1449 = arith.maximumf %get3A_1395, %get3A_1402 : vector<16xf32>
        %max3A_1450 = arith.maximumf %get3A_1409, %get3A_1416 : vector<16xf32>
        %max3A_1451 = arith.maximumf %get3A_1423, %get3A_1430 : vector<16xf32>
        %max3A_1452 = arith.maximumf %get3A_1437, %get3A_1444 : vector<16xf32>
        %max3A_1453 = arith.maximumf %max3A_1445, %max3A_1446 : vector<16xf32>
        %max3A_1454 = arith.maximumf %max3A_1447, %max3A_1448 : vector<16xf32>
        %max3A_1455 = arith.maximumf %max3A_1449, %max3A_1450 : vector<16xf32>
        %max3A_1456 = arith.maximumf %max3A_1451, %max3A_1452 : vector<16xf32>
        %max3A_1457 = arith.maximumf %max3A_1453, %max3A_1454 : vector<16xf32>
        %max3A_1458 = arith.maximumf %max3A_1455, %max3A_1456 : vector<16xf32>
        %max3A_1459 = arith.maximumf %max3A_1457, %max3A_1458 : vector<16xf32>
        %mul3A_1460 = arith.constant 2 : i32
        %mul3A_1461 = arith.muli %mul3A_1460, %scan3A_1220 : i32
        %swap3A = arith.index_cast %mul3A_1461 : i32 to index
        %swap3A_1462 = arith.constant 0 : index
        %swap3A_1463 = tpu.vector_load %arg6[%swap3A, %swap3A_1462] {strides = array<i32>} : memref<128x16xf32, #tpu.memory_space<vmem>>, vector<16xf32>,
        tpu.vector_store %arg6[%swap3A, %swap3A_1462], %max3A_1332 {strides = array<i32>} : memref<128x16xf32, #tpu.memory_space<vmem>>, vector<16xf32>,
        %mul3A_1464 = arith.constant 2 : i32
        %mul3A_1465 = arith.muli %mul3A_1464, %scan3A_1220 : i32
        %add3A_1466 = arith.constant 1 : i32
        %add3A_1467 = arith.addi %mul3A_1465, %add3A_1466 : i32
        %swap3A_1468 = arith.index_cast %add3A_1467 : i32 to index
        %swap3A_1469 = arith.constant 0 : index
        %swap3A_1470 = tpu.vector_load %arg6[%swap3A_1468, %swap3A_1469] {strides = array<i32>} : memref<128x16xf32, #tpu.memory_space<vmem>>, vector<16xf32>,
        tpu.vector_store %arg6[%swap3A_1468, %swap3A_1469], %max3A_1459 {strides = array<i32>} : memref<128x16xf32, #tpu.memory_space<vmem>>, vector<16xf32>,
        %max3A_1471 = arith.maximumf %scan3A_1221, %max3A_1332 : vector<16xf32>
        %min3A_1472 = arith.minimumf %scan3A_1221, %max3A_1332 : vector<16xf32>
        %max3A_1473 = arith.maximumf %scan3A_1222, %min3A_1472 : vector<16xf32>
        %min3A_1474 = arith.minimumf %scan3A_1222, %min3A_1472 : vector<16xf32>
        %max3A_1475 = arith.maximumf %scan3A_1223, %min3A_1474 : vector<16xf32>
        %min3A_1476 = arith.minimumf %scan3A_1223, %min3A_1474 : vector<16xf32>
        %max3A_1477 = arith.maximumf %scan3A_1224, %min3A_1476 : vector<16xf32>
        %min3A_1478 = arith.minimumf %scan3A_1224, %min3A_1476 : vector<16xf32>
        %max3A_1479 = arith.maximumf %scan3A_1225, %min3A_1478 : vector<16xf32>
        %min3A_1480 = arith.minimumf %scan3A_1225, %min3A_1478 : vector<16xf32>
        %max3A_1481 = arith.maximumf %scan3A_1226, %min3A_1480 : vector<16xf32>
        %min3A_1482 = arith.minimumf %scan3A_1226, %min3A_1480 : vector<16xf32>
        %max3A_1483 = arith.maximumf %scan3A_1227, %min3A_1482 : vector<16xf32>
        %min3A_1484 = arith.minimumf %scan3A_1227, %min3A_1482 : vector<16xf32>
        %max3A_1485 = arith.maximumf %scan3A_1228, %min3A_1484 : vector<16xf32>
        %min3A_1486 = arith.minimumf %scan3A_1228, %min3A_1484 : vector<16xf32>
        %max3A_1487 = arith.maximumf %scan3A_1229, %max3A_1459 : vector<16xf32>
        %min3A_1488 = arith.minimumf %scan3A_1229, %max3A_1459 : vector<16xf32>
        %max3A_1489 = arith.maximumf %scan3A_1230, %min3A_1488 : vector<16xf32>
        %min3A_1490 = arith.minimumf %scan3A_1230, %min3A_1488 : vector<16xf32>
        %max3A_1491 = arith.maximumf %scan3A_1231, %min3A_1490 : vector<16xf32>
        %min3A_1492 = arith.minimumf %scan3A_1231, %min3A_1490 : vector<16xf32>
        %max3A_1493 = arith.maximumf %scan3A_1232, %min3A_1492 : vector<16xf32>
        %min3A_1494 = arith.minimumf %scan3A_1232, %min3A_1492 : vector<16xf32>
        %max3A_1495 = arith.maximumf %scan3A_1233, %min3A_1494 : vector<16xf32>
        %min3A_1496 = arith.minimumf %scan3A_1233, %min3A_1494 : vector<16xf32>
        %max3A_1497 = arith.maximumf %scan3A_1234, %min3A_1496 : vector<16xf32>
        %min3A_1498 = arith.minimumf %scan3A_1234, %min3A_1496 : vector<16xf32>
        %max3A_1499 = arith.maximumf %scan3A_1235, %min3A_1498 : vector<16xf32>
        %min3A_1500 = arith.minimumf %scan3A_1235, %min3A_1498 : vector<16xf32>
        %max3A_1501 = arith.maximumf %scan3A_1236, %min3A_1500 : vector<16xf32>
        %min3A_1502 = arith.minimumf %scan3A_1236, %min3A_1500 : vector<16xf32>
        scf.yield %max3A_1471, %max3A_1473, %max3A_1475, %max3A_1477, %max3A_1479, %max3A_1481, %max3A_1483, %max3A_1485, %max3A_1487, %max3A_1489, %max3A_1491, %max3A_1493, %max3A_1495, %max3A_1497, %max3A_1499, %max3A_1501 : vector<16xf32>, vector<16xf32>, vector<16xf32>, vector<16xf32>, vector<16xf32>, vector<16xf32>, vector<16xf32>, vector<16xf32>, vector<16xf32>, vector<16xf32>, vector<16xf32>, vector<16xf32>, vector<16xf32>, vector<16xf32>, vector<16xf32>, vector<16xf32>
      }
      %scan3A_688 = arith.constant 64 : i32
      %max3A_689 = arith.maximumf %scan3A_687#0, %scan3A_687#8 : vector<16xf32>
      %min3A_690 = arith.minimumf %scan3A_687#0, %scan3A_687#8 : vector<16xf32>
      %max3A_691 = arith.maximumf %scan3A_687#1, %min3A_690 : vector<16xf32>
      %min3A_692 = arith.minimumf %scan3A_687#1, %min3A_690 : vector<16xf32>
      %max3A_693 = arith.maximumf %scan3A_687#2, %min3A_692 : vector<16xf32>
      %min3A_694 = arith.minimumf %scan3A_687#2, %min3A_692 : vector<16xf32>
      %max3A_695 = arith.maximumf %scan3A_687#3, %min3A_694 : vector<16xf32>
      %min3A_696 = arith.minimumf %scan3A_687#3, %min3A_694 : vector<16xf32>
      %max3A_697 = arith.maximumf %scan3A_687#4, %min3A_696 : vector<16xf32>
      %min3A_698 = arith.minimumf %scan3A_687#4, %min3A_696 : vector<16xf32>
      %max3A_699 = arith.maximumf %scan3A_687#5, %min3A_698 : vector<16xf32>
      %min3A_700 = arith.minimumf %scan3A_687#5, %min3A_698 : vector<16xf32>
      %max3A_701 = arith.maximumf %scan3A_687#6, %min3A_700 : vector<16xf32>
      %min3A_702 = arith.minimumf %scan3A_687#6, %min3A_700 : vector<16xf32>
      %max3A_703 = arith.maximumf %scan3A_687#7, %min3A_702 : vector<16xf32>
      %min3A_704 = arith.minimumf %scan3A_687#7, %min3A_702 : vector<16xf32>
      %max3A_705 = arith.maximumf %max3A_689, %scan3A_687#9 : vector<16xf32>
      %min3A_706 = arith.minimumf %max3A_689, %scan3A_687#9 : vector<16xf32>
      %max3A_707 = arith.maximumf %max3A_691, %min3A_706 : vector<16xf32>
      %min3A_708 = arith.minimumf %max3A_691, %min3A_706 : vector<16xf32>
      %max3A_709 = arith.maximumf %max3A_693, %min3A_708 : vector<16xf32>
      %min3A_710 = arith.minimumf %max3A_693, %min3A_708 : vector<16xf32>
      %max3A_711 = arith.maximumf %max3A_695, %min3A_710 : vector<16xf32>
      %min3A_712 = arith.minimumf %max3A_695, %min3A_710 : vector<16xf32>
      %max3A_713 = arith.maximumf %max3A_697, %min3A_712 : vector<16xf32>
      %min3A_714 = arith.minimumf %max3A_697, %min3A_712 : vector<16xf32>
      %max3A_715 = arith.maximumf %max3A_699, %min3A_714 : vector<16xf32>
      %min3A_716 = arith.minimumf %max3A_699, %min3A_714 : vector<16xf32>
      %max3A_717 = arith.maximumf %max3A_701, %min3A_716 : vector<16xf32>
      %min3A_718 = arith.minimumf %max3A_701, %min3A_716 : vector<16xf32>
      %max3A_719 = arith.maximumf %max3A_703, %min3A_718 : vector<16xf32>
      %min3A_720 = arith.minimumf %max3A_703, %min3A_718 : vector<16xf32>
      %max3A_721 = arith.maximumf %max3A_705, %scan3A_687#10 : vector<16xf32>
      %min3A_722 = arith.minimumf %max3A_705, %scan3A_687#10 : vector<16xf32>
      %max3A_723 = arith.maximumf %max3A_707, %min3A_722 : vector<16xf32>
      %min3A_724 = arith.minimumf %max3A_707, %min3A_722 : vector<16xf32>
      %max3A_725 = arith.maximumf %max3A_709, %min3A_724 : vector<16xf32>
      %min3A_726 = arith.minimumf %max3A_709, %min3A_724 : vector<16xf32>
      %max3A_727 = arith.maximumf %max3A_711, %min3A_726 : vector<16xf32>
      %min3A_728 = arith.minimumf %max3A_711, %min3A_726 : vector<16xf32>
      %max3A_729 = arith.maximumf %max3A_713, %min3A_728 : vector<16xf32>
      %min3A_730 = arith.minimumf %max3A_713, %min3A_728 : vector<16xf32>
      %max3A_731 = arith.maximumf %max3A_715, %min3A_730 : vector<16xf32>
      %min3A_732 = arith.minimumf %max3A_715, %min3A_730 : vector<16xf32>
      %max3A_733 = arith.maximumf %max3A_717, %min3A_732 : vector<16xf32>
      %min3A_734 = arith.minimumf %max3A_717, %min3A_732 : vector<16xf32>
      %max3A_735 = arith.maximumf %max3A_719, %min3A_734 : vector<16xf32>
      %min3A_736 = arith.minimumf %max3A_719, %min3A_734 : vector<16xf32>
      %max3A_737 = arith.maximumf %max3A_721, %scan3A_687#11 : vector<16xf32>
      %min3A_738 = arith.minimumf %max3A_721, %scan3A_687#11 : vector<16xf32>
      %max3A_739 = arith.maximumf %max3A_723, %min3A_738 : vector<16xf32>
      %min3A_740 = arith.minimumf %max3A_723, %min3A_738 : vector<16xf32>
      %max3A_741 = arith.maximumf %max3A_725, %min3A_740 : vector<16xf32>
      %min3A_742 = arith.minimumf %max3A_725, %min3A_740 : vector<16xf32>
      %max3A_743 = arith.maximumf %max3A_727, %min3A_742 : vector<16xf32>
      %min3A_744 = arith.minimumf %max3A_727, %min3A_742 : vector<16xf32>
      %max3A_745 = arith.maximumf %max3A_729, %min3A_744 : vector<16xf32>
      %min3A_746 = arith.minimumf %max3A_729, %min3A_744 : vector<16xf32>
      %max3A_747 = arith.maximumf %max3A_731, %min3A_746 : vector<16xf32>
      %min3A_748 = arith.minimumf %max3A_731, %min3A_746 : vector<16xf32>
      %max3A_749 = arith.maximumf %max3A_733, %min3A_748 : vector<16xf32>
      %min3A_750 = arith.minimumf %max3A_733, %min3A_748 : vector<16xf32>
      %max3A_751 = arith.maximumf %max3A_735, %min3A_750 : vector<16xf32>
      %min3A_752 = arith.minimumf %max3A_735, %min3A_750 : vector<16xf32>
      %max3A_753 = arith.maximumf %max3A_737, %scan3A_687#12 : vector<16xf32>
      %min3A_754 = arith.minimumf %max3A_737, %scan3A_687#12 : vector<16xf32>
      %max3A_755 = arith.maximumf %max3A_739, %min3A_754 : vector<16xf32>
      %min3A_756 = arith.minimumf %max3A_739, %min3A_754 : vector<16xf32>
      %max3A_757 = arith.maximumf %max3A_741, %min3A_756 : vector<16xf32>
      %min3A_758 = arith.minimumf %max3A_741, %min3A_756 : vector<16xf32>
      %max3A_759 = arith.maximumf %max3A_743, %min3A_758 : vector<16xf32>
      %min3A_760 = arith.minimumf %max3A_743, %min3A_758 : vector<16xf32>
      %max3A_761 = arith.maximumf %max3A_745, %min3A_760 : vector<16xf32>
      %min3A_762 = arith.minimumf %max3A_745, %min3A_760 : vector<16xf32>
      %max3A_763 = arith.maximumf %max3A_747, %min3A_762 : vector<16xf32>
      %min3A_764 = arith.minimumf %max3A_747, %min3A_762 : vector<16xf32>
      %max3A_765 = arith.maximumf %max3A_749, %min3A_764 : vector<16xf32>
      %min3A_766 = arith.minimumf %max3A_749, %min3A_764 : vector<16xf32>
      %max3A_767 = arith.maximumf %max3A_751, %min3A_766 : vector<16xf32>
      %min3A_768 = arith.minimumf %max3A_751, %min3A_766 : vector<16xf32>
      %max3A_769 = arith.maximumf %max3A_753, %scan3A_687#13 : vector<16xf32>
      %min3A_770 = arith.minimumf %max3A_753, %scan3A_687#13 : vector<16xf32>
      %max3A_771 = arith.maximumf %max3A_755, %min3A_770 : vector<16xf32>
      %min3A_772 = arith.minimumf %max3A_755, %min3A_770 : vector<16xf32>
      %max3A_773 = arith.maximumf %max3A_757, %min3A_772 : vector<16xf32>
      %min3A_774 = arith.minimumf %max3A_757, %min3A_772 : vector<16xf32>
      %max3A_775 = arith.maximumf %max3A_759, %min3A_774 : vector<16xf32>
      %min3A_776 = arith.minimumf %max3A_759, %min3A_774 : vector<16xf32>
      %max3A_777 = arith.maximumf %max3A_761, %min3A_776 : vector<16xf32>
      %min3A_778 = arith.minimumf %max3A_761, %min3A_776 : vector<16xf32>
      %max3A_779 = arith.maximumf %max3A_763, %min3A_778 : vector<16xf32>
      %min3A_780 = arith.minimumf %max3A_763, %min3A_778 : vector<16xf32>
      %max3A_781 = arith.maximumf %max3A_765, %min3A_780 : vector<16xf32>
      %min3A_782 = arith.minimumf %max3A_765, %min3A_780 : vector<16xf32>
      %max3A_783 = arith.maximumf %max3A_767, %min3A_782 : vector<16xf32>
      %min3A_784 = arith.minimumf %max3A_767, %min3A_782 : vector<16xf32>
      %max3A_785 = arith.maximumf %max3A_769, %scan3A_687#14 : vector<16xf32>
      %min3A_786 = arith.minimumf %max3A_769, %scan3A_687#14 : vector<16xf32>
      %max3A_787 = arith.maximumf %max3A_771, %min3A_786 : vector<16xf32>
      %min3A_788 = arith.minimumf %max3A_771, %min3A_786 : vector<16xf32>
      %max3A_789 = arith.maximumf %max3A_773, %min3A_788 : vector<16xf32>
      %min3A_790 = arith.minimumf %max3A_773, %min3A_788 : vector<16xf32>
      %max3A_791 = arith.maximumf %max3A_775, %min3A_790 : vector<16xf32>
      %min3A_792 = arith.minimumf %max3A_775, %min3A_790 : vector<16xf32>
      %max3A_793 = arith.maximumf %max3A_777, %min3A_792 : vector<16xf32>
      %min3A_794 = arith.minimumf %max3A_777, %min3A_792 : vector<16xf32>
      %max3A_795 = arith.maximumf %max3A_779, %min3A_794 : vector<16xf32>
      %min3A_796 = arith.minimumf %max3A_779, %min3A_794 : vector<16xf32>
      %max3A_797 = arith.maximumf %max3A_781, %min3A_796 : vector<16xf32>
      %min3A_798 = arith.minimumf %max3A_781, %min3A_796 : vector<16xf32>
      %max3A_799 = arith.maximumf %max3A_783, %min3A_798 : vector<16xf32>
      %min3A_800 = arith.minimumf %max3A_783, %min3A_798 : vector<16xf32>
      %max3A_801 = arith.maximumf %max3A_785, %scan3A_687#15 : vector<16xf32>
      %min3A_802 = arith.minimumf %max3A_785, %scan3A_687#15 : vector<16xf32>
      %max3A_803 = arith.maximumf %max3A_787, %min3A_802 : vector<16xf32>
      %min3A_804 = arith.minimumf %max3A_787, %min3A_802 : vector<16xf32>
      %max3A_805 = arith.maximumf %max3A_789, %min3A_804 : vector<16xf32>
      %min3A_806 = arith.minimumf %max3A_789, %min3A_804 : vector<16xf32>
      %max3A_807 = arith.maximumf %max3A_791, %min3A_806 : vector<16xf32>
      %min3A_808 = arith.minimumf %max3A_791, %min3A_806 : vector<16xf32>
      %max3A_809 = arith.maximumf %max3A_793, %min3A_808 : vector<16xf32>
      %min3A_810 = arith.minimumf %max3A_793, %min3A_808 : vector<16xf32>
      %max3A_811 = arith.maximumf %max3A_795, %min3A_810 : vector<16xf32>
      %min3A_812 = arith.minimumf %max3A_795, %min3A_810 : vector<16xf32>
      %max3A_813 = arith.maximumf %max3A_797, %min3A_812 : vector<16xf32>
      %min3A_814 = arith.minimumf %max3A_797, %min3A_812 : vector<16xf32>
      %max3A_815 = arith.maximumf %max3A_799, %min3A_814 : vector<16xf32>
      %min3A_816 = arith.minimumf %max3A_799, %min3A_814 : vector<16xf32>
      %broadcast_in_dim3A_817 = arith.constant 0 : i32
      %broadcast_in_dim3A_818 = vector.broadcast %broadcast_in_dim3A_817 : i32 to vector<16xi32>
      %scan3A_819 = arith.constant 0 : i32
      %scan3A_820 = arith.constant 128 : i32
      %scan3A_821 = arith.addi %scan3A_819, %scan3A_820 : i32
      %scan3A_822 = arith.constant 1 : i32
      %scan3A_823 = scf.for %scan3A_1220 = %scan3A_819 to %scan3A_821 step %scan3A_822 iter_args(%scan3A_1221 = %broadcast_in_dim3A_818) -> (vector<16xi32>)  : i32 {
        %get3A = arith.index_cast %scan3A_1220 : i32 to index
        %get3A_1222 = arith.constant 0 : index
        %get3A_1223 = tpu.vector_load %arg6[%get3A, %get3A_1222] {strides = array<i32>} : memref<128x16xf32, #tpu.memory_space<vmem>>, vector<16xf32>,
        %gt3A = arith.cmpf ogt, %get3A_1223, %max3A_815 : vector<16xf32>
        %lt3A_1224 = arith.constant 8 : i32
        %lt3A_1225 = vector.broadcast %lt3A_1224 : i32 to vector<16xi32>
        %lt3A_1226 = arith.cmpi slt, %scan3A_1221, %lt3A_1225 : vector<16xi32>
        %and3A_1227 = arith.andi %gt3A, %lt3A_1226 : vector<16xi1>
        %broadcast_in_dim3A_1228 = vector.broadcast %scan3A_1220 : i32 to vector<16xi32>
        tpu.vector_store_idx %arg7[%scan3A_1221, %iota3A], %broadcast_in_dim3A_1228 masked %and3A_1227 : memref<8x16xi32, #tpu.memory_space<vmem>>[vector<16xi32>, vector<16xi32>], vector<16xi32>, vector<16xi1>
        %convert_element_type3A_1229 = arith.extui %and3A_1227 : vector<16xi1> to vector<16xi32>
        %add3A_1230 = arith.addi %scan3A_1221, %convert_element_type3A_1229 : vector<16xi32>
        scf.yield %add3A_1230 : vector<16xi32>
      }
      %scan3A_824 = arith.constant 128 : i32
      %scan3A_825 = arith.constant 0 : i32
      %scan3A_826 = arith.constant 128 : i32
      %scan3A_827 = arith.addi %scan3A_825, %scan3A_826 : i32
      %scan3A_828 = arith.constant 1 : i32
      %scan3A_829 = scf.for %scan3A_1220 = %scan3A_825 to %scan3A_827 step %scan3A_828 iter_args(%scan3A_1221 = %scan3A_823) -> (vector<16xi32>)  : i32 {
        %get3A = arith.index_cast %scan3A_1220 : i32 to index
        %get3A_1222 = arith.constant 0 : index
        %get3A_1223 = tpu.vector_load %arg6[%get3A, %get3A_1222] {strides = array<i32>} : memref<128x16xf32, #tpu.memory_space<vmem>>, vector<16xf32>,
        %eq3A_1224 = arith.cmpf oeq, %get3A_1223, %max3A_815 : vector<16xf32>
        %lt3A_1225 = arith.constant 8 : i32
        %lt3A_1226 = vector.broadcast %lt3A_1225 : i32 to vector<16xi32>
        %lt3A_1227 = arith.cmpi slt, %scan3A_1221, %lt3A_1226 : vector<16xi32>
        %and3A_1228 = arith.andi %eq3A_1224, %lt3A_1227 : vector<16xi1>
        %broadcast_in_dim3A_1229 = vector.broadcast %scan3A_1220 : i32 to vector<16xi32>
        tpu.vector_store_idx %arg7[%scan3A_1221, %iota3A], %broadcast_in_dim3A_1229 masked %and3A_1228 : memref<8x16xi32, #tpu.memory_space<vmem>>[vector<16xi32>, vector<16xi32>], vector<16xi32>, vector<16xi1>
        %convert_element_type3A_1230 = arith.extui %and3A_1228 : vector<16xi1> to vector<16xi32>
        %add3A_1231 = arith.addi %scan3A_1221, %convert_element_type3A_1230 : vector<16xi32>
        scf.yield %add3A_1231 : vector<16xi32>
      }
      %scan3A_830 = arith.constant 128 : i32
      %scan3A_831 = arith.constant 0 : i32
      %scan3A_832 = arith.constant 8 : i32
      %scan3A_833 = arith.addi %scan3A_831, %scan3A_832 : i32
      %scan3A_834 = arith.constant 1 : i32
      %scan3A_835:16 = scf.for %scan3A_1220 = %scan3A_831 to %scan3A_833 step %scan3A_834 iter_args(%scan3A_1221 = %scan3A_585#0, %scan3A_1222 = %scan3A_585#1, %scan3A_1223 = %scan3A_585#2, %scan3A_1224 = %scan3A_585#3, %scan3A_1225 = %scan3A_585#4, %scan3A_1226 = %scan3A_585#5, %scan3A_1227 = %scan3A_585#6, %scan3A_1228 = %scan3A_585#7, %scan3A_1229 = %scan3A_585#8, %scan3A_1230 = %scan3A_585#9, %scan3A_1231 = %scan3A_585#10, %scan3A_1232 = %scan3A_585#11, %scan3A_1233 = %scan3A_585#12, %scan3A_1234 = %scan3A_585#13, %scan3A_1235 = %scan3A_585#14, %scan3A_1236 = %scan3A_585#15) -> (vector<16xf32>, vector<16xf32>, vector<16xf32>, vector<16xf32>, vector<16xf32>, vector<16xf32>, vector<16xf32>, vector<16xf32>, vector<16xf32>, vector<16xf32>, vector<16xf32>, vector<16xf32>, vector<16xf32>, vector<16xf32>, vector<16xf32>, vector<16xf32>)  : i32 {
        %get3A = arith.index_cast %scan3A_1220 : i32 to index
        %get3A_1237 = arith.constant 0 : index
        %get3A_1238 = tpu.vector_load %arg7[%get3A, %get3A_1237] {strides = array<i32>} : memref<8x16xi32, #tpu.memory_space<vmem>>, vector<16xi32>,
        %mul3A_1239 = arith.constant 16 : i32
        %mul3A_1240 = vector.broadcast %mul3A_1239 : i32 to vector<16xi32>
        %mul3A_1241 = arith.muli %get3A_1238, %mul3A_1240 : vector<16xi32>
        %add3A_1242 = arith.constant 0 : i32
        %add3A_1243 = vector.broadcast %add3A_1242 : i32 to vector<16xi32>
        %add3A_1244 = arith.addi %mul3A_1241, %add3A_1243 : vector<16xi32>
        %gather3A = tpu.vector_load_idx %arg4[%add3A_1244, %iota3A] : memref<2048x16xf32, #tpu.memory_space<vmem>>[vector<16xi32>, vector<16xi32>], vector<16xf32>,
        %max3A_1245 = arith.maximumf %scan3A_1221, %gather3A : vector<16xf32>
        %min3A_1246 = arith.minimumf %scan3A_1221, %gather3A : vector<16xf32>
        %max3A_1247 = arith.maximumf %scan3A_1222, %min3A_1246 : vector<16xf32>
        %min3A_1248 = arith.minimumf %scan3A_1222, %min3A_1246 : vector<16xf32>
        %max3A_1249 = arith.maximumf %scan3A_1223, %min3A_1248 : vector<16xf32>
        %min3A_1250 = arith.minimumf %scan3A_1223, %min3A_1248 : vector<16xf32>
        %max3A_1251 = arith.maximumf %scan3A_1224, %min3A_1250 : vector<16xf32>
        %min3A_1252 = arith.minimumf %scan3A_1224, %min3A_1250 : vector<16xf32>
        %max3A_1253 = arith.maximumf %scan3A_1225, %min3A_1252 : vector<16xf32>
        %min3A_1254 = arith.minimumf %scan3A_1225, %min3A_1252 : vector<16xf32>
        %max3A_1255 = arith.maximumf %scan3A_1226, %min3A_1254 : vector<16xf32>
        %min3A_1256 = arith.minimumf %scan3A_1226, %min3A_1254 : vector<16xf32>
        %max3A_1257 = arith.maximumf %scan3A_1227, %min3A_1256 : vector<16xf32>
        %min3A_1258 = arith.minimumf %scan3A_1227, %min3A_1256 : vector<16xf32>
        %max3A_1259 = arith.maximumf %scan3A_1228, %min3A_1258 : vector<16xf32>
        %min3A_1260 = arith.minimumf %scan3A_1228, %min3A_1258 : vector<16xf32>
        %add3A_1261 = arith.constant 1 : i32
        %add3A_1262 = vector.broadcast %add3A_1261 : i32 to vector<16xi32>
        %add3A_1263 = arith.addi %mul3A_1241, %add3A_1262 : vector<16xi32>
        %gather3A_1264 = tpu.vector_load_idx %arg4[%add3A_1263, %iota3A] : memref<2048x16xf32, #tpu.memory_space<vmem>>[vector<16xi32>, vector<16xi32>], vector<16xf32>,
        %max3A_1265 = arith.maximumf %max3A_1245, %gather3A_1264 : vector<16xf32>
        %min3A_1266 = arith.minimumf %max3A_1245, %gather3A_1264 : vector<16xf32>
        %max3A_1267 = arith.maximumf %max3A_1247, %min3A_1266 : vector<16xf32>
        %min3A_1268 = arith.minimumf %max3A_1247, %min3A_1266 : vector<16xf32>
        %max3A_1269 = arith.maximumf %max3A_1249, %min3A_1268 : vector<16xf32>
        %min3A_1270 = arith.minimumf %max3A_1249, %min3A_1268 : vector<16xf32>
        %max3A_1271 = arith.maximumf %max3A_1251, %min3A_1270 : vector<16xf32>
        %min3A_1272 = arith.minimumf %max3A_1251, %min3A_1270 : vector<16xf32>
        %max3A_1273 = arith.maximumf %max3A_1253, %min3A_1272 : vector<16xf32>
        %min3A_1274 = arith.minimumf %max3A_1253, %min3A_1272 : vector<16xf32>
        %max3A_1275 = arith.maximumf %max3A_1255, %min3A_1274 : vector<16xf32>
        %min3A_1276 = arith.minimumf %max3A_1255, %min3A_1274 : vector<16xf32>
        %max3A_1277 = arith.maximumf %max3A_1257, %min3A_1276 : vector<16xf32>
        %min3A_1278 = arith.minimumf %max3A_1257, %min3A_1276 : vector<16xf32>
        %max3A_1279 = arith.maximumf %max3A_1259, %min3A_1278 : vector<16xf32>
        %min3A_1280 = arith.minimumf %max3A_1259, %min3A_1278 : vector<16xf32>
        %add3A_1281 = arith.constant 2 : i32
        %add3A_1282 = vector.broadcast %add3A_1281 : i32 to vector<16xi32>
        %add3A_1283 = arith.addi %mul3A_1241, %add3A_1282 : vector<16xi32>
        %gather3A_1284 = tpu.vector_load_idx %arg4[%add3A_1283, %iota3A] : memref<2048x16xf32, #tpu.memory_space<vmem>>[vector<16xi32>, vector<16xi32>], vector<16xf32>,
        %max3A_1285 = arith.maximumf %max3A_1265, %gather3A_1284 : vector<16xf32>
        %min3A_1286 = arith.minimumf %max3A_1265, %gather3A_1284 : vector<16xf32>
        %max3A_1287 = arith.maximumf %max3A_1267, %min3A_1286 : vector<16xf32>
        %min3A_1288 = arith.minimumf %max3A_1267, %min3A_1286 : vector<16xf32>
        %max3A_1289 = arith.maximumf %max3A_1269, %min3A_1288 : vector<16xf32>
        %min3A_1290 = arith.minimumf %max3A_1269, %min3A_1288 : vector<16xf32>
        %max3A_1291 = arith.maximumf %max3A_1271, %min3A_1290 : vector<16xf32>
        %min3A_1292 = arith.minimumf %max3A_1271, %min3A_1290 : vector<16xf32>
        %max3A_1293 = arith.maximumf %max3A_1273, %min3A_1292 : vector<16xf32>
        %min3A_1294 = arith.minimumf %max3A_1273, %min3A_1292 : vector<16xf32>
        %max3A_1295 = arith.maximumf %max3A_1275, %min3A_1294 : vector<16xf32>
        %min3A_1296 = arith.minimumf %max3A_1275, %min3A_1294 : vector<16xf32>
        %max3A_1297 = arith.maximumf %max3A_1277, %min3A_1296 : vector<16xf32>
        %min3A_1298 = arith.minimumf %max3A_1277, %min3A_1296 : vector<16xf32>
        %max3A_1299 = arith.maximumf %max3A_1279, %min3A_1298 : vector<16xf32>
        %min3A_1300 = arith.minimumf %max3A_1279, %min3A_1298 : vector<16xf32>
        %add3A_1301 = arith.constant 3 : i32
        %add3A_1302 = vector.broadcast %add3A_1301 : i32 to vector<16xi32>
        %add3A_1303 = arith.addi %mul3A_1241, %add3A_1302 : vector<16xi32>
        %gather3A_1304 = tpu.vector_load_idx %arg4[%add3A_1303, %iota3A] : memref<2048x16xf32, #tpu.memory_space<vmem>>[vector<16xi32>, vector<16xi32>], vector<16xf32>,
        %max3A_1305 = arith.maximumf %max3A_1285, %gather3A_1304 : vector<16xf32>
        %min3A_1306 = arith.minimumf %max3A_1285, %gather3A_1304 : vector<16xf32>
        %max3A_1307 = arith.maximumf %max3A_1287, %min3A_1306 : vector<16xf32>
        %min3A_1308 = arith.minimumf %max3A_1287, %min3A_1306 : vector<16xf32>
        %max3A_1309 = arith.maximumf %max3A_1289, %min3A_1308 : vector<16xf32>
        %min3A_1310 = arith.minimumf %max3A_1289, %min3A_1308 : vector<16xf32>
        %max3A_1311 = arith.maximumf %max3A_1291, %min3A_1310 : vector<16xf32>
        %min3A_1312 = arith.minimumf %max3A_1291, %min3A_1310 : vector<16xf32>
        %max3A_1313 = arith.maximumf %max3A_1293, %min3A_1312 : vector<16xf32>
        %min3A_1314 = arith.minimumf %max3A_1293, %min3A_1312 : vector<16xf32>
        %max3A_1315 = arith.maximumf %max3A_1295, %min3A_1314 : vector<16xf32>
        %min3A_1316 = arith.minimumf %max3A_1295, %min3A_1314 : vector<16xf32>
        %max3A_1317 = arith.maximumf %max3A_1297, %min3A_1316 : vector<16xf32>
        %min3A_1318 = arith.minimumf %max3A_1297, %min3A_1316 : vector<16xf32>
        %max3A_1319 = arith.maximumf %max3A_1299, %min3A_1318 : vector<16xf32>
        %min3A_1320 = arith.minimumf %max3A_1299, %min3A_1318 : vector<16xf32>
        %add3A_1321 = arith.constant 4 : i32
        %add3A_1322 = vector.broadcast %add3A_1321 : i32 to vector<16xi32>
        %add3A_1323 = arith.addi %mul3A_1241, %add3A_1322 : vector<16xi32>
        %gather3A_1324 = tpu.vector_load_idx %arg4[%add3A_1323, %iota3A] : memref<2048x16xf32, #tpu.memory_space<vmem>>[vector<16xi32>, vector<16xi32>], vector<16xf32>,
        %max3A_1325 = arith.maximumf %max3A_1305, %gather3A_1324 : vector<16xf32>
        %min3A_1326 = arith.minimumf %max3A_1305, %gather3A_1324 : vector<16xf32>
        %max3A_1327 = arith.maximumf %max3A_1307, %min3A_1326 : vector<16xf32>
        %min3A_1328 = arith.minimumf %max3A_1307, %min3A_1326 : vector<16xf32>
        %max3A_1329 = arith.maximumf %max3A_1309, %min3A_1328 : vector<16xf32>
        %min3A_1330 = arith.minimumf %max3A_1309, %min3A_1328 : vector<16xf32>
        %max3A_1331 = arith.maximumf %max3A_1311, %min3A_1330 : vector<16xf32>
        %min3A_1332 = arith.minimumf %max3A_1311, %min3A_1330 : vector<16xf32>
        %max3A_1333 = arith.maximumf %max3A_1313, %min3A_1332 : vector<16xf32>
        %min3A_1334 = arith.minimumf %max3A_1313, %min3A_1332 : vector<16xf32>
        %max3A_1335 = arith.maximumf %max3A_1315, %min3A_1334 : vector<16xf32>
        %min3A_1336 = arith.minimumf %max3A_1315, %min3A_1334 : vector<16xf32>
        %max3A_1337 = arith.maximumf %max3A_1317, %min3A_1336 : vector<16xf32>
        %min3A_1338 = arith.minimumf %max3A_1317, %min3A_1336 : vector<16xf32>
        %max3A_1339 = arith.maximumf %max3A_1319, %min3A_1338 : vector<16xf32>
        %min3A_1340 = arith.minimumf %max3A_1319, %min3A_1338 : vector<16xf32>
        %add3A_1341 = arith.constant 5 : i32
        %add3A_1342 = vector.broadcast %add3A_1341 : i32 to vector<16xi32>
        %add3A_1343 = arith.addi %mul3A_1241, %add3A_1342 : vector<16xi32>
        %gather3A_1344 = tpu.vector_load_idx %arg4[%add3A_1343, %iota3A] : memref<2048x16xf32, #tpu.memory_space<vmem>>[vector<16xi32>, vector<16xi32>], vector<16xf32>,
        %max3A_1345 = arith.maximumf %max3A_1325, %gather3A_1344 : vector<16xf32>
        %min3A_1346 = arith.minimumf %max3A_1325, %gather3A_1344 : vector<16xf32>
        %max3A_1347 = arith.maximumf %max3A_1327, %min3A_1346 : vector<16xf32>
        %min3A_1348 = arith.minimumf %max3A_1327, %min3A_1346 : vector<16xf32>
        %max3A_1349 = arith.maximumf %max3A_1329, %min3A_1348 : vector<16xf32>
        %min3A_1350 = arith.minimumf %max3A_1329, %min3A_1348 : vector<16xf32>
        %max3A_1351 = arith.maximumf %max3A_1331, %min3A_1350 : vector<16xf32>
        %min3A_1352 = arith.minimumf %max3A_1331, %min3A_1350 : vector<16xf32>
        %max3A_1353 = arith.maximumf %max3A_1333, %min3A_1352 : vector<16xf32>
        %min3A_1354 = arith.minimumf %max3A_1333, %min3A_1352 : vector<16xf32>
        %max3A_1355 = arith.maximumf %max3A_1335, %min3A_1354 : vector<16xf32>
        %min3A_1356 = arith.minimumf %max3A_1335, %min3A_1354 : vector<16xf32>
        %max3A_1357 = arith.maximumf %max3A_1337, %min3A_1356 : vector<16xf32>
        %min3A_1358 = arith.minimumf %max3A_1337, %min3A_1356 : vector<16xf32>
        %max3A_1359 = arith.maximumf %max3A_1339, %min3A_1358 : vector<16xf32>
        %min3A_1360 = arith.minimumf %max3A_1339, %min3A_1358 : vector<16xf32>
        %add3A_1361 = arith.constant 6 : i32
        %add3A_1362 = vector.broadcast %add3A_1361 : i32 to vector<16xi32>
        %add3A_1363 = arith.addi %mul3A_1241, %add3A_1362 : vector<16xi32>
        %gather3A_1364 = tpu.vector_load_idx %arg4[%add3A_1363, %iota3A] : memref<2048x16xf32, #tpu.memory_space<vmem>>[vector<16xi32>, vector<16xi32>], vector<16xf32>,
        %max3A_1365 = arith.maximumf %max3A_1345, %gather3A_1364 : vector<16xf32>
        %min3A_1366 = arith.minimumf %max3A_1345, %gather3A_1364 : vector<16xf32>
        %max3A_1367 = arith.maximumf %max3A_1347, %min3A_1366 : vector<16xf32>
        %min3A_1368 = arith.minimumf %max3A_1347, %min3A_1366 : vector<16xf32>
        %max3A_1369 = arith.maximumf %max3A_1349, %min3A_1368 : vector<16xf32>
        %min3A_1370 = arith.minimumf %max3A_1349, %min3A_1368 : vector<16xf32>
        %max3A_1371 = arith.maximumf %max3A_1351, %min3A_1370 : vector<16xf32>
        %min3A_1372 = arith.minimumf %max3A_1351, %min3A_1370 : vector<16xf32>
        %max3A_1373 = arith.maximumf %max3A_1353, %min3A_1372 : vector<16xf32>
        %min3A_1374 = arith.minimumf %max3A_1353, %min3A_1372 : vector<16xf32>
        %max3A_1375 = arith.maximumf %max3A_1355, %min3A_1374 : vector<16xf32>
        %min3A_1376 = arith.minimumf %max3A_1355, %min3A_1374 : vector<16xf32>
        %max3A_1377 = arith.maximumf %max3A_1357, %min3A_1376 : vector<16xf32>
        %min3A_1378 = arith.minimumf %max3A_1357, %min3A_1376 : vector<16xf32>
        %max3A_1379 = arith.maximumf %max3A_1359, %min3A_1378 : vector<16xf32>
        %min3A_1380 = arith.minimumf %max3A_1359, %min3A_1378 : vector<16xf32>
        %add3A_1381 = arith.constant 7 : i32
        %add3A_1382 = vector.broadcast %add3A_1381 : i32 to vector<16xi32>
        %add3A_1383 = arith.addi %mul3A_1241, %add3A_1382 : vector<16xi32>
        %gather3A_1384 = tpu.vector_load_idx %arg4[%add3A_1383, %iota3A] : memref<2048x16xf32, #tpu.memory_space<vmem>>[vector<16xi32>, vector<16xi32>], vector<16xf32>,
        %max3A_1385 = arith.maximumf %max3A_1365, %gather3A_1384 : vector<16xf32>
        %min3A_1386 = arith.minimumf %max3A_1365, %gather3A_1384 : vector<16xf32>
        %max3A_1387 = arith.maximumf %max3A_1367, %min3A_1386 : vector<16xf32>
        %min3A_1388 = arith.minimumf %max3A_1367, %min3A_1386 : vector<16xf32>
        %max3A_1389 = arith.maximumf %max3A_1369, %min3A_1388 : vector<16xf32>
        %min3A_1390 = arith.minimumf %max3A_1369, %min3A_1388 : vector<16xf32>
        %max3A_1391 = arith.maximumf %max3A_1371, %min3A_1390 : vector<16xf32>
        %min3A_1392 = arith.minimumf %max3A_1371, %min3A_1390 : vector<16xf32>
        %max3A_1393 = arith.maximumf %max3A_1373, %min3A_1392 : vector<16xf32>
        %min3A_1394 = arith.minimumf %max3A_1373, %min3A_1392 : vector<16xf32>
        %max3A_1395 = arith.maximumf %max3A_1375, %min3A_1394 : vector<16xf32>
        %min3A_1396 = arith.minimumf %max3A_1375, %min3A_1394 : vector<16xf32>
        %max3A_1397 = arith.maximumf %max3A_1377, %min3A_1396 : vector<16xf32>
        %min3A_1398 = arith.minimumf %max3A_1377, %min3A_1396 : vector<16xf32>
        %max3A_1399 = arith.maximumf %max3A_1379, %min3A_1398 : vector<16xf32>
        %min3A_1400 = arith.minimumf %max3A_1379, %min3A_1398 : vector<16xf32>
        %add3A_1401 = arith.constant 8 : i32
        %add3A_1402 = vector.broadcast %add3A_1401 : i32 to vector<16xi32>
        %add3A_1403 = arith.addi %mul3A_1241, %add3A_1402 : vector<16xi32>
        %gather3A_1404 = tpu.vector_load_idx %arg4[%add3A_1403, %iota3A] : memref<2048x16xf32, #tpu.memory_space<vmem>>[vector<16xi32>, vector<16xi32>], vector<16xf32>,
        %max3A_1405 = arith.maximumf %scan3A_1229, %gather3A_1404 : vector<16xf32>
        %min3A_1406 = arith.minimumf %scan3A_1229, %gather3A_1404 : vector<16xf32>
        %max3A_1407 = arith.maximumf %scan3A_1230, %min3A_1406 : vector<16xf32>
        %min3A_1408 = arith.minimumf %scan3A_1230, %min3A_1406 : vector<16xf32>
        %max3A_1409 = arith.maximumf %scan3A_1231, %min3A_1408 : vector<16xf32>
        %min3A_1410 = arith.minimumf %scan3A_1231, %min3A_1408 : vector<16xf32>
        %max3A_1411 = arith.maximumf %scan3A_1232, %min3A_1410 : vector<16xf32>
        %min3A_1412 = arith.minimumf %scan3A_1232, %min3A_1410 : vector<16xf32>
        %max3A_1413 = arith.maximumf %scan3A_1233, %min3A_1412 : vector<16xf32>
        %min3A_1414 = arith.minimumf %scan3A_1233, %min3A_1412 : vector<16xf32>
        %max3A_1415 = arith.maximumf %scan3A_1234, %min3A_1414 : vector<16xf32>
        %min3A_1416 = arith.minimumf %scan3A_1234, %min3A_1414 : vector<16xf32>
        %max3A_1417 = arith.maximumf %scan3A_1235, %min3A_1416 : vector<16xf32>
        %min3A_1418 = arith.minimumf %scan3A_1235, %min3A_1416 : vector<16xf32>
        %max3A_1419 = arith.maximumf %scan3A_1236, %min3A_1418 : vector<16xf32>
        %min3A_1420 = arith.minimumf %scan3A_1236, %min3A_1418 : vector<16xf32>
        %add3A_1421 = arith.constant 9 : i32
        %add3A_1422 = vector.broadcast %add3A_1421 : i32 to vector<16xi32>
        %add3A_1423 = arith.addi %mul3A_1241, %add3A_1422 : vector<16xi32>
        %gather3A_1424 = tpu.vector_load_idx %arg4[%add3A_1423, %iota3A] : memref<2048x16xf32, #tpu.memory_space<vmem>>[vector<16xi32>, vector<16xi32>], vector<16xf32>,
        %max3A_1425 = arith.maximumf %max3A_1405, %gather3A_1424 : vector<16xf32>
        %min3A_1426 = arith.minimumf %max3A_1405, %gather3A_1424 : vector<16xf32>
        %max3A_1427 = arith.maximumf %max3A_1407, %min3A_1426 : vector<16xf32>
        %min3A_1428 = arith.minimumf %max3A_1407, %min3A_1426 : vector<16xf32>
        %max3A_1429 = arith.maximumf %max3A_1409, %min3A_1428 : vector<16xf32>
        %min3A_1430 = arith.minimumf %max3A_1409, %min3A_1428 : vector<16xf32>
        %max3A_1431 = arith.maximumf %max3A_1411, %min3A_1430 : vector<16xf32>
        %min3A_1432 = arith.minimumf %max3A_1411, %min3A_1430 : vector<16xf32>
        %max3A_1433 = arith.maximumf %max3A_1413, %min3A_1432 : vector<16xf32>
        %min3A_1434 = arith.minimumf %max3A_1413, %min3A_1432 : vector<16xf32>
        %max3A_1435 = arith.maximumf %max3A_1415, %min3A_1434 : vector<16xf32>
        %min3A_1436 = arith.minimumf %max3A_1415, %min3A_1434 : vector<16xf32>
        %max3A_1437 = arith.maximumf %max3A_1417, %min3A_1436 : vector<16xf32>
        %min3A_1438 = arith.minimumf %max3A_1417, %min3A_1436 : vector<16xf32>
        %max3A_1439 = arith.maximumf %max3A_1419, %min3A_1438 : vector<16xf32>
        %min3A_1440 = arith.minimumf %max3A_1419, %min3A_1438 : vector<16xf32>
        %add3A_1441 = arith.constant 10 : i32
        %add3A_1442 = vector.broadcast %add3A_1441 : i32 to vector<16xi32>
        %add3A_1443 = arith.addi %mul3A_1241, %add3A_1442 : vector<16xi32>
        %gather3A_1444 = tpu.vector_load_idx %arg4[%add3A_1443, %iota3A] : memref<2048x16xf32, #tpu.memory_space<vmem>>[vector<16xi32>, vector<16xi32>], vector<16xf32>,
        %max3A_1445 = arith.maximumf %max3A_1425, %gather3A_1444 : vector<16xf32>
        %min3A_1446 = arith.minimumf %max3A_1425, %gather3A_1444 : vector<16xf32>
        %max3A_1447 = arith.maximumf %max3A_1427, %min3A_1446 : vector<16xf32>
        %min3A_1448 = arith.minimumf %max3A_1427, %min3A_1446 : vector<16xf32>
        %max3A_1449 = arith.maximumf %max3A_1429, %min3A_1448 : vector<16xf32>
        %min3A_1450 = arith.minimumf %max3A_1429, %min3A_1448 : vector<16xf32>
        %max3A_1451 = arith.maximumf %max3A_1431, %min3A_1450 : vector<16xf32>
        %min3A_1452 = arith.minimumf %max3A_1431, %min3A_1450 : vector<16xf32>
        %max3A_1453 = arith.maximumf %max3A_1433, %min3A_1452 : vector<16xf32>
        %min3A_1454 = arith.minimumf %max3A_1433, %min3A_1452 : vector<16xf32>
        %max3A_1455 = arith.maximumf %max3A_1435, %min3A_1454 : vector<16xf32>
        %min3A_1456 = arith.minimumf %max3A_1435, %min3A_1454 : vector<16xf32>
        %max3A_1457 = arith.maximumf %max3A_1437, %min3A_1456 : vector<16xf32>
        %min3A_1458 = arith.minimumf %max3A_1437, %min3A_1456 : vector<16xf32>
        %max3A_1459 = arith.maximumf %max3A_1439, %min3A_1458 : vector<16xf32>
        %min3A_1460 = arith.minimumf %max3A_1439, %min3A_1458 : vector<16xf32>
        %add3A_1461 = arith.constant 11 : i32
        %add3A_1462 = vector.broadcast %add3A_1461 : i32 to vector<16xi32>
        %add3A_1463 = arith.addi %mul3A_1241, %add3A_1462 : vector<16xi32>
        %gather3A_1464 = tpu.vector_load_idx %arg4[%add3A_1463, %iota3A] : memref<2048x16xf32, #tpu.memory_space<vmem>>[vector<16xi32>, vector<16xi32>], vector<16xf32>,
        %max3A_1465 = arith.maximumf %max3A_1445, %gather3A_1464 : vector<16xf32>
        %min3A_1466 = arith.minimumf %max3A_1445, %gather3A_1464 : vector<16xf32>
        %max3A_1467 = arith.maximumf %max3A_1447, %min3A_1466 : vector<16xf32>
        %min3A_1468 = arith.minimumf %max3A_1447, %min3A_1466 : vector<16xf32>
        %max3A_1469 = arith.maximumf %max3A_1449, %min3A_1468 : vector<16xf32>
        %min3A_1470 = arith.minimumf %max3A_1449, %min3A_1468 : vector<16xf32>
        %max3A_1471 = arith.maximumf %max3A_1451, %min3A_1470 : vector<16xf32>
        %min3A_1472 = arith.minimumf %max3A_1451, %min3A_1470 : vector<16xf32>
        %max3A_1473 = arith.maximumf %max3A_1453, %min3A_1472 : vector<16xf32>
        %min3A_1474 = arith.minimumf %max3A_1453, %min3A_1472 : vector<16xf32>
        %max3A_1475 = arith.maximumf %max3A_1455, %min3A_1474 : vector<16xf32>
        %min3A_1476 = arith.minimumf %max3A_1455, %min3A_1474 : vector<16xf32>
        %max3A_1477 = arith.maximumf %max3A_1457, %min3A_1476 : vector<16xf32>
        %min3A_1478 = arith.minimumf %max3A_1457, %min3A_1476 : vector<16xf32>
        %max3A_1479 = arith.maximumf %max3A_1459, %min3A_1478 : vector<16xf32>
        %min3A_1480 = arith.minimumf %max3A_1459, %min3A_1478 : vector<16xf32>
        %add3A_1481 = arith.constant 12 : i32
        %add3A_1482 = vector.broadcast %add3A_1481 : i32 to vector<16xi32>
        %add3A_1483 = arith.addi %mul3A_1241, %add3A_1482 : vector<16xi32>
        %gather3A_1484 = tpu.vector_load_idx %arg4[%add3A_1483, %iota3A] : memref<2048x16xf32, #tpu.memory_space<vmem>>[vector<16xi32>, vector<16xi32>], vector<16xf32>,
        %max3A_1485 = arith.maximumf %max3A_1465, %gather3A_1484 : vector<16xf32>
        %min3A_1486 = arith.minimumf %max3A_1465, %gather3A_1484 : vector<16xf32>
        %max3A_1487 = arith.maximumf %max3A_1467, %min3A_1486 : vector<16xf32>
        %min3A_1488 = arith.minimumf %max3A_1467, %min3A_1486 : vector<16xf32>
        %max3A_1489 = arith.maximumf %max3A_1469, %min3A_1488 : vector<16xf32>
        %min3A_1490 = arith.minimumf %max3A_1469, %min3A_1488 : vector<16xf32>
        %max3A_1491 = arith.maximumf %max3A_1471, %min3A_1490 : vector<16xf32>
        %min3A_1492 = arith.minimumf %max3A_1471, %min3A_1490 : vector<16xf32>
        %max3A_1493 = arith.maximumf %max3A_1473, %min3A_1492 : vector<16xf32>
        %min3A_1494 = arith.minimumf %max3A_1473, %min3A_1492 : vector<16xf32>
        %max3A_1495 = arith.maximumf %max3A_1475, %min3A_1494 : vector<16xf32>
        %min3A_1496 = arith.minimumf %max3A_1475, %min3A_1494 : vector<16xf32>
        %max3A_1497 = arith.maximumf %max3A_1477, %min3A_1496 : vector<16xf32>
        %min3A_1498 = arith.minimumf %max3A_1477, %min3A_1496 : vector<16xf32>
        %max3A_1499 = arith.maximumf %max3A_1479, %min3A_1498 : vector<16xf32>
        %min3A_1500 = arith.minimumf %max3A_1479, %min3A_1498 : vector<16xf32>
        %add3A_1501 = arith.constant 13 : i32
        %add3A_1502 = vector.broadcast %add3A_1501 : i32 to vector<16xi32>
        %add3A_1503 = arith.addi %mul3A_1241, %add3A_1502 : vector<16xi32>
        %gather3A_1504 = tpu.vector_load_idx %arg4[%add3A_1503, %iota3A] : memref<2048x16xf32, #tpu.memory_space<vmem>>[vector<16xi32>, vector<16xi32>], vector<16xf32>,
        %max3A_1505 = arith.maximumf %max3A_1485, %gather3A_1504 : vector<16xf32>
        %min3A_1506 = arith.minimumf %max3A_1485, %gather3A_1504 : vector<16xf32>
        %max3A_1507 = arith.maximumf %max3A_1487, %min3A_1506 : vector<16xf32>
        %min3A_1508 = arith.minimumf %max3A_1487, %min3A_1506 : vector<16xf32>
        %max3A_1509 = arith.maximumf %max3A_1489, %min3A_1508 : vector<16xf32>
        %min3A_1510 = arith.minimumf %max3A_1489, %min3A_1508 : vector<16xf32>
        %max3A_1511 = arith.maximumf %max3A_1491, %min3A_1510 : vector<16xf32>
        %min3A_1512 = arith.minimumf %max3A_1491, %min3A_1510 : vector<16xf32>
        %max3A_1513 = arith.maximumf %max3A_1493, %min3A_1512 : vector<16xf32>
        %min3A_1514 = arith.minimumf %max3A_1493, %min3A_1512 : vector<16xf32>
        %max3A_1515 = arith.maximumf %max3A_1495, %min3A_1514 : vector<16xf32>
        %min3A_1516 = arith.minimumf %max3A_1495, %min3A_1514 : vector<16xf32>
        %max3A_1517 = arith.maximumf %max3A_1497, %min3A_1516 : vector<16xf32>
        %min3A_1518 = arith.minimumf %max3A_1497, %min3A_1516 : vector<16xf32>
        %max3A_1519 = arith.maximumf %max3A_1499, %min3A_1518 : vector<16xf32>
        %min3A_1520 = arith.minimumf %max3A_1499, %min3A_1518 : vector<16xf32>
        %add3A_1521 = arith.constant 14 : i32
        %add3A_1522 = vector.broadcast %add3A_1521 : i32 to vector<16xi32>
        %add3A_1523 = arith.addi %mul3A_1241, %add3A_1522 : vector<16xi32>
        %gather3A_1524 = tpu.vector_load_idx %arg4[%add3A_1523, %iota3A] : memref<2048x16xf32, #tpu.memory_space<vmem>>[vector<16xi32>, vector<16xi32>], vector<16xf32>,
        %max3A_1525 = arith.maximumf %max3A_1505, %gather3A_1524 : vector<16xf32>
        %min3A_1526 = arith.minimumf %max3A_1505, %gather3A_1524 : vector<16xf32>
        %max3A_1527 = arith.maximumf %max3A_1507, %min3A_1526 : vector<16xf32>
        %min3A_1528 = arith.minimumf %max3A_1507, %min3A_1526 : vector<16xf32>
        %max3A_1529 = arith.maximumf %max3A_1509, %min3A_1528 : vector<16xf32>
        %min3A_1530 = arith.minimumf %max3A_1509, %min3A_1528 : vector<16xf32>
        %max3A_1531 = arith.maximumf %max3A_1511, %min3A_1530 : vector<16xf32>
        %min3A_1532 = arith.minimumf %max3A_1511, %min3A_1530 : vector<16xf32>
        %max3A_1533 = arith.maximumf %max3A_1513, %min3A_1532 : vector<16xf32>
        %min3A_1534 = arith.minimumf %max3A_1513, %min3A_1532 : vector<16xf32>
        %max3A_1535 = arith.maximumf %max3A_1515, %min3A_1534 : vector<16xf32>
        %min3A_1536 = arith.minimumf %max3A_1515, %min3A_1534 : vector<16xf32>
        %max3A_1537 = arith.maximumf %max3A_1517, %min3A_1536 : vector<16xf32>
        %min3A_1538 = arith.minimumf %max3A_1517, %min3A_1536 : vector<16xf32>
        %max3A_1539 = arith.maximumf %max3A_1519, %min3A_1538 : vector<16xf32>
        %min3A_1540 = arith.minimumf %max3A_1519, %min3A_1538 : vector<16xf32>
        %add3A_1541 = arith.constant 15 : i32
        %add3A_1542 = vector.broadcast %add3A_1541 : i32 to vector<16xi32>
        %add3A_1543 = arith.addi %mul3A_1241, %add3A_1542 : vector<16xi32>
        %gather3A_1544 = tpu.vector_load_idx %arg4[%add3A_1543, %iota3A] : memref<2048x16xf32, #tpu.memory_space<vmem>>[vector<16xi32>, vector<16xi32>], vector<16xf32>,
        %max3A_1545 = arith.maximumf %max3A_1525, %gather3A_1544 : vector<16xf32>
        %min3A_1546 = arith.minimumf %max3A_1525, %gather3A_1544 : vector<16xf32>
        %max3A_1547 = arith.maximumf %max3A_1527, %min3A_1546 : vector<16xf32>
        %min3A_1548 = arith.minimumf %max3A_1527, %min3A_1546 : vector<16xf32>
        %max3A_1549 = arith.maximumf %max3A_1529, %min3A_1548 : vector<16xf32>
        %min3A_1550 = arith.minimumf %max3A_1529, %min3A_1548 : vector<16xf32>
        %max3A_1551 = arith.maximumf %max3A_1531, %min3A_1550 : vector<16xf32>
        %min3A_1552 = arith.minimumf %max3A_1531, %min3A_1550 : vector<16xf32>
        %max3A_1553 = arith.maximumf %max3A_1533, %min3A_1552 : vector<16xf32>
        %min3A_1554 = arith.minimumf %max3A_1533, %min3A_1552 : vector<16xf32>
        %max3A_1555 = arith.maximumf %max3A_1535, %min3A_1554 : vector<16xf32>
        %min3A_1556 = arith.minimumf %max3A_1535, %min3A_1554 : vector<16xf32>
        %max3A_1557 = arith.maximumf %max3A_1537, %min3A_1556 : vector<16xf32>
        %min3A_1558 = arith.minimumf %max3A_1537, %min3A_1556 : vector<16xf32>
        %max3A_1559 = arith.maximumf %max3A_1539, %min3A_1558 : vector<16xf32>
        %min3A_1560 = arith.minimumf %max3A_1539, %min3A_1558 : vector<16xf32>
        scf.yield %max3A_1385, %max3A_1387, %max3A_1389, %max3A_1391, %max3A_1393, %max3A_1395, %max3A_1397, %max3A_1399, %max3A_1545, %max3A_1547, %max3A_1549, %max3A_1551, %max3A_1553, %max3A_1555, %max3A_1557, %max3A_1559 : vector<16xf32>, vector<16xf32>, vector<16xf32>, vector<16xf32>, vector<16xf32>, vector<16xf32>, vector<16xf32>, vector<16xf32>, vector<16xf32>, vector<16xf32>, vector<16xf32>, vector<16xf32>, vector<16xf32>, vector<16xf32>, vector<16xf32>, vector<16xf32>
      }
      %scan3A_836 = arith.constant 8 : i32
      %jit3A_837 = arith.constant 48 : i32
      %div3A_838 = arith.divsi %add3A_49, %jit3A_837 : i32
      %sign3A_839 = arith.constant 0 : i32
      %sign3A_840 = arith.cmpi sgt, %add3A_49, %sign3A_839 : i32
      %sign3A_841 = arith.extui %sign3A_840 : i1 to i32
      %sign3A_842 = arith.constant 0 : i32
      %sign3A_843 = arith.cmpi slt, %add3A_49, %sign3A_842 : i32
      %sign3A_844 = arith.extui %sign3A_843 : i1 to i32
      %sign3A_845 = arith.subi %sign3A_841, %sign3A_844 : i32
      %sign3A_846 = arith.constant 0 : i32
      %sign3A_847 = arith.cmpi sgt, %jit3A_837, %sign3A_846 : i32
      %sign3A_848 = arith.extui %sign3A_847 : i1 to i32
      %sign3A_849 = arith.constant 0 : i32
      %sign3A_850 = arith.cmpi slt, %jit3A_837, %sign3A_849 : i32
      %sign3A_851 = arith.extui %sign3A_850 : i1 to i32
      %sign3A_852 = arith.subi %sign3A_848, %sign3A_851 : i32
      %ne3A_853 = arith.cmpi ne, %sign3A_845, %sign3A_852 : i32
      %rem3A_854 = arith.remsi %add3A_49, %jit3A_837 : i32
      %ne3A_855 = arith.constant 0 : i32
      %ne3A_856 = arith.cmpi ne, %rem3A_854, %ne3A_855 : i32
      %and3A_857 = arith.andi %ne3A_853, %ne3A_856 : i1
      %sub3A_858 = arith.constant 1 : i32
      %sub3A_859 = arith.subi %div3A_838, %sub3A_858 : i32
      %select_n3A_860 = arith.select %and3A_857, %sub3A_859, %div3A_838 : i32
      %jit3A_861 = arith.constant 48 : i32
      %eq3A_862 = arith.constant 0 : i32
      %eq3A_863 = arith.cmpi eq, %jit3A_861, %eq3A_862 : i32
      %jit3A_864 = arith.constant 1 : i32
      %select_n3A_865 = arith.select %eq3A_863, %jit3A_864, %jit3A_861 : i32
      %rem3A_866 = arith.remsi %add3A_49, %select_n3A_865 : i32
      %ne3A_867 = arith.constant 0 : i32
      %ne3A_868 = arith.cmpi ne, %rem3A_866, %ne3A_867 : i32
      %lt3A_869 = arith.constant 0 : i32
      %lt3A_870 = arith.cmpi slt, %rem3A_866, %lt3A_869 : i32
      %lt3A_871 = arith.constant 0 : i32
      %lt3A_872 = arith.cmpi slt, %select_n3A_865, %lt3A_871 : i32
      %ne3A_873 = arith.xori %lt3A_870, %lt3A_872 : i1
      %and3A_874 = arith.andi %ne3A_873, %ne3A_868 : i1
      %add3A_875 = arith.addi %rem3A_866, %select_n3A_865 : i32
      %select_n3A_876 = arith.select %and3A_874, %add3A_875, %rem3A_866 : i32
      %mul3A_877 = arith.constant 16 : i32
      %mul3A_878 = arith.muli %select_n3A_876, %mul3A_877 : i32
      %dma_wait3A_879 = arith.constant 6144 : i32
      %dma_wait3A_880 = tpu.memref_slice %arg2[%select_n3A_860, %dma_wait3A_879, %mul3A_878] : memref<4x8192x768xf32, #tpu.memory_space<hbm>> -> memref<1x2048x16xf32, #tpu.memory_space<hbm>>
      %dma_wait3A_881 = tpu.memref_squeeze %dma_wait3A_880 : memref<1x2048x16xf32, #tpu.memory_space<hbm>> -> memref<2048x16xf32, #tpu.memory_space<hbm>>
      %dma_wait3A_882 = arith.constant 6144 : i32
      %dma_wait3A_883 = tpu.memref_slice %arg2[%select_n3A_860, %dma_wait3A_882, %mul3A_878] : memref<4x8192x768xf32, #tpu.memory_space<hbm>> -> memref<1x2048x16xf32, #tpu.memory_space<hbm>>
      %dma_wait3A_884 = tpu.memref_squeeze %dma_wait3A_883 : memref<1x2048x16xf32, #tpu.memory_space<hbm>> -> memref<2048x16xf32, #tpu.memory_space<hbm>>
      tpu.wait_dma2 semaphore(%arg10 : memref<!tpu.dma_semaphore, #tpu.memory_space<semaphore_mem>>) src(%dma_wait3A_884 : memref<2048x16xf32, #tpu.memory_space<hbm>>) dst(%arg5 : memref<2048x16xf32, #tpu.memory_space<vmem>>)
      %lt3A_885 = arith.constant 5 : i32
      %lt3A_886 = arith.cmpi slt, %scan3A_46, %lt3A_885 : i32
      %convert_element_type3A = arith.extui %lt3A_886 : i1 to i32
      %cond3A = arith.constant 0 : i32
      %cond3A_887 = arith.cmpi ne, %convert_element_type3A, %cond3A : i32
      scf.if %cond3A_887 {
        %add3A_1220 = arith.constant 1 : i32
        %add3A_1221 = arith.addi %add3A_49, %add3A_1220 : i32
        %jit3A_1222 = arith.constant 48 : i32
        %div3A_1223 = arith.divsi %add3A_1221, %jit3A_1222 : i32
        %sign3A_1224 = arith.constant 0 : i32
        %sign3A_1225 = arith.cmpi sgt, %add3A_1221, %sign3A_1224 : i32
        %sign3A_1226 = arith.extui %sign3A_1225 : i1 to i32
        %sign3A_1227 = arith.constant 0 : i32
        %sign3A_1228 = arith.cmpi slt, %add3A_1221, %sign3A_1227 : i32
        %sign3A_1229 = arith.extui %sign3A_1228 : i1 to i32
        %sign3A_1230 = arith.subi %sign3A_1226, %sign3A_1229 : i32
        %sign3A_1231 = arith.constant 0 : i32
        %sign3A_1232 = arith.cmpi sgt, %jit3A_1222, %sign3A_1231 : i32
        %sign3A_1233 = arith.extui %sign3A_1232 : i1 to i32
        %sign3A_1234 = arith.constant 0 : i32
        %sign3A_1235 = arith.cmpi slt, %jit3A_1222, %sign3A_1234 : i32
        %sign3A_1236 = arith.extui %sign3A_1235 : i1 to i32
        %sign3A_1237 = arith.subi %sign3A_1233, %sign3A_1236 : i32
        %ne3A_1238 = arith.cmpi ne, %sign3A_1230, %sign3A_1237 : i32
        %rem3A_1239 = arith.remsi %add3A_1221, %jit3A_1222 : i32
        %ne3A_1240 = arith.constant 0 : i32
        %ne3A_1241 = arith.cmpi ne, %rem3A_1239, %ne3A_1240 : i32
        %and3A_1242 = arith.andi %ne3A_1238, %ne3A_1241 : i1
        %sub3A_1243 = arith.constant 1 : i32
        %sub3A_1244 = arith.subi %div3A_1223, %sub3A_1243 : i32
        %select_n3A_1245 = arith.select %and3A_1242, %sub3A_1244, %div3A_1223 : i32
        %jit3A_1246 = arith.constant 48 : i32
        %eq3A_1247 = arith.constant 0 : i32
        %eq3A_1248 = arith.cmpi eq, %jit3A_1246, %eq3A_1247 : i32
        %jit3A_1249 = arith.constant 1 : i32
        %select_n3A_1250 = arith.select %eq3A_1248, %jit3A_1249, %jit3A_1246 : i32
        %rem3A_1251 = arith.remsi %add3A_1221, %select_n3A_1250 : i32
        %ne3A_1252 = arith.constant 0 : i32
        %ne3A_1253 = arith.cmpi ne, %rem3A_1251, %ne3A_1252 : i32
        %lt3A_1254 = arith.constant 0 : i32
        %lt3A_1255 = arith.cmpi slt, %rem3A_1251, %lt3A_1254 : i32
        %lt3A_1256 = arith.constant 0 : i32
        %lt3A_1257 = arith.cmpi slt, %select_n3A_1250, %lt3A_1256 : i32
        %ne3A_1258 = arith.xori %lt3A_1255, %lt3A_1257 : i1
        %and3A_1259 = arith.andi %ne3A_1258, %ne3A_1253 : i1
        %add3A_1260 = arith.addi %rem3A_1251, %select_n3A_1250 : i32
        %select_n3A_1261 = arith.select %and3A_1259, %add3A_1260, %rem3A_1251 : i32
        %mul3A_1262 = arith.constant 16 : i32
        %mul3A_1263 = arith.muli %select_n3A_1261, %mul3A_1262 : i32
        %dma_start3A_1264 = arith.constant 0 : i32
        %dma_start3A_1265 = tpu.memref_slice %arg2[%select_n3A_1245, %dma_start3A_1264, %mul3A_1263] : memref<4x8192x768xf32, #tpu.memory_space<hbm>> -> memref<1x2048x16xf32, #tpu.memory_space<hbm>>
        %dma_start3A_1266 = tpu.memref_squeeze %dma_start3A_1265 : memref<1x2048x16xf32, #tpu.memory_space<hbm>> -> memref<2048x16xf32, #tpu.memory_space<hbm>>
        %dma_start3A_1267 = arith.constant 0 : i32
        %dma_start3A_1268 = tpu.memref_slice %arg2[%select_n3A_1245, %dma_start3A_1267, %mul3A_1263] : memref<4x8192x768xf32, #tpu.memory_space<hbm>> -> memref<1x2048x16xf32, #tpu.memory_space<hbm>>
        %dma_start3A_1269 = tpu.memref_squeeze %dma_start3A_1268 : memref<1x2048x16xf32, #tpu.memory_space<hbm>> -> memref<2048x16xf32, #tpu.memory_space<hbm>>
        tpu.enqueue_dma source(%dma_start3A_1269 : memref<2048x16xf32, #tpu.memory_space<hbm>>) target(%arg4 : memref<2048x16xf32, #tpu.memory_space<vmem>>) target_semaphore(%arg9 : memref<!tpu.dma_semaphore, #tpu.memory_space<semaphore_mem>>)
      } else {
      }
      %scan3A_888 = arith.constant 0 : i32
      %scan3A_889 = arith.constant 64 : i32
      %scan3A_890 = arith.addi %scan3A_888, %scan3A_889 : i32
      %scan3A_891 = arith.constant 1 : i32
      %scan3A_892:16 = scf.for %scan3A_1220 = %scan3A_888 to %scan3A_890 step %scan3A_891 iter_args(%scan3A_1221 = %broadcast_in_dim3A_1, %scan3A_1222 = %broadcast_in_dim3A_1, %scan3A_1223 = %broadcast_in_dim3A_1, %scan3A_1224 = %broadcast_in_dim3A_1, %scan3A_1225 = %broadcast_in_dim3A_1, %scan3A_1226 = %broadcast_in_dim3A_1, %scan3A_1227 = %broadcast_in_dim3A_1, %scan3A_1228 = %broadcast_in_dim3A_1, %scan3A_1229 = %broadcast_in_dim3A_1, %scan3A_1230 = %broadcast_in_dim3A_1, %scan3A_1231 = %broadcast_in_dim3A_1, %scan3A_1232 = %broadcast_in_dim3A_1, %scan3A_1233 = %broadcast_in_dim3A_1, %scan3A_1234 = %broadcast_in_dim3A_1, %scan3A_1235 = %broadcast_in_dim3A_1, %scan3A_1236 = %broadcast_in_dim3A_1) -> (vector<16xf32>, vector<16xf32>, vector<16xf32>, vector<16xf32>, vector<16xf32>, vector<16xf32>, vector<16xf32>, vector<16xf32>, vector<16xf32>, vector<16xf32>, vector<16xf32>, vector<16xf32>, vector<16xf32>, vector<16xf32>, vector<16xf32>, vector<16xf32>)  : i32 {
        %mul3A_1237 = arith.constant 32 : i32
        %mul3A_1238 = arith.muli %scan3A_1220, %mul3A_1237 : i32
        %add3A_1239 = arith.constant 0 : i32
        %add3A_1240 = arith.addi %mul3A_1238, %add3A_1239 : i32
        %get3A = arith.index_cast %add3A_1240 : i32 to index
        %get3A_1241 = arith.constant 0 : index
        %get3A_1242 = tpu.vector_load %arg5[%get3A, %get3A_1241] {strides = array<i32>} : memref<2048x16xf32, #tpu.memory_space<vmem>>, vector<16xf32>,
        %add3A_1243 = arith.constant 1 : i32
        %add3A_1244 = arith.addi %mul3A_1238, %add3A_1243 : i32
        %get3A_1245 = arith.index_cast %add3A_1244 : i32 to index
        %get3A_1246 = arith.constant 0 : index
        %get3A_1247 = tpu.vector_load %arg5[%get3A_1245, %get3A_1246] {strides = array<i32>} : memref<2048x16xf32, #tpu.memory_space<vmem>>, vector<16xf32>,
        %add3A_1248 = arith.constant 2 : i32
        %add3A_1249 = arith.addi %mul3A_1238, %add3A_1248 : i32
        %get3A_1250 = arith.index_cast %add3A_1249 : i32 to index
        %get3A_1251 = arith.constant 0 : index
        %get3A_1252 = tpu.vector_load %arg5[%get3A_1250, %get3A_1251] {strides = array<i32>} : memref<2048x16xf32, #tpu.memory_space<vmem>>, vector<16xf32>,
        %add3A_1253 = arith.constant 3 : i32
        %add3A_1254 = arith.addi %mul3A_1238, %add3A_1253 : i32
        %get3A_1255 = arith.index_cast %add3A_1254 : i32 to index
        %get3A_1256 = arith.constant 0 : index
        %get3A_1257 = tpu.vector_load %arg5[%get3A_1255, %get3A_1256] {strides = array<i32>} : memref<2048x16xf32, #tpu.memory_space<vmem>>, vector<16xf32>,
        %add3A_1258 = arith.constant 4 : i32
        %add3A_1259 = arith.addi %mul3A_1238, %add3A_1258 : i32
        %get3A_1260 = arith.index_cast %add3A_1259 : i32 to index
        %get3A_1261 = arith.constant 0 : index
        %get3A_1262 = tpu.vector_load %arg5[%get3A_1260, %get3A_1261] {strides = array<i32>} : memref<2048x16xf32, #tpu.memory_space<vmem>>, vector<16xf32>,
        %add3A_1263 = arith.constant 5 : i32
        %add3A_1264 = arith.addi %mul3A_1238, %add3A_1263 : i32
        %get3A_1265 = arith.index_cast %add3A_1264 : i32 to index
        %get3A_1266 = arith.constant 0 : index
        %get3A_1267 = tpu.vector_load %arg5[%get3A_1265, %get3A_1266] {strides = array<i32>} : memref<2048x16xf32, #tpu.memory_space<vmem>>, vector<16xf32>,
        %add3A_1268 = arith.constant 6 : i32
        %add3A_1269 = arith.addi %mul3A_1238, %add3A_1268 : i32
        %get3A_1270 = arith.index_cast %add3A_1269 : i32 to index
        %get3A_1271 = arith.constant 0 : index
        %get3A_1272 = tpu.vector_load %arg5[%get3A_1270, %get3A_1271] {strides = array<i32>} : memref<2048x16xf32, #tpu.memory_space<vmem>>, vector<16xf32>,
        %add3A_1273 = arith.constant 7 : i32
        %add3A_1274 = arith.addi %mul3A_1238, %add3A_1273 : i32
        %get3A_1275 = arith.index_cast %add3A_1274 : i32 to index
        %get3A_1276 = arith.constant 0 : index
        %get3A_1277 = tpu.vector_load %arg5[%get3A_1275, %get3A_1276] {strides = array<i32>} : memref<2048x16xf32, #tpu.memory_space<vmem>>, vector<16xf32>,
        %add3A_1278 = arith.constant 8 : i32
        %add3A_1279 = arith.addi %mul3A_1238, %add3A_1278 : i32
        %get3A_1280 = arith.index_cast %add3A_1279 : i32 to index
        %get3A_1281 = arith.constant 0 : index
        %get3A_1282 = tpu.vector_load %arg5[%get3A_1280, %get3A_1281] {strides = array<i32>} : memref<2048x16xf32, #tpu.memory_space<vmem>>, vector<16xf32>,
        %add3A_1283 = arith.constant 9 : i32
        %add3A_1284 = arith.addi %mul3A_1238, %add3A_1283 : i32
        %get3A_1285 = arith.index_cast %add3A_1284 : i32 to index
        %get3A_1286 = arith.constant 0 : index
        %get3A_1287 = tpu.vector_load %arg5[%get3A_1285, %get3A_1286] {strides = array<i32>} : memref<2048x16xf32, #tpu.memory_space<vmem>>, vector<16xf32>,
        %add3A_1288 = arith.constant 10 : i32
        %add3A_1289 = arith.addi %mul3A_1238, %add3A_1288 : i32
        %get3A_1290 = arith.index_cast %add3A_1289 : i32 to index
        %get3A_1291 = arith.constant 0 : index
        %get3A_1292 = tpu.vector_load %arg5[%get3A_1290, %get3A_1291] {strides = array<i32>} : memref<2048x16xf32, #tpu.memory_space<vmem>>, vector<16xf32>,
        %add3A_1293 = arith.constant 11 : i32
        %add3A_1294 = arith.addi %mul3A_1238, %add3A_1293 : i32
        %get3A_1295 = arith.index_cast %add3A_1294 : i32 to index
        %get3A_1296 = arith.constant 0 : index
        %get3A_1297 = tpu.vector_load %arg5[%get3A_1295, %get3A_1296] {strides = array<i32>} : memref<2048x16xf32, #tpu.memory_space<vmem>>, vector<16xf32>,
        %add3A_1298 = arith.constant 12 : i32
        %add3A_1299 = arith.addi %mul3A_1238, %add3A_1298 : i32
        %get3A_1300 = arith.index_cast %add3A_1299 : i32 to index
        %get3A_1301 = arith.constant 0 : index
        %get3A_1302 = tpu.vector_load %arg5[%get3A_1300, %get3A_1301] {strides = array<i32>} : memref<2048x16xf32, #tpu.memory_space<vmem>>, vector<16xf32>,
        %add3A_1303 = arith.constant 13 : i32
        %add3A_1304 = arith.addi %mul3A_1238, %add3A_1303 : i32
        %get3A_1305 = arith.index_cast %add3A_1304 : i32 to index
        %get3A_1306 = arith.constant 0 : index
        %get3A_1307 = tpu.vector_load %arg5[%get3A_1305, %get3A_1306] {strides = array<i32>} : memref<2048x16xf32, #tpu.memory_space<vmem>>, vector<16xf32>,
        %add3A_1308 = arith.constant 14 : i32
        %add3A_1309 = arith.addi %mul3A_1238, %add3A_1308 : i32
        %get3A_1310 = arith.index_cast %add3A_1309 : i32 to index
        %get3A_1311 = arith.constant 0 : index
        %get3A_1312 = tpu.vector_load %arg5[%get3A_1310, %get3A_1311] {strides = array<i32>} : memref<2048x16xf32, #tpu.memory_space<vmem>>, vector<16xf32>,
        %add3A_1313 = arith.constant 15 : i32
        %add3A_1314 = arith.addi %mul3A_1238, %add3A_1313 : i32
        %get3A_1315 = arith.index_cast %add3A_1314 : i32 to index
        %get3A_1316 = arith.constant 0 : index
        %get3A_1317 = tpu.vector_load %arg5[%get3A_1315, %get3A_1316] {strides = array<i32>} : memref<2048x16xf32, #tpu.memory_space<vmem>>, vector<16xf32>,
        %max3A_1318 = arith.maximumf %get3A_1242, %get3A_1247 : vector<16xf32>
        %max3A_1319 = arith.maximumf %get3A_1252, %get3A_1257 : vector<16xf32>
        %max3A_1320 = arith.maximumf %get3A_1262, %get3A_1267 : vector<16xf32>
        %max3A_1321 = arith.maximumf %get3A_1272, %get3A_1277 : vector<16xf32>
        %max3A_1322 = arith.maximumf %get3A_1282, %get3A_1287 : vector<16xf32>
        %max3A_1323 = arith.maximumf %get3A_1292, %get3A_1297 : vector<16xf32>
        %max3A_1324 = arith.maximumf %get3A_1302, %get3A_1307 : vector<16xf32>
        %max3A_1325 = arith.maximumf %get3A_1312, %get3A_1317 : vector<16xf32>
        %max3A_1326 = arith.maximumf %max3A_1318, %max3A_1319 : vector<16xf32>
        %max3A_1327 = arith.maximumf %max3A_1320, %max3A_1321 : vector<16xf32>
        %max3A_1328 = arith.maximumf %max3A_1322, %max3A_1323 : vector<16xf32>
        %max3A_1329 = arith.maximumf %max3A_1324, %max3A_1325 : vector<16xf32>
        %max3A_1330 = arith.maximumf %max3A_1326, %max3A_1327 : vector<16xf32>
        %max3A_1331 = arith.maximumf %max3A_1328, %max3A_1329 : vector<16xf32>
        %max3A_1332 = arith.maximumf %max3A_1330, %max3A_1331 : vector<16xf32>
        %add3A_1333 = arith.constant 16 : i32
        %add3A_1334 = arith.addi %mul3A_1238, %add3A_1333 : i32
        %add3A_1335 = arith.constant 0 : i32
        %add3A_1336 = arith.addi %add3A_1334, %add3A_1335 : i32
        %get3A_1337 = arith.index_cast %add3A_1336 : i32 to index
        %get3A_1338 = arith.constant 0 : index
        %get3A_1339 = tpu.vector_load %arg5[%get3A_1337, %get3A_1338] {strides = array<i32>} : memref<2048x16xf32, #tpu.memory_space<vmem>>, vector<16xf32>,
        %add3A_1340 = arith.constant 16 : i32
        %add3A_1341 = arith.addi %mul3A_1238, %add3A_1340 : i32
        %add3A_1342 = arith.constant 1 : i32
        %add3A_1343 = arith.addi %add3A_1341, %add3A_1342 : i32
        %get3A_1344 = arith.index_cast %add3A_1343 : i32 to index
        %get3A_1345 = arith.constant 0 : index
        %get3A_1346 = tpu.vector_load %arg5[%get3A_1344, %get3A_1345] {strides = array<i32>} : memref<2048x16xf32, #tpu.memory_space<vmem>>, vector<16xf32>,
        %add3A_1347 = arith.constant 16 : i32
        %add3A_1348 = arith.addi %mul3A_1238, %add3A_1347 : i32
        %add3A_1349 = arith.constant 2 : i32
        %add3A_1350 = arith.addi %add3A_1348, %add3A_1349 : i32
        %get3A_1351 = arith.index_cast %add3A_1350 : i32 to index
        %get3A_1352 = arith.constant 0 : index
        %get3A_1353 = tpu.vector_load %arg5[%get3A_1351, %get3A_1352] {strides = array<i32>} : memref<2048x16xf32, #tpu.memory_space<vmem>>, vector<16xf32>,
        %add3A_1354 = arith.constant 16 : i32
        %add3A_1355 = arith.addi %mul3A_1238, %add3A_1354 : i32
        %add3A_1356 = arith.constant 3 : i32
        %add3A_1357 = arith.addi %add3A_1355, %add3A_1356 : i32
        %get3A_1358 = arith.index_cast %add3A_1357 : i32 to index
        %get3A_1359 = arith.constant 0 : index
        %get3A_1360 = tpu.vector_load %arg5[%get3A_1358, %get3A_1359] {strides = array<i32>} : memref<2048x16xf32, #tpu.memory_space<vmem>>, vector<16xf32>,
        %add3A_1361 = arith.constant 16 : i32
        %add3A_1362 = arith.addi %mul3A_1238, %add3A_1361 : i32
        %add3A_1363 = arith.constant 4 : i32
        %add3A_1364 = arith.addi %add3A_1362, %add3A_1363 : i32
        %get3A_1365 = arith.index_cast %add3A_1364 : i32 to index
        %get3A_1366 = arith.constant 0 : index
        %get3A_1367 = tpu.vector_load %arg5[%get3A_1365, %get3A_1366] {strides = array<i32>} : memref<2048x16xf32, #tpu.memory_space<vmem>>, vector<16xf32>,
        %add3A_1368 = arith.constant 16 : i32
        %add3A_1369 = arith.addi %mul3A_1238, %add3A_1368 : i32
        %add3A_1370 = arith.constant 5 : i32
        %add3A_1371 = arith.addi %add3A_1369, %add3A_1370 : i32
        %get3A_1372 = arith.index_cast %add3A_1371 : i32 to index
        %get3A_1373 = arith.constant 0 : index
        %get3A_1374 = tpu.vector_load %arg5[%get3A_1372, %get3A_1373] {strides = array<i32>} : memref<2048x16xf32, #tpu.memory_space<vmem>>, vector<16xf32>,
        %add3A_1375 = arith.constant 16 : i32
        %add3A_1376 = arith.addi %mul3A_1238, %add3A_1375 : i32
        %add3A_1377 = arith.constant 6 : i32
        %add3A_1378 = arith.addi %add3A_1376, %add3A_1377 : i32
        %get3A_1379 = arith.index_cast %add3A_1378 : i32 to index
        %get3A_1380 = arith.constant 0 : index
        %get3A_1381 = tpu.vector_load %arg5[%get3A_1379, %get3A_1380] {strides = array<i32>} : memref<2048x16xf32, #tpu.memory_space<vmem>>, vector<16xf32>,
        %add3A_1382 = arith.constant 16 : i32
        %add3A_1383 = arith.addi %mul3A_1238, %add3A_1382 : i32
        %add3A_1384 = arith.constant 7 : i32
        %add3A_1385 = arith.addi %add3A_1383, %add3A_1384 : i32
        %get3A_1386 = arith.index_cast %add3A_1385 : i32 to index
        %get3A_1387 = arith.constant 0 : index
        %get3A_1388 = tpu.vector_load %arg5[%get3A_1386, %get3A_1387] {strides = array<i32>} : memref<2048x16xf32, #tpu.memory_space<vmem>>, vector<16xf32>,
        %add3A_1389 = arith.constant 16 : i32
        %add3A_1390 = arith.addi %mul3A_1238, %add3A_1389 : i32
        %add3A_1391 = arith.constant 8 : i32
        %add3A_1392 = arith.addi %add3A_1390, %add3A_1391 : i32
        %get3A_1393 = arith.index_cast %add3A_1392 : i32 to index
        %get3A_1394 = arith.constant 0 : index
        %get3A_1395 = tpu.vector_load %arg5[%get3A_1393, %get3A_1394] {strides = array<i32>} : memref<2048x16xf32, #tpu.memory_space<vmem>>, vector<16xf32>,
        %add3A_1396 = arith.constant 16 : i32
        %add3A_1397 = arith.addi %mul3A_1238, %add3A_1396 : i32
        %add3A_1398 = arith.constant 9 : i32
        %add3A_1399 = arith.addi %add3A_1397, %add3A_1398 : i32
        %get3A_1400 = arith.index_cast %add3A_1399 : i32 to index
        %get3A_1401 = arith.constant 0 : index
        %get3A_1402 = tpu.vector_load %arg5[%get3A_1400, %get3A_1401] {strides = array<i32>} : memref<2048x16xf32, #tpu.memory_space<vmem>>, vector<16xf32>,
        %add3A_1403 = arith.constant 16 : i32
        %add3A_1404 = arith.addi %mul3A_1238, %add3A_1403 : i32
        %add3A_1405 = arith.constant 10 : i32
        %add3A_1406 = arith.addi %add3A_1404, %add3A_1405 : i32
        %get3A_1407 = arith.index_cast %add3A_1406 : i32 to index
        %get3A_1408 = arith.constant 0 : index
        %get3A_1409 = tpu.vector_load %arg5[%get3A_1407, %get3A_1408] {strides = array<i32>} : memref<2048x16xf32, #tpu.memory_space<vmem>>, vector<16xf32>,
        %add3A_1410 = arith.constant 16 : i32
        %add3A_1411 = arith.addi %mul3A_1238, %add3A_1410 : i32
        %add3A_1412 = arith.constant 11 : i32
        %add3A_1413 = arith.addi %add3A_1411, %add3A_1412 : i32
        %get3A_1414 = arith.index_cast %add3A_1413 : i32 to index
        %get3A_1415 = arith.constant 0 : index
        %get3A_1416 = tpu.vector_load %arg5[%get3A_1414, %get3A_1415] {strides = array<i32>} : memref<2048x16xf32, #tpu.memory_space<vmem>>, vector<16xf32>,
        %add3A_1417 = arith.constant 16 : i32
        %add3A_1418 = arith.addi %mul3A_1238, %add3A_1417 : i32
        %add3A_1419 = arith.constant 12 : i32
        %add3A_1420 = arith.addi %add3A_1418, %add3A_1419 : i32
        %get3A_1421 = arith.index_cast %add3A_1420 : i32 to index
        %get3A_1422 = arith.constant 0 : index
        %get3A_1423 = tpu.vector_load %arg5[%get3A_1421, %get3A_1422] {strides = array<i32>} : memref<2048x16xf32, #tpu.memory_space<vmem>>, vector<16xf32>,
        %add3A_1424 = arith.constant 16 : i32
        %add3A_1425 = arith.addi %mul3A_1238, %add3A_1424 : i32
        %add3A_1426 = arith.constant 13 : i32
        %add3A_1427 = arith.addi %add3A_1425, %add3A_1426 : i32
        %get3A_1428 = arith.index_cast %add3A_1427 : i32 to index
        %get3A_1429 = arith.constant 0 : index
        %get3A_1430 = tpu.vector_load %arg5[%get3A_1428, %get3A_1429] {strides = array<i32>} : memref<2048x16xf32, #tpu.memory_space<vmem>>, vector<16xf32>,
        %add3A_1431 = arith.constant 16 : i32
        %add3A_1432 = arith.addi %mul3A_1238, %add3A_1431 : i32
        %add3A_1433 = arith.constant 14 : i32
        %add3A_1434 = arith.addi %add3A_1432, %add3A_1433 : i32
        %get3A_1435 = arith.index_cast %add3A_1434 : i32 to index
        %get3A_1436 = arith.constant 0 : index
        %get3A_1437 = tpu.vector_load %arg5[%get3A_1435, %get3A_1436] {strides = array<i32>} : memref<2048x16xf32, #tpu.memory_space<vmem>>, vector<16xf32>,
        %add3A_1438 = arith.constant 16 : i32
        %add3A_1439 = arith.addi %mul3A_1238, %add3A_1438 : i32
        %add3A_1440 = arith.constant 15 : i32
        %add3A_1441 = arith.addi %add3A_1439, %add3A_1440 : i32
        %get3A_1442 = arith.index_cast %add3A_1441 : i32 to index
        %get3A_1443 = arith.constant 0 : index
        %get3A_1444 = tpu.vector_load %arg5[%get3A_1442, %get3A_1443] {strides = array<i32>} : memref<2048x16xf32, #tpu.memory_space<vmem>>, vector<16xf32>,
        %max3A_1445 = arith.maximumf %get3A_1339, %get3A_1346 : vector<16xf32>
        %max3A_1446 = arith.maximumf %get3A_1353, %get3A_1360 : vector<16xf32>
        %max3A_1447 = arith.maximumf %get3A_1367, %get3A_1374 : vector<16xf32>
        %max3A_1448 = arith.maximumf %get3A_1381, %get3A_1388 : vector<16xf32>
        %max3A_1449 = arith.maximumf %get3A_1395, %get3A_1402 : vector<16xf32>
        %max3A_1450 = arith.maximumf %get3A_1409, %get3A_1416 : vector<16xf32>
        %max3A_1451 = arith.maximumf %get3A_1423, %get3A_1430 : vector<16xf32>
        %max3A_1452 = arith.maximumf %get3A_1437, %get3A_1444 : vector<16xf32>
        %max3A_1453 = arith.maximumf %max3A_1445, %max3A_1446 : vector<16xf32>
        %max3A_1454 = arith.maximumf %max3A_1447, %max3A_1448 : vector<16xf32>
        %max3A_1455 = arith.maximumf %max3A_1449, %max3A_1450 : vector<16xf32>
        %max3A_1456 = arith.maximumf %max3A_1451, %max3A_1452 : vector<16xf32>
        %max3A_1457 = arith.maximumf %max3A_1453, %max3A_1454 : vector<16xf32>
        %max3A_1458 = arith.maximumf %max3A_1455, %max3A_1456 : vector<16xf32>
        %max3A_1459 = arith.maximumf %max3A_1457, %max3A_1458 : vector<16xf32>
        %mul3A_1460 = arith.constant 2 : i32
        %mul3A_1461 = arith.muli %mul3A_1460, %scan3A_1220 : i32
        %swap3A = arith.index_cast %mul3A_1461 : i32 to index
        %swap3A_1462 = arith.constant 0 : index
        %swap3A_1463 = tpu.vector_load %arg6[%swap3A, %swap3A_1462] {strides = array<i32>} : memref<128x16xf32, #tpu.memory_space<vmem>>, vector<16xf32>,
        tpu.vector_store %arg6[%swap3A, %swap3A_1462], %max3A_1332 {strides = array<i32>} : memref<128x16xf32, #tpu.memory_space<vmem>>, vector<16xf32>,
        %mul3A_1464 = arith.constant 2 : i32
        %mul3A_1465 = arith.muli %mul3A_1464, %scan3A_1220 : i32
        %add3A_1466 = arith.constant 1 : i32
        %add3A_1467 = arith.addi %mul3A_1465, %add3A_1466 : i32
        %swap3A_1468 = arith.index_cast %add3A_1467 : i32 to index
        %swap3A_1469 = arith.constant 0 : index
        %swap3A_1470 = tpu.vector_load %arg6[%swap3A_1468, %swap3A_1469] {strides = array<i32>} : memref<128x16xf32, #tpu.memory_space<vmem>>, vector<16xf32>,
        tpu.vector_store %arg6[%swap3A_1468, %swap3A_1469], %max3A_1459 {strides = array<i32>} : memref<128x16xf32, #tpu.memory_space<vmem>>, vector<16xf32>,
        %max3A_1471 = arith.maximumf %scan3A_1221, %max3A_1332 : vector<16xf32>
        %min3A_1472 = arith.minimumf %scan3A_1221, %max3A_1332 : vector<16xf32>
        %max3A_1473 = arith.maximumf %scan3A_1222, %min3A_1472 : vector<16xf32>
        %min3A_1474 = arith.minimumf %scan3A_1222, %min3A_1472 : vector<16xf32>
        %max3A_1475 = arith.maximumf %scan3A_1223, %min3A_1474 : vector<16xf32>
        %min3A_1476 = arith.minimumf %scan3A_1223, %min3A_1474 : vector<16xf32>
        %max3A_1477 = arith.maximumf %scan3A_1224, %min3A_1476 : vector<16xf32>
        %min3A_1478 = arith.minimumf %scan3A_1224, %min3A_1476 : vector<16xf32>
        %max3A_1479 = arith.maximumf %scan3A_1225, %min3A_1478 : vector<16xf32>
        %min3A_1480 = arith.minimumf %scan3A_1225, %min3A_1478 : vector<16xf32>
        %max3A_1481 = arith.maximumf %scan3A_1226, %min3A_1480 : vector<16xf32>
        %min3A_1482 = arith.minimumf %scan3A_1226, %min3A_1480 : vector<16xf32>
        %max3A_1483 = arith.maximumf %scan3A_1227, %min3A_1482 : vector<16xf32>
        %min3A_1484 = arith.minimumf %scan3A_1227, %min3A_1482 : vector<16xf32>
        %max3A_1485 = arith.maximumf %scan3A_1228, %min3A_1484 : vector<16xf32>
        %min3A_1486 = arith.minimumf %scan3A_1228, %min3A_1484 : vector<16xf32>
        %max3A_1487 = arith.maximumf %scan3A_1229, %max3A_1459 : vector<16xf32>
        %min3A_1488 = arith.minimumf %scan3A_1229, %max3A_1459 : vector<16xf32>
        %max3A_1489 = arith.maximumf %scan3A_1230, %min3A_1488 : vector<16xf32>
        %min3A_1490 = arith.minimumf %scan3A_1230, %min3A_1488 : vector<16xf32>
        %max3A_1491 = arith.maximumf %scan3A_1231, %min3A_1490 : vector<16xf32>
        %min3A_1492 = arith.minimumf %scan3A_1231, %min3A_1490 : vector<16xf32>
        %max3A_1493 = arith.maximumf %scan3A_1232, %min3A_1492 : vector<16xf32>
        %min3A_1494 = arith.minimumf %scan3A_1232, %min3A_1492 : vector<16xf32>
        %max3A_1495 = arith.maximumf %scan3A_1233, %min3A_1494 : vector<16xf32>
        %min3A_1496 = arith.minimumf %scan3A_1233, %min3A_1494 : vector<16xf32>
        %max3A_1497 = arith.maximumf %scan3A_1234, %min3A_1496 : vector<16xf32>
        %min3A_1498 = arith.minimumf %scan3A_1234, %min3A_1496 : vector<16xf32>
        %max3A_1499 = arith.maximumf %scan3A_1235, %min3A_1498 : vector<16xf32>
        %min3A_1500 = arith.minimumf %scan3A_1235, %min3A_1498 : vector<16xf32>
        %max3A_1501 = arith.maximumf %scan3A_1236, %min3A_1500 : vector<16xf32>
        %min3A_1502 = arith.minimumf %scan3A_1236, %min3A_1500 : vector<16xf32>
        scf.yield %max3A_1471, %max3A_1473, %max3A_1475, %max3A_1477, %max3A_1479, %max3A_1481, %max3A_1483, %max3A_1485, %max3A_1487, %max3A_1489, %max3A_1491, %max3A_1493, %max3A_1495, %max3A_1497, %max3A_1499, %max3A_1501 : vector<16xf32>, vector<16xf32>, vector<16xf32>, vector<16xf32>, vector<16xf32>, vector<16xf32>, vector<16xf32>, vector<16xf32>, vector<16xf32>, vector<16xf32>, vector<16xf32>, vector<16xf32>, vector<16xf32>, vector<16xf32>, vector<16xf32>, vector<16xf32>
      }
      %scan3A_893 = arith.constant 64 : i32
      %max3A_894 = arith.maximumf %scan3A_892#0, %scan3A_892#8 : vector<16xf32>
      %min3A_895 = arith.minimumf %scan3A_892#0, %scan3A_892#8 : vector<16xf32>
      %max3A_896 = arith.maximumf %scan3A_892#1, %min3A_895 : vector<16xf32>
      %min3A_897 = arith.minimumf %scan3A_892#1, %min3A_895 : vector<16xf32>
      %max3A_898 = arith.maximumf %scan3A_892#2, %min3A_897 : vector<16xf32>
      %min3A_899 = arith.minimumf %scan3A_892#2, %min3A_897 : vector<16xf32>
      %max3A_900 = arith.maximumf %scan3A_892#3, %min3A_899 : vector<16xf32>
      %min3A_901 = arith.minimumf %scan3A_892#3, %min3A_899 : vector<16xf32>
      %max3A_902 = arith.maximumf %scan3A_892#4, %min3A_901 : vector<16xf32>
      %min3A_903 = arith.minimumf %scan3A_892#4, %min3A_901 : vector<16xf32>
      %max3A_904 = arith.maximumf %scan3A_892#5, %min3A_903 : vector<16xf32>
      %min3A_905 = arith.minimumf %scan3A_892#5, %min3A_903 : vector<16xf32>
      %max3A_906 = arith.maximumf %scan3A_892#6, %min3A_905 : vector<16xf32>
      %min3A_907 = arith.minimumf %scan3A_892#6, %min3A_905 : vector<16xf32>
      %max3A_908 = arith.maximumf %scan3A_892#7, %min3A_907 : vector<16xf32>
      %min3A_909 = arith.minimumf %scan3A_892#7, %min3A_907 : vector<16xf32>
      %max3A_910 = arith.maximumf %max3A_894, %scan3A_892#9 : vector<16xf32>
      %min3A_911 = arith.minimumf %max3A_894, %scan3A_892#9 : vector<16xf32>
      %max3A_912 = arith.maximumf %max3A_896, %min3A_911 : vector<16xf32>
      %min3A_913 = arith.minimumf %max3A_896, %min3A_911 : vector<16xf32>
      %max3A_914 = arith.maximumf %max3A_898, %min3A_913 : vector<16xf32>
      %min3A_915 = arith.minimumf %max3A_898, %min3A_913 : vector<16xf32>
      %max3A_916 = arith.maximumf %max3A_900, %min3A_915 : vector<16xf32>
      %min3A_917 = arith.minimumf %max3A_900, %min3A_915 : vector<16xf32>
      %max3A_918 = arith.maximumf %max3A_902, %min3A_917 : vector<16xf32>
      %min3A_919 = arith.minimumf %max3A_902, %min3A_917 : vector<16xf32>
      %max3A_920 = arith.maximumf %max3A_904, %min3A_919 : vector<16xf32>
      %min3A_921 = arith.minimumf %max3A_904, %min3A_919 : vector<16xf32>
      %max3A_922 = arith.maximumf %max3A_906, %min3A_921 : vector<16xf32>
      %min3A_923 = arith.minimumf %max3A_906, %min3A_921 : vector<16xf32>
      %max3A_924 = arith.maximumf %max3A_908, %min3A_923 : vector<16xf32>
      %min3A_925 = arith.minimumf %max3A_908, %min3A_923 : vector<16xf32>
      %max3A_926 = arith.maximumf %max3A_910, %scan3A_892#10 : vector<16xf32>
      %min3A_927 = arith.minimumf %max3A_910, %scan3A_892#10 : vector<16xf32>
      %max3A_928 = arith.maximumf %max3A_912, %min3A_927 : vector<16xf32>
      %min3A_929 = arith.minimumf %max3A_912, %min3A_927 : vector<16xf32>
      %max3A_930 = arith.maximumf %max3A_914, %min3A_929 : vector<16xf32>
      %min3A_931 = arith.minimumf %max3A_914, %min3A_929 : vector<16xf32>
      %max3A_932 = arith.maximumf %max3A_916, %min3A_931 : vector<16xf32>
      %min3A_933 = arith.minimumf %max3A_916, %min3A_931 : vector<16xf32>
      %max3A_934 = arith.maximumf %max3A_918, %min3A_933 : vector<16xf32>
      %min3A_935 = arith.minimumf %max3A_918, %min3A_933 : vector<16xf32>
      %max3A_936 = arith.maximumf %max3A_920, %min3A_935 : vector<16xf32>
      %min3A_937 = arith.minimumf %max3A_920, %min3A_935 : vector<16xf32>
      %max3A_938 = arith.maximumf %max3A_922, %min3A_937 : vector<16xf32>
      %min3A_939 = arith.minimumf %max3A_922, %min3A_937 : vector<16xf32>
      %max3A_940 = arith.maximumf %max3A_924, %min3A_939 : vector<16xf32>
      %min3A_941 = arith.minimumf %max3A_924, %min3A_939 : vector<16xf32>
      %max3A_942 = arith.maximumf %max3A_926, %scan3A_892#11 : vector<16xf32>
      %min3A_943 = arith.minimumf %max3A_926, %scan3A_892#11 : vector<16xf32>
      %max3A_944 = arith.maximumf %max3A_928, %min3A_943 : vector<16xf32>
      %min3A_945 = arith.minimumf %max3A_928, %min3A_943 : vector<16xf32>
      %max3A_946 = arith.maximumf %max3A_930, %min3A_945 : vector<16xf32>
      %min3A_947 = arith.minimumf %max3A_930, %min3A_945 : vector<16xf32>
      %max3A_948 = arith.maximumf %max3A_932, %min3A_947 : vector<16xf32>
      %min3A_949 = arith.minimumf %max3A_932, %min3A_947 : vector<16xf32>
      %max3A_950 = arith.maximumf %max3A_934, %min3A_949 : vector<16xf32>
      %min3A_951 = arith.minimumf %max3A_934, %min3A_949 : vector<16xf32>
      %max3A_952 = arith.maximumf %max3A_936, %min3A_951 : vector<16xf32>
      %min3A_953 = arith.minimumf %max3A_936, %min3A_951 : vector<16xf32>
      %max3A_954 = arith.maximumf %max3A_938, %min3A_953 : vector<16xf32>
      %min3A_955 = arith.minimumf %max3A_938, %min3A_953 : vector<16xf32>
      %max3A_956 = arith.maximumf %max3A_940, %min3A_955 : vector<16xf32>
      %min3A_957 = arith.minimumf %max3A_940, %min3A_955 : vector<16xf32>
      %max3A_958 = arith.maximumf %max3A_942, %scan3A_892#12 : vector<16xf32>
      %min3A_959 = arith.minimumf %max3A_942, %scan3A_892#12 : vector<16xf32>
      %max3A_960 = arith.maximumf %max3A_944, %min3A_959 : vector<16xf32>
      %min3A_961 = arith.minimumf %max3A_944, %min3A_959 : vector<16xf32>
      %max3A_962 = arith.maximumf %max3A_946, %min3A_961 : vector<16xf32>
      %min3A_963 = arith.minimumf %max3A_946, %min3A_961 : vector<16xf32>
      %max3A_964 = arith.maximumf %max3A_948, %min3A_963 : vector<16xf32>
      %min3A_965 = arith.minimumf %max3A_948, %min3A_963 : vector<16xf32>
      %max3A_966 = arith.maximumf %max3A_950, %min3A_965 : vector<16xf32>
      %min3A_967 = arith.minimumf %max3A_950, %min3A_965 : vector<16xf32>
      %max3A_968 = arith.maximumf %max3A_952, %min3A_967 : vector<16xf32>
      %min3A_969 = arith.minimumf %max3A_952, %min3A_967 : vector<16xf32>
      %max3A_970 = arith.maximumf %max3A_954, %min3A_969 : vector<16xf32>
      %min3A_971 = arith.minimumf %max3A_954, %min3A_969 : vector<16xf32>
      %max3A_972 = arith.maximumf %max3A_956, %min3A_971 : vector<16xf32>
      %min3A_973 = arith.minimumf %max3A_956, %min3A_971 : vector<16xf32>
      %max3A_974 = arith.maximumf %max3A_958, %scan3A_892#13 : vector<16xf32>
      %min3A_975 = arith.minimumf %max3A_958, %scan3A_892#13 : vector<16xf32>
      %max3A_976 = arith.maximumf %max3A_960, %min3A_975 : vector<16xf32>
      %min3A_977 = arith.minimumf %max3A_960, %min3A_975 : vector<16xf32>
      %max3A_978 = arith.maximumf %max3A_962, %min3A_977 : vector<16xf32>
      %min3A_979 = arith.minimumf %max3A_962, %min3A_977 : vector<16xf32>
      %max3A_980 = arith.maximumf %max3A_964, %min3A_979 : vector<16xf32>
      %min3A_981 = arith.minimumf %max3A_964, %min3A_979 : vector<16xf32>
      %max3A_982 = arith.maximumf %max3A_966, %min3A_981 : vector<16xf32>
      %min3A_983 = arith.minimumf %max3A_966, %min3A_981 : vector<16xf32>
      %max3A_984 = arith.maximumf %max3A_968, %min3A_983 : vector<16xf32>
      %min3A_985 = arith.minimumf %max3A_968, %min3A_983 : vector<16xf32>
      %max3A_986 = arith.maximumf %max3A_970, %min3A_985 : vector<16xf32>
      %min3A_987 = arith.minimumf %max3A_970, %min3A_985 : vector<16xf32>
      %max3A_988 = arith.maximumf %max3A_972, %min3A_987 : vector<16xf32>
      %min3A_989 = arith.minimumf %max3A_972, %min3A_987 : vector<16xf32>
      %max3A_990 = arith.maximumf %max3A_974, %scan3A_892#14 : vector<16xf32>
      %min3A_991 = arith.minimumf %max3A_974, %scan3A_892#14 : vector<16xf32>
      %max3A_992 = arith.maximumf %max3A_976, %min3A_991 : vector<16xf32>
      %min3A_993 = arith.minimumf %max3A_976, %min3A_991 : vector<16xf32>
      %max3A_994 = arith.maximumf %max3A_978, %min3A_993 : vector<16xf32>
      %min3A_995 = arith.minimumf %max3A_978, %min3A_993 : vector<16xf32>
      %max3A_996 = arith.maximumf %max3A_980, %min3A_995 : vector<16xf32>
      %min3A_997 = arith.minimumf %max3A_980, %min3A_995 : vector<16xf32>
      %max3A_998 = arith.maximumf %max3A_982, %min3A_997 : vector<16xf32>
      %min3A_999 = arith.minimumf %max3A_982, %min3A_997 : vector<16xf32>
      %max3A_1000 = arith.maximumf %max3A_984, %min3A_999 : vector<16xf32>
      %min3A_1001 = arith.minimumf %max3A_984, %min3A_999 : vector<16xf32>
      %max3A_1002 = arith.maximumf %max3A_986, %min3A_1001 : vector<16xf32>
      %min3A_1003 = arith.minimumf %max3A_986, %min3A_1001 : vector<16xf32>
      %max3A_1004 = arith.maximumf %max3A_988, %min3A_1003 : vector<16xf32>
      %min3A_1005 = arith.minimumf %max3A_988, %min3A_1003 : vector<16xf32>
      %max3A_1006 = arith.maximumf %max3A_990, %scan3A_892#15 : vector<16xf32>
      %min3A_1007 = arith.minimumf %max3A_990, %scan3A_892#15 : vector<16xf32>
      %max3A_1008 = arith.maximumf %max3A_992, %min3A_1007 : vector<16xf32>
      %min3A_1009 = arith.minimumf %max3A_992, %min3A_1007 : vector<16xf32>
      %max3A_1010 = arith.maximumf %max3A_994, %min3A_1009 : vector<16xf32>
      %min3A_1011 = arith.minimumf %max3A_994, %min3A_1009 : vector<16xf32>
      %max3A_1012 = arith.maximumf %max3A_996, %min3A_1011 : vector<16xf32>
      %min3A_1013 = arith.minimumf %max3A_996, %min3A_1011 : vector<16xf32>
      %max3A_1014 = arith.maximumf %max3A_998, %min3A_1013 : vector<16xf32>
      %min3A_1015 = arith.minimumf %max3A_998, %min3A_1013 : vector<16xf32>
      %max3A_1016 = arith.maximumf %max3A_1000, %min3A_1015 : vector<16xf32>
      %min3A_1017 = arith.minimumf %max3A_1000, %min3A_1015 : vector<16xf32>
      %max3A_1018 = arith.maximumf %max3A_1002, %min3A_1017 : vector<16xf32>
      %min3A_1019 = arith.minimumf %max3A_1002, %min3A_1017 : vector<16xf32>
      %max3A_1020 = arith.maximumf %max3A_1004, %min3A_1019 : vector<16xf32>
      %min3A_1021 = arith.minimumf %max3A_1004, %min3A_1019 : vector<16xf32>
      %broadcast_in_dim3A_1022 = arith.constant 0 : i32
      %broadcast_in_dim3A_1023 = vector.broadcast %broadcast_in_dim3A_1022 : i32 to vector<16xi32>
      %scan3A_1024 = arith.constant 0 : i32
      %scan3A_1025 = arith.constant 128 : i32
      %scan3A_1026 = arith.addi %scan3A_1024, %scan3A_1025 : i32
      %scan3A_1027 = arith.constant 1 : i32
      %scan3A_1028 = scf.for %scan3A_1220 = %scan3A_1024 to %scan3A_1026 step %scan3A_1027 iter_args(%scan3A_1221 = %broadcast_in_dim3A_1023) -> (vector<16xi32>)  : i32 {
        %get3A = arith.index_cast %scan3A_1220 : i32 to index
        %get3A_1222 = arith.constant 0 : index
        %get3A_1223 = tpu.vector_load %arg6[%get3A, %get3A_1222] {strides = array<i32>} : memref<128x16xf32, #tpu.memory_space<vmem>>, vector<16xf32>,
        %gt3A = arith.cmpf ogt, %get3A_1223, %max3A_1020 : vector<16xf32>
        %lt3A_1224 = arith.constant 8 : i32
        %lt3A_1225 = vector.broadcast %lt3A_1224 : i32 to vector<16xi32>
        %lt3A_1226 = arith.cmpi slt, %scan3A_1221, %lt3A_1225 : vector<16xi32>
        %and3A_1227 = arith.andi %gt3A, %lt3A_1226 : vector<16xi1>
        %broadcast_in_dim3A_1228 = vector.broadcast %scan3A_1220 : i32 to vector<16xi32>
        tpu.vector_store_idx %arg7[%scan3A_1221, %iota3A], %broadcast_in_dim3A_1228 masked %and3A_1227 : memref<8x16xi32, #tpu.memory_space<vmem>>[vector<16xi32>, vector<16xi32>], vector<16xi32>, vector<16xi1>
        %convert_element_type3A_1229 = arith.extui %and3A_1227 : vector<16xi1> to vector<16xi32>
        %add3A_1230 = arith.addi %scan3A_1221, %convert_element_type3A_1229 : vector<16xi32>
        scf.yield %add3A_1230 : vector<16xi32>
      }
      %scan3A_1029 = arith.constant 128 : i32
      %scan3A_1030 = arith.constant 0 : i32
      %scan3A_1031 = arith.constant 128 : i32
      %scan3A_1032 = arith.addi %scan3A_1030, %scan3A_1031 : i32
      %scan3A_1033 = arith.constant 1 : i32
      %scan3A_1034 = scf.for %scan3A_1220 = %scan3A_1030 to %scan3A_1032 step %scan3A_1033 iter_args(%scan3A_1221 = %scan3A_1028) -> (vector<16xi32>)  : i32 {
        %get3A = arith.index_cast %scan3A_1220 : i32 to index
        %get3A_1222 = arith.constant 0 : index
        %get3A_1223 = tpu.vector_load %arg6[%get3A, %get3A_1222] {strides = array<i32>} : memref<128x16xf32, #tpu.memory_space<vmem>>, vector<16xf32>,
        %eq3A_1224 = arith.cmpf oeq, %get3A_1223, %max3A_1020 : vector<16xf32>
        %lt3A_1225 = arith.constant 8 : i32
        %lt3A_1226 = vector.broadcast %lt3A_1225 : i32 to vector<16xi32>
        %lt3A_1227 = arith.cmpi slt, %scan3A_1221, %lt3A_1226 : vector<16xi32>
        %and3A_1228 = arith.andi %eq3A_1224, %lt3A_1227 : vector<16xi1>
        %broadcast_in_dim3A_1229 = vector.broadcast %scan3A_1220 : i32 to vector<16xi32>
        tpu.vector_store_idx %arg7[%scan3A_1221, %iota3A], %broadcast_in_dim3A_1229 masked %and3A_1228 : memref<8x16xi32, #tpu.memory_space<vmem>>[vector<16xi32>, vector<16xi32>], vector<16xi32>, vector<16xi1>
        %convert_element_type3A_1230 = arith.extui %and3A_1228 : vector<16xi1> to vector<16xi32>
        %add3A_1231 = arith.addi %scan3A_1221, %convert_element_type3A_1230 : vector<16xi32>
        scf.yield %add3A_1231 : vector<16xi32>
      }
      %scan3A_1035 = arith.constant 128 : i32
      %scan3A_1036 = arith.constant 0 : i32
      %scan3A_1037 = arith.constant 8 : i32
      %scan3A_1038 = arith.addi %scan3A_1036, %scan3A_1037 : i32
      %scan3A_1039 = arith.constant 1 : i32
      %scan3A_1040:16 = scf.for %scan3A_1220 = %scan3A_1036 to %scan3A_1038 step %scan3A_1039 iter_args(%scan3A_1221 = %scan3A_835#0, %scan3A_1222 = %scan3A_835#1, %scan3A_1223 = %scan3A_835#2, %scan3A_1224 = %scan3A_835#3, %scan3A_1225 = %scan3A_835#4, %scan3A_1226 = %scan3A_835#5, %scan3A_1227 = %scan3A_835#6, %scan3A_1228 = %scan3A_835#7, %scan3A_1229 = %scan3A_835#8, %scan3A_1230 = %scan3A_835#9, %scan3A_1231 = %scan3A_835#10, %scan3A_1232 = %scan3A_835#11, %scan3A_1233 = %scan3A_835#12, %scan3A_1234 = %scan3A_835#13, %scan3A_1235 = %scan3A_835#14, %scan3A_1236 = %scan3A_835#15) -> (vector<16xf32>, vector<16xf32>, vector<16xf32>, vector<16xf32>, vector<16xf32>, vector<16xf32>, vector<16xf32>, vector<16xf32>, vector<16xf32>, vector<16xf32>, vector<16xf32>, vector<16xf32>, vector<16xf32>, vector<16xf32>, vector<16xf32>, vector<16xf32>)  : i32 {
        %get3A = arith.index_cast %scan3A_1220 : i32 to index
        %get3A_1237 = arith.constant 0 : index
        %get3A_1238 = tpu.vector_load %arg7[%get3A, %get3A_1237] {strides = array<i32>} : memref<8x16xi32, #tpu.memory_space<vmem>>, vector<16xi32>,
        %mul3A_1239 = arith.constant 16 : i32
        %mul3A_1240 = vector.broadcast %mul3A_1239 : i32 to vector<16xi32>
        %mul3A_1241 = arith.muli %get3A_1238, %mul3A_1240 : vector<16xi32>
        %add3A_1242 = arith.constant 0 : i32
        %add3A_1243 = vector.broadcast %add3A_1242 : i32 to vector<16xi32>
        %add3A_1244 = arith.addi %mul3A_1241, %add3A_1243 : vector<16xi32>
        %gather3A = tpu.vector_load_idx %arg5[%add3A_1244, %iota3A] : memref<2048x16xf32, #tpu.memory_space<vmem>>[vector<16xi32>, vector<16xi32>], vector<16xf32>,
        %max3A_1245 = arith.maximumf %scan3A_1221, %gather3A : vector<16xf32>
        %min3A_1246 = arith.minimumf %scan3A_1221, %gather3A : vector<16xf32>
        %max3A_1247 = arith.maximumf %scan3A_1222, %min3A_1246 : vector<16xf32>
        %min3A_1248 = arith.minimumf %scan3A_1222, %min3A_1246 : vector<16xf32>
        %max3A_1249 = arith.maximumf %scan3A_1223, %min3A_1248 : vector<16xf32>
        %min3A_1250 = arith.minimumf %scan3A_1223, %min3A_1248 : vector<16xf32>
        %max3A_1251 = arith.maximumf %scan3A_1224, %min3A_1250 : vector<16xf32>
        %min3A_1252 = arith.minimumf %scan3A_1224, %min3A_1250 : vector<16xf32>
        %max3A_1253 = arith.maximumf %scan3A_1225, %min3A_1252 : vector<16xf32>
        %min3A_1254 = arith.minimumf %scan3A_1225, %min3A_1252 : vector<16xf32>
        %max3A_1255 = arith.maximumf %scan3A_1226, %min3A_1254 : vector<16xf32>
        %min3A_1256 = arith.minimumf %scan3A_1226, %min3A_1254 : vector<16xf32>
        %max3A_1257 = arith.maximumf %scan3A_1227, %min3A_1256 : vector<16xf32>
        %min3A_1258 = arith.minimumf %scan3A_1227, %min3A_1256 : vector<16xf32>
        %max3A_1259 = arith.maximumf %scan3A_1228, %min3A_1258 : vector<16xf32>
        %min3A_1260 = arith.minimumf %scan3A_1228, %min3A_1258 : vector<16xf32>
        %add3A_1261 = arith.constant 1 : i32
        %add3A_1262 = vector.broadcast %add3A_1261 : i32 to vector<16xi32>
        %add3A_1263 = arith.addi %mul3A_1241, %add3A_1262 : vector<16xi32>
        %gather3A_1264 = tpu.vector_load_idx %arg5[%add3A_1263, %iota3A] : memref<2048x16xf32, #tpu.memory_space<vmem>>[vector<16xi32>, vector<16xi32>], vector<16xf32>,
        %max3A_1265 = arith.maximumf %max3A_1245, %gather3A_1264 : vector<16xf32>
        %min3A_1266 = arith.minimumf %max3A_1245, %gather3A_1264 : vector<16xf32>
        %max3A_1267 = arith.maximumf %max3A_1247, %min3A_1266 : vector<16xf32>
        %min3A_1268 = arith.minimumf %max3A_1247, %min3A_1266 : vector<16xf32>
        %max3A_1269 = arith.maximumf %max3A_1249, %min3A_1268 : vector<16xf32>
        %min3A_1270 = arith.minimumf %max3A_1249, %min3A_1268 : vector<16xf32>
        %max3A_1271 = arith.maximumf %max3A_1251, %min3A_1270 : vector<16xf32>
        %min3A_1272 = arith.minimumf %max3A_1251, %min3A_1270 : vector<16xf32>
        %max3A_1273 = arith.maximumf %max3A_1253, %min3A_1272 : vector<16xf32>
        %min3A_1274 = arith.minimumf %max3A_1253, %min3A_1272 : vector<16xf32>
        %max3A_1275 = arith.maximumf %max3A_1255, %min3A_1274 : vector<16xf32>
        %min3A_1276 = arith.minimumf %max3A_1255, %min3A_1274 : vector<16xf32>
        %max3A_1277 = arith.maximumf %max3A_1257, %min3A_1276 : vector<16xf32>
        %min3A_1278 = arith.minimumf %max3A_1257, %min3A_1276 : vector<16xf32>
        %max3A_1279 = arith.maximumf %max3A_1259, %min3A_1278 : vector<16xf32>
        %min3A_1280 = arith.minimumf %max3A_1259, %min3A_1278 : vector<16xf32>
        %add3A_1281 = arith.constant 2 : i32
        %add3A_1282 = vector.broadcast %add3A_1281 : i32 to vector<16xi32>
        %add3A_1283 = arith.addi %mul3A_1241, %add3A_1282 : vector<16xi32>
        %gather3A_1284 = tpu.vector_load_idx %arg5[%add3A_1283, %iota3A] : memref<2048x16xf32, #tpu.memory_space<vmem>>[vector<16xi32>, vector<16xi32>], vector<16xf32>,
        %max3A_1285 = arith.maximumf %max3A_1265, %gather3A_1284 : vector<16xf32>
        %min3A_1286 = arith.minimumf %max3A_1265, %gather3A_1284 : vector<16xf32>
        %max3A_1287 = arith.maximumf %max3A_1267, %min3A_1286 : vector<16xf32>
        %min3A_1288 = arith.minimumf %max3A_1267, %min3A_1286 : vector<16xf32>
        %max3A_1289 = arith.maximumf %max3A_1269, %min3A_1288 : vector<16xf32>
        %min3A_1290 = arith.minimumf %max3A_1269, %min3A_1288 : vector<16xf32>
        %max3A_1291 = arith.maximumf %max3A_1271, %min3A_1290 : vector<16xf32>
        %min3A_1292 = arith.minimumf %max3A_1271, %min3A_1290 : vector<16xf32>
        %max3A_1293 = arith.maximumf %max3A_1273, %min3A_1292 : vector<16xf32>
        %min3A_1294 = arith.minimumf %max3A_1273, %min3A_1292 : vector<16xf32>
        %max3A_1295 = arith.maximumf %max3A_1275, %min3A_1294 : vector<16xf32>
        %min3A_1296 = arith.minimumf %max3A_1275, %min3A_1294 : vector<16xf32>
        %max3A_1297 = arith.maximumf %max3A_1277, %min3A_1296 : vector<16xf32>
        %min3A_1298 = arith.minimumf %max3A_1277, %min3A_1296 : vector<16xf32>
        %max3A_1299 = arith.maximumf %max3A_1279, %min3A_1298 : vector<16xf32>
        %min3A_1300 = arith.minimumf %max3A_1279, %min3A_1298 : vector<16xf32>
        %add3A_1301 = arith.constant 3 : i32
        %add3A_1302 = vector.broadcast %add3A_1301 : i32 to vector<16xi32>
        %add3A_1303 = arith.addi %mul3A_1241, %add3A_1302 : vector<16xi32>
        %gather3A_1304 = tpu.vector_load_idx %arg5[%add3A_1303, %iota3A] : memref<2048x16xf32, #tpu.memory_space<vmem>>[vector<16xi32>, vector<16xi32>], vector<16xf32>,
        %max3A_1305 = arith.maximumf %max3A_1285, %gather3A_1304 : vector<16xf32>
        %min3A_1306 = arith.minimumf %max3A_1285, %gather3A_1304 : vector<16xf32>
        %max3A_1307 = arith.maximumf %max3A_1287, %min3A_1306 : vector<16xf32>
        %min3A_1308 = arith.minimumf %max3A_1287, %min3A_1306 : vector<16xf32>
        %max3A_1309 = arith.maximumf %max3A_1289, %min3A_1308 : vector<16xf32>
        %min3A_1310 = arith.minimumf %max3A_1289, %min3A_1308 : vector<16xf32>
        %max3A_1311 = arith.maximumf %max3A_1291, %min3A_1310 : vector<16xf32>
        %min3A_1312 = arith.minimumf %max3A_1291, %min3A_1310 : vector<16xf32>
        %max3A_1313 = arith.maximumf %max3A_1293, %min3A_1312 : vector<16xf32>
        %min3A_1314 = arith.minimumf %max3A_1293, %min3A_1312 : vector<16xf32>
        %max3A_1315 = arith.maximumf %max3A_1295, %min3A_1314 : vector<16xf32>
        %min3A_1316 = arith.minimumf %max3A_1295, %min3A_1314 : vector<16xf32>
        %max3A_1317 = arith.maximumf %max3A_1297, %min3A_1316 : vector<16xf32>
        %min3A_1318 = arith.minimumf %max3A_1297, %min3A_1316 : vector<16xf32>
        %max3A_1319 = arith.maximumf %max3A_1299, %min3A_1318 : vector<16xf32>
        %min3A_1320 = arith.minimumf %max3A_1299, %min3A_1318 : vector<16xf32>
        %add3A_1321 = arith.constant 4 : i32
        %add3A_1322 = vector.broadcast %add3A_1321 : i32 to vector<16xi32>
        %add3A_1323 = arith.addi %mul3A_1241, %add3A_1322 : vector<16xi32>
        %gather3A_1324 = tpu.vector_load_idx %arg5[%add3A_1323, %iota3A] : memref<2048x16xf32, #tpu.memory_space<vmem>>[vector<16xi32>, vector<16xi32>], vector<16xf32>,
        %max3A_1325 = arith.maximumf %max3A_1305, %gather3A_1324 : vector<16xf32>
        %min3A_1326 = arith.minimumf %max3A_1305, %gather3A_1324 : vector<16xf32>
        %max3A_1327 = arith.maximumf %max3A_1307, %min3A_1326 : vector<16xf32>
        %min3A_1328 = arith.minimumf %max3A_1307, %min3A_1326 : vector<16xf32>
        %max3A_1329 = arith.maximumf %max3A_1309, %min3A_1328 : vector<16xf32>
        %min3A_1330 = arith.minimumf %max3A_1309, %min3A_1328 : vector<16xf32>
        %max3A_1331 = arith.maximumf %max3A_1311, %min3A_1330 : vector<16xf32>
        %min3A_1332 = arith.minimumf %max3A_1311, %min3A_1330 : vector<16xf32>
        %max3A_1333 = arith.maximumf %max3A_1313, %min3A_1332 : vector<16xf32>
        %min3A_1334 = arith.minimumf %max3A_1313, %min3A_1332 : vector<16xf32>
        %max3A_1335 = arith.maximumf %max3A_1315, %min3A_1334 : vector<16xf32>
        %min3A_1336 = arith.minimumf %max3A_1315, %min3A_1334 : vector<16xf32>
        %max3A_1337 = arith.maximumf %max3A_1317, %min3A_1336 : vector<16xf32>
        %min3A_1338 = arith.minimumf %max3A_1317, %min3A_1336 : vector<16xf32>
        %max3A_1339 = arith.maximumf %max3A_1319, %min3A_1338 : vector<16xf32>
        %min3A_1340 = arith.minimumf %max3A_1319, %min3A_1338 : vector<16xf32>
        %add3A_1341 = arith.constant 5 : i32
        %add3A_1342 = vector.broadcast %add3A_1341 : i32 to vector<16xi32>
        %add3A_1343 = arith.addi %mul3A_1241, %add3A_1342 : vector<16xi32>
        %gather3A_1344 = tpu.vector_load_idx %arg5[%add3A_1343, %iota3A] : memref<2048x16xf32, #tpu.memory_space<vmem>>[vector<16xi32>, vector<16xi32>], vector<16xf32>,
        %max3A_1345 = arith.maximumf %max3A_1325, %gather3A_1344 : vector<16xf32>
        %min3A_1346 = arith.minimumf %max3A_1325, %gather3A_1344 : vector<16xf32>
        %max3A_1347 = arith.maximumf %max3A_1327, %min3A_1346 : vector<16xf32>
        %min3A_1348 = arith.minimumf %max3A_1327, %min3A_1346 : vector<16xf32>
        %max3A_1349 = arith.maximumf %max3A_1329, %min3A_1348 : vector<16xf32>
        %min3A_1350 = arith.minimumf %max3A_1329, %min3A_1348 : vector<16xf32>
        %max3A_1351 = arith.maximumf %max3A_1331, %min3A_1350 : vector<16xf32>
        %min3A_1352 = arith.minimumf %max3A_1331, %min3A_1350 : vector<16xf32>
        %max3A_1353 = arith.maximumf %max3A_1333, %min3A_1352 : vector<16xf32>
        %min3A_1354 = arith.minimumf %max3A_1333, %min3A_1352 : vector<16xf32>
        %max3A_1355 = arith.maximumf %max3A_1335, %min3A_1354 : vector<16xf32>
        %min3A_1356 = arith.minimumf %max3A_1335, %min3A_1354 : vector<16xf32>
        %max3A_1357 = arith.maximumf %max3A_1337, %min3A_1356 : vector<16xf32>
        %min3A_1358 = arith.minimumf %max3A_1337, %min3A_1356 : vector<16xf32>
        %max3A_1359 = arith.maximumf %max3A_1339, %min3A_1358 : vector<16xf32>
        %min3A_1360 = arith.minimumf %max3A_1339, %min3A_1358 : vector<16xf32>
        %add3A_1361 = arith.constant 6 : i32
        %add3A_1362 = vector.broadcast %add3A_1361 : i32 to vector<16xi32>
        %add3A_1363 = arith.addi %mul3A_1241, %add3A_1362 : vector<16xi32>
        %gather3A_1364 = tpu.vector_load_idx %arg5[%add3A_1363, %iota3A] : memref<2048x16xf32, #tpu.memory_space<vmem>>[vector<16xi32>, vector<16xi32>], vector<16xf32>,
        %max3A_1365 = arith.maximumf %max3A_1345, %gather3A_1364 : vector<16xf32>
        %min3A_1366 = arith.minimumf %max3A_1345, %gather3A_1364 : vector<16xf32>
        %max3A_1367 = arith.maximumf %max3A_1347, %min3A_1366 : vector<16xf32>
        %min3A_1368 = arith.minimumf %max3A_1347, %min3A_1366 : vector<16xf32>
        %max3A_1369 = arith.maximumf %max3A_1349, %min3A_1368 : vector<16xf32>
        %min3A_1370 = arith.minimumf %max3A_1349, %min3A_1368 : vector<16xf32>
        %max3A_1371 = arith.maximumf %max3A_1351, %min3A_1370 : vector<16xf32>
        %min3A_1372 = arith.minimumf %max3A_1351, %min3A_1370 : vector<16xf32>
        %max3A_1373 = arith.maximumf %max3A_1353, %min3A_1372 : vector<16xf32>
        %min3A_1374 = arith.minimumf %max3A_1353, %min3A_1372 : vector<16xf32>
        %max3A_1375 = arith.maximumf %max3A_1355, %min3A_1374 : vector<16xf32>
        %min3A_1376 = arith.minimumf %max3A_1355, %min3A_1374 : vector<16xf32>
        %max3A_1377 = arith.maximumf %max3A_1357, %min3A_1376 : vector<16xf32>
        %min3A_1378 = arith.minimumf %max3A_1357, %min3A_1376 : vector<16xf32>
        %max3A_1379 = arith.maximumf %max3A_1359, %min3A_1378 : vector<16xf32>
        %min3A_1380 = arith.minimumf %max3A_1359, %min3A_1378 : vector<16xf32>
        %add3A_1381 = arith.constant 7 : i32
        %add3A_1382 = vector.broadcast %add3A_1381 : i32 to vector<16xi32>
        %add3A_1383 = arith.addi %mul3A_1241, %add3A_1382 : vector<16xi32>
        %gather3A_1384 = tpu.vector_load_idx %arg5[%add3A_1383, %iota3A] : memref<2048x16xf32, #tpu.memory_space<vmem>>[vector<16xi32>, vector<16xi32>], vector<16xf32>,
        %max3A_1385 = arith.maximumf %max3A_1365, %gather3A_1384 : vector<16xf32>
        %min3A_1386 = arith.minimumf %max3A_1365, %gather3A_1384 : vector<16xf32>
        %max3A_1387 = arith.maximumf %max3A_1367, %min3A_1386 : vector<16xf32>
        %min3A_1388 = arith.minimumf %max3A_1367, %min3A_1386 : vector<16xf32>
        %max3A_1389 = arith.maximumf %max3A_1369, %min3A_1388 : vector<16xf32>
        %min3A_1390 = arith.minimumf %max3A_1369, %min3A_1388 : vector<16xf32>
        %max3A_1391 = arith.maximumf %max3A_1371, %min3A_1390 : vector<16xf32>
        %min3A_1392 = arith.minimumf %max3A_1371, %min3A_1390 : vector<16xf32>
        %max3A_1393 = arith.maximumf %max3A_1373, %min3A_1392 : vector<16xf32>
        %min3A_1394 = arith.minimumf %max3A_1373, %min3A_1392 : vector<16xf32>
        %max3A_1395 = arith.maximumf %max3A_1375, %min3A_1394 : vector<16xf32>
        %min3A_1396 = arith.minimumf %max3A_1375, %min3A_1394 : vector<16xf32>
        %max3A_1397 = arith.maximumf %max3A_1377, %min3A_1396 : vector<16xf32>
        %min3A_1398 = arith.minimumf %max3A_1377, %min3A_1396 : vector<16xf32>
        %max3A_1399 = arith.maximumf %max3A_1379, %min3A_1398 : vector<16xf32>
        %min3A_1400 = arith.minimumf %max3A_1379, %min3A_1398 : vector<16xf32>
        %add3A_1401 = arith.constant 8 : i32
        %add3A_1402 = vector.broadcast %add3A_1401 : i32 to vector<16xi32>
        %add3A_1403 = arith.addi %mul3A_1241, %add3A_1402 : vector<16xi32>
        %gather3A_1404 = tpu.vector_load_idx %arg5[%add3A_1403, %iota3A] : memref<2048x16xf32, #tpu.memory_space<vmem>>[vector<16xi32>, vector<16xi32>], vector<16xf32>,
        %max3A_1405 = arith.maximumf %scan3A_1229, %gather3A_1404 : vector<16xf32>
        %min3A_1406 = arith.minimumf %scan3A_1229, %gather3A_1404 : vector<16xf32>
        %max3A_1407 = arith.maximumf %scan3A_1230, %min3A_1406 : vector<16xf32>
        %min3A_1408 = arith.minimumf %scan3A_1230, %min3A_1406 : vector<16xf32>
        %max3A_1409 = arith.maximumf %scan3A_1231, %min3A_1408 : vector<16xf32>
        %min3A_1410 = arith.minimumf %scan3A_1231, %min3A_1408 : vector<16xf32>
        %max3A_1411 = arith.maximumf %scan3A_1232, %min3A_1410 : vector<16xf32>
        %min3A_1412 = arith.minimumf %scan3A_1232, %min3A_1410 : vector<16xf32>
        %max3A_1413 = arith.maximumf %scan3A_1233, %min3A_1412 : vector<16xf32>
        %min3A_1414 = arith.minimumf %scan3A_1233, %min3A_1412 : vector<16xf32>
        %max3A_1415 = arith.maximumf %scan3A_1234, %min3A_1414 : vector<16xf32>
        %min3A_1416 = arith.minimumf %scan3A_1234, %min3A_1414 : vector<16xf32>
        %max3A_1417 = arith.maximumf %scan3A_1235, %min3A_1416 : vector<16xf32>
        %min3A_1418 = arith.minimumf %scan3A_1235, %min3A_1416 : vector<16xf32>
        %max3A_1419 = arith.maximumf %scan3A_1236, %min3A_1418 : vector<16xf32>
        %min3A_1420 = arith.minimumf %scan3A_1236, %min3A_1418 : vector<16xf32>
        %add3A_1421 = arith.constant 9 : i32
        %add3A_1422 = vector.broadcast %add3A_1421 : i32 to vector<16xi32>
        %add3A_1423 = arith.addi %mul3A_1241, %add3A_1422 : vector<16xi32>
        %gather3A_1424 = tpu.vector_load_idx %arg5[%add3A_1423, %iota3A] : memref<2048x16xf32, #tpu.memory_space<vmem>>[vector<16xi32>, vector<16xi32>], vector<16xf32>,
        %max3A_1425 = arith.maximumf %max3A_1405, %gather3A_1424 : vector<16xf32>
        %min3A_1426 = arith.minimumf %max3A_1405, %gather3A_1424 : vector<16xf32>
        %max3A_1427 = arith.maximumf %max3A_1407, %min3A_1426 : vector<16xf32>
        %min3A_1428 = arith.minimumf %max3A_1407, %min3A_1426 : vector<16xf32>
        %max3A_1429 = arith.maximumf %max3A_1409, %min3A_1428 : vector<16xf32>
        %min3A_1430 = arith.minimumf %max3A_1409, %min3A_1428 : vector<16xf32>
        %max3A_1431 = arith.maximumf %max3A_1411, %min3A_1430 : vector<16xf32>
        %min3A_1432 = arith.minimumf %max3A_1411, %min3A_1430 : vector<16xf32>
        %max3A_1433 = arith.maximumf %max3A_1413, %min3A_1432 : vector<16xf32>
        %min3A_1434 = arith.minimumf %max3A_1413, %min3A_1432 : vector<16xf32>
        %max3A_1435 = arith.maximumf %max3A_1415, %min3A_1434 : vector<16xf32>
        %min3A_1436 = arith.minimumf %max3A_1415, %min3A_1434 : vector<16xf32>
        %max3A_1437 = arith.maximumf %max3A_1417, %min3A_1436 : vector<16xf32>
        %min3A_1438 = arith.minimumf %max3A_1417, %min3A_1436 : vector<16xf32>
        %max3A_1439 = arith.maximumf %max3A_1419, %min3A_1438 : vector<16xf32>
        %min3A_1440 = arith.minimumf %max3A_1419, %min3A_1438 : vector<16xf32>
        %add3A_1441 = arith.constant 10 : i32
        %add3A_1442 = vector.broadcast %add3A_1441 : i32 to vector<16xi32>
        %add3A_1443 = arith.addi %mul3A_1241, %add3A_1442 : vector<16xi32>
        %gather3A_1444 = tpu.vector_load_idx %arg5[%add3A_1443, %iota3A] : memref<2048x16xf32, #tpu.memory_space<vmem>>[vector<16xi32>, vector<16xi32>], vector<16xf32>,
        %max3A_1445 = arith.maximumf %max3A_1425, %gather3A_1444 : vector<16xf32>
        %min3A_1446 = arith.minimumf %max3A_1425, %gather3A_1444 : vector<16xf32>
        %max3A_1447 = arith.maximumf %max3A_1427, %min3A_1446 : vector<16xf32>
        %min3A_1448 = arith.minimumf %max3A_1427, %min3A_1446 : vector<16xf32>
        %max3A_1449 = arith.maximumf %max3A_1429, %min3A_1448 : vector<16xf32>
        %min3A_1450 = arith.minimumf %max3A_1429, %min3A_1448 : vector<16xf32>
        %max3A_1451 = arith.maximumf %max3A_1431, %min3A_1450 : vector<16xf32>
        %min3A_1452 = arith.minimumf %max3A_1431, %min3A_1450 : vector<16xf32>
        %max3A_1453 = arith.maximumf %max3A_1433, %min3A_1452 : vector<16xf32>
        %min3A_1454 = arith.minimumf %max3A_1433, %min3A_1452 : vector<16xf32>
        %max3A_1455 = arith.maximumf %max3A_1435, %min3A_1454 : vector<16xf32>
        %min3A_1456 = arith.minimumf %max3A_1435, %min3A_1454 : vector<16xf32>
        %max3A_1457 = arith.maximumf %max3A_1437, %min3A_1456 : vector<16xf32>
        %min3A_1458 = arith.minimumf %max3A_1437, %min3A_1456 : vector<16xf32>
        %max3A_1459 = arith.maximumf %max3A_1439, %min3A_1458 : vector<16xf32>
        %min3A_1460 = arith.minimumf %max3A_1439, %min3A_1458 : vector<16xf32>
        %add3A_1461 = arith.constant 11 : i32
        %add3A_1462 = vector.broadcast %add3A_1461 : i32 to vector<16xi32>
        %add3A_1463 = arith.addi %mul3A_1241, %add3A_1462 : vector<16xi32>
        %gather3A_1464 = tpu.vector_load_idx %arg5[%add3A_1463, %iota3A] : memref<2048x16xf32, #tpu.memory_space<vmem>>[vector<16xi32>, vector<16xi32>], vector<16xf32>,
        %max3A_1465 = arith.maximumf %max3A_1445, %gather3A_1464 : vector<16xf32>
        %min3A_1466 = arith.minimumf %max3A_1445, %gather3A_1464 : vector<16xf32>
        %max3A_1467 = arith.maximumf %max3A_1447, %min3A_1466 : vector<16xf32>
        %min3A_1468 = arith.minimumf %max3A_1447, %min3A_1466 : vector<16xf32>
        %max3A_1469 = arith.maximumf %max3A_1449, %min3A_1468 : vector<16xf32>
        %min3A_1470 = arith.minimumf %max3A_1449, %min3A_1468 : vector<16xf32>
        %max3A_1471 = arith.maximumf %max3A_1451, %min3A_1470 : vector<16xf32>
        %min3A_1472 = arith.minimumf %max3A_1451, %min3A_1470 : vector<16xf32>
        %max3A_1473 = arith.maximumf %max3A_1453, %min3A_1472 : vector<16xf32>
        %min3A_1474 = arith.minimumf %max3A_1453, %min3A_1472 : vector<16xf32>
        %max3A_1475 = arith.maximumf %max3A_1455, %min3A_1474 : vector<16xf32>
        %min3A_1476 = arith.minimumf %max3A_1455, %min3A_1474 : vector<16xf32>
        %max3A_1477 = arith.maximumf %max3A_1457, %min3A_1476 : vector<16xf32>
        %min3A_1478 = arith.minimumf %max3A_1457, %min3A_1476 : vector<16xf32>
        %max3A_1479 = arith.maximumf %max3A_1459, %min3A_1478 : vector<16xf32>
        %min3A_1480 = arith.minimumf %max3A_1459, %min3A_1478 : vector<16xf32>
        %add3A_1481 = arith.constant 12 : i32
        %add3A_1482 = vector.broadcast %add3A_1481 : i32 to vector<16xi32>
        %add3A_1483 = arith.addi %mul3A_1241, %add3A_1482 : vector<16xi32>
        %gather3A_1484 = tpu.vector_load_idx %arg5[%add3A_1483, %iota3A] : memref<2048x16xf32, #tpu.memory_space<vmem>>[vector<16xi32>, vector<16xi32>], vector<16xf32>,
        %max3A_1485 = arith.maximumf %max3A_1465, %gather3A_1484 : vector<16xf32>
        %min3A_1486 = arith.minimumf %max3A_1465, %gather3A_1484 : vector<16xf32>
        %max3A_1487 = arith.maximumf %max3A_1467, %min3A_1486 : vector<16xf32>
        %min3A_1488 = arith.minimumf %max3A_1467, %min3A_1486 : vector<16xf32>
        %max3A_1489 = arith.maximumf %max3A_1469, %min3A_1488 : vector<16xf32>
        %min3A_1490 = arith.minimumf %max3A_1469, %min3A_1488 : vector<16xf32>
        %max3A_1491 = arith.maximumf %max3A_1471, %min3A_1490 : vector<16xf32>
        %min3A_1492 = arith.minimumf %max3A_1471, %min3A_1490 : vector<16xf32>
        %max3A_1493 = arith.maximumf %max3A_1473, %min3A_1492 : vector<16xf32>
        %min3A_1494 = arith.minimumf %max3A_1473, %min3A_1492 : vector<16xf32>
        %max3A_1495 = arith.maximumf %max3A_1475, %min3A_1494 : vector<16xf32>
        %min3A_1496 = arith.minimumf %max3A_1475, %min3A_1494 : vector<16xf32>
        %max3A_1497 = arith.maximumf %max3A_1477, %min3A_1496 : vector<16xf32>
        %min3A_1498 = arith.minimumf %max3A_1477, %min3A_1496 : vector<16xf32>
        %max3A_1499 = arith.maximumf %max3A_1479, %min3A_1498 : vector<16xf32>
        %min3A_1500 = arith.minimumf %max3A_1479, %min3A_1498 : vector<16xf32>
        %add3A_1501 = arith.constant 13 : i32
        %add3A_1502 = vector.broadcast %add3A_1501 : i32 to vector<16xi32>
        %add3A_1503 = arith.addi %mul3A_1241, %add3A_1502 : vector<16xi32>
        %gather3A_1504 = tpu.vector_load_idx %arg5[%add3A_1503, %iota3A] : memref<2048x16xf32, #tpu.memory_space<vmem>>[vector<16xi32>, vector<16xi32>], vector<16xf32>,
        %max3A_1505 = arith.maximumf %max3A_1485, %gather3A_1504 : vector<16xf32>
        %min3A_1506 = arith.minimumf %max3A_1485, %gather3A_1504 : vector<16xf32>
        %max3A_1507 = arith.maximumf %max3A_1487, %min3A_1506 : vector<16xf32>
        %min3A_1508 = arith.minimumf %max3A_1487, %min3A_1506 : vector<16xf32>
        %max3A_1509 = arith.maximumf %max3A_1489, %min3A_1508 : vector<16xf32>
        %min3A_1510 = arith.minimumf %max3A_1489, %min3A_1508 : vector<16xf32>
        %max3A_1511 = arith.maximumf %max3A_1491, %min3A_1510 : vector<16xf32>
        %min3A_1512 = arith.minimumf %max3A_1491, %min3A_1510 : vector<16xf32>
        %max3A_1513 = arith.maximumf %max3A_1493, %min3A_1512 : vector<16xf32>
        %min3A_1514 = arith.minimumf %max3A_1493, %min3A_1512 : vector<16xf32>
        %max3A_1515 = arith.maximumf %max3A_1495, %min3A_1514 : vector<16xf32>
        %min3A_1516 = arith.minimumf %max3A_1495, %min3A_1514 : vector<16xf32>
        %max3A_1517 = arith.maximumf %max3A_1497, %min3A_1516 : vector<16xf32>
        %min3A_1518 = arith.minimumf %max3A_1497, %min3A_1516 : vector<16xf32>
        %max3A_1519 = arith.maximumf %max3A_1499, %min3A_1518 : vector<16xf32>
        %min3A_1520 = arith.minimumf %max3A_1499, %min3A_1518 : vector<16xf32>
        %add3A_1521 = arith.constant 14 : i32
        %add3A_1522 = vector.broadcast %add3A_1521 : i32 to vector<16xi32>
        %add3A_1523 = arith.addi %mul3A_1241, %add3A_1522 : vector<16xi32>
        %gather3A_1524 = tpu.vector_load_idx %arg5[%add3A_1523, %iota3A] : memref<2048x16xf32, #tpu.memory_space<vmem>>[vector<16xi32>, vector<16xi32>], vector<16xf32>,
        %max3A_1525 = arith.maximumf %max3A_1505, %gather3A_1524 : vector<16xf32>
        %min3A_1526 = arith.minimumf %max3A_1505, %gather3A_1524 : vector<16xf32>
        %max3A_1527 = arith.maximumf %max3A_1507, %min3A_1526 : vector<16xf32>
        %min3A_1528 = arith.minimumf %max3A_1507, %min3A_1526 : vector<16xf32>
        %max3A_1529 = arith.maximumf %max3A_1509, %min3A_1528 : vector<16xf32>
        %min3A_1530 = arith.minimumf %max3A_1509, %min3A_1528 : vector<16xf32>
        %max3A_1531 = arith.maximumf %max3A_1511, %min3A_1530 : vector<16xf32>
        %min3A_1532 = arith.minimumf %max3A_1511, %min3A_1530 : vector<16xf32>
        %max3A_1533 = arith.maximumf %max3A_1513, %min3A_1532 : vector<16xf32>
        %min3A_1534 = arith.minimumf %max3A_1513, %min3A_1532 : vector<16xf32>
        %max3A_1535 = arith.maximumf %max3A_1515, %min3A_1534 : vector<16xf32>
        %min3A_1536 = arith.minimumf %max3A_1515, %min3A_1534 : vector<16xf32>
        %max3A_1537 = arith.maximumf %max3A_1517, %min3A_1536 : vector<16xf32>
        %min3A_1538 = arith.minimumf %max3A_1517, %min3A_1536 : vector<16xf32>
        %max3A_1539 = arith.maximumf %max3A_1519, %min3A_1538 : vector<16xf32>
        %min3A_1540 = arith.minimumf %max3A_1519, %min3A_1538 : vector<16xf32>
        %add3A_1541 = arith.constant 15 : i32
        %add3A_1542 = vector.broadcast %add3A_1541 : i32 to vector<16xi32>
        %add3A_1543 = arith.addi %mul3A_1241, %add3A_1542 : vector<16xi32>
        %gather3A_1544 = tpu.vector_load_idx %arg5[%add3A_1543, %iota3A] : memref<2048x16xf32, #tpu.memory_space<vmem>>[vector<16xi32>, vector<16xi32>], vector<16xf32>,
        %max3A_1545 = arith.maximumf %max3A_1525, %gather3A_1544 : vector<16xf32>
        %min3A_1546 = arith.minimumf %max3A_1525, %gather3A_1544 : vector<16xf32>
        %max3A_1547 = arith.maximumf %max3A_1527, %min3A_1546 : vector<16xf32>
        %min3A_1548 = arith.minimumf %max3A_1527, %min3A_1546 : vector<16xf32>
        %max3A_1549 = arith.maximumf %max3A_1529, %min3A_1548 : vector<16xf32>
        %min3A_1550 = arith.minimumf %max3A_1529, %min3A_1548 : vector<16xf32>
        %max3A_1551 = arith.maximumf %max3A_1531, %min3A_1550 : vector<16xf32>
        %min3A_1552 = arith.minimumf %max3A_1531, %min3A_1550 : vector<16xf32>
        %max3A_1553 = arith.maximumf %max3A_1533, %min3A_1552 : vector<16xf32>
        %min3A_1554 = arith.minimumf %max3A_1533, %min3A_1552 : vector<16xf32>
        %max3A_1555 = arith.maximumf %max3A_1535, %min3A_1554 : vector<16xf32>
        %min3A_1556 = arith.minimumf %max3A_1535, %min3A_1554 : vector<16xf32>
        %max3A_1557 = arith.maximumf %max3A_1537, %min3A_1556 : vector<16xf32>
        %min3A_1558 = arith.minimumf %max3A_1537, %min3A_1556 : vector<16xf32>
        %max3A_1559 = arith.maximumf %max3A_1539, %min3A_1558 : vector<16xf32>
        %min3A_1560 = arith.minimumf %max3A_1539, %min3A_1558 : vector<16xf32>
        scf.yield %max3A_1385, %max3A_1387, %max3A_1389, %max3A_1391, %max3A_1393, %max3A_1395, %max3A_1397, %max3A_1399, %max3A_1545, %max3A_1547, %max3A_1549, %max3A_1551, %max3A_1553, %max3A_1555, %max3A_1557, %max3A_1559 : vector<16xf32>, vector<16xf32>, vector<16xf32>, vector<16xf32>, vector<16xf32>, vector<16xf32>, vector<16xf32>, vector<16xf32>, vector<16xf32>, vector<16xf32>, vector<16xf32>, vector<16xf32>, vector<16xf32>, vector<16xf32>, vector<16xf32>, vector<16xf32>
      }
      %scan3A_1041 = arith.constant 8 : i32
      %max3A_1042 = arith.maximumf %scan3A_1040#0, %scan3A_1040#8 : vector<16xf32>
      %min3A_1043 = arith.minimumf %scan3A_1040#0, %scan3A_1040#8 : vector<16xf32>
      %max3A_1044 = arith.maximumf %scan3A_1040#1, %min3A_1043 : vector<16xf32>
      %min3A_1045 = arith.minimumf %scan3A_1040#1, %min3A_1043 : vector<16xf32>
      %max3A_1046 = arith.maximumf %scan3A_1040#2, %min3A_1045 : vector<16xf32>
      %min3A_1047 = arith.minimumf %scan3A_1040#2, %min3A_1045 : vector<16xf32>
      %max3A_1048 = arith.maximumf %scan3A_1040#3, %min3A_1047 : vector<16xf32>
      %min3A_1049 = arith.minimumf %scan3A_1040#3, %min3A_1047 : vector<16xf32>
      %max3A_1050 = arith.maximumf %scan3A_1040#4, %min3A_1049 : vector<16xf32>
      %min3A_1051 = arith.minimumf %scan3A_1040#4, %min3A_1049 : vector<16xf32>
      %max3A_1052 = arith.maximumf %scan3A_1040#5, %min3A_1051 : vector<16xf32>
      %min3A_1053 = arith.minimumf %scan3A_1040#5, %min3A_1051 : vector<16xf32>
      %max3A_1054 = arith.maximumf %scan3A_1040#6, %min3A_1053 : vector<16xf32>
      %min3A_1055 = arith.minimumf %scan3A_1040#6, %min3A_1053 : vector<16xf32>
      %max3A_1056 = arith.maximumf %scan3A_1040#7, %min3A_1055 : vector<16xf32>
      %min3A_1057 = arith.minimumf %scan3A_1040#7, %min3A_1055 : vector<16xf32>
      %max3A_1058 = arith.maximumf %max3A_1042, %scan3A_1040#9 : vector<16xf32>
      %min3A_1059 = arith.minimumf %max3A_1042, %scan3A_1040#9 : vector<16xf32>
      %max3A_1060 = arith.maximumf %max3A_1044, %min3A_1059 : vector<16xf32>
      %min3A_1061 = arith.minimumf %max3A_1044, %min3A_1059 : vector<16xf32>
      %max3A_1062 = arith.maximumf %max3A_1046, %min3A_1061 : vector<16xf32>
      %min3A_1063 = arith.minimumf %max3A_1046, %min3A_1061 : vector<16xf32>
      %max3A_1064 = arith.maximumf %max3A_1048, %min3A_1063 : vector<16xf32>
      %min3A_1065 = arith.minimumf %max3A_1048, %min3A_1063 : vector<16xf32>
      %max3A_1066 = arith.maximumf %max3A_1050, %min3A_1065 : vector<16xf32>
      %min3A_1067 = arith.minimumf %max3A_1050, %min3A_1065 : vector<16xf32>
      %max3A_1068 = arith.maximumf %max3A_1052, %min3A_1067 : vector<16xf32>
      %min3A_1069 = arith.minimumf %max3A_1052, %min3A_1067 : vector<16xf32>
      %max3A_1070 = arith.maximumf %max3A_1054, %min3A_1069 : vector<16xf32>
      %min3A_1071 = arith.minimumf %max3A_1054, %min3A_1069 : vector<16xf32>
      %max3A_1072 = arith.maximumf %max3A_1056, %min3A_1071 : vector<16xf32>
      %min3A_1073 = arith.minimumf %max3A_1056, %min3A_1071 : vector<16xf32>
      %max3A_1074 = arith.maximumf %max3A_1058, %scan3A_1040#10 : vector<16xf32>
      %min3A_1075 = arith.minimumf %max3A_1058, %scan3A_1040#10 : vector<16xf32>
      %max3A_1076 = arith.maximumf %max3A_1060, %min3A_1075 : vector<16xf32>
      %min3A_1077 = arith.minimumf %max3A_1060, %min3A_1075 : vector<16xf32>
      %max3A_1078 = arith.maximumf %max3A_1062, %min3A_1077 : vector<16xf32>
      %min3A_1079 = arith.minimumf %max3A_1062, %min3A_1077 : vector<16xf32>
      %max3A_1080 = arith.maximumf %max3A_1064, %min3A_1079 : vector<16xf32>
      %min3A_1081 = arith.minimumf %max3A_1064, %min3A_1079 : vector<16xf32>
      %max3A_1082 = arith.maximumf %max3A_1066, %min3A_1081 : vector<16xf32>
      %min3A_1083 = arith.minimumf %max3A_1066, %min3A_1081 : vector<16xf32>
      %max3A_1084 = arith.maximumf %max3A_1068, %min3A_1083 : vector<16xf32>
      %min3A_1085 = arith.minimumf %max3A_1068, %min3A_1083 : vector<16xf32>
      %max3A_1086 = arith.maximumf %max3A_1070, %min3A_1085 : vector<16xf32>
      %min3A_1087 = arith.minimumf %max3A_1070, %min3A_1085 : vector<16xf32>
      %max3A_1088 = arith.maximumf %max3A_1072, %min3A_1087 : vector<16xf32>
      %min3A_1089 = arith.minimumf %max3A_1072, %min3A_1087 : vector<16xf32>
      %max3A_1090 = arith.maximumf %max3A_1074, %scan3A_1040#11 : vector<16xf32>
      %min3A_1091 = arith.minimumf %max3A_1074, %scan3A_1040#11 : vector<16xf32>
      %max3A_1092 = arith.maximumf %max3A_1076, %min3A_1091 : vector<16xf32>
      %min3A_1093 = arith.minimumf %max3A_1076, %min3A_1091 : vector<16xf32>
      %max3A_1094 = arith.maximumf %max3A_1078, %min3A_1093 : vector<16xf32>
      %min3A_1095 = arith.minimumf %max3A_1078, %min3A_1093 : vector<16xf32>
      %max3A_1096 = arith.maximumf %max3A_1080, %min3A_1095 : vector<16xf32>
      %min3A_1097 = arith.minimumf %max3A_1080, %min3A_1095 : vector<16xf32>
      %max3A_1098 = arith.maximumf %max3A_1082, %min3A_1097 : vector<16xf32>
      %min3A_1099 = arith.minimumf %max3A_1082, %min3A_1097 : vector<16xf32>
      %max3A_1100 = arith.maximumf %max3A_1084, %min3A_1099 : vector<16xf32>
      %min3A_1101 = arith.minimumf %max3A_1084, %min3A_1099 : vector<16xf32>
      %max3A_1102 = arith.maximumf %max3A_1086, %min3A_1101 : vector<16xf32>
      %min3A_1103 = arith.minimumf %max3A_1086, %min3A_1101 : vector<16xf32>
      %max3A_1104 = arith.maximumf %max3A_1088, %min3A_1103 : vector<16xf32>
      %min3A_1105 = arith.minimumf %max3A_1088, %min3A_1103 : vector<16xf32>
      %max3A_1106 = arith.maximumf %max3A_1090, %scan3A_1040#12 : vector<16xf32>
      %min3A_1107 = arith.minimumf %max3A_1090, %scan3A_1040#12 : vector<16xf32>
      %max3A_1108 = arith.maximumf %max3A_1092, %min3A_1107 : vector<16xf32>
      %min3A_1109 = arith.minimumf %max3A_1092, %min3A_1107 : vector<16xf32>
      %max3A_1110 = arith.maximumf %max3A_1094, %min3A_1109 : vector<16xf32>
      %min3A_1111 = arith.minimumf %max3A_1094, %min3A_1109 : vector<16xf32>
      %max3A_1112 = arith.maximumf %max3A_1096, %min3A_1111 : vector<16xf32>
      %min3A_1113 = arith.minimumf %max3A_1096, %min3A_1111 : vector<16xf32>
      %max3A_1114 = arith.maximumf %max3A_1098, %min3A_1113 : vector<16xf32>
      %min3A_1115 = arith.minimumf %max3A_1098, %min3A_1113 : vector<16xf32>
      %max3A_1116 = arith.maximumf %max3A_1100, %min3A_1115 : vector<16xf32>
      %min3A_1117 = arith.minimumf %max3A_1100, %min3A_1115 : vector<16xf32>
      %max3A_1118 = arith.maximumf %max3A_1102, %min3A_1117 : vector<16xf32>
      %min3A_1119 = arith.minimumf %max3A_1102, %min3A_1117 : vector<16xf32>
      %max3A_1120 = arith.maximumf %max3A_1104, %min3A_1119 : vector<16xf32>
      %min3A_1121 = arith.minimumf %max3A_1104, %min3A_1119 : vector<16xf32>
      %max3A_1122 = arith.maximumf %max3A_1106, %scan3A_1040#13 : vector<16xf32>
      %min3A_1123 = arith.minimumf %max3A_1106, %scan3A_1040#13 : vector<16xf32>
      %max3A_1124 = arith.maximumf %max3A_1108, %min3A_1123 : vector<16xf32>
      %min3A_1125 = arith.minimumf %max3A_1108, %min3A_1123 : vector<16xf32>
      %max3A_1126 = arith.maximumf %max3A_1110, %min3A_1125 : vector<16xf32>
      %min3A_1127 = arith.minimumf %max3A_1110, %min3A_1125 : vector<16xf32>
      %max3A_1128 = arith.maximumf %max3A_1112, %min3A_1127 : vector<16xf32>
      %min3A_1129 = arith.minimumf %max3A_1112, %min3A_1127 : vector<16xf32>
      %max3A_1130 = arith.maximumf %max3A_1114, %min3A_1129 : vector<16xf32>
      %min3A_1131 = arith.minimumf %max3A_1114, %min3A_1129 : vector<16xf32>
      %max3A_1132 = arith.maximumf %max3A_1116, %min3A_1131 : vector<16xf32>
      %min3A_1133 = arith.minimumf %max3A_1116, %min3A_1131 : vector<16xf32>
      %max3A_1134 = arith.maximumf %max3A_1118, %min3A_1133 : vector<16xf32>
      %min3A_1135 = arith.minimumf %max3A_1118, %min3A_1133 : vector<16xf32>
      %max3A_1136 = arith.maximumf %max3A_1120, %min3A_1135 : vector<16xf32>
      %min3A_1137 = arith.minimumf %max3A_1120, %min3A_1135 : vector<16xf32>
      %max3A_1138 = arith.maximumf %max3A_1122, %scan3A_1040#14 : vector<16xf32>
      %min3A_1139 = arith.minimumf %max3A_1122, %scan3A_1040#14 : vector<16xf32>
      %max3A_1140 = arith.maximumf %max3A_1124, %min3A_1139 : vector<16xf32>
      %min3A_1141 = arith.minimumf %max3A_1124, %min3A_1139 : vector<16xf32>
      %max3A_1142 = arith.maximumf %max3A_1126, %min3A_1141 : vector<16xf32>
      %min3A_1143 = arith.minimumf %max3A_1126, %min3A_1141 : vector<16xf32>
      %max3A_1144 = arith.maximumf %max3A_1128, %min3A_1143 : vector<16xf32>
      %min3A_1145 = arith.minimumf %max3A_1128, %min3A_1143 : vector<16xf32>
      %max3A_1146 = arith.maximumf %max3A_1130, %min3A_1145 : vector<16xf32>
      %min3A_1147 = arith.minimumf %max3A_1130, %min3A_1145 : vector<16xf32>
      %max3A_1148 = arith.maximumf %max3A_1132, %min3A_1147 : vector<16xf32>
      %min3A_1149 = arith.minimumf %max3A_1132, %min3A_1147 : vector<16xf32>
      %max3A_1150 = arith.maximumf %max3A_1134, %min3A_1149 : vector<16xf32>
      %min3A_1151 = arith.minimumf %max3A_1134, %min3A_1149 : vector<16xf32>
      %max3A_1152 = arith.maximumf %max3A_1136, %min3A_1151 : vector<16xf32>
      %min3A_1153 = arith.minimumf %max3A_1136, %min3A_1151 : vector<16xf32>
      %max3A_1154 = arith.maximumf %max3A_1138, %scan3A_1040#15 : vector<16xf32>
      %min3A_1155 = arith.minimumf %max3A_1138, %scan3A_1040#15 : vector<16xf32>
      %max3A_1156 = arith.maximumf %max3A_1140, %min3A_1155 : vector<16xf32>
      %min3A_1157 = arith.minimumf %max3A_1140, %min3A_1155 : vector<16xf32>
      %max3A_1158 = arith.maximumf %max3A_1142, %min3A_1157 : vector<16xf32>
      %min3A_1159 = arith.minimumf %max3A_1142, %min3A_1157 : vector<16xf32>
      %max3A_1160 = arith.maximumf %max3A_1144, %min3A_1159 : vector<16xf32>
      %min3A_1161 = arith.minimumf %max3A_1144, %min3A_1159 : vector<16xf32>
      %max3A_1162 = arith.maximumf %max3A_1146, %min3A_1161 : vector<16xf32>
      %min3A_1163 = arith.minimumf %max3A_1146, %min3A_1161 : vector<16xf32>
      %max3A_1164 = arith.maximumf %max3A_1148, %min3A_1163 : vector<16xf32>
      %min3A_1165 = arith.minimumf %max3A_1148, %min3A_1163 : vector<16xf32>
      %max3A_1166 = arith.maximumf %max3A_1150, %min3A_1165 : vector<16xf32>
      %min3A_1167 = arith.minimumf %max3A_1150, %min3A_1165 : vector<16xf32>
      %max3A_1168 = arith.maximumf %max3A_1152, %min3A_1167 : vector<16xf32>
      %min3A_1169 = arith.minimumf %max3A_1152, %min3A_1167 : vector<16xf32>
      %mul3A_1170 = arith.constant 8 : i32
      %mul3A_1171 = vector.broadcast %mul3A_1170 : i32 to vector<16xi32>
      %mul3A_1172 = arith.muli %iota3A, %mul3A_1171 : vector<16xi32>
      %add3A_1173 = arith.constant 0 : i32
      %add3A_1174 = vector.broadcast %add3A_1173 : i32 to vector<16xi32>
      %add3A_1175 = arith.addi %mul3A_1172, %add3A_1174 : vector<16xi32>
      tpu.vector_store_idx %arg8[%add3A_1175], %max3A_1154 : memref<128xf32, #tpu.memory_space<vmem>>[vector<16xi32>], vector<16xf32>,
      %mul3A_1176 = arith.constant 8 : i32
      %mul3A_1177 = vector.broadcast %mul3A_1176 : i32 to vector<16xi32>
      %mul3A_1178 = arith.muli %iota3A, %mul3A_1177 : vector<16xi32>
      %add3A_1179 = arith.constant 1 : i32
      %add3A_1180 = vector.broadcast %add3A_1179 : i32 to vector<16xi32>
      %add3A_1181 = arith.addi %mul3A_1178, %add3A_1180 : vector<16xi32>
      tpu.vector_store_idx %arg8[%add3A_1181], %max3A_1156 : memref<128xf32, #tpu.memory_space<vmem>>[vector<16xi32>], vector<16xf32>,
      %mul3A_1182 = arith.constant 8 : i32
      %mul3A_1183 = vector.broadcast %mul3A_1182 : i32 to vector<16xi32>
      %mul3A_1184 = arith.muli %iota3A, %mul3A_1183 : vector<16xi32>
      %add3A_1185 = arith.constant 2 : i32
      %add3A_1186 = vector.broadcast %add3A_1185 : i32 to vector<16xi32>
      %add3A_1187 = arith.addi %mul3A_1184, %add3A_1186 : vector<16xi32>
      tpu.vector_store_idx %arg8[%add3A_1187], %max3A_1158 : memref<128xf32, #tpu.memory_space<vmem>>[vector<16xi32>], vector<16xf32>,
      %mul3A_1188 = arith.constant 8 : i32
      %mul3A_1189 = vector.broadcast %mul3A_1188 : i32 to vector<16xi32>
      %mul3A_1190 = arith.muli %iota3A, %mul3A_1189 : vector<16xi32>
      %add3A_1191 = arith.constant 3 : i32
      %add3A_1192 = vector.broadcast %add3A_1191 : i32 to vector<16xi32>
      %add3A_1193 = arith.addi %mul3A_1190, %add3A_1192 : vector<16xi32>
      tpu.vector_store_idx %arg8[%add3A_1193], %max3A_1160 : memref<128xf32, #tpu.memory_space<vmem>>[vector<16xi32>], vector<16xf32>,
      %mul3A_1194 = arith.constant 8 : i32
      %mul3A_1195 = vector.broadcast %mul3A_1194 : i32 to vector<16xi32>
      %mul3A_1196 = arith.muli %iota3A, %mul3A_1195 : vector<16xi32>
      %add3A_1197 = arith.constant 4 : i32
      %add3A_1198 = vector.broadcast %add3A_1197 : i32 to vector<16xi32>
      %add3A_1199 = arith.addi %mul3A_1196, %add3A_1198 : vector<16xi32>
      tpu.vector_store_idx %arg8[%add3A_1199], %max3A_1162 : memref<128xf32, #tpu.memory_space<vmem>>[vector<16xi32>], vector<16xf32>,
      %mul3A_1200 = arith.constant 8 : i32
      %mul3A_1201 = vector.broadcast %mul3A_1200 : i32 to vector<16xi32>
      %mul3A_1202 = arith.muli %iota3A, %mul3A_1201 : vector<16xi32>
      %add3A_1203 = arith.constant 5 : i32
      %add3A_1204 = vector.broadcast %add3A_1203 : i32 to vector<16xi32>
      %add3A_1205 = arith.addi %mul3A_1202, %add3A_1204 : vector<16xi32>
      tpu.vector_store_idx %arg8[%add3A_1205], %max3A_1164 : memref<128xf32, #tpu.memory_space<vmem>>[vector<16xi32>], vector<16xf32>,
      %mul3A_1206 = arith.constant 8 : i32
      %mul3A_1207 = vector.broadcast %mul3A_1206 : i32 to vector<16xi32>
      %mul3A_1208 = arith.muli %iota3A, %mul3A_1207 : vector<16xi32>
      %add3A_1209 = arith.constant 6 : i32
      %add3A_1210 = vector.broadcast %add3A_1209 : i32 to vector<16xi32>
      %add3A_1211 = arith.addi %mul3A_1208, %add3A_1210 : vector<16xi32>
      tpu.vector_store_idx %arg8[%add3A_1211], %max3A_1166 : memref<128xf32, #tpu.memory_space<vmem>>[vector<16xi32>], vector<16xf32>,
      %mul3A_1212 = arith.constant 8 : i32
      %mul3A_1213 = vector.broadcast %mul3A_1212 : i32 to vector<16xi32>
      %mul3A_1214 = arith.muli %iota3A, %mul3A_1213 : vector<16xi32>
      %add3A_1215 = arith.constant 7 : i32
      %add3A_1216 = vector.broadcast %add3A_1215 : i32 to vector<16xi32>
      %add3A_1217 = arith.addi %mul3A_1214, %add3A_1216 : vector<16xi32>
      tpu.vector_store_idx %arg8[%add3A_1217], %max3A_1168 : memref<128xf32, #tpu.memory_space<vmem>>[vector<16xi32>], vector<16xf32>,
      %mul3A_1218 = arith.constant 128 : i32
      %mul3A_1219 = arith.muli %select_n3A_89, %mul3A_1218 : i32
      "tpu.region"() ({
        %run_scoped3A = tpu.sem_alloc : memref<!tpu.dma_semaphore, #tpu.memory_space<semaphore_mem>>
        %dma_start3A_1220 = tpu.memref_slice %arg3[%select_n3A_73, %mul3A_1219] : memref<4x6144xf32, #tpu.memory_space<hbm>> -> memref<1x128xf32, #tpu.memory_space<hbm>>
        %dma_start3A_1221 = tpu.memref_squeeze %dma_start3A_1220 : memref<1x128xf32, #tpu.memory_space<hbm>> -> memref<128xf32, #tpu.memory_space<hbm>>
        %dma_start3A_1222 = tpu.memref_slice %arg3[%select_n3A_73, %mul3A_1219] : memref<4x6144xf32, #tpu.memory_space<hbm>> -> memref<1x128xf32, #tpu.memory_space<hbm>>
        %dma_start3A_1223 = tpu.memref_squeeze %dma_start3A_1222 : memref<1x128xf32, #tpu.memory_space<hbm>> -> memref<128xf32, #tpu.memory_space<hbm>>
        tpu.enqueue_dma source(%arg8 : memref<128xf32, #tpu.memory_space<vmem>>) target(%dma_start3A_1223 : memref<128xf32, #tpu.memory_space<hbm>>) target_semaphore(%run_scoped3A : memref<!tpu.dma_semaphore, #tpu.memory_space<semaphore_mem>>)
        %dma_wait3A_1224 = tpu.memref_slice %arg3[%select_n3A_73, %mul3A_1219] : memref<4x6144xf32, #tpu.memory_space<hbm>> -> memref<1x128xf32, #tpu.memory_space<hbm>>
        %dma_wait3A_1225 = tpu.memref_squeeze %dma_wait3A_1224 : memref<1x128xf32, #tpu.memory_space<hbm>> -> memref<128xf32, #tpu.memory_space<hbm>>
        %dma_wait3A_1226 = tpu.memref_slice %arg3[%select_n3A_73, %mul3A_1219] : memref<4x6144xf32, #tpu.memory_space<hbm>> -> memref<1x128xf32, #tpu.memory_space<hbm>>
        %dma_wait3A_1227 = tpu.memref_squeeze %dma_wait3A_1226 : memref<1x128xf32, #tpu.memory_space<hbm>> -> memref<128xf32, #tpu.memory_space<hbm>>
        tpu.wait_dma2 semaphore(%run_scoped3A : memref<!tpu.dma_semaphore, #tpu.memory_space<semaphore_mem>>) src(%arg8 : memref<128xf32, #tpu.memory_space<vmem>>) dst(%dma_wait3A_1227 : memref<128xf32, #tpu.memory_space<hbm>>)
        tpu.yield
      }) : () -> ()
    }
    %scan3A_45 = arith.constant 6 : i32
    return
  }
}

</mosaic_0001>

<sc_bundles>
// kernel: kernel.3.cloned.1.call-start
scs
__scs_entry_jumppad:
0x0: {  	(pc) =	sbr.rel $0x88, $3  }
0x1: {  	(tag) =	ssettag $0x0;
	lr =	simm.s32 $0x1  }
0x2: {  	[smem:$0x3FA0] =	sst lr;
	_ =	strace $0xD0000000  }
0x3: {  	_ = 	snop  }
0x4: {  	_ = 	snop  }
0x5: {  	_ = 	snop  }
0x6: {  	_ = 	snop  }
0x7: {  	_ = 	snop  }
__scs_overlays_trampoline_lowered:
0x8: {  	[smem:$0x3FAF] =	sst s0  }
0x9: {  	[smem:$0x3FB0] =	sst s1  }
0xa: {  	[smem:$0x3FB1] =	sst s2  }
0xb: {  	[smem:$0x3FB2] =	sst s3  }
0xc: {  	[smem:$0x3FB3] =	sst s4  }
0xd: {  	[smem:$0x3FB4] =	sst s5  }
0xe: {  	[smem:$0x3FB5] =	sst s6  }
0xf: {  	[smem:$0x3FB6] =	sst s7  }
0x10: {  	[smem:$0x3FB7] =	sst s8  }
0x11: {  	[smem:$0x3FB8] =	sst s9;
	s0 =	simm.s32 @!p0 $0x0  }
0x12: {  	s1 =	sld [smem:$0x3F9E];
	s0 =	simm.s32 @p0 $0x1  }
0x13: {  	[smem:$0x3FB9] =	sst s0;
	s0 =	simm.s32 @!p1 $0x0  }
0x14: {  	s2 =	sld [smem:$0x3F9D];
	s0 =	simm.s32 @p1 $0x1  }
0x15: {  	[smem:$0x3FBA] =	sst s0;
	s0 =	simm.s32 @!p2 $0x0  }
0x16: {  	s3 =	sld [smem:$0x3FDB];
	s0 =	simm.s32 @p2 $0x1  }
0x17: {  	s4 =	simm.s32 $0x1BF5;
	[smem:$0x3FBC] =	sst s0  }
0x18: {  	s0 =	sld [smem:$0x3F9F];
	_ =	swait.ge [sflag:s4], $0x0  }
0x19: {  	s7 =	sld [smem:$0x3FA0]  }
0x1a: {  	s8 =	sadd.s32 $0xFFFFE003, lr  }
0x1b: {  	s9 =	sadd.s32 $0xFFFFFEF7, lr;
	s5 =	simm.s32 $0xFFFFFFFF;
	p2 =	slt.u32 s8, $0xFFFFF086  }
0x1c: {  	p1 =	slt.u32 s9, $0xF7A;
	s5 =	simm.s32 @!p2 $0x0  }
0x1d: {  	s5 =	simm.s32 @p1 $0x1;
	p0 =	seq.s32 s7, s2  }
0x1e: {  	s7 =	smul.u32 @!p0 $0xF7A, s2;
	p2 =	seq.s32 @!p0 s5, $0x0  }
0x1f: {  	s9 =	smul.u32 $0xF7A, s1;
	s8 =	simm.s32 @!p0 $0x1BF5;
	p2 =	por !p2, p0  }
0x20: {  	[sflag:s8] =	ssyncset.s32 @!p0 $0xFFFFF086;
	s6 =	sadd.s32 @!p0 s3, s7;
	s7 =	simm.s32 @!p0 $0x108  }
0x21: {  	s3 =	sadd.s32 s3, s9;
	s6 =	sadd.s32 @!p0 $0x88, s6;
	s7 =	simm.s32 @p2 $0x1082  }
0x22: {  	[simem:s7], [sflag:s8] =	dma.local @!p0 [hbm:s6], $0xF7A  }
0x23: {  	s9 =	sor.u32 $0xD0000000, s2;
	s6 =	simm.s32 $0x108;
	_ =	swait.ge @!p0 [sflag:s8], $0x0  }
0x24: {  	s3 =	sadd.s32 $0x88, s3;
	s6 =	simm.s32 @!p1 $0x1082;
	[sflag:s4] =	ssyncset.s32 $0xFFFFF086  }
0x25: {  	[simem:s6], [sflag:s4] =	dma.local [hbm:s3], $0xF7A  }
0x26: {  	[smem:$0x3FA0] =	sst s1;
	(tag) =	ssettag s2;
	_ =	strace s9  }
0x27: {  	s1 =	sld [smem:$0x3FB0]  }
0x28: {  	s2 =	sld [smem:$0x3FB1]  }
0x29: {  	s4 =	sld [smem:$0x3FB3]  }
0x2a: {  	p0 =	seq.s32 s5, $0x0;
	s5 =	sld [smem:$0x3FB4]  }
0x2b: {  	s6 =	sld [smem:$0x3FB5]  }
0x2c: {  	s7 =	sld [smem:$0x3FB6]  }
0x2d: {  	s3 =	simm.s32 $0x108;
	s8 =	sld [smem:$0x3FB7]  }
0x2e: {  	s3 =	simm.s32 @!p0 $0x1082;
	s9 =	sld [smem:$0x3FB8]  }
0x2f: {  	lr =	sadd.s32 s0, s3;
	s0 =	sld [smem:$0x3FAF]  }
0x30: {  	s3 =	sld [smem:$0x3FB2]  }
0x31: {  	[smem:$0x3FBB] =	sst s10  }
0x32: {  	s10 =	sld [smem:$0x3FB9];
	_ =	sdelay $0x3  }
0x33: {  	p0 =	seq.s32 s10, $0x1;
	s10 =	sld [smem:$0x3FBB];
	_ =	sdelay $0x3  }
0x34: {  	[smem:$0x3FBB] =	sst s10  }
0x35: {  	s10 =	sld [smem:$0x3FBA];
	_ =	sdelay $0x3  }
0x36: {  	p1 =	seq.s32 s10, $0x1;
	s10 =	sld [smem:$0x3FBB];
	_ =	sdelay $0x3  }
0x37: {  	[smem:$0x3FBB] =	sst s10  }
0x38: {  	s10 =	sld [smem:$0x3FBC]  }
0x39: {  	_ = 	snop;
	(pc) =	sbr.ind lr, $3  }
0x3a: {  	_ = 	snop  }
0x3b: {  	_ = 	snop  }
0x3c: {  	p2 =	seq.s32 s10, $0x1;
	s10 =	sld [smem:$0x3FBB]  }
0x3d: {  	_ =	shalt  }
0x3e: {  	_ =	shalt  }
0x3f: {  	_ =	shalt  }
0x40: {  	_ =	shalt  }
0x41: {  	_ =	shalt  }
0x42: {  	_ =	shalt  }
0x43: {  	_ =	shalt  }
0x44: {  	_ =	shalt  }
0x45: {  	_ =	shalt  }
0x46: {  	_ =	shalt  }
0x47: {  	_ =	shalt  }
0x48: {  	_ =	shalt  }
0x49: {  	_ =	shalt  }
0x4a: {  	_ =	shalt  }
0x4b: {  	_ =	shalt  }
0x4c: {  	_ =	shalt  }
0x4d: {  	_ =	shalt  }
0x4e: {  	_ =	shalt  }
0x4f: {  	_ =	shalt  }
0x50: {  	_ =	shalt  }
0x51: {  	_ =	shalt  }
0x52: {  	_ =	shalt  }
0x53: {  	_ =	shalt  }
0x54: {  	_ =	shalt  }
0x55: {  	_ =	shalt  }
0x56: {  	_ =	shalt  }
0x57: {  	_ =	shalt  }
0x58: {  	_ =	shalt  }
0x59: {  	_ =	shalt  }
0x5a: {  	_ =	shalt  }
0x5b: {  	_ =	shalt  }
0x5c: {  	_ =	shalt  }
0x5d: {  	_ =	shalt  }
0x5e: {  	_ =	shalt  }
0x5f: {  	_ =	shalt  }
0x60: {  	_ =	shalt  }
0x61: {  	_ =	shalt  }
0x62: {  	_ =	shalt  }
0x63: {  	_ =	shalt  }
0x64: {  	_ =	shalt  }
0x65: {  	_ =	shalt  }
0x66: {  	_ =	shalt  }
0x67: {  	_ =	shalt  }
0x68: {  	_ =	shalt  }
0x69: {  	_ =	shalt  }
0x6a: {  	_ =	shalt  }
0x6b: {  	_ =	shalt  }
0x6c: {  	_ =	shalt  }
0x6d: {  	_ =	shalt  }
0x6e: {  	_ =	shalt  }
0x6f: {  	_ =	shalt  }
0x70: {  	_ =	shalt  }
0x71: {  	_ =	shalt  }
0x72: {  	_ =	shalt  }
0x73: {  	_ =	shalt  }
0x74: {  	_ =	shalt  }
0x75: {  	_ =	shalt  }
0x76: {  	_ =	shalt  }
0x77: {  	_ =	shalt  }
0x78: {  	_ =	shalt  }
0x79: {  	_ =	shalt  }
0x7a: {  	_ =	shalt  }
0x7b: {  	_ =	shalt  }
0x7c: {  	_ =	shalt  }
0x7d: {  	_ =	shalt  }
0x7e: {  	_ =	shalt  }
0x7f: {  	_ =	shalt  }
0x80: {  	_ =	shalt  }
0x81: {  	_ =	shalt  }
0x82: {  	_ =	shalt  }
0x83: {  	_ =	shalt  }
0x84: {  	_ =	shalt  }
0x85: {  	_ =	shalt  }
0x86: {  	_ =	shalt  }
0x87: {  	_ =	shalt  }
.Lfunc_end0:
.L_simem_size_0:
called_computation_lowered:
.L_overlay_start_0:
0x88: {  	s2 =	sld [smem:$0x3FD9]  }
0x89: {  	s3 =	sld [smem:$0x3FFE];
	_ =	sdelay $0x1  }
0x8a: {  	s1 =	srdreg.scid  }
0x8b: {  	s0 =	sand.u32 $0x1, s1  }
0x8c: {  	s16 =	sshll.u32 s0, $0xA;
	s2 =	sadd.s32 s3, s2  }
0x8d: {  	s2 =	sadd.s32 s2, s16  }
0x8e: {  	[smem:$0x3FC7] =	sst s2  }
0x8f: {  	_ = 	snop  }
0x90: {  	(tm) =	ssettm $0x1  }
0x91: {  	s17 =	sld [smem:$0x3FFB];
	_ =	sdelay $0x3  }
0x92: {  	_ =	strace s17  }
0x93: {  	s2 =	sld [smem:$0x3FFC];
	_ =	sdelay $0x3  }
0x94: {  	_ =	strace s2  }
0x95: {  	s2 =	sld [smem:$0x3FFD];
	_ =	sdelay $0x3  }
0x96: {  	_ =	strace s2  }
0x97: {  	_ =	strace $0x8FFFFFFF  }
0x98: {  	s18 =	sld [smem:$0x3FDB];
	_ =	sdelay $0x1  }
0x99: {  	s19 =	simm.s32 $_scs_section_size  }
0x9a: {  	s4 =	simm.s32 $_size__tile_overlayer_lowered;
	s5 =	simm.s32 $_tile_overlayer_lowered  }
0x9b: {  	s22 =	simm.s32 $0x1BFF;
	s21 =	sshll.u32 s5, $0x1;
	s2 =	sadd.s32 s19, s18  }
0x9c: {  	s6 =	simm.s32 $0x0;
	s20 =	sshll.u32 s4, $0x1;
	s4 =	sadd.s32 s21, s2  }
0x9d: {  	[timem:s6], [sflag:s22] =	dma.local [hbm:s4], s20  }
0x9e: {  	_ =	swait.ge [sflag:s22], s20  }
0x9f: {  	s3 =	ssub.s32 $0x0, s20;
	[sflag:s22] =	ssyncset.done $0x0  }
0xa0: {  	[sflag:s22] =	ssyncadd.s32 s3;
	_ =	sdelay $0x1  }
0xa1: {  	s23 =	simm.s32 $0x1B8B  }
0xa2: {  	_ =	swait.ge [sflag:s23], $0x1  }
0xa3: {  	[sflag:s23] =	ssyncset.done $0x0  }
0xa4: {  	s25 =	simm.s32 $0x1B8E;
	s24 =	sld [smem:$0x3FFE];
	[sflag:s23] =	ssyncadd.s32 $0xFFFFFFFF  }
0xa5: {  	s26 =	simm.s32 $execute0_lowered;
	[smem:$0x3FD2] =	sst s25  }
0xa6: {  	s4 =	sshll.u32 s26, $0x1;
	_ =	strace $0x80000046;
	[dreg:$0x1] =	wrdreg $0xFFFFFFFF  }
0xa7: {  	s28 =	simm.s32 $_size_execute0_lowered;
	s2 =	sadd.s32 s2, s4;
	[dreg:$0x0] =	wrdreg $0x0  }
0xa8: {  	s4 =	sshll.u32 s28, $0x1;
	[dreg:$0x2] =	wrdreg s2  }
0xa9: {  	[dreg:$0x3] =	wrdreg s4  }
0xaa: {  	[dreg:$0x4] =	wrdreg $0xC0  }
0xab: {  	_ =	task [dreg:s6], $0x5FFFF  }
0xac: {  	[dreg:$0x1] =	wrdreg $0xFFFFFFFF  }
0xad: {  	[dreg:$0x0] =	wrdreg $0x60  }
0xae: {  	[dreg:$0x2] =	wrdreg s24  }
0xaf: {  	[dreg:$0x3] =	wrdreg $0x9  }
0xb0: {  	_ =	task.clear_ibuf [dreg:s6], $0x4FFFF;
	_ =	strace $0x90000046  }
0xb1: {  	s29 =	simm.s32 $0x9;
	_ =	strace $0x80000048  }
0xb2: {  	_ =	swait.ge [sflag:s29], $0x1  }
0xb3: {  	[sflag:s29] =	ssyncadd.s32 $0xFFFFFFFF  }
0xb4: {  	_ =	strace $0x90000048  }
0xb5: {  	_ =	sfence  }
0xb6: {  	s30 =	sld [smem:$0x0];
	_ =	sdelay $0x2  }
0xb7: {  	s31 =	sshll.u32 s1, $0xD;
	s1 =	sshrl.u32 s1, $0x2  }
0xb8: {  	s3 =	sand.u32 $0x4000, s31;
	s1 =	sadd.s32 s1, s30  }
0xb9: {  	s0 =	sor.u32 s3, s0;
	s1 =	sshll.u32 s1, $0x11  }
0xba: {  	s0 =	sor.u32 s1, s0  }
0xbb: {  	s0 =	sadd.s32 $0x8F2B, s0  }
0xbc: {  	[sflag:s0] =	ssyncadd.remote.s32 $0x1  }
0xbd: {  	_ =	sfence.sel $0xFFFF  }
0xbe: {  	[dreg:$0x0] =	wrdreg $0xFFFFFFFF;
	(pc) =	sbr.abs _section_cstart, $3  }
0xbf: {  	[dreg:$0x1] =	wrdreg $0xFFFFFFFF  }
0xc0: {  	_ =	task.clear_ibuf [dreg:s6], $0x2FFFF;
	_ =	strace $0x9FFFFFFF  }
0xc1: {  	(tm) =	ssettm $0x7FFFFFFF  }
tec
execute0_lowered:
.L_overlay_start_1:
0x0: {  	(tag) =	ssettag $0x1  }
0x1: {  	s1 =	srdreg.scid;
	s0 =	stileid.u32  }
0x2: {  	s4 =	sand.u32 $0x1, s1;
	s30 =	sshll.u32 s0, $0x1  }
0x3: {  	s1 =	sor.u32 s4, s30  }
0x4: {  	s7 =	rddreg [dreg:$0x0];
	s10 =	simm.s32 $0x300;
	s3 =	smul.u32 $0x402, s1  }
0x5: {  	s11 =	simm.s32 $0x1;
	s12 =	simm.s32 $0x8000;
	s13 =	simm.s32 $0x10800  }
0x6: {  	s14 =	simm.s32 $0x2;
	s2 =	smul.u32 $0x6, s1;
	s31 =	sshrl.u32 s3, $0xD  }
0x7: {  	s15 =	simm.s32 $0x10880;
	s6 =	sshrl.u32 s0, $0x2;
	s5 =	smul.u32 $0x30, s31  }
0x8: {  	s16 =	simm.s32 $0x3;
	s17 =	simm.s32 $0x0;
	s6 =	smul.u32 $0x600000, s6  }
0x9: {  	s8 =	ssub.s32 $0x2, s4;
	s4 =	sadd.s32 $0x400, s7;
	s5 =	ssub.s32 s2, s5  }
0xa: {  	s1 =	rddreg [dreg:$0x1];
	s9 =	sshrl.u32 s8, $0x1;
	s5 =	sand.u32 $0xFE, s5  }
0xb: {  	s8 =	ssub.s32 s8, s9;
	s3 =	simm.s32 $0x0;
	s5 =	sshll.u32 s5, $0x4  }
0xc: {  	s9 =	simm.s32 $0x10;
	[smem:$0x7FF] =	sst s3;
	s6 =	sor.u32 s6, s5  }
0xd: {  	s8 =	smax.u32 s8, $0x1;
	_ =	strace $0x80000047;
	s6 =	sshrl.u32 s6, $0x3  }
0xe: {  	v0 =	vlaneseq.u32;
	v1 =	vimm.s32 $0x0;
	s5 =	sadd.s32 $0x300400, s7;
	s7 =	sadd.s32 $0x30400, s7;
	s6 =	sadd.s32 s4, s6  }
.LBB2_1:
0xf: {  	[tilespmem:s3], [sflag:$0x1] =	stream.strided.gather [hbm4b:s6+s9], $0x8000, s10, s9, $0x38;
	[tilespmem:$0x10900] =	vst v63  }
0x10: {  	s18 =	simm.s32 $0x0  }
.LBB2_2:
0x11: {  	s21 =	sadd.s32 s2, s18  }
0x12: {  	s19 =	smulhi.u32 $0xAAAAAAAB, s21;
	_ =	sdelay $0x1  }
0x13: {  	s20 =	sshrl.u32 s19, $0x5  }
0x14: {  	s19 =	smul.u32 $0x30, s20;
	_ =	sdelay $0x1  }
0x15: {  	s22 =	smul.u32 $0x600000, s20;
	s19 =	ssub.s32 s21, s19  }
0x16: {  	s23 =	sshll.u32 s19, $0x4  }
0x17: {  	_ =	swait.ge [sflag:s11], $0x8000;
	s22 =	sor.u32 s23, s22  }
0x18: {  	[sflag:s11] =	ssyncset.done $0x0;
	s22 =	sshrl.u32 s22, $0x3  }
0x19: {  	s31 =	simm.s32 $0x100;
	[sflag:s11] =	ssyncadd.s32 $0xFFFF8000;
	s30 =	sadd.s32 s22, s7  }
0x1a: {  	[tilespmem:s12], [sflag:$0x2] =	stream.strided.gather [hbm4b:s30+s9], $0x8000, s10, s9, $0x38;
	[tilespmem:$0x10900] =	vst v63  }
0x1b: {  	v2 =	vld [tilespmem:s31+$0xA0]  }
0x1c: {  	v3 =	vld [tilespmem:s31+$0xFFFFFF00]  }
0x1d: {  	v4 =	vld [tilespmem:s31+$0xFFFFFF10]  }
0x1e: {  	v5 =	vld [tilespmem:s31+$0xFFFFFFF0]  }
0x1f: {  	v6 =	vld [tilespmem:s31+$0xFFFFFFE0]  }
0x20: {  	v7 =	vld [tilespmem:s31+$0xFFFFFF20]  }
0x21: {  	v8 =	vld [tilespmem:s31+$0xFFFFFF30]  }
0x22: {  	v9 =	vld [tilespmem:s31+$0xFFFFFF50]  }
0x23: {  	v10 =	vld [tilespmem:s31+$0xFFFFFF40]  }
0x24: {  	v11 =	vld [tilespmem:s31+$0xFFFFFF70]  }
0x25: {  	v12 =	vld [tilespmem:s31+$0xFFFFFF60]  }
0x26: {  	v13 =	vld [tilespmem:s31+$0xFFFFFF90]  }
0x27: {  	v14 =	vld [tilespmem:s31+$0xFFFFFF80]  }
0x28: {  	v15 =	vld [tilespmem:s31+$0xFFFFFFB0]  }
0x29: {  	v16 =	vld [tilespmem:s31+$0xFFFFFFA0]  }
0x2a: {  	v17 =	vld [tilespmem:s31+$0xFFFFFFD0]  }
0x2b: {  	v18 =	vld [tilespmem:s31+$0xFFFFFFC0]  }
0x2c: {  	v19 =	vld [tilespmem:s31+$0xD0]  }
0x2d: {  	v20 =	vld [tilespmem:s31+$0xE0]  }
0x2e: {  	v21 =	vld [tilespmem:s31+$0xF0]  }
0x2f: {  	v23 =	vld [tilespmem:s31+$0x50]  }
0x30: {  	v22 =	vld [tilespmem:s31+$0xB0]  }
0x31: {  	v24 =	vld [tilespmem:s31+$0xC0]  }
0x32: {  	v13 =	vmax.f32 v14, v13;
	v14 =	vmax.f32 v16, v15;
	v9 =	vmax.f32 v10, v9;
	v10 =	vld [tilespmem:s31+$0x60]  }
0x33: {  	v11 =	vmax.f32 v12, v11;
	v3 =	vmax.f32 v3, v4;
	v4 =	vmax.f32 v6, v5;
	v5 =	vld [tilespmem:s31+$0x80]  }
0x34: {  	v12 =	vmax.f32 v18, v17;
	v7 =	vmax.f32 v7, v8;
	v8 =	vld [tilespmem:s31+$0x70];
	v13 =	vmax.f32 v13, v14  }
0x35: {  	v16 =	vld [tilespmem:s31+$0x10];
	v6 =	vmax.f32 v9, v11;
	v3 =	vmax.f32 v3, v7;
	v4 =	vmax.f32 v12, v4  }
0x36: {  	v17 =	vimm.f32 $-Inf;
	v7 =	vld [tilespmem:s31+$0x40];
	v3 =	vmax.f32 v3, v6;
	v4 =	vmax.f32 v13, v4  }
0x37: {  	v9 =	vld [tilespmem:s31+$0x90];
	v6 =	vimm.f32 $-Inf;
	v13 =	vmax.f32 v24, v19;
	v11 =	vmax.f32 v3, v4  }
0x38: {  	v14 =	vld [tilespmem:s31+$0x0];
	v4 =	vmax.f32 v20, v21;
	v20 =	vmax.f32 v2, v22;
	v12 =	vmin.f32 v6, v11  }
0x39: {  	s23 =	simm.s32 $0x0;
	v15 =	vld [tilespmem:s31+$0x20];
	v18 =	vmax.f32 v13, v4;
	v2 =	vmax.f32 v6, v11;
	v13 =	vimm.f32 $-Inf  }
0x3a: {  	v3 =	vld [tilespmem:s31+$0x30];
	[tilespmem:s23+$0x10000] =	vst v11;
	v11 =	vimm.f32 $-Inf;
	v21 =	vmin.f32 v6, v12;
	v4 =	vmax.f32 v6, v12  }
0x3b: {  	v8 =	vmax.f32 v10, v8;
	v12 =	vimm.f32 $-Inf;
	v10 =	vimm.f32 $-Inf  }
0x3c: {  	v22 =	vmin.f32 v6, v21;
	v7 =	vmax.f32 v7, v23;
	v26 =	vmax.f32 v5, v9  }
0x3d: {  	v27 =	vmax.f32 v14, v16;
	v16 =	vimm.f32 $-Inf;
	v14 =	vimm.f32 $-Inf  }
0x3e: {  	v9 =	vimm.f32 $-Inf;
	v23 =	vmin.f32 v6, v22;
	v24 =	vmax.f32 v7, v8  }
0x3f: {  	v8 =	vimm.f32 $-Inf;
	v25 =	vmax.f32 v15, v3;
	v3 =	vmin.f32 v6, v23  }
0x40: {  	v15 =	vimm.f32 $-Inf;
	v7 =	vmin.f32 v6, v3;
	v5 =	vmax.f32 v6, v3  }
0x41: {  	s24 =	simm.s32 $0x80;
	s25 =	simm.s32 $0x300;
	v3 =	vmax.f32 v6, v7;
	v19 =	vmin.f32 v6, v7;
	v7 =	vimm.f32 $-Inf  }
.LBB2_3:
0x42: {  	p0 =	sne.s32 s24, $0x1F80;
	v25 =	vmax.f32 v27, v25;
	v20 =	vmax.f32 v26, v20;
	v6 =	vmax.f32 v6, v21;
	s26 =	smov.u32 s24;
	s24 =	sadd.s32 $0x80, s24  }
0x43: {  	v16 =	vmax.f32 v16, v22;
	v21 =	vmax.f32 v25, v24;
	v18 =	vmax.f32 v20, v18  }
0x44: {  	v17 =	vmax.f32 v17, v23;
	v18 =	vmax.f32 v21, v18  }
0x45: {  	[tilespmem:s23+$0x10010] =	vst v18;
	v20 =	vmin.f32 v12, v18;
	v12 =	vmax.f32 v12, v18  }
0x46: {  	v18 =	vld [tilespmem:s25+$0xA0];
	v21 =	vmin.f32 v13, v20;
	v13 =	vmax.f32 v13, v20  }
0x47: {  	v20 =	vld [tilespmem:s25+$0xFFFFFF00];
	v22 =	vmin.f32 v8, v21;
	v8 =	vmax.f32 v8, v21  }
0x48: {  	v21 =	vld [tilespmem:s25+$0xFFFFFF10];
	v23 =	vmin.f32 v14, v22;
	v14 =	vmax.f32 v14, v22  }
0x49: {  	v22 =	vld [tilespmem:s25+$0xFFFFFFF0];
	v24 =	vmin.f32 v9, v23;
	v9 =	vmax.f32 v9, v23  }
0x4a: {  	v23 =	vld [tilespmem:s25+$0xFFFFFFE0];
	v25 =	vmin.f32 v7, v24;
	v7 =	vmax.f32 v7, v24  }
0x4b: {  	v24 =	vld [tilespmem:s25+$0xFFFFFF20];
	v26 =	vmin.f32 v15, v25;
	v15 =	vmax.f32 v15, v25  }
0x4c: {  	v10 =	vmax.f32 v10, v19;
	v25 =	vld [tilespmem:s25+$0xFFFFFF30];
	v11 =	vmax.f32 v11, v26  }
0x4d: {  	v19 =	vld [tilespmem:s25+$0xFFFFFF50]  }
0x4e: {  	v26 =	vld [tilespmem:s25+$0xFFFFFF40]  }
0x4f: {  	v27 =	vld [tilespmem:s25+$0xFFFFFF70]  }
0x50: {  	v28 =	vld [tilespmem:s25+$0xFFFFFF60]  }
0x51: {  	v29 =	vld [tilespmem:s25+$0xFFFFFF90]  }
0x52: {  	v30 =	vld [tilespmem:s25+$0xFFFFFF80]  }
0x53: {  	v31 =	vld [tilespmem:s25+$0xFFFFFFB0]  }
0x54: {  	v32 =	vld [tilespmem:s25+$0xFFFFFFA0]  }
0x55: {  	v33 =	vld [tilespmem:s25+$0xFFFFFFD0]  }
0x56: {  	v34 =	vld [tilespmem:s25+$0xFFFFFFC0]  }
0x57: {  	v35 =	vld [tilespmem:s25+$0xD0]  }
0x58: {  	v36 =	vld [tilespmem:s25+$0xE0]  }
0x59: {  	v29 =	vmax.f32 v30, v29;
	v30 =	vmax.f32 v32, v31;
	v31 =	vld [tilespmem:s25+$0xF0]  }
0x5a: {  	v29 =	vmax.f32 v29, v30;
	v30 =	vld [tilespmem:s25+$0x50]  }
0x5b: {  	v27 =	vmax.f32 v28, v27;
	v28 =	vmax.f32 v34, v33;
	v32 =	vld [tilespmem:s25+$0xB0]  }
0x5c: {  	v33 =	vld [tilespmem:s25+$0xC0]  }
0x5d: {  	v19 =	vmax.f32 v26, v19;
	v26 =	vld [tilespmem:s25+$0x20]  }
0x5e: {  	v19 =	vmax.f32 v19, v27;
	v27 =	vld [tilespmem:s25+$0x0];
	v31 =	vmax.f32 v36, v31  }
0x5f: {  	v24 =	vmax.f32 v24, v25;
	v25 =	vld [tilespmem:s25+$0x60]  }
0x60: {  	v20 =	vmax.f32 v20, v21;
	v21 =	vmax.f32 v23, v22;
	v34 =	vld [tilespmem:s25+$0x80]  }
0x61: {  	v20 =	vmax.f32 v20, v24;
	v21 =	vmax.f32 v28, v21;
	v22 =	vld [tilespmem:s25+$0x40];
	v23 =	vmax.f32 v33, v35  }
0x62: {  	v19 =	vmax.f32 v20, v19;
	v21 =	vmax.f32 v29, v21;
	v20 =	vmax.f32 v18, v32;
	v24 =	vld [tilespmem:s25+$0x70]  }
0x63: {  	v19 =	vmax.f32 v19, v21;
	v18 =	vmax.f32 v23, v31;
	v28 =	vld [tilespmem:s25+$0x30]  }
0x64: {  	v23 =	vmin.f32 v2, v19;
	v2 =	vmax.f32 v2, v19;
	v29 =	vld [tilespmem:s25+$0x90]  }
0x65: {  	s23 =	sshra.s32 s26, $0x2;
	v21 =	vmin.f32 v4, v23;
	v4 =	vmax.f32 v4, v23;
	v31 =	vld [tilespmem:s25+$0x10]  }
.Ltmp0:
0x66: {  	v30 =	vmax.f32 v22, v30;
	[tilespmem:s23+$0x10000] =	vst v19;
	v22 =	vmin.f32 v6, v21;
	(pc) =	sbr.rel @p0 .LBB2_3-.Ltmp0, $4  }
0x67: {  	v19 =	vmax.f32 v25, v24;
	v23 =	vmin.f32 v16, v22  }
0x68: {  	v25 =	vmax.f32 v26, v28;
	v24 =	vmax.f32 v30, v19;
	v19 =	vmin.f32 v17, v23  }
0x69: {  	v26 =	vmax.f32 v34, v29;
	v28 =	vmin.f32 v5, v19;
	v5 =	vmax.f32 v5, v19  }
0x6a: {  	s25 =	sadd.s32 $0x200, s25;
	v27 =	vmax.f32 v27, v31;
	v19 =	vmin.f32 v3, v28;
	v3 =	vmax.f32 v3, v28  }
0x6b: {  	v25 =	vmax.f32 v27, v25;
	v20 =	vmax.f32 v26, v20  }
0x6c: {  	v6 =	vmax.f32 v6, v21;
	v24 =	vmax.f32 v25, v24;
	v18 =	vmax.f32 v20, v18  }
0x6d: {  	v16 =	vmax.f32 v16, v22;
	v17 =	vmax.f32 v17, v23;
	v18 =	vmax.f32 v24, v18  }
0x6e: {  	v10 =	vmax.f32 v10, v19;
	v55 =	vmin.f32 v12, v18;
	v58 =	vmax.f32 v12, v18  }
0x6f: {  	v56 =	vmin.f32 v13, v55;
	v59 =	vmax.f32 v13, v55;
	v26 =	vmin.f32 v2, v58  }
0x70: {  	v2 =	vmax.f32 v2, v58;
	v57 =	vmin.f32 v8, v56;
	v61 =	vmax.f32 v8, v56  }
0x71: {  	v27 =	vmin.f32 v4, v26;
	v4 =	vmax.f32 v4, v26;
	v31 =	vmin.f32 v2, v59  }
0x72: {  	v2 =	vmax.f32 v2, v59;
	v60 =	vmin.f32 v14, v57;
	v62 =	vmax.f32 v14, v57  }
0x73: {  	v28 =	vmin.f32 v6, v27;
	v6 =	vmax.f32 v6, v27;
	v32 =	vmin.f32 v4, v31  }
0x74: {  	v4 =	vmax.f32 v4, v31;
	v38 =	vmin.f32 v2, v61;
	v2 =	vmax.f32 v2, v61  }
0x75: {  	v63 =	vmin.f32 v9, v60;
	v24 =	vmax.f32 v9, v60;
	v29 =	vmax.f32 v16, v28  }
0x76: {  	v12 =	vmin.f32 v16, v28;
	v39 =	vmin.f32 v4, v38;
	v4 =	vmax.f32 v4, v38  }
0x77: {  	v42 =	vmin.f32 v2, v62;
	v2 =	vmax.f32 v2, v62;
	v25 =	vmax.f32 v7, v63  }
0x78: {  	v7 =	vmin.f32 v7, v63;
	v30 =	vmax.f32 v17, v12;
	v12 =	vmin.f32 v17, v12  }
0x79: {  	v44 =	vmin.f32 v4, v42;
	v4 =	vmax.f32 v4, v42;
	v50 =	vmin.f32 v2, v24  }
0x7a: {  	v2 =	vmax.f32 v2, v24;
	v21 =	vmax.f32 v15, v7;
	v7 =	vmin.f32 v15, v7  }
0x7b: {  	v17 =	vmax.f32 v5, v12;
	v5 =	vmin.f32 v5, v12;
	v51 =	vmin.f32 v4, v50  }
0x7c: {  	v4 =	vmax.f32 v4, v50;
	v54 =	vmin.f32 v2, v25;
	v2 =	vmax.f32 v2, v25  }
0x7d: {  	v7 =	vmax.f32 v11, v7;
	v33 =	vmax.f32 v3, v5;
	v3 =	vmin.f32 v3, v5  }
0x7e: {  	v5 =	vmin.f32 v6, v32;
	v6 =	vmax.f32 v6, v32;
	v56 =	vmin.f32 v4, v54  }
0x7f: {  	v4 =	vmax.f32 v4, v54;
	v62 =	vmax.f32 v2, v21;
	v2 =	vmin.f32 v2, v21  }
0x80: {  	v3 =	vmax.f32 v10, v3;
	v34 =	vmin.f32 v29, v5;
	v5 =	vmax.f32 v29, v5  }
0x81: {  	v40 =	vmin.f32 v6, v39;
	v6 =	vmax.f32 v6, v39;
	v63 =	vmax.f32 v4, v2  }
0x82: {  	v2 =	vmin.f32 v4, v2;
	v4 =	vmin.f32 v62, v7;
	v35 =	vmin.f32 v30, v34  }
0x83: {  	v10 =	vmax.f32 v30, v34;
	v41 =	vmax.f32 v5, v40;
	v5 =	vmin.f32 v5, v40  }
0x84: {  	v46 =	vmin.f32 v6, v44;
	v6 =	vmax.f32 v6, v44;
	v4 =	vmin.f32 v63, v4  }
0x85: {  	v36 =	vmin.f32 v17, v35;
	v12 =	vmax.f32 v17, v35;
	v8 =	vmax.f32 v10, v5  }
0x86: {  	v5 =	vmin.f32 v10, v5;
	v52 =	vmin.f32 v6, v51;
	v6 =	vmax.f32 v6, v51  }
0x87: {  	v37 =	vmin.f32 v33, v36;
	v11 =	vmax.f32 v33, v36;
	v43 =	vmax.f32 v12, v5  }
0x88: {  	v5 =	vmin.f32 v12, v5;
	v58 =	vmin.f32 v6, v56;
	v6 =	vmax.f32 v6, v56  }
0x89: {  	v3 =	vmax.f32 v3, v37;
	v45 =	vmax.f32 v11, v5;
	v5 =	vmin.f32 v11, v5  }
0x8a: {  	v11 =	vmax.f32 v41, v46;
	v7 =	vmax.f32 v6, v2;
	v2 =	vmin.f32 v6, v2  }
0x8b: {  	v3 =	vmax.f32 v3, v5;
	v5 =	vmin.f32 v41, v46;
	v53 =	vmax.f32 v11, v52  }
0x8c: {  	v9 =	vmin.f32 v11, v52;
	v4 =	vmin.f32 v7, v4;
	v47 =	vmin.f32 v8, v5  }
0x8d: {  	v5 =	vmax.f32 v8, v5;
	v48 =	vmin.f32 v43, v47;
	v10 =	vmax.f32 v43, v47  }
0x8e: {  	v11 =	vmax.f32 v5, v9;
	v5 =	vmin.f32 v5, v9;
	v49 =	vmin.f32 v45, v48  }
0x8f: {  	v8 =	vmax.f32 v45, v48;
	v55 =	vmax.f32 v10, v5;
	v5 =	vmin.f32 v10, v5  }
0x90: {  	v3 =	vmax.f32 v3, v49;
	v57 =	vmax.f32 v8, v5;
	v5 =	vmin.f32 v8, v5  }
0x91: {  	v8 =	vmax.f32 v53, v58;
	v3 =	vmax.f32 v3, v5;
	v5 =	vmin.f32 v53, v58  }
0x92: {  	v6 =	vmax.f32 v8, v2;
	v2 =	vmin.f32 v8, v2;
	v59 =	vmin.f32 v11, v5  }
0x93: {  	v5 =	vmax.f32 v11, v5;
	v4 =	vmin.f32 v6, v4;
	v60 =	vmin.f32 v55, v59  }
0x94: {  	v9 =	vmax.f32 v55, v59;
	v7 =	vmax.f32 v5, v2;
	v2 =	vmin.f32 v5, v2  }
0x95: {  	v61 =	vmax.f32 v57, v60;
	v10 =	vmin.f32 v57, v60;
	v5 =	vmax.f32 v9, v2  }
0x96: {  	v2 =	vmin.f32 v9, v2;
	v4 =	vmin.f32 v7, v4;
	v3 =	vmax.f32 v3, v10  }
0x97: {  	v6 =	vmax.f32 v61, v2;
	v2 =	vmin.f32 v61, v2;
	v4 =	vmin.f32 v5, v4  }
0x98: {  	s24 =	simm.s32 $0x10000;
	s26 =	simm.s32 $0x1;
	[tilespmem:s23+$0x10010] =	vst v18;
	v2 =	vmax.f32 v3, v2;
	v3 =	vmin.f32 v6, v4  }
0x99: {  	s25 =	simm.s32 $0x0;
	s28 =	simm.s32 $0x10000;
	s23 =	simm.s32 $0x0;
	v4 =	vld [tilespmem:s24+$0x0];
	v2 =	vmax.f32 v2, v3;
	v3 =	vimm.s32 $0x0  }
.LBB2_5:
0x9a: {  	p0 =	sne.s32 s26, $0x7F;
	_ =	sdelay $0x3  }
0x9b: {  	vm1 =	vlt.s32 v3, $0x8;
	vm0 =	vgt.f32 v4, v2  }
0x9c: {  	v4 =	vshll.u32 v3, $0x4;
	vm0 =	vmand vm1, vm0  }
0x9d: {  	v4 =	vor.u32 v0, v4;
	v5 =	vsel vm0, $0x1, v1  }
0x9e: {  	v3 =	vadd.s32 v5, v3  }
.Ltmp1:
0x9f: {  	(pc) =	sbr.rel @p0 .LBB2_5-.Ltmp1, $4  }
0xa0: {  	_ = 	snop  }
0xa1: {  	v5 =	vmov s25;
	s25 =	smov.u32 s26  }
0xa2: {  	s28 =	sadd.s32 $0x10, s28;
	[tilespmem:v4+s13+$0x0] =	vst.idx.msk vm0, v5  }
0xa3: {  	s26 =	sadd.s32 $0x1, s26;
	v4 =	vld [tilespmem:s28+$0x0]  }
0xa4: {  	_ =	sdelay $0x3  }
0xa5: {  	vm1 =	vlt.s32 v3, $0x8;
	vm0 =	vgt.f32 v4, v2  }
0xa6: {  	v4 =	vshll.u32 v3, $0x4;
	vm0 =	vmand vm1, vm0  }
0xa7: {  	v4 =	vor.u32 v0, v4;
	_ =	sdelay $0x3  }
0xa8: {  	v6 =	vmov s25;
	v5 =	vsel vm0, $0x1, v1  }
0xa9: {  	v3 =	vadd.s32 v5, v3;
	[tilespmem:v4+s13+$0x0] =	vst.idx.msk vm0, v6  }
.LBB2_7:
0xaa: {  	v4 =	vld [tilespmem:s24+$0x0];
	_ =	sdelay $0x4  }
0xab: {  	vm1 =	vlt.s32 v3, $0x8;
	vm0 =	veq.f32 v4, v2  }
0xac: {  	v4 =	vshll.u32 v3, $0x4;
	vm0 =	vmand vm1, vm0  }
0xad: {  	p0 =	sne.s32 s23, $0x7F;
	v4 =	vor.u32 v0, v4  }
.Ltmp2:
0xae: {  	_ = 	snop;
	(pc) =	sbr.rel @p0 .LBB2_7-.Ltmp2, $3  }
0xaf: {  	_ =	sdelay $0x1  }
0xb0: {  	v5 =	vmov s23;
	v6 =	vsel vm0, $0x1, v1  }
0xb1: {  	s24 =	sadd.s32 $0x10, s24;
	s23 =	sadd.s32 $0x1, s23;
	v3 =	vadd.s32 v6, v3;
	[tilespmem:v4+s13+$0x0] =	vst.idx.msk vm0, v5  }
0xb2: {  	v17 =	vimm.f32 $-Inf  }
0xb3: {  	v18 =	vimm.f32 $-Inf;
	v19 =	vimm.f32 $-Inf;
	v20 =	vimm.f32 $-Inf  }
0xb4: {  	v21 =	vimm.f32 $-Inf;
	v22 =	vimm.f32 $-Inf;
	v23 =	vimm.f32 $-Inf  }
0xb5: {  	v27 =	vimm.f32 $-Inf;
	v25 =	vimm.f32 $-Inf;
	v24 =	vimm.f32 $-Inf  }
0xb6: {  	v26 =	vimm.f32 $-Inf;
	v28 =	vimm.f32 $-Inf;
	v29 =	vimm.f32 $-Inf  }
0xb7: {  	s23 =	simm.s32 $0x0;
	v31 =	vimm.f32 $-Inf;
	v30 =	vimm.f32 $-Inf;
	v32 =	vimm.f32 $-Inf  }
.LBB2_9:
0xb8: {  	s24 =	sshra.s32 s23, $0x2  }
0xb9: {  	v2 =	vld [tilespmem:s24+$0x10800];
	_ =	sdelay $0x4  }
0xba: {  	v33 =	vshll.u32 v2, $0x8  }
0xbb: {  	v2 =	vor.u32 v0, v33;
	_ =	sdelay $0x4  }
0xbc: {  	v4 =	vld.idx.msk [tilespmem:v2+s3+$0x0], $0xffff;
	v2 =	vor.u32 $0x10, v0  }
0xbd: {  	v3 =	vor.u32 v2, v33;
	_ =	sdelay $0x4  }
0xbe: {  	v5 =	vmin.f32 v32, v4;
	v7 =	vld.idx.msk [tilespmem:v3+s3+$0x0], $0xffff;
	v3 =	vor.u32 $0x20, v0  }
0xbf: {  	v6 =	vmin.f32 v30, v5;
	v9 =	vor.u32 v3, v33  }
0xc0: {  	v10 =	vmax.f32 v32, v4;
	v5 =	vmax.f32 v30, v5;
	v8 =	vmin.f32 v31, v6  }
0xc1: {  	v6 =	vmax.f32 v31, v6;
	v4 =	vmin.f32 v29, v8;
	v8 =	vmax.f32 v29, v8  }
0xc2: {  	v11 =	vmin.f32 v28, v4;
	v12 =	vmax.f32 v28, v4;
	v4 =	vor.u32 $0x30, v0  }
0xc3: {  	v13 =	vmax.f32 v26, v11;
	v11 =	vmin.f32 v26, v11;
	v14 =	vmin.f32 v10, v7  }
0xc4: {  	v26 =	vor.u32 v4, v33;
	v15 =	vmin.f32 v24, v11;
	v16 =	vmin.f32 v5, v14;
	v9 =	vld.idx.msk [tilespmem:v9+s3+$0x0], $0xffff  }
0xc5: {  	v11 =	vmax.f32 v24, v11;
	v7 =	vmax.f32 v10, v7;
	v24 =	vmin.f32 v6, v16  }
0xc6: {  	v15 =	vmax.f32 v25, v15;
	v10 =	vmax.f32 v5, v14;
	v5 =	vmin.f32 v8, v24  }
0xc7: {  	v6 =	vmax.f32 v6, v16;
	v8 =	vmax.f32 v8, v24;
	v14 =	vmin.f32 v12, v5  }
0xc8: {  	v12 =	vmax.f32 v12, v5;
	v5 =	vor.u32 $0x40, v0;
	v16 =	vmax.f32 v13, v14  }
0xc9: {  	v25 =	vld.idx.msk [tilespmem:v26+s3+$0x0], $0xffff;
	v13 =	vmin.f32 v13, v14;
	v26 =	vor.u32 v5, v33;
	v24 =	vmin.f32 v7, v9  }
0xca: {  	v14 =	vmax.f32 v11, v13;
	v11 =	vmin.f32 v11, v13;
	v13 =	vmin.f32 v10, v24  }
0xcb: {  	v7 =	vmax.f32 v7, v9;
	v11 =	vmax.f32 v15, v11;
	v9 =	vmin.f32 v6, v13  }
0xcc: {  	v10 =	vmax.f32 v10, v24;
	v13 =	vmax.f32 v6, v13;
	v6 =	vmin.f32 v8, v9  }
0xcd: {  	v8 =	vmax.f32 v8, v9;
	v9 =	vmax.f32 v12, v6;
	v6 =	vmin.f32 v12, v6  }
0xce: {  	v12 =	vmax.f32 v16, v6;
	v15 =	vmin.f32 v16, v6;
	v16 =	vmin.f32 v7, v25  }
0xcf: {  	v26 =	vld.idx.msk [tilespmem:v26+s3+$0x0], $0xffff;
	v6 =	vor.u32 $0x50, v0;
	v24 =	vmax.f32 v14, v15;
	v28 =	vmin.f32 v10, v16  }
0xd0: {  	v14 =	vmin.f32 v14, v15;
	v29 =	vor.u32 v6, v33;
	v10 =	vmax.f32 v10, v16  }
0xd1: {  	v15 =	vmin.f32 v13, v28;
	v11 =	vmax.f32 v11, v14;
	v14 =	vmax.f32 v7, v25  }
0xd2: {  	v13 =	vmax.f32 v13, v28;
	v7 =	vmin.f32 v8, v15;
	v8 =	vmax.f32 v8, v15  }
0xd3: {  	v16 =	vmin.f32 v9, v7;
	v9 =	vmax.f32 v9, v7;
	v7 =	vor.u32 $0x60, v0  }
0xd4: {  	v15 =	vmax.f32 v12, v16;
	v12 =	vmin.f32 v12, v16;
	v16 =	vmin.f32 v14, v26  }
0xd5: {  	v30 =	vor.u32 v7, v33;
	v14 =	vmax.f32 v14, v26;
	v28 =	vmin.f32 v10, v16;
	v29 =	vld.idx.msk [tilespmem:v29+s3+$0x0], $0xffff  }
0xd6: {  	v25 =	vmin.f32 v24, v12;
	v12 =	vmax.f32 v24, v12;
	v24 =	vmin.f32 v13, v28  }
0xd7: {  	v10 =	vmax.f32 v10, v16;
	v11 =	vmax.f32 v11, v25;
	v16 =	vmin.f32 v8, v24  }
0xd8: {  	v13 =	vmax.f32 v13, v28;
	v24 =	vmax.f32 v8, v24;
	v8 =	vmin.f32 v9, v16  }
0xd9: {  	v9 =	vmax.f32 v9, v16;
	v16 =	vmax.f32 v15, v8;
	v15 =	vmin.f32 v15, v8  }
0xda: {  	v28 =	vld.idx.msk [tilespmem:v30+s3+$0x0], $0xffff;
	v8 =	vor.u32 $0x70, v0;
	v25 =	vmax.f32 v12, v15;
	v26 =	vmin.f32 v14, v29  }
0xdb: {  	v12 =	vmin.f32 v12, v15;
	v30 =	vor.u32 v8, v33;
	v15 =	vmin.f32 v10, v26  }
0xdc: {  	v11 =	vmax.f32 v11, v12;
	v12 =	vmax.f32 v14, v29;
	v14 =	vmin.f32 v13, v15  }
0xdd: {  	v10 =	vmax.f32 v10, v26;
	v13 =	vmax.f32 v13, v15;
	v15 =	vmin.f32 v24, v14  }
0xde: {  	v14 =	vmax.f32 v24, v14;
	v24 =	vmax.f32 v9, v15;
	v9 =	vmin.f32 v9, v15  }
0xdf: {  	v26 =	vmin.f32 v12, v28;
	v15 =	vmax.f32 v16, v9;
	v16 =	vmin.f32 v16, v9  }
0xe0: {  	v31 =	vmin.f32 v10, v26;
	v30 =	vld.idx.msk [tilespmem:v30+s3+$0x0], $0xffff;
	v9 =	vor.u32 $0x80, v0;
	v29 =	vmax.f32 v25, v16  }
0xe1: {  	v16 =	vmin.f32 v25, v16;
	v25 =	vmin.f32 v13, v31;
	v60 =	vor.u32 v9, v33  }
0xe2: {  	v12 =	vmax.f32 v12, v28;
	v11 =	vmax.f32 v11, v16;
	v16 =	vmin.f32 v14, v25  }
0xe3: {  	v26 =	vmax.f32 v10, v26;
	v13 =	vmax.f32 v13, v31;
	v10 =	vmin.f32 v24, v16  }
0xe4: {  	v14 =	vmax.f32 v14, v25;
	v16 =	vmax.f32 v24, v16;
	v24 =	vmax.f32 v15, v10  }
0xe5: {  	v15 =	vmin.f32 v15, v10;
	v10 =	vor.u32 $0x90, v0;
	v25 =	vmin.f32 v12, v30  }
0xe6: {  	v28 =	vmin.f32 v29, v15;
	v35 =	vor.u32 v10, v33;
	v31 =	vmin.f32 v26, v25;
	v34 =	vld.idx.msk [tilespmem:v60+s3+$0x0], $0xffff  }
0xe7: {  	v15 =	vmax.f32 v29, v15;
	v36 =	vmax.f32 v11, v28;
	v11 =	vmin.f32 v13, v31  }
0xe8: {  	v32 =	vmax.f32 v12, v30;
	v30 =	vmax.f32 v26, v25;
	v12 =	vmin.f32 v14, v11  }
0xe9: {  	v31 =	vmax.f32 v13, v31;
	v29 =	vmax.f32 v14, v11;
	v11 =	vmin.f32 v16, v12  }
0xea: {  	v28 =	vmax.f32 v16, v12;
	v26 =	vmax.f32 v24, v11;
	v12 =	vmin.f32 v24, v11  }
0xeb: {  	v14 =	vld.idx.msk [tilespmem:v35+s3+$0x0], $0xffff;
	v11 =	vor.u32 $0xA0, v0;
	v24 =	vmax.f32 v15, v12;
	v13 =	vmin.f32 v27, v34  }
0xec: {  	v12 =	vmin.f32 v15, v12;
	v16 =	vor.u32 v11, v33;
	v15 =	vmin.f32 v23, v13  }
0xed: {  	v27 =	vmax.f32 v27, v34;
	v25 =	vmax.f32 v36, v12;
	v12 =	vmin.f32 v22, v15  }
0xee: {  	v13 =	vmax.f32 v23, v13;
	v15 =	vmax.f32 v22, v15;
	v22 =	vmin.f32 v21, v12  }
0xef: {  	v21 =	vmax.f32 v21, v12;
	v12 =	vor.u32 $0xB0, v0;
	v23 =	vmax.f32 v20, v22  }
0xf0: {  	v20 =	vmin.f32 v20, v22;
	v34 =	vmin.f32 v27, v14;
	v61 =	vor.u32 v12, v33  }
0xf1: {  	v22 =	vmax.f32 v19, v20;
	v19 =	vmin.f32 v19, v20;
	v20 =	vmin.f32 v13, v34;
	v16 =	vld.idx.msk [tilespmem:v16+s3+$0x0], $0xffff  }
0xf2: {  	v62 =	vmax.f32 v18, v19;
	v18 =	vmin.f32 v18, v19;
	v19 =	vmin.f32 v15, v20  }
0xf3: {  	v14 =	vmax.f32 v27, v14;
	v17 =	vmax.f32 v17, v18;
	v18 =	vmin.f32 v21, v19  }
0xf4: {  	v27 =	vmax.f32 v13, v34;
	v15 =	vmax.f32 v15, v20;
	v13 =	vmin.f32 v23, v18  }
0xf5: {  	v19 =	vmax.f32 v21, v19;
	v18 =	vmax.f32 v23, v18;
	v20 =	vmin.f32 v22, v13  }
0xf6: {  	v21 =	vmax.f32 v22, v13;
	v63 =	vld.idx.msk [tilespmem:v61+s3+$0x0], $0xffff;
	v13 =	vor.u32 $0xC0, v0;
	v23 =	vmin.f32 v14, v16  }
0xf7: {  	v22 =	vmax.f32 v62, v20;
	v20 =	vmin.f32 v62, v20;
	v41 =	vmin.f32 v27, v23  }
0xf8: {  	v42 =	vor.u32 v13, v33;
	v17 =	vmax.f32 v17, v20;
	v20 =	vmin.f32 v15, v41  }
0xf9: {  	v16 =	vmax.f32 v14, v16;
	v23 =	vmax.f32 v27, v23;
	v14 =	vmin.f32 v19, v20  }
0xfa: {  	v15 =	vmax.f32 v15, v41;
	v19 =	vmax.f32 v19, v20;
	v20 =	vmin.f32 v18, v14  }
0xfb: {  	v18 =	vmax.f32 v18, v14;
	v43 =	vmin.f32 v16, v63;
	v14 =	vor.u32 $0xD0, v0  }
0xfc: {  	v27 =	vmax.f32 v21, v20;
	v20 =	vmin.f32 v21, v20;
	v21 =	vmin.f32 v23, v43  }
0xfd: {  	v16 =	vmax.f32 v16, v63;
	v36 =	vld.idx.msk [tilespmem:v42+s3+$0x0], $0xffff;
	v39 =	vor.u32 v14, v33;
	v38 =	vmin.f32 v15, v21  }
0xfe: {  	v37 =	vmin.f32 v22, v20;
	v20 =	vmax.f32 v22, v20;
	v22 =	vmin.f32 v19, v38  }
0xff: {  	v23 =	vmax.f32 v23, v43;
	v21 =	vmax.f32 v15, v21;
	v44 =	vmin.f32 v18, v22  }
0x100: {  	v17 =	vmax.f32 v17, v37;
	v19 =	vmax.f32 v19, v38;
	v15 =	vmin.f32 v27, v44  }
0x101: {  	v18 =	vmax.f32 v18, v22;
	v22 =	vmax.f32 v27, v44;
	v27 =	vmax.f32 v20, v15  }
0x102: {  	v20 =	vmin.f32 v20, v15;
	v45 =	vmin.f32 v16, v36;
	v46 =	vld.idx.msk [tilespmem:v39+s3+$0x0], $0xffff;
	v15 =	vor.u32 $0xE0, v0  }
0x103: {  	v17 =	vmax.f32 v17, v20;
	v20 =	vmin.f32 v23, v45;
	v47 =	vor.u32 v15, v33  }
0x104: {  	v36 =	vmax.f32 v16, v36;
	v16 =	vor.u32 $0xF0, v0;
	v48 =	vmin.f32 v21, v20  }
0x105: {  	v23 =	vmax.f32 v23, v45;
	v20 =	vmax.f32 v21, v20;
	v21 =	vmin.f32 v19, v48  }
0x106: {  	v33 =	vor.u32 v16, v33;
	v19 =	vmax.f32 v19, v48;
	v49 =	vmin.f32 v18, v21  }
0x107: {  	v18 =	vmax.f32 v18, v21;
	v21 =	vmin.f32 v22, v49;
	v50 =	vmin.f32 v36, v46  }
0x108: {  	v22 =	vmax.f32 v22, v49;
	v53 =	vmax.f32 v36, v46;
	v52 =	vmin.f32 v23, v50;
	v37 =	vld.idx.msk [tilespmem:v47+s3+$0x0], $0xffff  }
0x109: {  	v51 =	vmin.f32 v27, v21;
	v21 =	vmax.f32 v27, v21;
	v27 =	vmin.f32 v20, v52  }
0x10a: {  	v23 =	vmax.f32 v23, v50;
	v17 =	vmax.f32 v17, v51;
	v54 =	vmin.f32 v19, v27  }
0x10b: {  	v33 =	vld.idx.msk [tilespmem:v33+s3+$0x0], $0xffff;
	v20 =	vmax.f32 v20, v52;
	v19 =	vmax.f32 v19, v27;
	v27 =	vmin.f32 v18, v54  }
0x10c: {  	v18 =	vmax.f32 v18, v54;
	v55 =	vmax.f32 v22, v27;
	v22 =	vmin.f32 v22, v27  }
0x10d: {  	v27 =	vmax.f32 v21, v22;
	v21 =	vmin.f32 v21, v22;
	v22 =	vmin.f32 v53, v37  }
0x10e: {  	v17 =	vmax.f32 v17, v21;
	v21 =	vmax.f32 v53, v37;
	v56 =	vmin.f32 v23, v22  }
0x10f: {  	v22 =	vmax.f32 v23, v22;
	v57 =	vmax.f32 v20, v56;
	v20 =	vmin.f32 v20, v56  }
0x110: {  	v34 =	vmax.f32 v19, v20;
	v19 =	vmin.f32 v19, v20;
	v20 =	vmin.f32 v21, v33  }
0x111: {  	v58 =	vmax.f32 v18, v19;
	v18 =	vmin.f32 v18, v19;
	v19 =	vmin.f32 v22, v20  }
0x112: {  	p0 =	sne.s32 s23, $0x1C0;
	v59 =	vmax.f32 v55, v18;
	v18 =	vmin.f32 v55, v18;
	v60 =	vmin.f32 v57, v19  }
.Ltmp3:
0x113: {  	v61 =	vmax.f32 v27, v18;
	v18 =	vmin.f32 v27, v18;
	v40 =	vmin.f32 v34, v60;
	(pc) =	sbr.rel @p0 .LBB2_9-.Ltmp3, $4  }
0x114: {  	v23 =	vmax.f32 v22, v20;
	v17 =	vmax.f32 v17, v18;
	v18 =	vmin.f32 v58, v40  }
0x115: {  	v22 =	vmax.f32 v57, v19;
	v27 =	vmax.f32 v21, v33;
	v62 =	vmin.f32 v59, v18  }
0x116: {  	v21 =	vmax.f32 v34, v60;
	v20 =	vmax.f32 v58, v40;
	v63 =	vmin.f32 v61, v62  }
0x117: {  	s23 =	sadd.s32 $0x40, s23;
	v19 =	vmax.f32 v59, v18;
	v18 =	vmax.f32 v61, v62;
	v17 =	vmax.f32 v17, v63  }
0x118: {  	[tilespmem:$0x1FFB0] =	vst v6  }
0x119: {  	[tilespmem:$0x1FFC0] =	vst v5  }
0x11a: {  	[tilespmem:$0x1FFD0] =	vst v4  }
0x11b: {  	[tilespmem:$0x1FFE0] =	vst v3  }
0x11c: {  	[tilespmem:$0x1FFF0] =	vst v2  }
0x11d: {  	_ =	swait.ge [sflag:s14], $0x8000  }
0x11e: {  	s22 =	sadd.s32 s4, s22;
	s24 =	simm.s32 $0x0;
	[sflag:s14] =	ssyncset.done $0x0  }
0x11f: {  	s31 =	simm.s32 $0x8100;
	s23 =	sadd.s32 $0x60000, s22;
	[sflag:s14] =	ssyncadd.s32 $0xFFFF8000  }
0x120: {  	[tilespmem:s24], [sflag:$0x1] =	stream.strided.gather [hbm4b:s23+s9], $0x8000, s10, s9, $0x38;
	[tilespmem:$0x10900] =	vst v63  }
0x121: {  	v33 =	vld [tilespmem:s31+$0xA0]  }
0x122: {  	v34 =	vld [tilespmem:s31+$0xFFFFFF00]  }
0x123: {  	v35 =	vld [tilespmem:s31+$0xFFFFFF10]  }
0x124: {  	v36 =	vld [tilespmem:s31+$0xFFFFFFF0]  }
0x125: {  	v37 =	vld [tilespmem:s31+$0xFFFFFFE0]  }
0x126: {  	v38 =	vld [tilespmem:s31+$0xFFFFFF20]  }
0x127: {  	v39 =	vld [tilespmem:s31+$0xFFFFFF30]  }
0x128: {  	v40 =	vld [tilespmem:s31+$0xFFFFFF50]  }
0x129: {  	v41 =	vld [tilespmem:s31+$0xFFFFFF40]  }
0x12a: {  	v42 =	vld [tilespmem:s31+$0xFFFFFF70]  }
0x12b: {  	v43 =	vld [tilespmem:s31+$0xFFFFFF60]  }
0x12c: {  	v44 =	vld [tilespmem:s31+$0xFFFFFF90]  }
0x12d: {  	v45 =	vld [tilespmem:s31+$0xFFFFFF80]  }
0x12e: {  	v46 =	vld [tilespmem:s31+$0xFFFFFFB0]  }
0x12f: {  	v47 =	vld [tilespmem:s31+$0xFFFFFFA0]  }
0x130: {  	v48 =	vld [tilespmem:s31+$0xFFFFFFD0]  }
0x131: {  	v49 =	vld [tilespmem:s31+$0xFFFFFFC0]  }
0x132: {  	v50 =	vld [tilespmem:s31+$0xD0]  }
0x133: {  	v51 =	vld [tilespmem:s31+$0xE0]  }
0x134: {  	v52 =	vld [tilespmem:s31+$0xF0]  }
0x135: {  	v53 =	vld [tilespmem:s31+$0xB0]  }
0x136: {  	v55 =	vld [tilespmem:s31+$0xC0]  }
0x137: {  	v54 =	vld [tilespmem:s31+$0x50]  }
0x138: {  	v56 =	vld [tilespmem:s31+$0x40];
	v44 =	vmax.f32 v45, v44;
	v63 =	vmax.f32 v47, v46;
	v42 =	vmax.f32 v43, v42  }
0x139: {  	v57 =	vld [tilespmem:s31+$0x70];
	v47 =	vmax.f32 v49, v48;
	v40 =	vmax.f32 v41, v40;
	v38 =	vmax.f32 v38, v39  }
0x13a: {  	v58 =	vld [tilespmem:s31+$0x30];
	v34 =	vmax.f32 v34, v35;
	v48 =	vmax.f32 v37, v36;
	v37 =	vimm.f32 $-Inf  }
0x13b: {  	v61 =	vld [tilespmem:s31+$0x10];
	v62 =	vmax.f32 v51, v52;
	v60 =	vmax.f32 v55, v50;
	v51 =	vmax.f32 v33, v53  }
0x13c: {  	v46 =	vld [tilespmem:s31+$0x20];
	v43 =	vimm.f32 $-Inf;
	v44 =	vmax.f32 v44, v63;
	v49 =	vmax.f32 v40, v42  }
0x13d: {  	v41 =	vld [tilespmem:s31+$0x60];
	v34 =	vmax.f32 v34, v38;
	v35 =	vmax.f32 v47, v48;
	v38 =	vmax.f32 v56, v54  }
0x13e: {  	v45 =	vld [tilespmem:s31+$0x0];
	v47 =	vimm.f32 $-Inf;
	v34 =	vmax.f32 v34, v49;
	v35 =	vmax.f32 v44, v35  }
0x13f: {  	v36 =	vld [tilespmem:s31+$0x80];
	v48 =	vimm.f32 $-Inf;
	v40 =	vimm.f32 $-Inf;
	v42 =	vmax.f32 v34, v35  }
0x140: {  	s23 =	simm.s32 $0x0;
	v63 =	vld [tilespmem:s31+$0x90];
	v49 =	vmax.f32 v60, v62;
	v44 =	vimm.f32 $-Inf;
	v59 =	vmin.f32 v37, v42  }
0x141: {  	v33 =	vmax.f32 v37, v42;
	[tilespmem:s23+$0x10000] =	vst v42;
	v42 =	vimm.f32 $-Inf;
	v52 =	vmin.f32 v37, v59  }
0x142: {  	v35 =	vmax.f32 v37, v59;
	v39 =	vmax.f32 v41, v57;
	v56 =	vmax.f32 v46, v58  }
0x143: {  	v58 =	vmax.f32 v45, v61;
	v45 =	vimm.f32 $-Inf;
	v53 =	vmin.f32 v37, v52  }
0x144: {  	v46 =	vimm.f32 $-Inf;
	v41 =	vimm.f32 $-Inf;
	v54 =	vmin.f32 v37, v53  }
0x145: {  	v55 =	vmax.f32 v38, v39;
	v57 =	vmax.f32 v36, v63;
	v62 =	vmin.f32 v37, v54  }
0x146: {  	v39 =	vimm.f32 $-Inf;
	v38 =	vimm.f32 $-Inf;
	v63 =	vmin.f32 v37, v62  }
0x147: {  	s25 =	simm.s32 $0x8300;
	s24 =	simm.s32 $0x80;
	v36 =	vmax.f32 v37, v62;
	v34 =	vmax.f32 v37, v63;
	v50 =	vmin.f32 v37, v63  }
.LBB2_11:
0x148: {  	p0 =	sne.s32 s24, $0x1F80;
	v56 =	vmax.f32 v58, v56;
	v51 =	vmax.f32 v57, v51;
	v37 =	vmax.f32 v37, v52;
	s26 =	smov.u32 s24;
	s24 =	sadd.s32 $0x80, s24  }
0x149: {  	v47 =	vmax.f32 v47, v53;
	v52 =	vmax.f32 v56, v55;
	v49 =	vmax.f32 v51, v49  }
0x14a: {  	v48 =	vmax.f32 v48, v54;
	v49 =	vmax.f32 v52, v49  }
0x14b: {  	[tilespmem:s23+$0x10010] =	vst v49;
	v51 =	vmin.f32 v43, v49;
	v43 =	vmax.f32 v43, v49  }
0x14c: {  	v49 =	vld [tilespmem:s25+$0xA0];
	v52 =	vmin.f32 v44, v51;
	v44 =	vmax.f32 v44, v51  }
0x14d: {  	v51 =	vld [tilespmem:s25+$0xFFFFFF00];
	v53 =	vmin.f32 v39, v52;
	v39 =	vmax.f32 v39, v52  }
0x14e: {  	v52 =	vld [tilespmem:s25+$0xFFFFFF10];
	v54 =	vmin.f32 v45, v53;
	v45 =	vmax.f32 v45, v53  }
0x14f: {  	v53 =	vld [tilespmem:s25+$0xFFFFFFF0];
	v55 =	vmin.f32 v40, v54;
	v40 =	vmax.f32 v40, v54  }
0x150: {  	v54 =	vld [tilespmem:s25+$0xFFFFFFE0];
	v56 =	vmin.f32 v38, v55;
	v38 =	vmax.f32 v38, v55  }
0x151: {  	v55 =	vld [tilespmem:s25+$0xFFFFFF20];
	v57 =	vmin.f32 v46, v56;
	v46 =	vmax.f32 v46, v56  }
0x152: {  	v41 =	vmax.f32 v41, v50;
	v56 =	vld [tilespmem:s25+$0xFFFFFF30];
	v42 =	vmax.f32 v42, v57  }
0x153: {  	v50 =	vld [tilespmem:s25+$0xFFFFFF50]  }
0x154: {  	v57 =	vld [tilespmem:s25+$0xFFFFFF40]  }
0x155: {  	v58 =	vld [tilespmem:s25+$0xFFFFFF70]  }
0x156: {  	v59 =	vld [tilespmem:s25+$0xFFFFFF60]  }
0x157: {  	v60 =	vld [tilespmem:s25+$0xFFFFFF90]  }
0x158: {  	v61 =	vld [tilespmem:s25+$0xFFFFFF80]  }
0x159: {  	v62 =	vld [tilespmem:s25+$0xFFFFFFB0]  }
0x15a: {  	v63 =	vld [tilespmem:s25+$0xFFFFFFA0]  }
0x15b: {  	v2 =	vld [tilespmem:s25+$0xFFFFFFD0]  }
0x15c: {  	v3 =	vld [tilespmem:s25+$0xFFFFFFC0]  }
0x15d: {  	v4 =	vld [tilespmem:s25+$0xD0]  }
0x15e: {  	v5 =	vld [tilespmem:s25+$0xE0]  }
0x15f: {  	v60 =	vmax.f32 v61, v60;
	v61 =	vmax.f32 v63, v62;
	v62 =	vld [tilespmem:s25+$0xF0]  }
0x160: {  	v60 =	vmax.f32 v60, v61;
	v61 =	vld [tilespmem:s25+$0x50]  }
0x161: {  	v58 =	vmax.f32 v59, v58;
	v2 =	vmax.f32 v3, v2;
	v3 =	vld [tilespmem:s25+$0xB0]  }
0x162: {  	v59 =	vld [tilespmem:s25+$0xC0]  }
0x163: {  	v50 =	vmax.f32 v57, v50;
	v57 =	vld [tilespmem:s25+$0x20]  }
0x164: {  	v50 =	vmax.f32 v50, v58;
	v58 =	vld [tilespmem:s25+$0x0];
	v5 =	vmax.f32 v5, v62  }
0x165: {  	v55 =	vmax.f32 v55, v56;
	v56 =	vld [tilespmem:s25+$0x60]  }
0x166: {  	v51 =	vmax.f32 v51, v52;
	v52 =	vmax.f32 v54, v53;
	v62 =	vld [tilespmem:s25+$0x80]  }
0x167: {  	v51 =	vmax.f32 v51, v55;
	v2 =	vmax.f32 v2, v52;
	v53 =	vld [tilespmem:s25+$0x40];
	v4 =	vmax.f32 v59, v4  }
0x168: {  	v50 =	vmax.f32 v51, v50;
	v2 =	vmax.f32 v60, v2;
	v51 =	vmax.f32 v49, v3;
	v54 =	vld [tilespmem:s25+$0x70]  }
0x169: {  	v2 =	vmax.f32 v50, v2;
	v49 =	vmax.f32 v4, v5;
	v3 =	vld [tilespmem:s25+$0x30]  }
0x16a: {  	v5 =	vmin.f32 v33, v2;
	v33 =	vmax.f32 v33, v2;
	v4 =	vld [tilespmem:s25+$0x90]  }
0x16b: {  	s23 =	sshra.s32 s26, $0x2;
	v52 =	vmin.f32 v35, v5;
	v35 =	vmax.f32 v35, v5;
	v50 =	vld [tilespmem:s25+$0x10]  }
.Ltmp4:
0x16c: {  	v5 =	vmax.f32 v53, v61;
	[tilespmem:s23+$0x10000] =	vst v2;
	v53 =	vmin.f32 v37, v52;
	(pc) =	sbr.rel @p0 .LBB2_11-.Ltmp4, $4  }
0x16d: {  	v2 =	vmax.f32 v56, v54;
	v54 =	vmin.f32 v47, v53  }
0x16e: {  	v56 =	vmax.f32 v57, v3;
	v55 =	vmax.f32 v5, v2;
	v2 =	vmin.f32 v48, v54  }
0x16f: {  	v57 =	vmax.f32 v62, v4;
	v3 =	vmin.f32 v36, v2;
	v36 =	vmax.f32 v36, v2  }
0x170: {  	s25 =	sadd.s32 $0x200, s25;
	v58 =	vmax.f32 v58, v50;
	v50 =	vmin.f32 v34, v3;
	v34 =	vmax.f32 v34, v3  }
0x171: {  	v2 =	vmax.f32 v58, v56;
	v3 =	vmax.f32 v57, v51  }
0x172: {  	v5 =	vmax.f32 v47, v53;
	v2 =	vmax.f32 v2, v55;
	v3 =	vmax.f32 v3, v49  }
0x173: {  	v60 =	vmax.f32 v48, v54;
	v41 =	vmax.f32 v41, v50;
	v49 =	vmax.f32 v2, v3  }
0x174: {  	v3 =	vmax.f32 v37, v52;
	v2 =	vmin.f32 v43, v49;
	v62 =	vmax.f32 v43, v49  }
0x175: {  	v4 =	vmin.f32 v44, v2;
	v2 =	vmax.f32 v44, v2;
	v52 =	vmin.f32 v33, v62  }
0x176: {  	v54 =	vmax.f32 v33, v62;
	v61 =	vmin.f32 v39, v4;
	v4 =	vmax.f32 v39, v4  }
0x177: {  	v53 =	vmin.f32 v35, v52;
	v55 =	vmax.f32 v35, v52;
	v58 =	vmin.f32 v54, v2  }
0x178: {  	v2 =	vmax.f32 v54, v2;
	v63 =	vmin.f32 v45, v61;
	v39 =	vmax.f32 v45, v61  }
0x179: {  	v56 =	vmin.f32 v3, v53;
	v3 =	vmax.f32 v3, v53;
	v35 =	vmax.f32 v55, v58  }
0x17a: {  	v48 =	vmin.f32 v40, v63;
	v40 =	vmax.f32 v40, v63;
	v57 =	vmax.f32 v5, v56  }
0x17b: {  	v5 =	vmin.f32 v5, v56;
	v44 =	vmax.f32 v38, v48;
	v51 =	vmin.f32 v38, v48  }
0x17c: {  	v43 =	vmax.f32 v60, v5;
	v5 =	vmin.f32 v60, v5;
	v60 =	vmin.f32 v55, v58  }
0x17d: {  	v45 =	vmax.f32 v46, v51;
	v38 =	vmin.f32 v46, v51;
	v59 =	vmax.f32 v36, v5  }
0x17e: {  	v5 =	vmin.f32 v36, v5;
	v62 =	vmin.f32 v3, v60;
	v3 =	vmax.f32 v3, v60  }
0x17f: {  	v51 =	vmin.f32 v2, v4;
	v2 =	vmax.f32 v2, v4;
	v38 =	vmax.f32 v42, v38  }
0x180: {  	v61 =	vmax.f32 v34, v5;
	v5 =	vmin.f32 v34, v5;
	v63 =	vmin.f32 v57, v62  }
0x181: {  	v34 =	vmax.f32 v57, v62;
	v52 =	vmin.f32 v35, v51;
	v4 =	vmax.f32 v35, v51  }
0x182: {  	v55 =	vmin.f32 v2, v39;
	v2 =	vmax.f32 v2, v39;
	v5 =	vmax.f32 v41, v5  }
0x183: {  	v41 =	vmin.f32 v43, v63;
	v33 =	vmax.f32 v43, v63;
	v53 =	vmin.f32 v3, v52  }
0x184: {  	v3 =	vmax.f32 v3, v52;
	v57 =	vmin.f32 v4, v55;
	v4 =	vmax.f32 v4, v55  }
0x185: {  	v39 =	vmin.f32 v2, v40;
	v2 =	vmax.f32 v2, v40;
	v48 =	vmin.f32 v59, v41  }
0x186: {  	v36 =	vmax.f32 v59, v41;
	v54 =	vmax.f32 v34, v53;
	v34 =	vmin.f32 v34, v53  }
0x187: {  	v59 =	vmin.f32 v3, v57;
	v3 =	vmax.f32 v3, v57;
	v47 =	vmin.f32 v4, v39  }
0x188: {  	v4 =	vmax.f32 v4, v39;
	v51 =	vmin.f32 v2, v44;
	v2 =	vmax.f32 v2, v44  }
0x189: {  	v50 =	vmin.f32 v61, v48;
	v37 =	vmax.f32 v61, v48;
	v35 =	vmax.f32 v33, v34  }
0x18a: {  	v33 =	vmin.f32 v33, v34;
	v60 =	vmin.f32 v54, v59;
	v62 =	vmax.f32 v54, v59  }
0x18b: {  	v48 =	vmin.f32 v3, v47;
	v3 =	vmax.f32 v3, v47;
	v53 =	vmin.f32 v4, v51  }
0x18c: {  	v4 =	vmax.f32 v4, v51;
	v5 =	vmax.f32 v5, v50;
	v56 =	vmax.f32 v36, v33  }
0x18d: {  	v33 =	vmin.f32 v36, v33;
	v61 =	vmin.f32 v35, v60;
	v50 =	vmax.f32 v62, v48  }
0x18e: {  	v36 =	vmin.f32 v62, v48;
	v55 =	vmin.f32 v3, v53;
	v3 =	vmax.f32 v3, v53  }
0x18f: {  	v58 =	vmax.f32 v37, v33;
	v33 =	vmin.f32 v37, v33;
	v63 =	vmin.f32 v56, v61  }
0x190: {  	v34 =	vmax.f32 v56, v61;
	v56 =	vmin.f32 v50, v55;
	v5 =	vmax.f32 v5, v33  }
0x191: {  	v33 =	vmax.f32 v35, v60;
	v46 =	vmin.f32 v58, v63;
	v35 =	vmax.f32 v58, v63  }
0x192: {  	v60 =	vmax.f32 v2, v45;
	v2 =	vmin.f32 v2, v45;
	v5 =	vmax.f32 v5, v46  }
0x193: {  	v39 =	vmax.f32 v33, v36;
	v33 =	vmin.f32 v33, v36;
	v61 =	vmax.f32 v4, v2  }
0x194: {  	v2 =	vmin.f32 v4, v2;
	v4 =	vmin.f32 v60, v38;
	v52 =	vmax.f32 v34, v33  }
0x195: {  	v33 =	vmin.f32 v34, v33;
	v57 =	vmin.f32 v39, v56;
	v62 =	vmax.f32 v3, v2  }
0x196: {  	v2 =	vmin.f32 v3, v2;
	v3 =	vmin.f32 v61, v4;
	v54 =	vmax.f32 v35, v33  }
0x197: {  	v33 =	vmin.f32 v35, v33;
	v35 =	vmax.f32 v50, v55;
	v58 =	vmin.f32 v52, v57  }
0x198: {  	v34 =	vmax.f32 v52, v57;
	v3 =	vmin.f32 v62, v3;
	v5 =	vmax.f32 v5, v33  }
0x199: {  	v33 =	vmax.f32 v39, v56;
	v59 =	vmax.f32 v54, v58;
	v36 =	vmin.f32 v54, v58  }
0x19a: {  	v4 =	vmax.f32 v35, v2;
	v2 =	vmin.f32 v35, v2;
	v5 =	vmax.f32 v5, v36  }
0x19b: {  	v35 =	vmax.f32 v33, v2;
	v2 =	vmin.f32 v33, v2;
	v3 =	vmin.f32 v4, v3  }
0x19c: {  	v4 =	vmax.f32 v34, v2;
	v2 =	vmin.f32 v34, v2;
	v3 =	vmin.f32 v35, v3  }
0x19d: {  	v63 =	vmax.f32 v59, v2;
	v2 =	vmin.f32 v59, v2;
	v3 =	vmin.f32 v4, v3  }
0x19e: {  	s24 =	simm.s32 $0x10000;
	s26 =	simm.s32 $0x1;
	[tilespmem:s23+$0x10010] =	vst v49;
	v2 =	vmax.f32 v5, v2;
	v3 =	vmin.f32 v63, v3  }
0x19f: {  	s25 =	simm.s32 $0x0;
	s28 =	simm.s32 $0x10000;
	s23 =	simm.s32 $0x0;
	v34 =	vimm.s32 $0x0;
	v35 =	vld [tilespmem:s24+$0x0];
	v33 =	vmax.f32 v2, v3  }
.LBB2_13:
0x1a0: {  	p0 =	sne.s32 s26, $0x7F;
	_ =	sdelay $0x3  }
0x1a1: {  	vm1 =	vlt.s32 v34, $0x8;
	vm0 =	vgt.f32 v35, v33  }
0x1a2: {  	v2 =	vshll.u32 v34, $0x4;
	vm0 =	vmand vm1, vm0  }
0x1a3: {  	v2 =	vor.u32 v0, v2;
	v3 =	vsel vm0, $0x1, v1  }
0x1a4: {  	v34 =	vadd.s32 v3, v34  }
.Ltmp5:
0x1a5: {  	(pc) =	sbr.rel @p0 .LBB2_13-.Ltmp5, $4  }
0x1a6: {  	_ = 	snop  }
0x1a7: {  	v3 =	vmov s25;
	s25 =	smov.u32 s26  }
0x1a8: {  	s28 =	sadd.s32 $0x10, s28;
	[tilespmem:v2+s13+$0x0] =	vst.idx.msk vm0, v3  }
0x1a9: {  	s26 =	sadd.s32 $0x1, s26;
	v35 =	vld [tilespmem:s28+$0x0]  }
0x1aa: {  	_ =	sdelay $0x3  }
0x1ab: {  	vm1 =	vlt.s32 v34, $0x8;
	vm0 =	vgt.f32 v35, v33  }
0x1ac: {  	v2 =	vshll.u32 v34, $0x4;
	vm0 =	vmand vm1, vm0  }
0x1ad: {  	v2 =	vor.u32 v0, v2  }
0x1ae: {  	v6 =	vld [tilespmem:$0x1FFF0]  }
0x1af: {  	v38 =	vld [tilespmem:$0x1FFE0]  }
0x1b0: {  	v39 =	vld [tilespmem:$0x1FFD0]  }
0x1b1: {  	v4 =	vmov s25;
	v40 =	vld [tilespmem:$0x1FFC0];
	v3 =	vsel vm0, $0x1, v1  }
0x1b2: {  	v41 =	vld [tilespmem:$0x1FFB0];
	v34 =	vadd.s32 v3, v34;
	[tilespmem:v2+s13+$0x0] =	vst.idx.msk vm0, v4  }
.LBB2_15:
0x1b3: {  	v2 =	vld [tilespmem:s24+$0x0];
	_ =	sdelay $0x4  }
0x1b4: {  	vm1 =	vlt.s32 v34, $0x8;
	vm0 =	veq.f32 v2, v33  }
0x1b5: {  	v2 =	vshll.u32 v34, $0x4;
	vm0 =	vmand vm1, vm0  }
0x1b6: {  	p0 =	sne.s32 s23, $0x7F;
	v2 =	vor.u32 v0, v2  }
.Ltmp6:
0x1b7: {  	_ = 	snop;
	(pc) =	sbr.rel @p0 .LBB2_15-.Ltmp6, $3  }
0x1b8: {  	_ =	sdelay $0x1  }
0x1b9: {  	v3 =	vmov s23;
	v4 =	vsel vm0, $0x1, v1  }
0x1ba: {  	s24 =	sadd.s32 $0x10, s24;
	s23 =	sadd.s32 $0x1, s23;
	v34 =	vadd.s32 v4, v34;
	[tilespmem:v2+s13+$0x0] =	vst.idx.msk vm0, v3  }
0x1bb: {  	s23 =	simm.s32 $0x0  }
.LBB2_17:
0x1bc: {  	s24 =	sshra.s32 s23, $0x2  }
0x1bd: {  	v2 =	vld [tilespmem:s24+$0x10800];
	_ =	sdelay $0x4  }
0x1be: {  	v33 =	vshll.u32 v2, $0x8  }
0x1bf: {  	v2 =	vor.u32 v0, v33;
	_ =	sdelay $0x4  }
0x1c0: {  	v2 =	vld.idx.msk [tilespmem:v2+s12+$0x0], $0xffff  }
0x1c1: {  	v3 =	vor.u32 v6, v33;
	_ =	sdelay $0x1  }
0x1c2: {  	v5 =	vor.u32 v38, v33;
	_ =	sdelay $0x1  }
0x1c3: {  	v4 =	vmin.f32 v32, v2  }
0x1c4: {  	v36 =	vor.u32 v39, v33;
	v55 =	vor.u32 v40, v33;
	v3 =	vld.idx.msk [tilespmem:v3+s12+$0x0], $0xffff;
	v34 =	vmin.f32 v30, v4  }
0x1c5: {  	v61 =	vor.u32 v7, v33;
	v43 =	vor.u32 v8, v33;
	v50 =	vmin.f32 v31, v34  }
0x1c6: {  	v5 =	vld.idx.msk [tilespmem:v5+s12+$0x0], $0xffff;
	v4 =	vmax.f32 v30, v4;
	v30 =	vmax.f32 v31, v34;
	v31 =	vmin.f32 v29, v50  }
0x1c7: {  	v49 =	vor.u32 v10, v33;
	v51 =	vmax.f32 v28, v31;
	v28 =	vmin.f32 v28, v31  }
0x1c8: {  	v2 =	vmax.f32 v32, v2;
	v29 =	vmax.f32 v29, v50;
	v31 =	vmax.f32 v26, v28  }
0x1c9: {  	v26 =	vmin.f32 v26, v28;
	v28 =	vmin.f32 v2, v3;
	v2 =	vmax.f32 v2, v3  }
0x1ca: {  	v52 =	vmin.f32 v24, v26;
	v35 =	vmin.f32 v4, v28;
	v24 =	vmax.f32 v24, v26  }
0x1cb: {  	v3 =	vmax.f32 v4, v28;
	v53 =	vmin.f32 v2, v5;
	v26 =	vmin.f32 v30, v35  }
0x1cc: {  	v2 =	vmax.f32 v2, v5;
	v25 =	vmax.f32 v25, v52;
	v4 =	vmin.f32 v29, v26  }
0x1cd: {  	v54 =	vld.idx.msk [tilespmem:v36+s12+$0x0], $0xffff;
	v28 =	vmax.f32 v30, v35;
	v26 =	vmax.f32 v29, v26;
	v29 =	vmin.f32 v51, v4  }
0x1ce: {  	v4 =	vmax.f32 v51, v4;
	v30 =	vmax.f32 v31, v29;
	v29 =	vmin.f32 v31, v29  }
0x1cf: {  	v31 =	vmin.f32 v3, v53;
	v56 =	vmax.f32 v24, v29;
	v24 =	vmin.f32 v24, v29  }
0x1d0: {  	v3 =	vmax.f32 v3, v53;
	v29 =	vmin.f32 v28, v31;
	v24 =	vmax.f32 v25, v24  }
0x1d1: {  	v5 =	vmin.f32 v26, v29;
	v25 =	vmax.f32 v28, v31;
	v26 =	vmax.f32 v26, v29  }
0x1d2: {  	v29 =	vmin.f32 v2, v54;
	v31 =	vor.u32 v41, v33;
	v28 =	vmin.f32 v4, v5  }
0x1d3: {  	v4 =	vmax.f32 v4, v5;
	v5 =	vmax.f32 v30, v28;
	v28 =	vmin.f32 v30, v28  }
0x1d4: {  	v58 =	vmin.f32 v3, v29;
	v30 =	vld.idx.msk [tilespmem:v55+s12+$0x0], $0xffff;
	v57 =	vmax.f32 v56, v28;
	v28 =	vmin.f32 v56, v28  }
0x1d5: {  	v37 =	vor.u32 v11, v33;
	v24 =	vmax.f32 v24, v28;
	v28 =	vmin.f32 v25, v58  }
0x1d6: {  	v53 =	vor.u32 v13, v33;
	v3 =	vmax.f32 v3, v29;
	v29 =	vmin.f32 v26, v28  }
0x1d7: {  	v26 =	vmax.f32 v26, v28;
	v28 =	vmax.f32 v4, v29;
	v4 =	vmin.f32 v4, v29  }
0x1d8: {  	v2 =	vmax.f32 v2, v54;
	v25 =	vmax.f32 v25, v58;
	v31 =	vld.idx.msk [tilespmem:v31+s12+$0x0], $0xffff;
	v29 =	vmax.f32 v5, v4  }
0x1d9: {  	v4 =	vmin.f32 v5, v4;
	v5 =	vmin.f32 v2, v30;
	v2 =	vmax.f32 v2, v30  }
0x1da: {  	v59 =	vmin.f32 v57, v4;
	v60 =	vmin.f32 v3, v5;
	v4 =	vmax.f32 v57, v4  }
0x1db: {  	v3 =	vmax.f32 v3, v5;
	v24 =	vmax.f32 v24, v59;
	v62 =	vmin.f32 v25, v60  }
0x1dc: {  	v25 =	vmax.f32 v25, v60;
	v5 =	vmin.f32 v26, v62;
	v26 =	vmax.f32 v26, v62  }
0x1dd: {  	v42 =	vld.idx.msk [tilespmem:v61+s12+$0x0], $0xffff;
	v63 =	vmin.f32 v2, v31;
	v2 =	vmax.f32 v2, v31;
	v30 =	vmin.f32 v28, v5  }
0x1de: {  	v31 =	vor.u32 v9, v33;
	v5 =	vmax.f32 v28, v5;
	v28 =	vmax.f32 v29, v30  }
0x1df: {  	v29 =	vmin.f32 v29, v30;
	v30 =	vmin.f32 v3, v63;
	v3 =	vmax.f32 v3, v63  }
0x1e0: {  	v44 =	vmax.f32 v4, v29;
	v4 =	vmin.f32 v4, v29;
	v29 =	vmin.f32 v25, v30  }
0x1e1: {  	v25 =	vmax.f32 v25, v30;
	v4 =	vmax.f32 v24, v4;
	v24 =	vmin.f32 v26, v29  }
0x1e2: {  	v26 =	vmax.f32 v26, v29;
	v29 =	vmin.f32 v2, v42;
	v30 =	vmin.f32 v5, v24  }
0x1e3: {  	v5 =	vmax.f32 v5, v24;
	v24 =	vmax.f32 v28, v30;
	v28 =	vmin.f32 v28, v30  }
0x1e4: {  	v46 =	vmin.f32 v3, v29;
	v30 =	vld.idx.msk [tilespmem:v43+s12+$0x0], $0xffff;
	v45 =	vmax.f32 v44, v28;
	v28 =	vmin.f32 v44, v28  }
0x1e5: {  	v55 =	vor.u32 v14, v33;
	v4 =	vmax.f32 v4, v28;
	v28 =	vmin.f32 v25, v46  }
0x1e6: {  	v57 =	vor.u32 v15, v33;
	v3 =	vmax.f32 v3, v29;
	v29 =	vmin.f32 v26, v28  }
0x1e7: {  	v26 =	vmax.f32 v26, v28;
	v28 =	vmax.f32 v5, v29;
	v5 =	vmin.f32 v5, v29  }
0x1e8: {  	v2 =	vmax.f32 v2, v42;
	v48 =	vld.idx.msk [tilespmem:v31+s12+$0x0], $0xffff;
	v25 =	vmax.f32 v25, v46;
	v47 =	vmax.f32 v24, v5  }
0x1e9: {  	v5 =	vmin.f32 v24, v5;
	v24 =	vmin.f32 v2, v30;
	v32 =	vmax.f32 v2, v30  }
0x1ea: {  	v29 =	vmin.f32 v45, v5;
	v31 =	vmin.f32 v3, v24;
	v5 =	vmax.f32 v45, v5  }
0x1eb: {  	v30 =	vmax.f32 v3, v24;
	v4 =	vmax.f32 v4, v29;
	v29 =	vmin.f32 v25, v31  }
0x1ec: {  	v31 =	vmax.f32 v25, v31;
	v2 =	vmin.f32 v26, v29;
	v29 =	vmax.f32 v26, v29  }
0x1ed: {  	v3 =	vmin.f32 v28, v2;
	v28 =	vmax.f32 v28, v2;
	v2 =	vmin.f32 v27, v48  }
0x1ee: {  	v36 =	vld.idx.msk [tilespmem:v49+s12+$0x0], $0xffff;
	v26 =	vmax.f32 v47, v3;
	v3 =	vmin.f32 v47, v3;
	v50 =	vmin.f32 v23, v2  }
0x1ef: {  	v2 =	vmax.f32 v23, v2;
	v24 =	vmax.f32 v5, v3;
	v3 =	vmin.f32 v5, v3  }
0x1f0: {  	v5 =	vmin.f32 v22, v50;
	v22 =	vmax.f32 v22, v50;
	v25 =	vmax.f32 v4, v3  }
0x1f1: {  	v3 =	vmax.f32 v27, v48;
	v4 =	vmin.f32 v21, v5;
	v5 =	vmax.f32 v21, v5  }
0x1f2: {  	v27 =	vor.u32 v12, v33;
	v23 =	vmin.f32 v20, v4;
	v4 =	vmax.f32 v20, v4  }
0x1f3: {  	v21 =	vmin.f32 v3, v36;
	v20 =	vmax.f32 v19, v23;
	v19 =	vmin.f32 v19, v23;
	v23 =	vld.idx.msk [tilespmem:v37+s12+$0x0], $0xffff  }
0x1f4: {  	v51 =	vmax.f32 v18, v19;
	v18 =	vmin.f32 v18, v19;
	v19 =	vmin.f32 v2, v21  }
0x1f5: {  	v3 =	vmax.f32 v3, v36;
	v17 =	vmax.f32 v17, v18;
	v18 =	vmin.f32 v22, v19  }
0x1f6: {  	v2 =	vmax.f32 v2, v21;
	v19 =	vmax.f32 v22, v19;
	v21 =	vmin.f32 v5, v18  }
0x1f7: {  	v5 =	vmax.f32 v5, v18;
	v22 =	vld.idx.msk [tilespmem:v27+s12+$0x0], $0xffff;
	v18 =	vmax.f32 v4, v21;
	v4 =	vmin.f32 v4, v21  }
0x1f8: {  	v21 =	vmax.f32 v20, v4;
	v4 =	vmin.f32 v20, v4;
	v20 =	vmin.f32 v3, v23  }
0x1f9: {  	v3 =	vmax.f32 v3, v23;
	v27 =	vmin.f32 v51, v4;
	v52 =	vmin.f32 v2, v20  }
0x1fa: {  	v4 =	vmax.f32 v51, v4;
	v17 =	vmax.f32 v17, v27;
	v27 =	vmin.f32 v19, v52  }
0x1fb: {  	v2 =	vmax.f32 v2, v20;
	v19 =	vmax.f32 v19, v52;
	v20 =	vmin.f32 v5, v27  }
0x1fc: {  	v5 =	vmax.f32 v5, v27;
	v27 =	vmin.f32 v3, v22;
	v23 =	vmin.f32 v18, v20  }
0x1fd: {  	v54 =	vld.idx.msk [tilespmem:v53+s12+$0x0], $0xffff;
	v3 =	vmax.f32 v3, v22;
	v18 =	vmax.f32 v18, v20;
	v20 =	vmax.f32 v21, v23  }
0x1fe: {  	v21 =	vmin.f32 v21, v23;
	v23 =	vmin.f32 v2, v27;
	v2 =	vmax.f32 v2, v27  }
0x1ff: {  	v56 =	vmax.f32 v4, v21;
	v4 =	vmin.f32 v4, v21;
	v21 =	vmin.f32 v19, v23  }
0x200: {  	v19 =	vmax.f32 v19, v23;
	v4 =	vmax.f32 v17, v4;
	v17 =	vmin.f32 v5, v21  }
0x201: {  	v5 =	vmax.f32 v5, v21;
	v22 =	vmin.f32 v18, v17;
	v17 =	vmax.f32 v18, v17  }
0x202: {  	v23 =	vld.idx.msk [tilespmem:v55+s12+$0x0], $0xffff;
	v18 =	vmin.f32 v20, v22;
	v20 =	vmax.f32 v20, v22;
	v22 =	vmin.f32 v3, v54  }
0x203: {  	v21 =	vmax.f32 v56, v18;
	v18 =	vmin.f32 v56, v18;
	v27 =	vmin.f32 v2, v22  }
0x204: {  	v3 =	vmax.f32 v3, v54;
	v4 =	vmax.f32 v4, v18;
	v18 =	vmin.f32 v19, v27  }
0x205: {  	v2 =	vmax.f32 v2, v22;
	v19 =	vmax.f32 v19, v27;
	v22 =	vmin.f32 v5, v18  }
0x206: {  	v27 =	vor.u32 v16, v33;
	v5 =	vmax.f32 v5, v18;
	v18 =	vmin.f32 v17, v22  }
0x207: {  	v58 =	vmin.f32 v3, v23;
	v17 =	vmax.f32 v17, v22;
	v22 =	vmin.f32 v20, v18  }
0x208: {  	v35 =	vld.idx.msk [tilespmem:v57+s12+$0x0], $0xffff;
	v59 =	vmin.f32 v2, v58;
	v18 =	vmax.f32 v20, v18;
	v20 =	vmin.f32 v21, v22  }
0x209: {  	v3 =	vmax.f32 v3, v23;
	v4 =	vmax.f32 v4, v20;
	v20 =	vmin.f32 v19, v59  }
0x20a: {  	v2 =	vmax.f32 v2, v58;
	v21 =	vmax.f32 v21, v22;
	v22 =	vmin.f32 v5, v20  }
0x20b: {  	v19 =	vmax.f32 v19, v59;
	v23 =	vld.idx.msk [tilespmem:v27+s12+$0x0], $0xffff;
	v5 =	vmax.f32 v5, v20;
	v20 =	vmin.f32 v17, v22  }
0x20c: {  	v17 =	vmax.f32 v17, v22;
	v22 =	vmax.f32 v18, v20;
	v18 =	vmin.f32 v18, v20  }
0x20d: {  	v20 =	vmax.f32 v21, v18;
	v18 =	vmin.f32 v21, v18;
	v21 =	vmin.f32 v3, v35  }
0x20e: {  	v3 =	vmax.f32 v3, v35;
	v4 =	vmax.f32 v4, v18;
	v18 =	vmin.f32 v2, v21  }
0x20f: {  	v2 =	vmax.f32 v2, v21;
	v21 =	vmax.f32 v19, v18;
	v18 =	vmin.f32 v19, v18  }
0x210: {  	v19 =	vmax.f32 v5, v18;
	v5 =	vmin.f32 v5, v18;
	v18 =	vmin.f32 v3, v23  }
0x211: {  	v60 =	vmax.f32 v17, v5;
	v5 =	vmin.f32 v17, v5;
	v17 =	vmin.f32 v2, v18  }
0x212: {  	p0 =	sne.s32 s23, $0x1C0;
	v61 =	vmax.f32 v22, v5;
	v5 =	vmin.f32 v22, v5;
	v62 =	vmin.f32 v21, v17  }
.Ltmp7:
0x213: {  	v63 =	vmax.f32 v20, v5;
	v5 =	vmin.f32 v20, v5;
	v20 =	vmin.f32 v19, v62;
	(pc) =	sbr.rel @p0 .LBB2_17-.Ltmp7, $4  }
0x214: {  	v27 =	vmax.f32 v3, v23;
	v23 =	vmax.f32 v2, v18;
	v3 =	vmin.f32 v60, v20  }
0x215: {  	v22 =	vmax.f32 v21, v17;
	v21 =	vmax.f32 v19, v62;
	v2 =	vmin.f32 v61, v3  }
0x216: {  	v4 =	vmax.f32 v4, v5;
	v20 =	vmax.f32 v60, v20;
	v5 =	vmin.f32 v63, v2  }
0x217: {  	s23 =	sadd.s32 $0x40, s23;
	v19 =	vmax.f32 v61, v3;
	v18 =	vmax.f32 v63, v2;
	v17 =	vmax.f32 v4, v5  }
0x218: {  	_ =	swait.ge [sflag:s11], $0x8000  }
0x219: {  	[sflag:s11] =	ssyncset.done $0x0  }
0x21a: {  	s22 =	sadd.s32 $0x90000, s22;
	s31 =	simm.s32 $0x100;
	[sflag:s11] =	ssyncadd.s32 $0xFFFF8000  }
0x21b: {  	[tilespmem:s12], [sflag:$0x2] =	stream.strided.gather [hbm4b:s22+s9], $0x8000, s10, s9, $0x38;
	[tilespmem:$0x10900] =	vst v63  }
0x21c: {  	v2 =	vld [tilespmem:s31+$0xA0]  }
0x21d: {  	v3 =	vld [tilespmem:s31+$0xFFFFFF00]  }
0x21e: {  	v4 =	vld [tilespmem:s31+$0xFFFFFF10]  }
0x21f: {  	v5 =	vld [tilespmem:s31+$0xFFFFFFF0]  }
0x220: {  	v33 =	vld [tilespmem:s31+$0xFFFFFFE0]  }
0x221: {  	v34 =	vld [tilespmem:s31+$0xFFFFFF20]  }
0x222: {  	v35 =	vld [tilespmem:s31+$0xFFFFFF30]  }
0x223: {  	v36 =	vld [tilespmem:s31+$0xFFFFFF50]  }
0x224: {  	v37 =	vld [tilespmem:s31+$0xFFFFFF40]  }
0x225: {  	v38 =	vld [tilespmem:s31+$0xFFFFFF70]  }
0x226: {  	v39 =	vld [tilespmem:s31+$0xFFFFFF60]  }
0x227: {  	v40 =	vld [tilespmem:s31+$0xFFFFFF90]  }
0x228: {  	v41 =	vld [tilespmem:s31+$0xFFFFFF80]  }
0x229: {  	v42 =	vld [tilespmem:s31+$0xFFFFFFB0]  }
0x22a: {  	v43 =	vld [tilespmem:s31+$0xFFFFFFA0]  }
0x22b: {  	v44 =	vld [tilespmem:s31+$0xFFFFFFD0]  }
0x22c: {  	v45 =	vld [tilespmem:s31+$0xFFFFFFC0]  }
0x22d: {  	v46 =	vld [tilespmem:s31+$0xD0]  }
0x22e: {  	v47 =	vld [tilespmem:s31+$0xE0]  }
0x22f: {  	v48 =	vld [tilespmem:s31+$0xF0]  }
0x230: {  	v50 =	vld [tilespmem:s31+$0x50]  }
0x231: {  	v49 =	vld [tilespmem:s31+$0xB0]  }
0x232: {  	v51 =	vld [tilespmem:s31+$0xC0]  }
0x233: {  	v58 =	vld [tilespmem:s31+$0x40];
	v40 =	vmax.f32 v41, v40;
	v62 =	vmax.f32 v43, v42;
	v38 =	vmax.f32 v39, v38  }
0x234: {  	v59 =	vld [tilespmem:s31+$0x70];
	v63 =	vmax.f32 v45, v44;
	v36 =	vmax.f32 v37, v36;
	v34 =	vmax.f32 v34, v35  }
0x235: {  	v61 =	vld [tilespmem:s31+$0x90];
	v3 =	vmax.f32 v3, v4;
	v4 =	vmax.f32 v33, v5;
	v37 =	vimm.f32 $-Inf  }
0x236: {  	v42 =	vld [tilespmem:s31+$0x20];
	v60 =	vmax.f32 v47, v48;
	v47 =	vimm.f32 $-Inf;
	v48 =	vimm.f32 $-Inf  }
0x237: {  	v41 =	vld [tilespmem:s31+$0x0];
	v43 =	vimm.f32 $-Inf;
	v44 =	vimm.f32 $-Inf;
	v39 =	vimm.f32 $-Inf  }
0x238: {  	v45 =	vld [tilespmem:s31+$0x60];
	v40 =	vmax.f32 v40, v62;
	v57 =	vmax.f32 v36, v38;
	v3 =	vmax.f32 v3, v34  }
0x239: {  	v5 =	vld [tilespmem:s31+$0x80];
	v4 =	vmax.f32 v63, v4;
	v63 =	vmax.f32 v51, v46;
	v51 =	vmax.f32 v2, v49  }
0x23a: {  	v2 =	vld [tilespmem:s31+$0x10];
	v34 =	vmax.f32 v58, v50;
	v3 =	vmax.f32 v3, v57;
	v4 =	vmax.f32 v40, v4  }
0x23b: {  	v38 =	vimm.f32 $-Inf;
	v46 =	vimm.f32 $-Inf;
	v3 =	vmax.f32 v3, v4;
	v4 =	vld [tilespmem:s31+$0x30]  }
0x23c: {  	v49 =	vmax.f32 v63, v60;
	v40 =	vimm.f32 $-Inf;
	v62 =	vmin.f32 v37, v3  }
0x23d: {  	v33 =	vmax.f32 v37, v3;
	v52 =	vmin.f32 v37, v62;
	v35 =	vmax.f32 v37, v62  }
0x23e: {  	v36 =	vmax.f32 v45, v59;
	v57 =	vmax.f32 v5, v61;
	v53 =	vmin.f32 v37, v52  }
0x23f: {  	v45 =	vimm.f32 $-Inf;
	v55 =	vmax.f32 v34, v36;
	v54 =	vmin.f32 v37, v53  }
0x240: {  	v58 =	vmax.f32 v41, v2;
	v56 =	vmax.f32 v42, v4;
	v4 =	vmin.f32 v37, v54  }
0x241: {  	s22 =	simm.s32 $0x0;
	v41 =	vimm.f32 $-Inf;
	v42 =	vimm.f32 $-Inf;
	v5 =	vmin.f32 v37, v4  }
0x242: {  	s23 =	simm.s32 $0x80;
	s24 =	simm.s32 $0x300;
	[tilespmem:s22+$0x10000] =	vst v3;
	v36 =	vmax.f32 v37, v4;
	v34 =	vmax.f32 v37, v5;
	v50 =	vmin.f32 v37, v5  }
.LBB2_19:
0x243: {  	p0 =	sne.s32 s23, $0x1F80;
	v2 =	vmax.f32 v58, v56;
	v3 =	vmax.f32 v57, v51;
	v37 =	vmax.f32 v37, v52;
	s25 =	smov.u32 s23;
	s23 =	sadd.s32 $0x80, s23  }
0x244: {  	v47 =	vmax.f32 v47, v53;
	v2 =	vmax.f32 v2, v55;
	v3 =	vmax.f32 v3, v49  }
0x245: {  	v48 =	vmax.f32 v48, v54;
	v2 =	vmax.f32 v2, v3  }
0x246: {  	[tilespmem:s22+$0x10010] =	vst v2;
	v3 =	vmin.f32 v43, v2;
	v43 =	vmax.f32 v43, v2  }
0x247: {  	v2 =	vld [tilespmem:s24+$0xA0];
	v4 =	vmin.f32 v44, v3;
	v44 =	vmax.f32 v44, v3  }
0x248: {  	v3 =	vld [tilespmem:s24+$0xFFFFFF00];
	v5 =	vmin.f32 v39, v4;
	v39 =	vmax.f32 v39, v4  }
0x249: {  	v4 =	vld [tilespmem:s24+$0xFFFFFF10];
	v49 =	vmin.f32 v45, v5;
	v45 =	vmax.f32 v45, v5  }
0x24a: {  	v5 =	vld [tilespmem:s24+$0xFFFFFFF0];
	v51 =	vmin.f32 v40, v49;
	v40 =	vmax.f32 v40, v49  }
0x24b: {  	v49 =	vld [tilespmem:s24+$0xFFFFFFE0];
	v52 =	vmin.f32 v38, v51;
	v38 =	vmax.f32 v38, v51  }
0x24c: {  	v51 =	vld [tilespmem:s24+$0xFFFFFF20];
	v53 =	vmin.f32 v46, v52;
	v46 =	vmax.f32 v46, v52  }
0x24d: {  	v41 =	vmax.f32 v41, v50;
	v52 =	vld [tilespmem:s24+$0xFFFFFF30];
	v42 =	vmax.f32 v42, v53  }
0x24e: {  	v50 =	vld [tilespmem:s24+$0xFFFFFF50]  }
0x24f: {  	v53 =	vld [tilespmem:s24+$0xFFFFFF40]  }
0x250: {  	v54 =	vld [tilespmem:s24+$0xFFFFFF70]  }
0x251: {  	v55 =	vld [tilespmem:s24+$0xFFFFFF60]  }
0x252: {  	v56 =	vld [tilespmem:s24+$0xFFFFFF90]  }
0x253: {  	v57 =	vld [tilespmem:s24+$0xFFFFFF80]  }
0x254: {  	v58 =	vld [tilespmem:s24+$0xFFFFFFB0]  }
0x255: {  	v59 =	vld [tilespmem:s24+$0xFFFFFFA0]  }
0x256: {  	v60 =	vld [tilespmem:s24+$0xFFFFFFD0]  }
0x257: {  	v61 =	vld [tilespmem:s24+$0xFFFFFFC0]  }
0x258: {  	v62 =	vld [tilespmem:s24+$0xD0]  }
0x259: {  	v63 =	vld [tilespmem:s24+$0xE0]  }
0x25a: {  	v56 =	vmax.f32 v57, v56;
	v57 =	vmax.f32 v59, v58;
	v58 =	vld [tilespmem:s24+$0xF0]  }
0x25b: {  	v56 =	vmax.f32 v56, v57;
	v57 =	vld [tilespmem:s24+$0x50]  }
0x25c: {  	v54 =	vmax.f32 v55, v54;
	v55 =	vmax.f32 v61, v60;
	v59 =	vld [tilespmem:s24+$0xB0]  }
0x25d: {  	v60 =	vld [tilespmem:s24+$0xC0]  }
0x25e: {  	v50 =	vmax.f32 v53, v50;
	v61 =	vld [tilespmem:s24+$0x20]  }
0x25f: {  	v50 =	vmax.f32 v50, v54;
	v6 =	vld [tilespmem:s24+$0x0];
	v53 =	vmax.f32 v63, v58  }
0x260: {  	v51 =	vmax.f32 v51, v52;
	v54 =	vld [tilespmem:s24+$0x60]  }
0x261: {  	v3 =	vmax.f32 v3, v4;
	v4 =	vmax.f32 v49, v5;
	v5 =	vld [tilespmem:s24+$0x80]  }
0x262: {  	v3 =	vmax.f32 v3, v51;
	v4 =	vmax.f32 v55, v4;
	v55 =	vld [tilespmem:s24+$0x40];
	v49 =	vmax.f32 v60, v62  }
0x263: {  	v3 =	vmax.f32 v3, v50;
	v4 =	vmax.f32 v56, v4;
	v51 =	vmax.f32 v2, v59;
	v50 =	vld [tilespmem:s24+$0x70]  }
0x264: {  	v2 =	vmax.f32 v3, v4;
	v49 =	vmax.f32 v49, v53;
	v3 =	vld [tilespmem:s24+$0x30]  }
0x265: {  	v53 =	vmin.f32 v33, v2;
	v33 =	vmax.f32 v33, v2;
	v4 =	vld [tilespmem:s24+$0x90]  }
0x266: {  	s22 =	sshra.s32 s25, $0x2;
	v52 =	vmin.f32 v35, v53;
	v35 =	vmax.f32 v35, v53;
	v58 =	vld [tilespmem:s24+$0x10]  }
.Ltmp8:
0x267: {  	v53 =	vmin.f32 v37, v52;
	v55 =	vmax.f32 v55, v57;
	[tilespmem:s22+$0x10000] =	vst v2;
	(pc) =	sbr.rel @p0 .LBB2_19-.Ltmp8, $4  }
0x268: {  	v2 =	vmax.f32 v54, v50;
	v54 =	vmin.f32 v47, v53  }
0x269: {  	v56 =	vmax.f32 v61, v3;
	v55 =	vmax.f32 v55, v2;
	v2 =	vmin.f32 v48, v54  }
0x26a: {  	v57 =	vmax.f32 v5, v4;
	v3 =	vmin.f32 v36, v2;
	v36 =	vmax.f32 v36, v2  }
0x26b: {  	s24 =	sadd.s32 $0x200, s24;
	v58 =	vmax.f32 v6, v58;
	v50 =	vmin.f32 v34, v3;
	v34 =	vmax.f32 v34, v3  }
0x26c: {  	v2 =	vmax.f32 v58, v56;
	v3 =	vmax.f32 v57, v51  }
0x26d: {  	v5 =	vmax.f32 v47, v53;
	v2 =	vmax.f32 v2, v55;
	v3 =	vmax.f32 v3, v49  }
0x26e: {  	v6 =	vmax.f32 v48, v54;
	v41 =	vmax.f32 v41, v50;
	v49 =	vmax.f32 v2, v3  }
0x26f: {  	v3 =	vmax.f32 v37, v52;
	v2 =	vmin.f32 v43, v49;
	v53 =	vmax.f32 v43, v49  }
0x270: {  	v4 =	vmin.f32 v44, v2;
	v2 =	vmax.f32 v44, v2;
	v57 =	vmin.f32 v33, v53  }
0x271: {  	v59 =	vmax.f32 v33, v53;
	v52 =	vmin.f32 v39, v4;
	v4 =	vmax.f32 v39, v4  }
0x272: {  	v58 =	vmin.f32 v35, v57;
	v60 =	vmax.f32 v35, v57;
	v54 =	vmin.f32 v45, v52  }
0x273: {  	v37 =	vmax.f32 v45, v52;
	v61 =	vmin.f32 v3, v58;
	v3 =	vmax.f32 v3, v58  }
0x274: {  	v55 =	vmin.f32 v40, v54;
	v40 =	vmax.f32 v40, v54;
	v62 =	vmax.f32 v5, v61  }
0x275: {  	v5 =	vmin.f32 v5, v61;
	v44 =	vmax.f32 v38, v55;
	v56 =	vmin.f32 v38, v55  }
0x276: {  	v43 =	vmax.f32 v6, v5;
	v5 =	vmin.f32 v6, v5;
	v6 =	vmin.f32 v59, v2  }
0x277: {  	v2 =	vmax.f32 v59, v2;
	v39 =	vmax.f32 v46, v56;
	v38 =	vmin.f32 v46, v56  }
0x278: {  	v63 =	vmax.f32 v36, v5;
	v5 =	vmin.f32 v36, v5;
	v48 =	vmin.f32 v60, v6  }
0x279: {  	v6 =	vmax.f32 v60, v6;
	v56 =	vmin.f32 v2, v4;
	v2 =	vmax.f32 v2, v4  }
0x27a: {  	v38 =	vmax.f32 v42, v38;
	v50 =	vmax.f32 v34, v5;
	v5 =	vmin.f32 v34, v5  }
0x27b: {  	v51 =	vmin.f32 v3, v48;
	v3 =	vmax.f32 v3, v48;
	v57 =	vmin.f32 v6, v56  }
0x27c: {  	v4 =	vmax.f32 v6, v56;
	v59 =	vmin.f32 v2, v37;
	v2 =	vmax.f32 v2, v37  }
0x27d: {  	v5 =	vmax.f32 v41, v5;
	v52 =	vmin.f32 v62, v51;
	v34 =	vmax.f32 v62, v51  }
0x27e: {  	v6 =	vmin.f32 v3, v57;
	v3 =	vmax.f32 v3, v57;
	v61 =	vmin.f32 v4, v59  }
0x27f: {  	v4 =	vmax.f32 v4, v59;
	v37 =	vmin.f32 v2, v40;
	v2 =	vmax.f32 v2, v40  }
0x280: {  	v53 =	vmin.f32 v43, v52;
	v33 =	vmax.f32 v43, v52;
	v58 =	vmax.f32 v34, v6  }
0x281: {  	v6 =	vmin.f32 v34, v6;
	v54 =	vmin.f32 v63, v53;
	v35 =	vmax.f32 v63, v53  }
0x282: {  	v34 =	vmax.f32 v33, v6;
	v6 =	vmin.f32 v33, v6;
	v63 =	vmin.f32 v3, v61  }
0x283: {  	v3 =	vmax.f32 v3, v61;
	v53 =	vmin.f32 v2, v44;
	v2 =	vmax.f32 v2, v44  }
0x284: {  	v55 =	vmin.f32 v50, v54;
	v36 =	vmax.f32 v50, v54;
	v60 =	vmax.f32 v35, v6  }
0x285: {  	v6 =	vmin.f32 v35, v6;
	v46 =	vmax.f32 v58, v63;
	v50 =	vmin.f32 v4, v37  }
0x286: {  	v4 =	vmax.f32 v4, v37;
	v61 =	vmax.f32 v2, v39;
	v2 =	vmin.f32 v2, v39  }
0x287: {  	v5 =	vmax.f32 v5, v55;
	v62 =	vmax.f32 v36, v6;
	v6 =	vmin.f32 v36, v6  }
0x288: {  	v51 =	vmin.f32 v3, v50;
	v3 =	vmax.f32 v3, v50;
	v55 =	vmin.f32 v4, v53  }
0x289: {  	v4 =	vmax.f32 v4, v53;
	v5 =	vmax.f32 v5, v6;
	v6 =	vmin.f32 v58, v63  }
0x28a: {  	v52 =	vmax.f32 v46, v51;
	v35 =	vmin.f32 v46, v51;
	v57 =	vmin.f32 v3, v55  }
0x28b: {  	v3 =	vmax.f32 v3, v55;
	v45 =	vmin.f32 v34, v6;
	v6 =	vmax.f32 v34, v6  }
0x28c: {  	v47 =	vmin.f32 v60, v45;
	v33 =	vmax.f32 v60, v45;
	v37 =	vmax.f32 v6, v35  }
0x28d: {  	v6 =	vmin.f32 v6, v35;
	v48 =	vmin.f32 v62, v47;
	v34 =	vmax.f32 v62, v47  }
0x28e: {  	v54 =	vmax.f32 v33, v6;
	v6 =	vmin.f32 v33, v6;
	v62 =	vmax.f32 v4, v2  }
0x28f: {  	v2 =	vmin.f32 v4, v2;
	v4 =	vmin.f32 v61, v38;
	v5 =	vmax.f32 v5, v48  }
0x290: {  	v56 =	vmax.f32 v34, v6;
	v6 =	vmin.f32 v34, v6;
	v34 =	vmax.f32 v52, v57  }
0x291: {  	v63 =	vmax.f32 v3, v2;
	v2 =	vmin.f32 v3, v2;
	v3 =	vmin.f32 v62, v4  }
0x292: {  	v5 =	vmax.f32 v5, v6;
	v6 =	vmin.f32 v52, v57;
	v4 =	vmax.f32 v34, v2  }
0x293: {  	v2 =	vmin.f32 v34, v2;
	v3 =	vmin.f32 v63, v3;
	v58 =	vmin.f32 v37, v6  }
0x294: {  	v6 =	vmax.f32 v37, v6;
	v3 =	vmin.f32 v4, v3;
	v59 =	vmin.f32 v54, v58  }
0x295: {  	v33 =	vmax.f32 v54, v58;
	v34 =	vmax.f32 v6, v2;
	v2 =	vmin.f32 v6, v2  }
0x296: {  	v60 =	vmax.f32 v56, v59;
	v35 =	vmin.f32 v56, v59;
	v4 =	vmax.f32 v33, v2  }
0x297: {  	v2 =	vmin.f32 v33, v2;
	v3 =	vmin.f32 v34, v3;
	v5 =	vmax.f32 v5, v35  }
0x298: {  	v6 =	vmax.f32 v60, v2;
	v2 =	vmin.f32 v60, v2;
	v3 =	vmin.f32 v4, v3  }
0x299: {  	s23 =	simm.s32 $0x10000;
	s25 =	simm.s32 $0x1;
	[tilespmem:s22+$0x10010] =	vst v49;
	v2 =	vmax.f32 v5, v2;
	v3 =	vmin.f32 v6, v3  }
0x29a: {  	s24 =	simm.s32 $0x0;
	s26 =	simm.s32 $0x10000;
	s22 =	simm.s32 $0x0;
	v34 =	vimm.s32 $0x0;
	v35 =	vld [tilespmem:s23+$0x0];
	v33 =	vmax.f32 v2, v3  }
.LBB2_21:
0x29b: {  	p0 =	sne.s32 s25, $0x7F;
	_ =	sdelay $0x3  }
0x29c: {  	vm1 =	vlt.s32 v34, $0x8;
	vm0 =	vgt.f32 v35, v33  }
0x29d: {  	v2 =	vshll.u32 v34, $0x4;
	vm0 =	vmand vm1, vm0  }
0x29e: {  	v2 =	vor.u32 v0, v2;
	v3 =	vsel vm0, $0x1, v1  }
0x29f: {  	v34 =	vadd.s32 v3, v34  }
.Ltmp9:
0x2a0: {  	(pc) =	sbr.rel @p0 .LBB2_21-.Ltmp9, $4  }
0x2a1: {  	_ = 	snop  }
0x2a2: {  	v3 =	vmov s24;
	s24 =	smov.u32 s25  }
0x2a3: {  	s26 =	sadd.s32 $0x10, s26;
	[tilespmem:v2+s13+$0x0] =	vst.idx.msk vm0, v3  }
0x2a4: {  	s25 =	sadd.s32 $0x1, s25;
	v35 =	vld [tilespmem:s26+$0x0]  }
0x2a5: {  	_ =	sdelay $0x3  }
0x2a6: {  	vm1 =	vlt.s32 v34, $0x8;
	vm0 =	vgt.f32 v35, v33  }
0x2a7: {  	v2 =	vshll.u32 v34, $0x4;
	vm0 =	vmand vm1, vm0  }
0x2a8: {  	v2 =	vor.u32 v0, v2  }
0x2a9: {  	v38 =	vld [tilespmem:$0x1FFF0]  }
0x2aa: {  	v39 =	vld [tilespmem:$0x1FFE0]  }
0x2ab: {  	v40 =	vld [tilespmem:$0x1FFD0]  }
0x2ac: {  	v4 =	vmov s24;
	v41 =	vld [tilespmem:$0x1FFC0];
	v3 =	vsel vm0, $0x1, v1  }
0x2ad: {  	v42 =	vld [tilespmem:$0x1FFB0];
	v34 =	vadd.s32 v3, v34;
	[tilespmem:v2+s13+$0x0] =	vst.idx.msk vm0, v4  }
.LBB2_23:
0x2ae: {  	v2 =	vld [tilespmem:s23+$0x0];
	_ =	sdelay $0x4  }
0x2af: {  	vm1 =	vlt.s32 v34, $0x8;
	vm0 =	veq.f32 v2, v33  }
0x2b0: {  	v2 =	vshll.u32 v34, $0x4;
	vm0 =	vmand vm1, vm0  }
0x2b1: {  	p0 =	sne.s32 s22, $0x7F;
	v2 =	vor.u32 v0, v2  }
.Ltmp10:
0x2b2: {  	_ = 	snop;
	(pc) =	sbr.rel @p0 .LBB2_23-.Ltmp10, $3  }
0x2b3: {  	_ =	sdelay $0x1  }
0x2b4: {  	v3 =	vmov s22;
	v4 =	vsel vm0, $0x1, v1  }
0x2b5: {  	s23 =	sadd.s32 $0x10, s23;
	s22 =	sadd.s32 $0x1, s22;
	v34 =	vadd.s32 v4, v34;
	[tilespmem:v2+s13+$0x0] =	vst.idx.msk vm0, v3  }
0x2b6: {  	s22 =	simm.s32 $0x0  }
.LBB2_25:
0x2b7: {  	s23 =	sshra.s32 s22, $0x2  }
0x2b8: {  	v2 =	vld [tilespmem:s23+$0x10800];
	_ =	sdelay $0x4  }
0x2b9: {  	v33 =	vshll.u32 v2, $0x8  }
0x2ba: {  	v2 =	vor.u32 v0, v33;
	_ =	sdelay $0x4  }
0x2bb: {  	v2 =	vld.idx.msk [tilespmem:v2+s3+$0x0], $0xffff  }
0x2bc: {  	v3 =	vor.u32 v38, v33;
	_ =	sdelay $0x3  }
0x2bd: {  	v5 =	vor.u32 v39, v33;
	v4 =	vmin.f32 v32, v2  }
0x2be: {  	v35 =	vor.u32 v40, v33;
	v36 =	vor.u32 v41, v33;
	v3 =	vld.idx.msk [tilespmem:v3+s3+$0x0], $0xffff;
	v6 =	vmin.f32 v30, v4  }
0x2bf: {  	v46 =	vor.u32 v7, v33;
	v48 =	vor.u32 v8, v33;
	v61 =	vmin.f32 v31, v6  }
0x2c0: {  	v54 =	vor.u32 v11, v33;
	v4 =	vmax.f32 v30, v4;
	v30 =	vmin.f32 v29, v61  }
0x2c1: {  	v6 =	vmax.f32 v31, v6;
	v31 =	vmax.f32 v28, v30;
	v28 =	vmin.f32 v28, v30  }
0x2c2: {  	v5 =	vld.idx.msk [tilespmem:v5+s3+$0x0], $0xffff;
	v2 =	vmax.f32 v32, v2;
	v29 =	vmax.f32 v29, v61;
	v30 =	vmax.f32 v26, v28  }
0x2c3: {  	v26 =	vmin.f32 v26, v28;
	v28 =	vmin.f32 v2, v3;
	v2 =	vmax.f32 v2, v3  }
0x2c4: {  	v62 =	vmin.f32 v24, v26;
	v34 =	vmin.f32 v4, v28;
	v24 =	vmax.f32 v24, v26  }
0x2c5: {  	v3 =	vmax.f32 v4, v28;
	v25 =	vmax.f32 v25, v62;
	v26 =	vmin.f32 v6, v34  }
0x2c6: {  	v6 =	vmax.f32 v6, v34;
	v4 =	vmin.f32 v29, v26;
	v26 =	vmax.f32 v29, v26  }
0x2c7: {  	v63 =	vld.idx.msk [tilespmem:v35+s3+$0x0], $0xffff;
	v28 =	vmin.f32 v31, v4;
	v4 =	vmax.f32 v31, v4;
	v31 =	vmin.f32 v2, v5  }
0x2c8: {  	v2 =	vmax.f32 v2, v5;
	v29 =	vmax.f32 v30, v28;
	v28 =	vmin.f32 v30, v28  }
0x2c9: {  	v30 =	vmin.f32 v3, v31;
	v3 =	vmax.f32 v3, v31;
	v37 =	vmax.f32 v24, v28  }
0x2ca: {  	v24 =	vmin.f32 v24, v28;
	v28 =	vmin.f32 v6, v30;
	v6 =	vmax.f32 v6, v30  }
0x2cb: {  	v30 =	vor.u32 v42, v33;
	v24 =	vmax.f32 v25, v24;
	v5 =	vmin.f32 v26, v28  }
0x2cc: {  	v26 =	vmax.f32 v26, v28;
	v28 =	vmin.f32 v2, v63;
	v25 =	vmin.f32 v4, v5  }
0x2cd: {  	v4 =	vmax.f32 v4, v5;
	v5 =	vmax.f32 v29, v25;
	v25 =	vmin.f32 v29, v25  }
0x2ce: {  	v43 =	vmin.f32 v3, v28;
	v29 =	vld.idx.msk [tilespmem:v36+s3+$0x0], $0xffff;
	v31 =	vmax.f32 v37, v25;
	v25 =	vmin.f32 v37, v25  }
0x2cf: {  	v56 =	vor.u32 v13, v33;
	v24 =	vmax.f32 v24, v25;
	v25 =	vmin.f32 v6, v43  }
0x2d0: {  	v57 =	vor.u32 v14, v33;
	v3 =	vmax.f32 v3, v28;
	v28 =	vmin.f32 v26, v25  }
0x2d1: {  	v25 =	vmax.f32 v26, v25;
	v26 =	vmax.f32 v4, v28;
	v4 =	vmin.f32 v4, v28  }
0x2d2: {  	v2 =	vmax.f32 v2, v63;
	v6 =	vmax.f32 v6, v43;
	v30 =	vld.idx.msk [tilespmem:v30+s3+$0x0], $0xffff;
	v28 =	vmax.f32 v5, v4  }
0x2d3: {  	v4 =	vmin.f32 v5, v4;
	v5 =	vmin.f32 v2, v29;
	v2 =	vmax.f32 v2, v29  }
0x2d4: {  	v44 =	vmin.f32 v31, v4;
	v45 =	vmin.f32 v3, v5;
	v4 =	vmax.f32 v31, v4  }
0x2d5: {  	v3 =	vmax.f32 v3, v5;
	v24 =	vmax.f32 v24, v44;
	v31 =	vmin.f32 v6, v45  }
0x2d6: {  	v6 =	vmax.f32 v6, v45;
	v5 =	vmin.f32 v25, v31;
	v25 =	vmax.f32 v25, v31  }
0x2d7: {  	v47 =	vld.idx.msk [tilespmem:v46+s3+$0x0], $0xffff;
	v31 =	vmin.f32 v2, v30;
	v2 =	vmax.f32 v2, v30;
	v29 =	vmin.f32 v26, v5  }
0x2d8: {  	v30 =	vor.u32 v9, v33;
	v5 =	vmax.f32 v26, v5;
	v26 =	vmax.f32 v28, v29  }
0x2d9: {  	v28 =	vmin.f32 v28, v29;
	v29 =	vmin.f32 v3, v31;
	v3 =	vmax.f32 v3, v31  }
0x2da: {  	v49 =	vmax.f32 v4, v28;
	v4 =	vmin.f32 v4, v28;
	v28 =	vmin.f32 v6, v29  }
0x2db: {  	v6 =	vmax.f32 v6, v29;
	v4 =	vmax.f32 v24, v4;
	v24 =	vmin.f32 v25, v28  }
0x2dc: {  	v25 =	vmax.f32 v25, v28;
	v28 =	vmin.f32 v2, v47;
	v29 =	vmin.f32 v5, v24  }
0x2dd: {  	v5 =	vmax.f32 v5, v24;
	v24 =	vmax.f32 v26, v29;
	v26 =	vmin.f32 v26, v29  }
0x2de: {  	v50 =	vmin.f32 v3, v28;
	v29 =	vld.idx.msk [tilespmem:v48+s3+$0x0], $0xffff;
	v31 =	vmax.f32 v49, v26;
	v26 =	vmin.f32 v49, v26  }
0x2df: {  	v59 =	vor.u32 v15, v33;
	v4 =	vmax.f32 v4, v26;
	v26 =	vmin.f32 v6, v50  }
0x2e0: {  	v37 =	vor.u32 v10, v33;
	v3 =	vmax.f32 v3, v28;
	v28 =	vmin.f32 v25, v26  }
0x2e1: {  	v25 =	vmax.f32 v25, v26;
	v26 =	vmax.f32 v5, v28;
	v5 =	vmin.f32 v5, v28  }
0x2e2: {  	v2 =	vmax.f32 v2, v47;
	v52 =	vld.idx.msk [tilespmem:v30+s3+$0x0], $0xffff;
	v6 =	vmax.f32 v6, v50;
	v51 =	vmax.f32 v24, v5  }
0x2e3: {  	v5 =	vmin.f32 v24, v5;
	v24 =	vmin.f32 v2, v29;
	v32 =	vmax.f32 v2, v29  }
0x2e4: {  	v28 =	vmin.f32 v31, v5;
	v36 =	vmin.f32 v3, v24;
	v5 =	vmax.f32 v31, v5  }
0x2e5: {  	v30 =	vmax.f32 v3, v24;
	v4 =	vmax.f32 v4, v28;
	v28 =	vmin.f32 v6, v36  }
0x2e6: {  	v31 =	vmax.f32 v6, v36;
	v2 =	vmin.f32 v25, v28;
	v29 =	vmax.f32 v25, v28  }
0x2e7: {  	v3 =	vmin.f32 v26, v2;
	v28 =	vmax.f32 v26, v2;
	v2 =	vmin.f32 v27, v52  }
0x2e8: {  	v53 =	vld.idx.msk [tilespmem:v37+s3+$0x0], $0xffff;
	v26 =	vmax.f32 v51, v3;
	v3 =	vmin.f32 v51, v3;
	v6 =	vmin.f32 v23, v2  }
0x2e9: {  	v2 =	vmax.f32 v23, v2;
	v23 =	vor.u32 v12, v33;
	v24 =	vmax.f32 v5, v3  }
0x2ea: {  	v3 =	vmin.f32 v5, v3;
	v5 =	vmin.f32 v22, v6;
	v6 =	vmax.f32 v22, v6  }
0x2eb: {  	v25 =	vmax.f32 v4, v3;
	v3 =	vmax.f32 v27, v52;
	v4 =	vmin.f32 v21, v5  }
0x2ec: {  	v5 =	vmax.f32 v21, v5;
	v22 =	vmin.f32 v20, v4;
	v4 =	vmax.f32 v20, v4  }
0x2ed: {  	v21 =	vmin.f32 v3, v53;
	v20 =	vmax.f32 v19, v22;
	v19 =	vmin.f32 v19, v22;
	v22 =	vld.idx.msk [tilespmem:v54+s3+$0x0], $0xffff  }
0x2ee: {  	v27 =	vmax.f32 v18, v19;
	v18 =	vmin.f32 v18, v19;
	v19 =	vmin.f32 v2, v21  }
0x2ef: {  	v3 =	vmax.f32 v3, v53;
	v17 =	vmax.f32 v17, v18;
	v18 =	vmin.f32 v6, v19  }
0x2f0: {  	v2 =	vmax.f32 v2, v21;
	v6 =	vmax.f32 v6, v19;
	v19 =	vmin.f32 v5, v18  }
0x2f1: {  	v21 =	vld.idx.msk [tilespmem:v23+s3+$0x0], $0xffff;
	v5 =	vmax.f32 v5, v18;
	v18 =	vmax.f32 v4, v19;
	v4 =	vmin.f32 v4, v19  }
0x2f2: {  	v19 =	vmax.f32 v20, v4;
	v4 =	vmin.f32 v20, v4;
	v20 =	vmin.f32 v3, v22  }
0x2f3: {  	v3 =	vmax.f32 v3, v22;
	v23 =	vmin.f32 v27, v4;
	v55 =	vmin.f32 v2, v20  }
0x2f4: {  	v4 =	vmax.f32 v27, v4;
	v17 =	vmax.f32 v17, v23;
	v23 =	vmin.f32 v6, v55  }
0x2f5: {  	v2 =	vmax.f32 v2, v20;
	v6 =	vmax.f32 v6, v55;
	v20 =	vmin.f32 v5, v23  }
0x2f6: {  	v5 =	vmax.f32 v5, v23;
	v23 =	vmin.f32 v3, v21;
	v22 =	vmin.f32 v18, v20  }
0x2f7: {  	v27 =	vld.idx.msk [tilespmem:v56+s3+$0x0], $0xffff;
	v3 =	vmax.f32 v3, v21;
	v18 =	vmax.f32 v18, v20;
	v20 =	vmax.f32 v19, v22  }
0x2f8: {  	v19 =	vmin.f32 v19, v22;
	v22 =	vmin.f32 v2, v23;
	v2 =	vmax.f32 v2, v23  }
0x2f9: {  	v58 =	vmax.f32 v4, v19;
	v4 =	vmin.f32 v4, v19;
	v19 =	vmin.f32 v6, v22  }
0x2fa: {  	v6 =	vmax.f32 v6, v22;
	v4 =	vmax.f32 v17, v4;
	v17 =	vmin.f32 v5, v19  }
0x2fb: {  	v5 =	vmax.f32 v5, v19;
	v21 =	vmin.f32 v18, v17;
	v17 =	vmax.f32 v18, v17  }
0x2fc: {  	v22 =	vld.idx.msk [tilespmem:v57+s3+$0x0], $0xffff;
	v18 =	vmin.f32 v20, v21;
	v19 =	vmax.f32 v20, v21;
	v21 =	vmin.f32 v3, v27  }
0x2fd: {  	v20 =	vmax.f32 v58, v18;
	v18 =	vmin.f32 v58, v18;
	v23 =	vmin.f32 v2, v21  }
0x2fe: {  	v3 =	vmax.f32 v3, v27;
	v4 =	vmax.f32 v4, v18;
	v18 =	vmin.f32 v6, v23  }
0x2ff: {  	v2 =	vmax.f32 v2, v21;
	v6 =	vmax.f32 v6, v23;
	v21 =	vmin.f32 v5, v18  }
0x300: {  	v23 =	vor.u32 v16, v33;
	v5 =	vmax.f32 v5, v18;
	v18 =	vmin.f32 v17, v21  }
0x301: {  	v27 =	vmin.f32 v3, v22;
	v17 =	vmax.f32 v17, v21;
	v21 =	vmin.f32 v19, v18  }
0x302: {  	v34 =	vld.idx.msk [tilespmem:v59+s3+$0x0], $0xffff;
	v60 =	vmin.f32 v2, v27;
	v18 =	vmax.f32 v19, v18;
	v19 =	vmin.f32 v20, v21  }
0x303: {  	v3 =	vmax.f32 v3, v22;
	v4 =	vmax.f32 v4, v19;
	v19 =	vmin.f32 v6, v60  }
0x304: {  	v2 =	vmax.f32 v2, v27;
	v20 =	vmax.f32 v20, v21;
	v21 =	vmin.f32 v5, v19  }
0x305: {  	v6 =	vmax.f32 v6, v60;
	v22 =	vld.idx.msk [tilespmem:v23+s3+$0x0], $0xffff;
	v5 =	vmax.f32 v5, v19;
	v19 =	vmin.f32 v17, v21  }
0x306: {  	v17 =	vmax.f32 v17, v21;
	v21 =	vmax.f32 v18, v19;
	v18 =	vmin.f32 v18, v19  }
0x307: {  	v19 =	vmax.f32 v20, v18;
	v18 =	vmin.f32 v20, v18;
	v20 =	vmin.f32 v3, v34  }
0x308: {  	v3 =	vmax.f32 v3, v34;
	v4 =	vmax.f32 v4, v18;
	v18 =	vmin.f32 v2, v20  }
0x309: {  	v2 =	vmax.f32 v2, v20;
	v20 =	vmax.f32 v6, v18;
	v6 =	vmin.f32 v6, v18  }
0x30a: {  	v18 =	vmax.f32 v5, v6;
	v5 =	vmin.f32 v5, v6;
	v6 =	vmin.f32 v3, v22  }
0x30b: {  	v61 =	vmax.f32 v17, v5;
	v5 =	vmin.f32 v17, v5;
	v17 =	vmin.f32 v2, v6  }
0x30c: {  	p0 =	sne.s32 s22, $0x1C0;
	v62 =	vmax.f32 v21, v5;
	v5 =	vmin.f32 v21, v5;
	v21 =	vmin.f32 v20, v17  }
.Ltmp11:
0x30d: {  	v63 =	vmax.f32 v19, v5;
	v5 =	vmin.f32 v19, v5;
	v19 =	vmin.f32 v18, v21;
	(pc) =	sbr.rel @p0 .LBB2_25-.Ltmp11, $4  }
0x30e: {  	v27 =	vmax.f32 v3, v22;
	v23 =	vmax.f32 v2, v6;
	v3 =	vmin.f32 v61, v19  }
0x30f: {  	v22 =	vmax.f32 v20, v17;
	v21 =	vmax.f32 v18, v21;
	v2 =	vmin.f32 v62, v3  }
0x310: {  	v4 =	vmax.f32 v4, v5;
	v20 =	vmax.f32 v61, v19;
	v5 =	vmin.f32 v63, v2  }
0x311: {  	s22 =	sadd.s32 $0x40, s22;
	v19 =	vmax.f32 v62, v3;
	v18 =	vmax.f32 v63, v2;
	v17 =	vmax.f32 v4, v5  }
0x312: {  	p0 =	seq.s32 s18, $0x5  }
0x313: {  	s21 =	sadd.s32 @!p0 $0x1, s21  }
0x314: {  	s22 =	smulhi.u32 @!p0 $0xAAAAAAAB, s21;
	_ =	sdelay $0x1  }
0x315: {  	s22 =	sshrl.u32 @!p0 s22, $0x5  }
0x316: {  	s23 =	smul.u32 @!p0 $0x30, s22;
	_ =	sdelay $0x1  }
0x317: {  	s22 =	smul.u32 @!p0 $0x600000, s22;
	s21 =	ssub.s32 @!p0 s21, s23  }
0x318: {  	_ =	swait.ge [sflag:s14], $0x8000;
	s21 =	sshll.u32 @!p0 s21, $0x4  }
0x319: {  	s31 =	simm.s32 $0x8100;
	[sflag:s14] =	ssyncset.done $0x0;
	s21 =	sor.u32 @!p0 s21, s22  }
0x31a: {  	s24 =	simm.s32 @!p0 $0x0;
	[sflag:s14] =	ssyncadd.s32 $0xFFFF8000;
	s21 =	sshrl.u32 @!p0 s21, $0x3  }
0x31b: {  	s23 =	simm.s32 @!p0 $0x300;
	s22 =	simm.s32 @!p0 $0x10;
	s21 =	sadd.s32 @!p0 s4, s21  }
0x31c: {  	[tilespmem:s24], [sflag:$0x1] =	stream.strided.gather @!p0 [hbm4b:s21+s22], $0x8000, s23, s22, $0x38;
	[tilespmem:$0x10900] =	vst v63  }
0x31d: {  	v2 =	vld [tilespmem:s31+$0xA0]  }
0x31e: {  	v3 =	vld [tilespmem:s31+$0xFFFFFF00]  }
0x31f: {  	v4 =	vld [tilespmem:s31+$0xFFFFFF10]  }
0x320: {  	v5 =	vld [tilespmem:s31+$0xFFFFFFF0]  }
0x321: {  	v6 =	vld [tilespmem:s31+$0xFFFFFFE0]  }
0x322: {  	v33 =	vld [tilespmem:s31+$0xFFFFFF20]  }
0x323: {  	v34 =	vld [tilespmem:s31+$0xFFFFFF30]  }
0x324: {  	v35 =	vld [tilespmem:s31+$0xFFFFFF50]  }
0x325: {  	v36 =	vld [tilespmem:s31+$0xFFFFFF40]  }
0x326: {  	v37 =	vld [tilespmem:s31+$0xFFFFFF70]  }
0x327: {  	v38 =	vld [tilespmem:s31+$0xFFFFFF60]  }
0x328: {  	v39 =	vld [tilespmem:s31+$0xFFFFFF90]  }
0x329: {  	v40 =	vld [tilespmem:s31+$0xFFFFFF80]  }
0x32a: {  	v41 =	vld [tilespmem:s31+$0xFFFFFFB0]  }
0x32b: {  	v42 =	vld [tilespmem:s31+$0xFFFFFFA0]  }
0x32c: {  	v43 =	vld [tilespmem:s31+$0xFFFFFFD0]  }
0x32d: {  	v44 =	vld [tilespmem:s31+$0xFFFFFFC0]  }
0x32e: {  	v45 =	vld [tilespmem:s31+$0xD0]  }
0x32f: {  	v46 =	vld [tilespmem:s31+$0xE0]  }
0x330: {  	v47 =	vld [tilespmem:s31+$0xF0]  }
0x331: {  	v48 =	vld [tilespmem:s31+$0x50]  }
0x332: {  	v49 =	vld [tilespmem:s31+$0xB0]  }
0x333: {  	v50 =	vld [tilespmem:s31+$0xC0]  }
0x334: {  	v59 =	vld [tilespmem:s31+$0x40];
	_ =	sdelay $0x1  }
0x335: {  	v39 =	vmax.f32 v40, v39;
	v56 =	vmax.f32 v42, v41;
	v37 =	vmax.f32 v38, v37  }
0x336: {  	v58 =	vld [tilespmem:s31+$0x60];
	v57 =	vmax.f32 v44, v43;
	v35 =	vmax.f32 v36, v35;
	v33 =	vmax.f32 v33, v34  }
0x337: {  	v61 =	vld [tilespmem:s31+$0x90];
	v3 =	vmax.f32 v3, v4;
	v4 =	vmax.f32 v6, v5;
	v60 =	vmax.f32 v46, v47  }
0x338: {  	v41 =	vld [tilespmem:s31+$0x20];
	v63 =	vmax.f32 v50, v45;
	v51 =	vmax.f32 v2, v49;
	v34 =	vmax.f32 v59, v48  }
0x339: {  	v40 =	vld [tilespmem:s31+$0x0];
	v47 =	vimm.f32 $-Inf;
	v48 =	vimm.f32 $-Inf;
	v43 =	vimm.f32 $-Inf  }
0x33a: {  	v5 =	vld [tilespmem:s31+$0x80];
	v44 =	vimm.f32 $-Inf;
	v45 =	vimm.f32 $-Inf;
	v39 =	vmax.f32 v39, v56  }
0x33b: {  	v2 =	vld [tilespmem:s31+$0x10];
	v6 =	vmax.f32 v35, v37;
	v3 =	vmax.f32 v3, v33;
	v4 =	vmax.f32 v57, v4  }
0x33c: {  	v38 =	vimm.f32 $-Inf;
	v3 =	vmax.f32 v3, v6;
	v4 =	vmax.f32 v39, v4;
	v6 =	vld [tilespmem:s31+$0x70]  }
0x33d: {  	v46 =	vimm.f32 $-Inf;
	v37 =	vimm.f32 $-Inf;
	v3 =	vmax.f32 v3, v4;
	v4 =	vld [tilespmem:s31+$0x30]  }
0x33e: {  	v42 =	vimm.f32 $-Inf;
	v49 =	vmax.f32 v63, v60;
	v62 =	vmin.f32 v37, v3  }
0x33f: {  	v39 =	vimm.f32 $-Inf;
	v33 =	vmax.f32 v37, v3;
	v52 =	vmin.f32 v37, v62  }
0x340: {  	v35 =	vmax.f32 v37, v62;
	v57 =	vmax.f32 v5, v61;
	v53 =	vmin.f32 v37, v52  }
0x341: {  	v54 =	vmin.f32 v37, v53;
	v6 =	vmax.f32 v58, v6;
	v58 =	vmax.f32 v40, v2  }
0x342: {  	v40 =	vimm.f32 $-Inf;
	v56 =	vmax.f32 v41, v4;
	v4 =	vmin.f32 v37, v54  }
0x343: {  	s21 =	simm.s32 $0x0;
	v55 =	vmax.f32 v34, v6;
	v41 =	vimm.f32 $-Inf;
	v5 =	vmin.f32 v37, v4  }
0x344: {  	s22 =	simm.s32 $0x80;
	s23 =	simm.s32 $0x8300;
	[tilespmem:s21+$0x10000] =	vst v3;
	v36 =	vmax.f32 v37, v4;
	v34 =	vmax.f32 v37, v5;
	v50 =	vmin.f32 v37, v5  }
.LBB2_27:
0x345: {  	p0 =	sne.s32 s22, $0x1F80;
	v2 =	vmax.f32 v58, v56;
	v3 =	vmax.f32 v57, v51;
	v37 =	vmax.f32 v37, v52;
	s24 =	smov.u32 s22;
	s22 =	sadd.s32 $0x80, s22  }
0x346: {  	v47 =	vmax.f32 v47, v53;
	v2 =	vmax.f32 v2, v55;
	v3 =	vmax.f32 v3, v49  }
0x347: {  	v48 =	vmax.f32 v48, v54;
	v2 =	vmax.f32 v2, v3  }
0x348: {  	[tilespmem:s21+$0x10010] =	vst v2;
	v3 =	vmin.f32 v43, v2;
	v43 =	vmax.f32 v43, v2  }
0x349: {  	v2 =	vld [tilespmem:s23+$0xA0];
	v4 =	vmin.f32 v44, v3;
	v44 =	vmax.f32 v44, v3  }
0x34a: {  	v3 =	vld [tilespmem:s23+$0xFFFFFF00];
	v5 =	vmin.f32 v39, v4;
	v39 =	vmax.f32 v39, v4  }
0x34b: {  	v4 =	vld [tilespmem:s23+$0xFFFFFF10];
	v6 =	vmin.f32 v45, v5;
	v45 =	vmax.f32 v45, v5  }
0x34c: {  	v5 =	vld [tilespmem:s23+$0xFFFFFFF0];
	v49 =	vmin.f32 v40, v6;
	v40 =	vmax.f32 v40, v6  }
0x34d: {  	v6 =	vld [tilespmem:s23+$0xFFFFFFE0];
	v51 =	vmin.f32 v38, v49;
	v38 =	vmax.f32 v38, v49  }
0x34e: {  	v49 =	vld [tilespmem:s23+$0xFFFFFF20];
	v52 =	vmin.f32 v46, v51;
	v46 =	vmax.f32 v46, v51  }
0x34f: {  	v41 =	vmax.f32 v41, v50;
	v51 =	vld [tilespmem:s23+$0xFFFFFF30];
	v42 =	vmax.f32 v42, v52  }
0x350: {  	v50 =	vld [tilespmem:s23+$0xFFFFFF50]  }
0x351: {  	v52 =	vld [tilespmem:s23+$0xFFFFFF40]  }
0x352: {  	v53 =	vld [tilespmem:s23+$0xFFFFFF70]  }
0x353: {  	v54 =	vld [tilespmem:s23+$0xFFFFFF60]  }
0x354: {  	v55 =	vld [tilespmem:s23+$0xFFFFFF90]  }
0x355: {  	v56 =	vld [tilespmem:s23+$0xFFFFFF80]  }
0x356: {  	v57 =	vld [tilespmem:s23+$0xFFFFFFB0]  }
0x357: {  	v58 =	vld [tilespmem:s23+$0xFFFFFFA0]  }
0x358: {  	v59 =	vld [tilespmem:s23+$0xFFFFFFD0]  }
0x359: {  	v60 =	vld [tilespmem:s23+$0xFFFFFFC0]  }
0x35a: {  	v61 =	vld [tilespmem:s23+$0xD0]  }
0x35b: {  	v62 =	vld [tilespmem:s23+$0xE0]  }
0x35c: {  	v55 =	vmax.f32 v56, v55;
	v56 =	vmax.f32 v58, v57;
	v57 =	vld [tilespmem:s23+$0xF0]  }
0x35d: {  	v55 =	vmax.f32 v55, v56;
	v56 =	vld [tilespmem:s23+$0x50]  }
0x35e: {  	v53 =	vmax.f32 v54, v53;
	v54 =	vmax.f32 v60, v59;
	v58 =	vld [tilespmem:s23+$0xB0]  }
0x35f: {  	v59 =	vld [tilespmem:s23+$0xC0]  }
0x360: {  	v50 =	vmax.f32 v52, v50;
	v60 =	vld [tilespmem:s23+$0x20]  }
0x361: {  	v50 =	vmax.f32 v50, v53;
	v63 =	vld [tilespmem:s23+$0x0];
	v52 =	vmax.f32 v62, v57  }
0x362: {  	v49 =	vmax.f32 v49, v51;
	v57 =	vld [tilespmem:s23+$0x60]  }
0x363: {  	v3 =	vmax.f32 v3, v4;
	v4 =	vmax.f32 v6, v5;
	v5 =	vld [tilespmem:s23+$0x80]  }
0x364: {  	v3 =	vmax.f32 v3, v49;
	v4 =	vmax.f32 v54, v4;
	v6 =	vld [tilespmem:s23+$0x40];
	v49 =	vmax.f32 v59, v61  }
0x365: {  	v3 =	vmax.f32 v3, v50;
	v4 =	vmax.f32 v55, v4;
	v51 =	vmax.f32 v2, v58;
	v50 =	vld [tilespmem:s23+$0x70]  }
0x366: {  	v2 =	vmax.f32 v3, v4;
	v49 =	vmax.f32 v49, v52;
	v3 =	vld [tilespmem:s23+$0x30]  }
0x367: {  	v53 =	vmin.f32 v33, v2;
	v33 =	vmax.f32 v33, v2;
	v4 =	vld [tilespmem:s23+$0x90]  }
0x368: {  	s21 =	sshra.s32 s24, $0x2;
	v52 =	vmin.f32 v35, v53;
	v35 =	vmax.f32 v35, v53;
	v58 =	vld [tilespmem:s23+$0x10]  }
.Ltmp12:
0x369: {  	v53 =	vmin.f32 v37, v52;
	v6 =	vmax.f32 v6, v56;
	[tilespmem:s21+$0x10000] =	vst v2;
	(pc) =	sbr.rel @p0 .LBB2_27-.Ltmp12, $4  }
0x36a: {  	v54 =	vmin.f32 v47, v53;
	v2 =	vmax.f32 v57, v50  }
0x36b: {  	v56 =	vmax.f32 v60, v3;
	v55 =	vmax.f32 v6, v2;
	v2 =	vmin.f32 v48, v54  }
0x36c: {  	v57 =	vmax.f32 v5, v4;
	v3 =	vmin.f32 v36, v2;
	v36 =	vmax.f32 v36, v2  }
0x36d: {  	s23 =	sadd.s32 $0x200, s23;
	v58 =	vmax.f32 v63, v58;
	v50 =	vmin.f32 v34, v3;
	v34 =	vmax.f32 v34, v3  }
0x36e: {  	v2 =	vmax.f32 v58, v56;
	v3 =	vmax.f32 v57, v51  }
0x36f: {  	v5 =	vmax.f32 v47, v53;
	v2 =	vmax.f32 v2, v55;
	v3 =	vmax.f32 v3, v49  }
0x370: {  	v6 =	vmax.f32 v48, v54;
	v41 =	vmax.f32 v41, v50;
	v49 =	vmax.f32 v2, v3  }
0x371: {  	v3 =	vmax.f32 v37, v52;
	v2 =	vmin.f32 v43, v49;
	v53 =	vmax.f32 v43, v49  }
0x372: {  	v4 =	vmin.f32 v44, v2;
	v2 =	vmax.f32 v44, v2;
	v57 =	vmin.f32 v33, v53  }
0x373: {  	v59 =	vmax.f32 v33, v53;
	v52 =	vmin.f32 v39, v4;
	v4 =	vmax.f32 v39, v4  }
0x374: {  	v58 =	vmin.f32 v35, v57;
	v60 =	vmax.f32 v35, v57;
	v54 =	vmin.f32 v45, v52  }
0x375: {  	v37 =	vmax.f32 v45, v52;
	v61 =	vmin.f32 v3, v58;
	v3 =	vmax.f32 v3, v58  }
0x376: {  	v55 =	vmin.f32 v40, v54;
	v40 =	vmax.f32 v40, v54;
	v62 =	vmax.f32 v5, v61  }
0x377: {  	v5 =	vmin.f32 v5, v61;
	v44 =	vmax.f32 v38, v55;
	v56 =	vmin.f32 v38, v55  }
0x378: {  	v43 =	vmax.f32 v6, v5;
	v5 =	vmin.f32 v6, v5;
	v6 =	vmin.f32 v59, v2  }
0x379: {  	v2 =	vmax.f32 v59, v2;
	v39 =	vmax.f32 v46, v56;
	v38 =	vmin.f32 v46, v56  }
0x37a: {  	v63 =	vmax.f32 v36, v5;
	v5 =	vmin.f32 v36, v5;
	v48 =	vmin.f32 v60, v6  }
0x37b: {  	v6 =	vmax.f32 v60, v6;
	v56 =	vmin.f32 v2, v4;
	v2 =	vmax.f32 v2, v4  }
0x37c: {  	v38 =	vmax.f32 v42, v38;
	v50 =	vmax.f32 v34, v5;
	v5 =	vmin.f32 v34, v5  }
0x37d: {  	v51 =	vmin.f32 v3, v48;
	v3 =	vmax.f32 v3, v48;
	v57 =	vmin.f32 v6, v56  }
0x37e: {  	v4 =	vmax.f32 v6, v56;
	v59 =	vmin.f32 v2, v37;
	v2 =	vmax.f32 v2, v37  }
0x37f: {  	v5 =	vmax.f32 v41, v5;
	v52 =	vmin.f32 v62, v51;
	v34 =	vmax.f32 v62, v51  }
0x380: {  	v6 =	vmin.f32 v3, v57;
	v3 =	vmax.f32 v3, v57;
	v61 =	vmin.f32 v4, v59  }
0x381: {  	v4 =	vmax.f32 v4, v59;
	v37 =	vmin.f32 v2, v40;
	v2 =	vmax.f32 v2, v40  }
0x382: {  	v53 =	vmin.f32 v43, v52;
	v33 =	vmax.f32 v43, v52;
	v58 =	vmax.f32 v34, v6  }
0x383: {  	v6 =	vmin.f32 v34, v6;
	v54 =	vmin.f32 v63, v53;
	v35 =	vmax.f32 v63, v53  }
0x384: {  	v34 =	vmax.f32 v33, v6;
	v6 =	vmin.f32 v33, v6;
	v63 =	vmin.f32 v3, v61  }
0x385: {  	v3 =	vmax.f32 v3, v61;
	v53 =	vmin.f32 v2, v44;
	v2 =	vmax.f32 v2, v44  }
0x386: {  	v55 =	vmin.f32 v50, v54;
	v36 =	vmax.f32 v50, v54;
	v60 =	vmax.f32 v35, v6  }
0x387: {  	v6 =	vmin.f32 v35, v6;
	v46 =	vmax.f32 v58, v63;
	v50 =	vmin.f32 v4, v37  }
0x388: {  	v4 =	vmax.f32 v4, v37;
	v61 =	vmax.f32 v2, v39;
	v2 =	vmin.f32 v2, v39  }
0x389: {  	v5 =	vmax.f32 v5, v55;
	v62 =	vmax.f32 v36, v6;
	v6 =	vmin.f32 v36, v6  }
0x38a: {  	v51 =	vmin.f32 v3, v50;
	v3 =	vmax.f32 v3, v50;
	v55 =	vmin.f32 v4, v53  }
0x38b: {  	v4 =	vmax.f32 v4, v53;
	v5 =	vmax.f32 v5, v6;
	v6 =	vmin.f32 v58, v63  }
0x38c: {  	v52 =	vmax.f32 v46, v51;
	v35 =	vmin.f32 v46, v51;
	v57 =	vmin.f32 v3, v55  }
0x38d: {  	v3 =	vmax.f32 v3, v55;
	v45 =	vmin.f32 v34, v6;
	v6 =	vmax.f32 v34, v6  }
0x38e: {  	v47 =	vmin.f32 v60, v45;
	v33 =	vmax.f32 v60, v45;
	v37 =	vmax.f32 v6, v35  }
0x38f: {  	v6 =	vmin.f32 v6, v35;
	v48 =	vmin.f32 v62, v47;
	v34 =	vmax.f32 v62, v47  }
0x390: {  	v54 =	vmax.f32 v33, v6;
	v6 =	vmin.f32 v33, v6;
	v62 =	vmax.f32 v4, v2  }
0x391: {  	v2 =	vmin.f32 v4, v2;
	v4 =	vmin.f32 v61, v38;
	v5 =	vmax.f32 v5, v48  }
0x392: {  	v56 =	vmax.f32 v34, v6;
	v6 =	vmin.f32 v34, v6;
	v34 =	vmax.f32 v52, v57  }
0x393: {  	v63 =	vmax.f32 v3, v2;
	v2 =	vmin.f32 v3, v2;
	v3 =	vmin.f32 v62, v4  }
0x394: {  	v5 =	vmax.f32 v5, v6;
	v6 =	vmin.f32 v52, v57;
	v4 =	vmax.f32 v34, v2  }
0x395: {  	v2 =	vmin.f32 v34, v2;
	v3 =	vmin.f32 v63, v3;
	v58 =	vmin.f32 v37, v6  }
0x396: {  	v6 =	vmax.f32 v37, v6;
	v3 =	vmin.f32 v4, v3;
	v59 =	vmin.f32 v54, v58  }
0x397: {  	v33 =	vmax.f32 v54, v58;
	v34 =	vmax.f32 v6, v2;
	v2 =	vmin.f32 v6, v2  }
0x398: {  	v60 =	vmax.f32 v56, v59;
	v35 =	vmin.f32 v56, v59;
	v4 =	vmax.f32 v33, v2  }
0x399: {  	v2 =	vmin.f32 v33, v2;
	v3 =	vmin.f32 v34, v3;
	v5 =	vmax.f32 v5, v35  }
0x39a: {  	v6 =	vmax.f32 v60, v2;
	v2 =	vmin.f32 v60, v2;
	v3 =	vmin.f32 v4, v3  }
0x39b: {  	s22 =	simm.s32 $0x10000;
	s24 =	simm.s32 $0x1;
	[tilespmem:s21+$0x10010] =	vst v49;
	v2 =	vmax.f32 v5, v2;
	v3 =	vmin.f32 v6, v3  }
0x39c: {  	s23 =	simm.s32 $0x0;
	s25 =	simm.s32 $0x10000;
	s21 =	simm.s32 $0x0;
	v34 =	vimm.s32 $0x0;
	v35 =	vld [tilespmem:s22+$0x0];
	v33 =	vmax.f32 v2, v3  }
.LBB2_29:
0x39d: {  	p0 =	sne.s32 s24, $0x7F;
	_ =	sdelay $0x3  }
0x39e: {  	vm1 =	vlt.s32 v34, $0x8;
	vm0 =	vgt.f32 v35, v33  }
0x39f: {  	v2 =	vshll.u32 v34, $0x4;
	vm0 =	vmand vm1, vm0  }
0x3a0: {  	v2 =	vor.u32 v0, v2;
	v3 =	vsel vm0, $0x1, v1  }
0x3a1: {  	v34 =	vadd.s32 v3, v34  }
.Ltmp13:
0x3a2: {  	(pc) =	sbr.rel @p0 .LBB2_29-.Ltmp13, $4  }
0x3a3: {  	_ = 	snop  }
0x3a4: {  	v3 =	vmov s23;
	s23 =	smov.u32 s24  }
0x3a5: {  	s25 =	sadd.s32 $0x10, s25;
	[tilespmem:v2+s13+$0x0] =	vst.idx.msk vm0, v3  }
0x3a6: {  	s24 =	sadd.s32 $0x1, s24;
	v35 =	vld [tilespmem:s25+$0x0]  }
0x3a7: {  	_ =	sdelay $0x3  }
0x3a8: {  	vm1 =	vlt.s32 v34, $0x8;
	vm0 =	vgt.f32 v35, v33  }
0x3a9: {  	v2 =	vshll.u32 v34, $0x4;
	vm0 =	vmand vm1, vm0  }
0x3aa: {  	v2 =	vor.u32 v0, v2  }
0x3ab: {  	v38 =	vld [tilespmem:$0x1FFF0]  }
0x3ac: {  	v39 =	vld [tilespmem:$0x1FFE0]  }
0x3ad: {  	v40 =	vld [tilespmem:$0x1FFD0]  }
0x3ae: {  	v4 =	vmov s23;
	v41 =	vld [tilespmem:$0x1FFC0];
	v3 =	vsel vm0, $0x1, v1  }
0x3af: {  	v42 =	vld [tilespmem:$0x1FFB0];
	v34 =	vadd.s32 v3, v34;
	[tilespmem:v2+s13+$0x0] =	vst.idx.msk vm0, v4  }
.LBB2_31:
0x3b0: {  	v2 =	vld [tilespmem:s22+$0x0];
	_ =	sdelay $0x4  }
0x3b1: {  	vm1 =	vlt.s32 v34, $0x8;
	vm0 =	veq.f32 v2, v33  }
0x3b2: {  	v2 =	vshll.u32 v34, $0x4;
	vm0 =	vmand vm1, vm0  }
0x3b3: {  	p0 =	sne.s32 s21, $0x7F;
	v2 =	vor.u32 v0, v2  }
.Ltmp14:
0x3b4: {  	_ = 	snop;
	(pc) =	sbr.rel @p0 .LBB2_31-.Ltmp14, $3  }
0x3b5: {  	_ =	sdelay $0x1  }
0x3b6: {  	v3 =	vmov s21;
	v4 =	vsel vm0, $0x1, v1  }
0x3b7: {  	s22 =	sadd.s32 $0x10, s22;
	s21 =	sadd.s32 $0x1, s21;
	v34 =	vadd.s32 v4, v34;
	[tilespmem:v2+s13+$0x0] =	vst.idx.msk vm0, v3  }
0x3b8: {  	s21 =	simm.s32 $0x0  }
.LBB2_33:
0x3b9: {  	s22 =	sshra.s32 s21, $0x2  }
0x3ba: {  	v2 =	vld [tilespmem:s22+$0x10800];
	_ =	sdelay $0x4  }
0x3bb: {  	v33 =	vshll.u32 v2, $0x8  }
0x3bc: {  	v2 =	vor.u32 v0, v33;
	_ =	sdelay $0x4  }
0x3bd: {  	v2 =	vld.idx.msk [tilespmem:v2+s12+$0x0], $0xffff  }
0x3be: {  	v3 =	vor.u32 v38, v33;
	_ =	sdelay $0x3  }
0x3bf: {  	v5 =	vor.u32 v39, v33;
	v4 =	vmin.f32 v32, v2  }
0x3c0: {  	v35 =	vor.u32 v40, v33;
	v36 =	vor.u32 v41, v33;
	v3 =	vld.idx.msk [tilespmem:v3+s12+$0x0], $0xffff;
	v6 =	vmin.f32 v30, v4  }
0x3c1: {  	v46 =	vor.u32 v7, v33;
	v48 =	vor.u32 v8, v33;
	v61 =	vmin.f32 v31, v6  }
0x3c2: {  	v54 =	vor.u32 v11, v33;
	v4 =	vmax.f32 v30, v4;
	v30 =	vmin.f32 v29, v61  }
0x3c3: {  	v6 =	vmax.f32 v31, v6;
	v31 =	vmax.f32 v28, v30;
	v28 =	vmin.f32 v28, v30  }
0x3c4: {  	v5 =	vld.idx.msk [tilespmem:v5+s12+$0x0], $0xffff;
	v2 =	vmax.f32 v32, v2;
	v29 =	vmax.f32 v29, v61;
	v30 =	vmax.f32 v26, v28  }
0x3c5: {  	v26 =	vmin.f32 v26, v28;
	v28 =	vmin.f32 v2, v3;
	v2 =	vmax.f32 v2, v3  }
0x3c6: {  	v62 =	vmin.f32 v24, v26;
	v34 =	vmin.f32 v4, v28;
	v24 =	vmax.f32 v24, v26  }
0x3c7: {  	v3 =	vmax.f32 v4, v28;
	v25 =	vmax.f32 v25, v62;
	v26 =	vmin.f32 v6, v34  }
0x3c8: {  	v6 =	vmax.f32 v6, v34;
	v4 =	vmin.f32 v29, v26;
	v26 =	vmax.f32 v29, v26  }
0x3c9: {  	v63 =	vld.idx.msk [tilespmem:v35+s12+$0x0], $0xffff;
	v28 =	vmin.f32 v31, v4;
	v4 =	vmax.f32 v31, v4;
	v31 =	vmin.f32 v2, v5  }
0x3ca: {  	v2 =	vmax.f32 v2, v5;
	v29 =	vmax.f32 v30, v28;
	v28 =	vmin.f32 v30, v28  }
0x3cb: {  	v30 =	vmin.f32 v3, v31;
	v3 =	vmax.f32 v3, v31;
	v37 =	vmax.f32 v24, v28  }
0x3cc: {  	v24 =	vmin.f32 v24, v28;
	v28 =	vmin.f32 v6, v30;
	v6 =	vmax.f32 v6, v30  }
0x3cd: {  	v30 =	vor.u32 v42, v33;
	v24 =	vmax.f32 v25, v24;
	v5 =	vmin.f32 v26, v28  }
0x3ce: {  	v26 =	vmax.f32 v26, v28;
	v28 =	vmin.f32 v2, v63;
	v25 =	vmin.f32 v4, v5  }
0x3cf: {  	v4 =	vmax.f32 v4, v5;
	v5 =	vmax.f32 v29, v25;
	v25 =	vmin.f32 v29, v25  }
0x3d0: {  	v43 =	vmin.f32 v3, v28;
	v29 =	vld.idx.msk [tilespmem:v36+s12+$0x0], $0xffff;
	v31 =	vmax.f32 v37, v25;
	v25 =	vmin.f32 v37, v25  }
0x3d1: {  	v56 =	vor.u32 v13, v33;
	v24 =	vmax.f32 v24, v25;
	v25 =	vmin.f32 v6, v43  }
0x3d2: {  	v57 =	vor.u32 v14, v33;
	v3 =	vmax.f32 v3, v28;
	v28 =	vmin.f32 v26, v25  }
0x3d3: {  	v25 =	vmax.f32 v26, v25;
	v26 =	vmax.f32 v4, v28;
	v4 =	vmin.f32 v4, v28  }
0x3d4: {  	v2 =	vmax.f32 v2, v63;
	v6 =	vmax.f32 v6, v43;
	v30 =	vld.idx.msk [tilespmem:v30+s12+$0x0], $0xffff;
	v28 =	vmax.f32 v5, v4  }
0x3d5: {  	v4 =	vmin.f32 v5, v4;
	v5 =	vmin.f32 v2, v29;
	v2 =	vmax.f32 v2, v29  }
0x3d6: {  	v44 =	vmin.f32 v31, v4;
	v45 =	vmin.f32 v3, v5;
	v4 =	vmax.f32 v31, v4  }
0x3d7: {  	v3 =	vmax.f32 v3, v5;
	v24 =	vmax.f32 v24, v44;
	v31 =	vmin.f32 v6, v45  }
0x3d8: {  	v6 =	vmax.f32 v6, v45;
	v5 =	vmin.f32 v25, v31;
	v25 =	vmax.f32 v25, v31  }
0x3d9: {  	v47 =	vld.idx.msk [tilespmem:v46+s12+$0x0], $0xffff;
	v31 =	vmin.f32 v2, v30;
	v2 =	vmax.f32 v2, v30;
	v29 =	vmin.f32 v26, v5  }
0x3da: {  	v30 =	vor.u32 v9, v33;
	v5 =	vmax.f32 v26, v5;
	v26 =	vmax.f32 v28, v29  }
0x3db: {  	v28 =	vmin.f32 v28, v29;
	v29 =	vmin.f32 v3, v31;
	v3 =	vmax.f32 v3, v31  }
0x3dc: {  	v49 =	vmax.f32 v4, v28;
	v4 =	vmin.f32 v4, v28;
	v28 =	vmin.f32 v6, v29  }
0x3dd: {  	v6 =	vmax.f32 v6, v29;
	v4 =	vmax.f32 v24, v4;
	v24 =	vmin.f32 v25, v28  }
0x3de: {  	v25 =	vmax.f32 v25, v28;
	v28 =	vmin.f32 v2, v47;
	v29 =	vmin.f32 v5, v24  }
0x3df: {  	v5 =	vmax.f32 v5, v24;
	v24 =	vmax.f32 v26, v29;
	v26 =	vmin.f32 v26, v29  }
0x3e0: {  	v50 =	vmin.f32 v3, v28;
	v29 =	vld.idx.msk [tilespmem:v48+s12+$0x0], $0xffff;
	v31 =	vmax.f32 v49, v26;
	v26 =	vmin.f32 v49, v26  }
0x3e1: {  	v59 =	vor.u32 v15, v33;
	v4 =	vmax.f32 v4, v26;
	v26 =	vmin.f32 v6, v50  }
0x3e2: {  	v37 =	vor.u32 v10, v33;
	v3 =	vmax.f32 v3, v28;
	v28 =	vmin.f32 v25, v26  }
0x3e3: {  	v25 =	vmax.f32 v25, v26;
	v26 =	vmax.f32 v5, v28;
	v5 =	vmin.f32 v5, v28  }
0x3e4: {  	v2 =	vmax.f32 v2, v47;
	v52 =	vld.idx.msk [tilespmem:v30+s12+$0x0], $0xffff;
	v6 =	vmax.f32 v6, v50;
	v51 =	vmax.f32 v24, v5  }
0x3e5: {  	v5 =	vmin.f32 v24, v5;
	v24 =	vmin.f32 v2, v29;
	v32 =	vmax.f32 v2, v29  }
0x3e6: {  	v28 =	vmin.f32 v31, v5;
	v36 =	vmin.f32 v3, v24;
	v5 =	vmax.f32 v31, v5  }
0x3e7: {  	v30 =	vmax.f32 v3, v24;
	v4 =	vmax.f32 v4, v28;
	v28 =	vmin.f32 v6, v36  }
0x3e8: {  	v31 =	vmax.f32 v6, v36;
	v2 =	vmin.f32 v25, v28;
	v29 =	vmax.f32 v25, v28  }
0x3e9: {  	v3 =	vmin.f32 v26, v2;
	v28 =	vmax.f32 v26, v2;
	v2 =	vmin.f32 v27, v52  }
0x3ea: {  	v53 =	vld.idx.msk [tilespmem:v37+s12+$0x0], $0xffff;
	v26 =	vmax.f32 v51, v3;
	v3 =	vmin.f32 v51, v3;
	v6 =	vmin.f32 v23, v2  }
0x3eb: {  	v2 =	vmax.f32 v23, v2;
	v23 =	vor.u32 v12, v33;
	v24 =	vmax.f32 v5, v3  }
0x3ec: {  	v3 =	vmin.f32 v5, v3;
	v5 =	vmin.f32 v22, v6;
	v6 =	vmax.f32 v22, v6  }
0x3ed: {  	v25 =	vmax.f32 v4, v3;
	v3 =	vmax.f32 v27, v52;
	v4 =	vmin.f32 v21, v5  }
0x3ee: {  	v5 =	vmax.f32 v21, v5;
	v22 =	vmin.f32 v20, v4;
	v4 =	vmax.f32 v20, v4  }
0x3ef: {  	v21 =	vmin.f32 v3, v53;
	v20 =	vmax.f32 v19, v22;
	v19 =	vmin.f32 v19, v22;
	v22 =	vld.idx.msk [tilespmem:v54+s12+$0x0], $0xffff  }
0x3f0: {  	v27 =	vmax.f32 v18, v19;
	v18 =	vmin.f32 v18, v19;
	v19 =	vmin.f32 v2, v21  }
0x3f1: {  	v3 =	vmax.f32 v3, v53;
	v17 =	vmax.f32 v17, v18;
	v18 =	vmin.f32 v6, v19  }
0x3f2: {  	v2 =	vmax.f32 v2, v21;
	v6 =	vmax.f32 v6, v19;
	v19 =	vmin.f32 v5, v18  }
0x3f3: {  	v21 =	vld.idx.msk [tilespmem:v23+s12+$0x0], $0xffff;
	v5 =	vmax.f32 v5, v18;
	v18 =	vmax.f32 v4, v19;
	v4 =	vmin.f32 v4, v19  }
0x3f4: {  	v19 =	vmax.f32 v20, v4;
	v4 =	vmin.f32 v20, v4;
	v20 =	vmin.f32 v3, v22  }
0x3f5: {  	v3 =	vmax.f32 v3, v22;
	v23 =	vmin.f32 v27, v4;
	v55 =	vmin.f32 v2, v20  }
0x3f6: {  	v4 =	vmax.f32 v27, v4;
	v17 =	vmax.f32 v17, v23;
	v23 =	vmin.f32 v6, v55  }
0x3f7: {  	v2 =	vmax.f32 v2, v20;
	v6 =	vmax.f32 v6, v55;
	v20 =	vmin.f32 v5, v23  }
0x3f8: {  	v5 =	vmax.f32 v5, v23;
	v23 =	vmin.f32 v3, v21;
	v22 =	vmin.f32 v18, v20  }
0x3f9: {  	v27 =	vld.idx.msk [tilespmem:v56+s12+$0x0], $0xffff;
	v3 =	vmax.f32 v3, v21;
	v18 =	vmax.f32 v18, v20;
	v20 =	vmax.f32 v19, v22  }
0x3fa: {  	v19 =	vmin.f32 v19, v22;
	v22 =	vmin.f32 v2, v23;
	v2 =	vmax.f32 v2, v23  }
0x3fb: {  	v58 =	vmax.f32 v4, v19;
	v4 =	vmin.f32 v4, v19;
	v19 =	vmin.f32 v6, v22  }
0x3fc: {  	v6 =	vmax.f32 v6, v22;
	v4 =	vmax.f32 v17, v4;
	v17 =	vmin.f32 v5, v19  }
0x3fd: {  	v5 =	vmax.f32 v5, v19;
	v21 =	vmin.f32 v18, v17;
	v17 =	vmax.f32 v18, v17  }
0x3fe: {  	v22 =	vld.idx.msk [tilespmem:v57+s12+$0x0], $0xffff;
	v18 =	vmin.f32 v20, v21;
	v19 =	vmax.f32 v20, v21;
	v21 =	vmin.f32 v3, v27  }
0x3ff: {  	v20 =	vmax.f32 v58, v18;
	v18 =	vmin.f32 v58, v18;
	v23 =	vmin.f32 v2, v21  }
0x400: {  	v3 =	vmax.f32 v3, v27;
	v4 =	vmax.f32 v4, v18;
	v18 =	vmin.f32 v6, v23  }
0x401: {  	v2 =	vmax.f32 v2, v21;
	v6 =	vmax.f32 v6, v23;
	v21 =	vmin.f32 v5, v18  }
0x402: {  	v23 =	vor.u32 v16, v33;
	v5 =	vmax.f32 v5, v18;
	v18 =	vmin.f32 v17, v21  }
0x403: {  	v27 =	vmin.f32 v3, v22;
	v17 =	vmax.f32 v17, v21;
	v21 =	vmin.f32 v19, v18  }
0x404: {  	v34 =	vld.idx.msk [tilespmem:v59+s12+$0x0], $0xffff;
	v60 =	vmin.f32 v2, v27;
	v18 =	vmax.f32 v19, v18;
	v19 =	vmin.f32 v20, v21  }
0x405: {  	v3 =	vmax.f32 v3, v22;
	v4 =	vmax.f32 v4, v19;
	v19 =	vmin.f32 v6, v60  }
0x406: {  	v2 =	vmax.f32 v2, v27;
	v20 =	vmax.f32 v20, v21;
	v21 =	vmin.f32 v5, v19  }
0x407: {  	v6 =	vmax.f32 v6, v60;
	v22 =	vld.idx.msk [tilespmem:v23+s12+$0x0], $0xffff;
	v5 =	vmax.f32 v5, v19;
	v19 =	vmin.f32 v17, v21  }
0x408: {  	v17 =	vmax.f32 v17, v21;
	v21 =	vmax.f32 v18, v19;
	v18 =	vmin.f32 v18, v19  }
0x409: {  	v19 =	vmax.f32 v20, v18;
	v18 =	vmin.f32 v20, v18;
	v20 =	vmin.f32 v3, v34  }
0x40a: {  	v3 =	vmax.f32 v3, v34;
	v4 =	vmax.f32 v4, v18;
	v18 =	vmin.f32 v2, v20  }
0x40b: {  	v2 =	vmax.f32 v2, v20;
	v20 =	vmax.f32 v6, v18;
	v6 =	vmin.f32 v6, v18  }
0x40c: {  	v18 =	vmax.f32 v5, v6;
	v5 =	vmin.f32 v5, v6;
	v6 =	vmin.f32 v3, v22  }
0x40d: {  	v61 =	vmax.f32 v17, v5;
	v5 =	vmin.f32 v17, v5;
	v17 =	vmin.f32 v2, v6  }
0x40e: {  	p0 =	sne.s32 s21, $0x1C0;
	v62 =	vmax.f32 v21, v5;
	v5 =	vmin.f32 v21, v5;
	v21 =	vmin.f32 v20, v17  }
.Ltmp15:
0x40f: {  	v63 =	vmax.f32 v19, v5;
	v5 =	vmin.f32 v19, v5;
	v19 =	vmin.f32 v18, v21;
	(pc) =	sbr.rel @p0 .LBB2_33-.Ltmp15, $4  }
0x410: {  	v27 =	vmax.f32 v3, v22;
	v23 =	vmax.f32 v2, v6;
	v3 =	vmin.f32 v61, v19  }
0x411: {  	v22 =	vmax.f32 v20, v17;
	v21 =	vmax.f32 v18, v21;
	v2 =	vmin.f32 v62, v3  }
0x412: {  	v4 =	vmax.f32 v4, v5;
	v20 =	vmax.f32 v61, v19;
	v5 =	vmin.f32 v63, v2  }
0x413: {  	s21 =	sadd.s32 $0x40, s21;
	v19 =	vmax.f32 v62, v3;
	v18 =	vmax.f32 v63, v2;
	v17 =	vmax.f32 v4, v5  }
0x414: {  	v2 =	vmin.f32 v32, v27;
	v4 =	vmax.f32 v32, v27;
	v13 =	vmul.u32 $0x8, v0  }
0x415: {  	v3 =	vmin.f32 v30, v2;
	v2 =	vmax.f32 v30, v2;
	v9 =	vmin.f32 v4, v23  }
0x416: {  	v4 =	vmax.f32 v4, v23;
	v5 =	vmin.f32 v31, v3;
	v3 =	vmax.f32 v31, v3  }
0x417: {  	v11 =	vmin.f32 v2, v9;
	v2 =	vmax.f32 v2, v9;
	v23 =	vmin.f32 v4, v22  }
0x418: {  	v4 =	vmax.f32 v4, v22;
	v55 =	vor.u32 $0x1, v13;
	v14 =	vor.u32 $0x2, v13  }
0x419: {  	v57 =	vor.u32 $0x3, v13;
	v6 =	vmin.f32 v29, v5;
	v5 =	vmax.f32 v29, v5  }
0x41a: {  	v12 =	vmin.f32 v3, v11;
	v3 =	vmax.f32 v3, v11;
	v30 =	vmin.f32 v4, v21  }
0x41b: {  	v4 =	vmax.f32 v4, v21;
	v7 =	vmax.f32 v28, v6;
	v6 =	vmin.f32 v28, v6  }
0x41c: {  	v15 =	vmin.f32 v5, v12;
	v5 =	vmax.f32 v5, v12;
	v36 =	vmin.f32 v4, v20  }
0x41d: {  	v4 =	vmax.f32 v4, v20;
	v8 =	vmax.f32 v26, v6;
	v6 =	vmin.f32 v26, v6  }
0x41e: {  	v16 =	vmax.f32 v7, v15;
	v7 =	vmin.f32 v7, v15;
	v42 =	vmin.f32 v4, v19  }
0x41f: {  	v4 =	vmax.f32 v4, v19;
	v10 =	vmax.f32 v24, v6;
	v6 =	vmin.f32 v24, v6  }
0x420: {  	v9 =	vmax.f32 v8, v7;
	v7 =	vmin.f32 v8, v7;
	v48 =	vmin.f32 v4, v18  }
0x421: {  	v4 =	vmax.f32 v4, v18;
	v6 =	vmax.f32 v25, v6;
	v24 =	vmax.f32 v10, v7  }
0x422: {  	v7 =	vmin.f32 v10, v7;
	v25 =	vmin.f32 v2, v23;
	v2 =	vmax.f32 v2, v23  }
0x423: {  	v58 =	vmax.f32 v4, v17;
	v4 =	vmin.f32 v4, v17;
	v6 =	vmax.f32 v6, v7  }
0x424: {  	v26 =	vmin.f32 v3, v25;
	v3 =	vmax.f32 v3, v25;
	v32 =	vmin.f32 v2, v30  }
0x425: {  	v59 =	vor.u32 $0x5, v13;
	v2 =	vmax.f32 v2, v30;
	[tilespmem:v13+s15+$0x0] =	vst.idx.msk $0xffff, v58;
	v27 =	vmin.f32 v5, v26  }
0x426: {  	v5 =	vmax.f32 v5, v26;
	v33 =	vmin.f32 v3, v32;
	v3 =	vmax.f32 v3, v32  }
0x427: {  	v38 =	vmin.f32 v2, v36;
	v2 =	vmax.f32 v2, v36;
	v28 =	vmax.f32 v16, v27  }
0x428: {  	v8 =	vmin.f32 v16, v27;
	v34 =	vmin.f32 v5, v33;
	v5 =	vmax.f32 v5, v33  }
0x429: {  	v39 =	vmin.f32 v3, v38;
	v3 =	vmax.f32 v3, v38;
	v44 =	vmin.f32 v2, v42  }
0x42a: {  	v2 =	vmax.f32 v2, v42;
	v29 =	vmax.f32 v9, v8;
	v8 =	vmin.f32 v9, v8  }
0x42b: {  	v35 =	vmax.f32 v28, v34;
	v7 =	vmin.f32 v28, v34;
	v40 =	vmin.f32 v5, v39  }
0x42c: {  	v5 =	vmax.f32 v5, v39;
	v45 =	vmin.f32 v3, v44;
	v3 =	vmax.f32 v3, v44  }
0x42d: {  	v50 =	vmin.f32 v2, v48;
	v2 =	vmax.f32 v2, v48;
	v31 =	vmax.f32 v24, v8  }
0x42e: {  	v8 =	vmin.f32 v24, v8;
	v9 =	vmax.f32 v29, v7;
	v7 =	vmin.f32 v29, v7  }
0x42f: {  	v41 =	vmax.f32 v35, v40;
	v46 =	vmin.f32 v5, v45;
	v5 =	vmax.f32 v5, v45  }
0x430: {  	v51 =	vmin.f32 v3, v50;
	v3 =	vmax.f32 v3, v50;
	v16 =	vmax.f32 v2, v4  }
0x431: {  	v2 =	vmin.f32 v2, v4;
	v6 =	vmax.f32 v6, v8;
	v37 =	vmax.f32 v31, v7  }
0x432: {  	v7 =	vmin.f32 v31, v7;
	v8 =	vmin.f32 v35, v40;
	v47 =	vmax.f32 v41, v46  }
0x433: {  	v52 =	vmin.f32 v5, v51;
	v5 =	vmax.f32 v5, v51;
	v60 =	vmax.f32 v3, v2  }
0x434: {  	v62 =	vor.u32 $0x7, v13;
	v2 =	vmin.f32 v3, v2;
	[tilespmem:v55+s15+$0x0] =	vst.idx.msk $0xffff, v16;
	v6 =	vmax.f32 v6, v7  }
0x435: {  	v10 =	vmax.f32 v9, v8;
	v8 =	vmin.f32 v9, v8;
	v7 =	vmin.f32 v41, v46  }
0x436: {  	v53 =	vmin.f32 v47, v52;
	v61 =	vmax.f32 v5, v2;
	v2 =	vmin.f32 v5, v2  }
0x437: {  	v15 =	vor.u32 $0x4, v13;
	[tilespmem:v14+s15+$0x0] =	vst.idx.msk $0xffff, v60;
	v43 =	vmax.f32 v37, v8;
	v8 =	vmin.f32 v37, v8  }
0x438: {  	v3 =	vor.u32 $0x6, v13;
	v9 =	vmax.f32 v10, v7;
	v7 =	vmin.f32 v10, v7;
	[tilespmem:v57+s15+$0x0] =	vst.idx.msk $0xffff, v61  }
0x439: {  	v6 =	vmax.f32 v6, v8;
	v49 =	vmax.f32 v43, v7;
	v7 =	vmin.f32 v43, v7  }
0x43a: {  	v8 =	vmax.f32 v47, v52;
	v54 =	vmin.f32 v9, v53;
	v6 =	vmax.f32 v6, v7  }
0x43b: {  	v7 =	vmax.f32 v9, v53;
	v56 =	vmin.f32 v49, v54;
	v10 =	vmax.f32 v49, v54  }
0x43c: {  	s20 =	smul.u32 $0x1800, s20;
	v63 =	vmax.f32 v8, v2;
	v2 =	vmin.f32 v8, v2;
	v6 =	vmax.f32 v6, v56  }
0x43d: {  	s19 =	sshll.u32 s19, $0x7;
	v8 =	vmax.f32 v7, v2;
	v2 =	vmin.f32 v7, v2;
	[tilespmem:v15+s15+$0x0] =	vst.idx.msk $0xffff, v63  }
0x43e: {  	s18 =	sadd.s32 $0x1, s18;
	s19 =	sadd.s32 s19, s20;
	v7 =	vmax.f32 v10, v2;
	v2 =	vmin.f32 v10, v2;
	[tilespmem:v59+s15+$0x0] =	vst.idx.msk $0xffff, v8  }
0x43f: {  	p0 =	sne.s32 s18, $0x6;
	s19 =	sshrl.u32 s19, $0x3;
	v2 =	vmax.f32 v6, v2;
	[tilespmem:v3+s15+$0x0] =	vst.idx.msk $0xffff, v7  }
.Ltmp16:
0x440: {  	s19 =	sadd.s32 s5, s19;
	[tilespmem:v62+s15+$0x0] =	vst.idx.msk $0xffff, v2;
	(pc) =	sbr.rel @p0 .LBB2_2-.Ltmp16, $4  }
0x441: {  	[hbm4b:s19+s3] =	stream.linear.scatter [tilespmem:s15], [sflag:$0x3], $0x80, $0x38;
	[tilespmem:$0x10900] =	vst v63  }
0x442: {  	_ =	swait.ge [sflag:s16], $0x80  }
0x443: {  	[sflag:s16] =	ssyncset.done $0x0  }
0x444: {  	[sflag:s16] =	ssyncadd.s32 $0xFFFFFF80  }
0x445: {  	s17 =	sadd.s32 $0x1, s17  }
0x446: {  	p0 =	sne.s32 s17, s8  }
.Ltmp17:
0x447: {  	_ = 	snop;
	(pc) =	sbr.rel @p0 .LBB2_1-.Ltmp17, $1  }
0x448: {  	_ =	sdelay $0x3  }
0x449: {  	_ =	sfence.sel $0x180000  }
0x44a: {  	[bflag:$0x0] =	sbarrier.arrive $0xFFFF  }
0x44b: {  	p0 =	sne.s32 s0, $0x0;
	_ =	strace $0x90000047  }
0x44c: {  	s0 =	sadd.s32 @!p0 $0x100000, s1;
	[bflag:$0x2] =	sbarrier.arrive $0xFFFF  }
0x44d: {  	[sflag:s0] =	ssyncadd.tile.s32 @!p0 $0x1;
	_ =	shalt  }
.Lfunc_end2:
_tile_overlayer_lowered:
.L_overlay_start_2:
0x44e: {  	(tag) =	ssettag $0x2  }
0x44f: {  	s0 =	rddreg [dreg:$0x0];
	s2 =	stileid.u32  }
0x450: {  	s1 =	rddreg [dreg:$0x1];
	p0 =	sne.s32 s2, $0x0  }
0x451: {  	s3 =	rddreg [dreg:$0x2];
	[bflag:$0x3] =	sbarrier.arrive $0xFFFF;
	s2 =	simm.s32 @!p0 $0x1C03  }
0x452: {  	[timem:s3], [sflag:s2] =	dma.local @!p0 [hbm:s0], s1  }
0x453: {  	s0 =	simm.s32 @!p0 $0x3  }
0x454: {  	_ =	swait.ge @!p0 [sflag:s0], s1  }
0x455: {  	s1 =	ssub.s32 @!p0 $0x0, s1;
	[sflag:s0] =	ssyncset.done @!p0 $0x0  }
0x456: {  	[sflag:s0] =	ssyncadd.s32 @!p0 s1  }
0x457: {  	[bflag:$0x3] =	sbarrier.arrive $0xFFFF  }
0x458: {  	_ =	shalt  }

</sc_bundles>
